<compile_context>
chip_gen: v7x
topology: tpu7x:2x2x1
jax: 0.10.2.dev20260603
libtpu: 0.0.44.dev20260713+nightly
codegen_flags: <defaults>
</compile_context>

<pallas_src>
import functools

import jax
import jax.numpy as jnp
from jax import lax
from jax.experimental import pallas as pl
from jax.experimental.pallas import tpu as pltpu
from jax.experimental.pallas import tpu_sc as plsc

N_NODES = 10000
N_EDGES = 160000
LAT = 128
CH = 128
N_CHUNKS = N_EDGES // CH
NC, NS = 2, 16
NW = NC * NS
BLK_N = 2000
BLK_E = 4000
HALF = LAT // 2


def _celu(x):
    return jnp.where(x > 0, x, jnp.exp(jnp.minimum(x, 0.0)) - 1.0)


def _ln(x, g, beta):
    mu = jnp.mean(x, axis=-1, keepdims=True)
    d = x - mu
    var = jnp.mean(d * d, axis=-1, keepdims=True)
    return d * lax.rsqrt(var + 1e-6) * g + beta


def _mlp3(x, W0, b0, W1, b1, W2, b2, g, beta):
    h = _celu(jnp.dot(x, W0, preferred_element_type=jnp.float32) + b0)
    h = _celu(jnp.dot(h, W1, preferred_element_type=jnp.float32) + b1)
    h = jnp.dot(h, W2, preferred_element_type=jnp.float32) + b2
    return _ln(h, g, beta)



def _enc_nodes_body(v, W0, b0, W1, b1, W2, b2, g, beta, wr, ws, vl_o, pr_o, ps_o):
    vl = _mlp3(v[...], W0[...], b0[...], W1[...], b1[...], W2[...], b2[...],
               g[...], beta[...])
    vl_o[...] = vl
    pr_o[...] = jnp.dot(vl, wr[...], preferred_element_type=jnp.float32)
    ps_o[...] = jnp.dot(vl, ws[...], preferred_element_type=jnp.float32)


def _edge_enc_tail_body(e, eW0, eb0, eW1, eb1, eW2, eb2, eg, ebeta,
                        g1, g2, W0a, b0, W1, b1, W2, b2, g, beta, m_o, eln_o):
    el = _mlp3(e[...], eW0[...], eb0[...], eW1[...], eb1[...], eW2[...],
               eb2[...], eg[...], ebeta[...])
    h = _celu(jnp.dot(el, W0a[...], preferred_element_type=jnp.float32)
              + g1[...] + g2[...] + b0[...])
    h = _celu(jnp.dot(h, W1[...], preferred_element_type=jnp.float32) + b1[...])
    h = jnp.dot(h, W2[...], preferred_element_type=jnp.float32) + b2[...]
    m = _ln(h, g[...], beta[...])
    m_o[...] = m
    eln_o[...] = el + m


def _edge_tail_last_body(el, g1, g2, W0a, b0, W1, b1, W2, b2, g, beta, m_o):
    x = el[...]
    h = _celu(jnp.dot(x, W0a[...], preferred_element_type=jnp.float32)
              + g1[...] + g2[...] + b0[...])
    h = _celu(jnp.dot(h, W1[...], preferred_element_type=jnp.float32) + b1[...])
    h = jnp.dot(h, W2[...], preferred_element_type=jnp.float32) + b2[...]
    m_o[...] = _ln(h, g[...], beta[...])


def _node_tail_body(vl, a, b, W0a, W0b, b0, W1, b1, W2, b2, g, beta, wr, ws,
                    vln_o, pr_o, ps_o):
    x = vl[...]
    s = a[...] - b[...]
    h = _celu(jnp.dot(x, W0a[...], preferred_element_type=jnp.float32)
              + jnp.dot(s, W0b[...], preferred_element_type=jnp.float32)
              + b0[...])
    h = _celu(jnp.dot(h, W1[...], preferred_element_type=jnp.float32) + b1[...])
    h = jnp.dot(h, W2[...], preferred_element_type=jnp.float32) + b2[...]
    vln = x + _ln(h, g[...], beta[...])
    vln_o[...] = vln
    if pr_o is not None:
        pr_o[...] = jnp.dot(vln, wr[...], preferred_element_type=jnp.float32)
        ps_o[...] = jnp.dot(vln, ws[...], preferred_element_type=jnp.float32)


def _node_final_body(vl, a, b, inca, incb, mask, W0a, W0b, b0, W1, b1, W2, b2,
                     g, beta, g_f, beta_f, dW0z, dbe, dW1, db1, dW2, db2, out):
    x = vl[...]
    s = a[...] - b[...]
    h = _celu(jnp.dot(x, W0a[...], preferred_element_type=jnp.float32)
              + jnp.dot(s, W0b[...], preferred_element_type=jnp.float32)
              + b0[...])
    h = _celu(jnp.dot(h, W1[...], preferred_element_type=jnp.float32) + b1[...])
    h = jnp.dot(h, W2[...], preferred_element_type=jnp.float32) + b2[...]
    vln = x + _ln(h, g[...], beta[...])
    inc = inca[...] + incb[...] + a[...]
    m = mask[...]
    z = jnp.concatenate([vln * m, inc * m], axis=1)
    zl = _ln(z, g_f[...], beta_f[...])
    cols = []
    for d in range(3):
        hd = _celu(jnp.dot(zl, dW0z[d * 2 * LAT:(d + 1) * 2 * LAT, :],
                           preferred_element_type=jnp.float32) + dbe[d:d + 1, :])
        hd = _celu(jnp.dot(hd, dW1[d * LAT:(d + 1) * LAT, :],
                           preferred_element_type=jnp.float32) + db1[d:d + 1, :])
        cols.append(jnp.dot(hd, dW2[:, d:d + 1],
                            preferred_element_type=jnp.float32))
    out[...] = jnp.concatenate(cols, axis=1) + db2[...]


def _theta_body(t, W0, b0, W1, b1, W2, b2, g, beta, dW0t, db0, out):
    h = _celu(jnp.dot(t[...], W0[...], preferred_element_type=jnp.float32) + b0[...])
    h = _celu(jnp.dot(h, W1[...], preferred_element_type=jnp.float32) + b1[...])
    h = jnp.dot(h, W2[...], preferred_element_type=jnp.float32) + b2[...]
    zt = _ln(h, g[...], beta[...])
    rows = []
    for d in range(3):
        wd = dW0t[d * LAT:(d + 1) * LAT, :]
        rows.append(jnp.dot(zt, wd, preferred_element_type=jnp.float32)
                    + db0[d:d + 1, :])
    out[...] = jnp.concatenate(rows, axis=0)


def _full(shape):
    return pl.BlockSpec(shape, lambda i: (0,) * len(shape))


def _rows(blk, width):
    return pl.BlockSpec((blk, width), lambda i: (i, 0))


def _tc_enc_nodes(V, p, wr, ws):
    (W0, b0), (W1, b1), (W2, b2), (g, beta) = p
    n = N_NODES // BLK_N
    args = [V, W0, b0.reshape(1, -1), W1, b1.reshape(1, -1), W2,
            b2.reshape(1, -1), g.reshape(1, -1), beta.reshape(1, -1), wr, ws]
    specs = [_rows(BLK_N, LAT)] + [_full(a.shape) for a in args[1:]]
    return pl.pallas_call(
        _enc_nodes_body,
        grid=(n,),
        in_specs=specs,
        out_specs=[_rows(BLK_N, LAT)] * 3,
        out_shape=[jax.ShapeDtypeStruct((N_NODES, LAT), jnp.float32)] * 3,
    )(*args)


def _tc_edge_enc_tail(E, G1, G2, enc_p, p):
    (eW0, eb0), (eW1, eb1), (eW2, eb2), (eg, ebeta) = enc_p
    (W0, b0), (W1, b1), (W2, b2), (g, beta) = p
    W0a = W0[:LAT, :]
    n = N_EDGES // BLK_E
    args = [E, eW0, eb0.reshape(1, -1), eW1, eb1.reshape(1, -1), eW2,
            eb2.reshape(1, -1), eg.reshape(1, -1), ebeta.reshape(1, -1),
            G1, G2, W0a, b0.reshape(1, -1), W1, b1.reshape(1, -1), W2,
            b2.reshape(1, -1), g.reshape(1, -1), beta.reshape(1, -1)]
    specs = ([_rows(BLK_E, E.shape[1])]
             + [_full(a.shape) for a in args[1:9]]
             + [_rows(BLK_E, LAT)] * 2
             + [_full(a.shape) for a in args[11:]])
    return pl.pallas_call(
        _edge_enc_tail_body,
        grid=(n,),
        in_specs=specs,
        out_specs=[_rows(BLK_E, LAT)] * 2,
        out_shape=[jax.ShapeDtypeStruct((N_EDGES, LAT), jnp.float32)] * 2,
    )(*args)


def _tc_edge_tail_last(El, G1, G2, p):
    (W0, b0), (W1, b1), (W2, b2), (g, beta) = p
    W0a = W0[:LAT, :]
    n = N_EDGES // BLK_E
    args = [El, G1, G2, W0a, b0.reshape(1, -1), W1, b1.reshape(1, -1), W2,
            b2.reshape(1, -1), g.reshape(1, -1), beta.reshape(1, -1)]
    specs = [_rows(BLK_E, LAT)] * 3 + [_full(a.shape) for a in args[3:]]
    return pl.pallas_call(
        _edge_tail_last_body,
        grid=(n,),
        in_specs=specs,
        out_specs=_rows(BLK_E, LAT),
        out_shape=jax.ShapeDtypeStruct((N_EDGES, LAT), jnp.float32),
    )(*args)


def _tc_node_tail(Vl, A, B, p, wr, ws):
    (W0, b0), (W1, b1), (W2, b2), (g, beta) = p
    W0a, W0b = W0[:LAT, :], W0[LAT:, :]
    n = N_NODES // BLK_N
    args = [Vl, A, B, W0a, W0b, b0.reshape(1, -1), W1, b1.reshape(1, -1), W2,
            b2.reshape(1, -1), g.reshape(1, -1), beta.reshape(1, -1), wr, ws]
    specs = ([_rows(BLK_N, LAT)] * 3
             + [_full(a.shape) for a in args[3:]])
    return pl.pallas_call(
        _node_tail_body,
        grid=(n,),
        in_specs=specs,
        out_specs=[_rows(BLK_N, LAT)] * 3,
        out_shape=[jax.ShapeDtypeStruct((N_NODES, LAT), jnp.float32)] * 3,
    )(*args)


def _tc_node_final(Vl, A, B, IncA, IncB, mask, p, g_f, beta_f,
                   dW0z, dbe, dW1, db1, dW2, db2):
    (W0, b0), (W1, b1), (W2, b2), (g, beta) = p
    W0a, W0b = W0[:LAT, :], W0[LAT:, :]
    n = N_NODES // BLK_N
    args = [Vl, A, B, IncA, IncB, mask, W0a, W0b, b0.reshape(1, -1),
            W1, b1.reshape(1, -1), W2, b2.reshape(1, -1),
            g.reshape(1, -1), beta.reshape(1, -1),
            g_f.reshape(1, -1), beta_f.reshape(1, -1),
            dW0z, dbe, dW1, db1, dW2, db2]
    specs = ([_rows(BLK_N, LAT)] * 5 + [_rows(BLK_N, 1)]
             + [_full(a.shape) for a in args[6:]])
    return pl.pallas_call(
        _node_final_body,
        grid=(n,),
        in_specs=specs,
        out_specs=_rows(BLK_N, 3),
        out_shape=jax.ShapeDtypeStruct((N_NODES, 3), jnp.float32),
    )(*args)


def _tc_theta(theta2d, p, dW0t, db0):
    (W0, b0), (W1, b1), (W2, b2), (g, beta) = p
    args = [theta2d, W0, b0.reshape(1, -1), W1, b1.reshape(1, -1), W2,
            b2.reshape(1, -1), g.reshape(1, -1), beta.reshape(1, -1), dW0t, db0]
    return pl.pallas_call(
        _theta_body,
        grid=(1,),
        in_specs=[_full(a.shape) for a in args],
        out_specs=_full((3, LAT)),
        out_shape=jax.ShapeDtypeStruct((3, LAT), jnp.float32),
    )(*args)



_MESH = plsc.VectorSubcoreMesh(core_axis_name="c", subcore_axis_name="s")

_G_BASE = N_CHUNKS // NW
_G_EXTRA = N_CHUNKS - _G_BASE * NW
_S_BASE = N_CHUNKS // NS
_S_EXTRA = N_CHUNKS - _S_BASE * NS
_TAB_SPAN = 624


def _gather_body(pr_hbm, ps_hbm, recv_hbm, send_hbm, g1_hbm, g2_hbm,
                 idxr0, idxs0, idxr1, idxs1, bufr0, bufs0, bufr1, bufs1,
                 semg0, semg1, semw0, semw1):
    c = lax.axis_index("c")
    s = lax.axis_index("s")
    w = s * NC + c
    nw = jnp.where(w < _G_EXTRA, _G_BASE + 1, _G_BASE)
    start = _G_BASE * w + jnp.minimum(w, _G_EXTRA)

    def load_idx(i, ir, is_):
        off = (start + i) * CH
        pltpu.sync_copy(recv_hbm.at[pl.ds(off, CH)], ir)
        pltpu.sync_copy(send_hbm.at[pl.ds(off, CH)], is_)

    def body(p, carry):
        i0 = 2 * p
        i1 = i0 + 1
        load_idx(i0, idxr0, idxs0)
        dg0a = pltpu.async_copy(pr_hbm.at[idxr0], bufr0, semg0)
        dg0b = pltpu.async_copy(ps_hbm.at[idxs0], bufs0, semg0)

        @pl.when(i1 < nw)
        def _():
            load_idx(i1, idxr1, idxs1)
            dg1a = pltpu.async_copy(pr_hbm.at[idxr1], bufr1, semg1)
            dg1b = pltpu.async_copy(ps_hbm.at[idxs1], bufs1, semg1)
            dg0a.wait()
            dg0b.wait()
            off0 = (i0 + start) * CH
            dw0a = pltpu.async_copy(bufr0, g1_hbm.at[pl.ds(off0, CH)], semw0)
            dw0b = pltpu.async_copy(bufs0, g2_hbm.at[pl.ds(off0, CH)], semw0)
            dg1a.wait()
            dg1b.wait()
            off1 = (i1 + start) * CH
            dw1a = pltpu.async_copy(bufr1, g1_hbm.at[pl.ds(off1, CH)], semw1)
            dw1b = pltpu.async_copy(bufs1, g2_hbm.at[pl.ds(off1, CH)], semw1)
            dw0a.wait()
            dw0b.wait()
            dw1a.wait()
            dw1b.wait()

        @pl.when(i1 >= nw)
        def _():
            dg0a.wait()
            dg0b.wait()
            off0 = (i0 + start) * CH
            dw0a = pltpu.async_copy(bufr0, g1_hbm.at[pl.ds(off0, CH)], semw0)
            dw0b = pltpu.async_copy(bufs0, g2_hbm.at[pl.ds(off0, CH)], semw0)
            dw0a.wait()
            dw0b.wait()

        return carry

    lax.fori_loop(0, (nw + 1) // 2, body, 0)


@functools.partial(
    pl.kernel,
    out_type=[jax.ShapeDtypeStruct((N_EDGES, LAT), jnp.float32)] * 2,
    mesh=_MESH,
    scratch_types=[
        pltpu.VMEM((CH,), jnp.int32),
        pltpu.VMEM((CH,), jnp.int32),
        pltpu.VMEM((CH,), jnp.int32),
        pltpu.VMEM((CH,), jnp.int32),
        pltpu.VMEM((CH, LAT), jnp.float32),
        pltpu.VMEM((CH, LAT), jnp.float32),
        pltpu.VMEM((CH, LAT), jnp.float32),
        pltpu.VMEM((CH, LAT), jnp.float32),
        pltpu.SemaphoreType.DMA,
        pltpu.SemaphoreType.DMA,
        pltpu.SemaphoreType.DMA,
        pltpu.SemaphoreType.DMA,
    ],
)
def _sc_gather(pr_hbm, ps_hbm, recv_hbm, send_hbm, g1_hbm, g2_hbm,
               idxr0, idxs0, idxr1, idxs1, bufr0, bufs0, bufr1, bufs1,
               semg0, semg1, semw0, semw1):
    _gather_body(pr_hbm, ps_hbm, recv_hbm, send_hbm, g1_hbm, g2_hbm,
                 idxr0, idxs0, idxr1, idxs1, bufr0, bufs0, bufr1, bufs1,
                 semg0, semg1, semw0, semw1)


def _tab_init_all(zeros_hbm, table, s):
    r0 = s * _TAB_SPAN
    pltpu.sync_copy(zeros_hbm.at[pl.ds(r0, _TAB_SPAN)],
                    table.at[pl.ds(r0, _TAB_SPAN)])

    @pl.when(s == NS - 1)
    def _():
        tail = N_NODES - NS * _TAB_SPAN
        pltpu.sync_copy(zeros_hbm.at[pl.ds(NS * _TAB_SPAN, tail)],
                        table.at[pl.ds(NS * _TAB_SPAN, tail)])


def _tab_writeout_full(table, out_hbm, s):
    r0 = s * _TAB_SPAN
    pltpu.sync_copy(table.at[pl.ds(r0, _TAB_SPAN)],
                    out_hbm.at[pl.ds(r0, _TAB_SPAN)])

    @pl.when(s == NS - 1)
    def _():
        tail = N_NODES - NS * _TAB_SPAN
        pltpu.sync_copy(table.at[pl.ds(NS * _TAB_SPAN, tail)],
                        out_hbm.at[pl.ds(NS * _TAB_SPAN, tail)])


def _scatter_pipelined(m_hbm, idx_hbm, tab, slots, semS, start, n):
    def load(i, slot):
        buf, ir, semL = slot
        off = (start + i) * CH
        pltpu.async_copy(m_hbm.at[pl.ds(off, CH)], buf, semL)
        pltpu.async_copy(idx_hbm.at[pl.ds(off, CH)], ir, semL)

    def drain_load(slot):
        buf, ir, semL = slot
        pltpu.make_async_copy(m_hbm.at[pl.ds(0, CH)], buf, semL).wait()
        pltpu.make_async_copy(idx_hbm.at[pl.ds(0, CH)], ir, semL).wait()

    def scatter(slot):
        buf, ir, _ = slot
        pltpu.async_copy(buf, tab.at[ir], semS, add=True).wait()

    load(0, slots[0])

    def body(p, carry):
        i1 = 2 * p + 1
        drain_load(slots[0])

        @pl.when(i1 < n)
        def _():
            load(i1, slots[1])

        scatter(slots[0])

        @pl.when(i1 < n)
        def _():
            drain_load(slots[1])

            @pl.when(i1 + 1 < n)
            def _():
                load(i1 + 1, slots[0])

            scatter(slots[1])

        return carry

    lax.fori_loop(0, (n + 1) // 2, body, 0)


def _scatter2_body(m_hbm, recv_hbm, send_hbm, zeros_hbm, a_hbm, b_hbm,
                   idx0, idx1, buf0, buf1, tab, semL0, semL1, semS):
    c = lax.axis_index("c")
    s = lax.axis_index("s")
    _tab_init_all(zeros_hbm, tab, s)
    n = jnp.where(s < _S_EXTRA, _S_BASE + 1, _S_BASE)
    start = _S_BASE * s + jnp.minimum(s, _S_EXTRA)
    plsc.subcore_barrier()

    @pl.when(c == 0)
    def _():
        _scatter_pipelined(m_hbm, recv_hbm, tab,
                           [(buf0, idx0, semL0), (buf1, idx1, semL1)],
                           semS, start, n)

    @pl.when(c == 1)
    def _():
        _scatter_pipelined(m_hbm, send_hbm, tab,
                           [(buf0, idx0, semL0), (buf1, idx1, semL1)],
                           semS, start, n)

    plsc.subcore_barrier()

    @pl.when(c == 0)
    def _():
        _tab_writeout_full(tab, a_hbm, s)

    @pl.when(c == 1)
    def _():
        _tab_writeout_full(tab, b_hbm, s)


@functools.partial(
    pl.kernel,
    out_type=[jax.ShapeDtypeStruct((N_NODES, LAT), jnp.float32)] * 2,
    mesh=_MESH,
    scratch_types=[
        pltpu.VMEM((CH,), jnp.int32),
        pltpu.VMEM((CH,), jnp.int32),
        pltpu.VMEM((CH, LAT), jnp.float32),
        pltpu.VMEM((CH, LAT), jnp.float32),
        pltpu.VMEM_SHARED((N_NODES, LAT), jnp.float32),
        pltpu.SemaphoreType.DMA,
        pltpu.SemaphoreType.DMA,
        pltpu.SemaphoreType.DMA,
    ],
)
def _sc_scatter2(m_hbm, recv_hbm, send_hbm, zeros_hbm, a_hbm, b_hbm,
                 idx0, idx1, buf0, buf1, tab, semL0, semL1, semS):
    _scatter2_body(m_hbm, recv_hbm, send_hbm, zeros_hbm, a_hbm, b_hbm,
                   idx0, idx1, buf0, buf1, tab, semL0, semL1, semS)


_S1_CHUNKS = N_CHUNKS // NC
_S1_BASE = _S1_CHUNKS // NS
_S1_EXTRA = _S1_CHUNKS - _S1_BASE * NS


def _scatter1_body(m_hbm, recv_hbm, zeros_hbm, a_hbm, b_hbm,
                   idx0, idx1, buf0, buf1, tab, semL0, semL1, semS):
    c = lax.axis_index("c")
    s = lax.axis_index("s")
    _tab_init_all(zeros_hbm, tab, s)
    n = jnp.where(s < _S1_EXTRA, _S1_BASE + 1, _S1_BASE)
    start = c * _S1_CHUNKS + _S1_BASE * s + jnp.minimum(s, _S1_EXTRA)
    plsc.subcore_barrier()
    _scatter_pipelined(m_hbm, recv_hbm, tab,
                       [(buf0, idx0, semL0), (buf1, idx1, semL1)],
                       semS, start, n)
    plsc.subcore_barrier()

    @pl.when(c == 0)
    def _():
        _tab_writeout_full(tab, a_hbm, s)

    @pl.when(c == 1)
    def _():
        _tab_writeout_full(tab, b_hbm, s)


@functools.partial(
    pl.kernel,
    out_type=[jax.ShapeDtypeStruct((N_NODES, LAT), jnp.float32)] * 2,
    mesh=_MESH,
    scratch_types=[
        pltpu.VMEM((CH,), jnp.int32),
        pltpu.VMEM((CH,), jnp.int32),
        pltpu.VMEM((CH, LAT), jnp.float32),
        pltpu.VMEM((CH, LAT), jnp.float32),
        pltpu.VMEM_SHARED((N_NODES, LAT), jnp.float32),
        pltpu.SemaphoreType.DMA,
        pltpu.SemaphoreType.DMA,
        pltpu.SemaphoreType.DMA,
    ],
)
def _sc_scatter1(m_hbm, recv_hbm, zeros_hbm, a_hbm, b_hbm,
                 idx0, idx1, buf0, buf1, tab, semL0, semL1, semS):
    _scatter1_body(m_hbm, recv_hbm, zeros_hbm, a_hbm, b_hbm,
                   idx0, idx1, buf0, buf1, tab, semL0, semL1, semS)



def kernel(V, E, theta, params, senders, receivers, real_node_indices):
    zeros_tab = jnp.zeros((N_NODES, LAT), jnp.float32)
    mask = real_node_indices.astype(jnp.float32).reshape(N_NODES, 1)
    theta2d = theta.reshape(1, -1)
    mp = params['mp']
    wr = [blk['edge'][0][0][LAT:2 * LAT, :] for blk in mp]
    ws = [blk['edge'][0][0][2 * LAT:, :] for blk in mp]

    Vl, Pr, Ps = _tc_enc_nodes(V, params['node_enc'], wr[0], ws[0])
    G1, G2 = _sc_gather(Pr, Ps, receivers, senders)
    M0, El1 = _tc_edge_enc_tail(E, G1, G2, params['edge_enc'], mp[0]['edge'])
    A0, B0 = _sc_scatter2(M0, receivers, senders, zeros_tab)
    IncA, IncB = _sc_scatter1(El1, receivers, zeros_tab)
    Vl, Pr, Ps = _tc_node_tail(Vl, A0, B0, mp[0]['node'], wr[1], ws[1])

    G1, G2 = _sc_gather(Pr, Ps, receivers, senders)
    M1 = _tc_edge_tail_last(El1, G1, G2, mp[1]['edge'])
    A1, B1 = _sc_scatter2(M1, receivers, senders, zeros_tab)

    dec = params['dec']
    dW0t = jnp.concatenate([dec[d][0][0][:LAT, :] for d in range(3)], axis=0)
    dW0z = jnp.concatenate([dec[d][0][0][LAT:, :] for d in range(3)], axis=0)
    db0 = jnp.stack([dec[d][0][1] for d in range(3)])
    dW1 = jnp.concatenate([dec[d][1][0] for d in range(3)], axis=0)
    db1 = jnp.stack([dec[d][1][1] for d in range(3)])
    dW2 = jnp.concatenate([dec[d][2][0] for d in range(3)], axis=1)
    db2 = jnp.stack([dec[d][2][1] for d in range(3)]).reshape(1, 3)

    dbe = _tc_theta(theta2d, params['theta_enc'], dW0t, db0)
    g_f, beta_f = params['final_ln']
    return _tc_node_final(Vl, A1, B1, IncA, IncB, mask, mp[1]['node'],
                          g_f, beta_f, dW0z, dbe, dW1, db1, dW2, db2)

# --- scband reference (transcript-rebuilt; emitter-appended) ---
"""Pipeline reference for scband-primal-graph-emulator-34265249088118 (READ-ONLY COPY).

The authoritative reference and input builder live on the scoring server;
editing this copy changes nothing except your own understanding.
"""

import jax, jax.numpy as jnp
import numpy as np

N_NODES = 10000
N_EDGES = 160000
D_FEAT = 128
D_EDGE = 16
D_THETA = 16
MLP_FEATURES = (128, 128)
LATENT = (128,)
K = 2
OUTPUT_DIM = 3
LAT = 128


def _init_mlp(key, in_dim, feats, layer_norm):
    layers = []
    d = in_dim
    for f in feats:
        key, k1 = jax.random.split(key)
        W = jax.random.normal(k1, (d, f), dtype=jnp.float32) / np.sqrt(d)
        b = jnp.zeros((f,), dtype=jnp.float32)
        layers.append((W, b))
        d = f
    if layer_norm:
        layers.append((jnp.ones((d,), jnp.float32), jnp.zeros((d,), jnp.float32)))
    return layers


def _apply_mlp(layers, x, layer_norm):
    n = len(layers) - (1 if layer_norm else 0)
    for i in range(n):
        W, b = layers[i]
        x = x @ W + b
        if i != n - 1:
            x = jax.nn.celu(x)
    if layer_norm:
        g, beta = layers[-1]
        mu = jnp.mean(x, axis=-1, keepdims=True)
        var = jnp.var(x, axis=-1, keepdims=True)
        x = (x - mu) / jnp.sqrt(var + 1e-6) * g + beta
    return x


def setup_inputs(seed: int = 0):
    key = jax.random.key(seed)
    ks = jax.random.split(key, 12)
    V = jax.random.normal(ks[0], (N_NODES, D_FEAT), jnp.float32)
    E = jax.random.normal(ks[1], (N_EDGES, D_EDGE), jnp.float32)
    theta = jax.random.normal(ks[2], (D_THETA,), jnp.float32)
    senders = jax.random.randint(ks[3], (N_EDGES,), 0, N_NODES, dtype=jnp.int32)
    receivers = jax.random.randint(ks[4], (N_EDGES,), 0, N_NODES, dtype=jnp.int32)
    real_node_indices = jnp.ones((N_NODES,), dtype=bool)
    enc_feats = MLP_FEATURES + LATENT
    params = {
        'node_enc': _init_mlp(ks[5], D_FEAT, enc_feats, True),
        'edge_enc': _init_mlp(ks[6], D_EDGE, enc_feats, True),
        'theta_enc': _init_mlp(ks[7], D_THETA, enc_feats, True),
        'mp': [{'node': _init_mlp(jax.random.fold_in(ks[8], i), 2 * LAT, enc_feats, True),
                'edge': _init_mlp(jax.random.fold_in(ks[9], i), 3 * LAT, enc_feats, True)} for i in range(K)],
        'final_ln': (jnp.ones((2 * LAT,), jnp.float32), jnp.zeros((2 * LAT,), jnp.float32)),
        'dec': [_init_mlp(jax.random.fold_in(ks[10], i), LAT + 2 * LAT, MLP_FEATURES + (1,), False) for i in range(OUTPUT_DIM)],
    }
    return {'V': V, 'E': E, 'theta': theta, 'params': params,
            'senders': senders, 'receivers': receivers, 'real_node_indices': real_node_indices}


def reference(V, E, theta, params, senders, receivers, real_node_indices):
    # encode
    Vl = _apply_mlp(params['node_enc'], V, True)
    El = _apply_mlp(params['edge_enc'], E, True)
    # K message passing steps (Algorithm 2)
    for blk in params['mp']:
        messages = _apply_mlp(blk['edge'], jnp.hstack((El, Vl[receivers], Vl[senders])), True)
        recv_ij = jax.ops.segment_sum(messages, receivers, N_NODES)
        recv_ji = jax.ops.segment_sum(-messages, senders, N_NODES)
        Vnew = _apply_mlp(blk['node'], jnp.hstack((Vl, recv_ij + recv_ji)), True)
        Vl = Vl + Vnew
        El = El + messages
    incoming = jax.ops.segment_sum(El, receivers, N_NODES)
    z_full = jnp.hstack((Vl, incoming))
    z = jnp.where(real_node_indices[:, None], z_full, jnp.zeros_like(z_full))
    g, beta = params['final_ln']
    mu = jnp.mean(z, axis=-1, keepdims=True)
    var = jnp.var(z, axis=-1, keepdims=True)
    z_local = (z - mu) / jnp.sqrt(var + 1e-6) * g + beta
    z_theta = _apply_mlp(params['theta_enc'], theta, True)
    z_theta_array = jnp.tile(z_theta, (z_local.shape[0], 1))
    final_rep = jnp.hstack((z_theta_array, z_local))
    preds = [_apply_mlp(p, final_rep, False) for p in params['dec']]
    return jnp.hstack(preds)

if __name__ == "__main__":
    import jax
    _d = setup_inputs()
    print(jax.jit(kernel)(*tuple(_d.values())))

</pallas_src>

<mosaic_0001>
#map = affine_map<(d0, d1) -> (0, 0)>
#map1 = affine_map<(d0, d1) -> (0)>
module attributes {stable_mosaic.version = 14 : i64} {
  func.func @_sc_gather(%arg0: i32, %arg1: i32, %arg2: memref<10000x128xf32, #tpu.memory_space<hbm>>, %arg3: memref<10000x128xf32, #tpu.memory_space<hbm>>, %arg4: memref<160000xi32, #tpu.memory_space<hbm>>, %arg5: memref<160000xi32, #tpu.memory_space<hbm>>, %arg6: memref<160000x128xf32, #tpu.memory_space<hbm>>, %arg7: memref<160000x128xf32, #tpu.memory_space<hbm>>, %arg8: memref<128xi32, #tpu.memory_space<vmem>>, %arg9: memref<128xi32, #tpu.memory_space<vmem>>, %arg10: memref<128xi32, #tpu.memory_space<vmem>>, %arg11: memref<128xi32, #tpu.memory_space<vmem>>, %arg12: memref<128x128xf32, #tpu.memory_space<vmem>>, %arg13: memref<128x128xf32, #tpu.memory_space<vmem>>, %arg14: memref<128x128xf32, #tpu.memory_space<vmem>>, %arg15: memref<128x128xf32, #tpu.memory_space<vmem>>, %arg16: memref<!tpu.dma_semaphore, #tpu.memory_space<semaphore_mem>>, %arg17: memref<!tpu.dma_semaphore, #tpu.memory_space<semaphore_mem>>, %arg18: memref<!tpu.dma_semaphore, #tpu.memory_space<semaphore_mem>>, %arg19: memref<!tpu.dma_semaphore, #tpu.memory_space<semaphore_mem>>) attributes {dimension_semantics = [#tpu.dimension_semantics<core_parallel>, #tpu.dimension_semantics<subcore_parallel>], iteration_bounds = array<i64: 2, 16>, scalar_prefetch = 0 : i64, scratch_operands = 12 : i64, tpu.core_type = #tpu.core_type<sc_vector_subcore>, window_params = [{transform_indices = #map}, {transform_indices = #map}, {transform_indices = #map1}, {transform_indices = #map1}, {transform_indices = #map}, {transform_indices = #map}]} {
    %mul3A = arith.constant 2 : i32
    %mul3A_0 = arith.muli %arg1, %mul3A : i32
    %add3A = arith.addi %mul3A_0, %arg0 : i32
    %lt3A = arith.constant 2 : i32
    %lt3A_1 = arith.cmpi slt, %add3A, %lt3A : i32
    %jit3A = arith.constant 40 : i32
    %jit3A_2 = arith.constant 39 : i32
    %select_n3A = arith.select %lt3A_1, %jit3A, %jit3A_2 : i32
    %mul3A_3 = arith.constant 39 : i32
    %mul3A_4 = arith.muli %mul3A_3, %add3A : i32
    %min3A = arith.constant 2 : i32
    %min3A_5 = arith.minsi %add3A, %min3A : i32
    %add3A_6 = arith.addi %mul3A_4, %min3A_5 : i32
    %add3A_7 = arith.constant 1 : i32
    %add3A_8 = arith.addi %select_n3A, %add3A_7 : i32
    %jit3A_9 = arith.constant 2 : i32
    %div3A = arith.divsi %add3A_8, %jit3A_9 : i32
    %sign3A = arith.constant 0 : i32
    %sign3A_10 = arith.cmpi sgt, %add3A_8, %sign3A : i32
    %sign3A_11 = arith.extui %sign3A_10 : i1 to i32
    %sign3A_12 = arith.constant 0 : i32
    %sign3A_13 = arith.cmpi slt, %add3A_8, %sign3A_12 : i32
    %sign3A_14 = arith.extui %sign3A_13 : i1 to i32
    %sign3A_15 = arith.subi %sign3A_11, %sign3A_14 : i32
    %sign3A_16 = arith.constant 0 : i32
    %sign3A_17 = arith.cmpi sgt, %jit3A_9, %sign3A_16 : i32
    %sign3A_18 = arith.extui %sign3A_17 : i1 to i32
    %sign3A_19 = arith.constant 0 : i32
    %sign3A_20 = arith.cmpi slt, %jit3A_9, %sign3A_19 : i32
    %sign3A_21 = arith.extui %sign3A_20 : i1 to i32
    %sign3A_22 = arith.subi %sign3A_18, %sign3A_21 : i32
    %ne3A = arith.cmpi ne, %sign3A_15, %sign3A_22 : i32
    %rem3A = arith.remsi %add3A_8, %jit3A_9 : i32
    %ne3A_23 = arith.constant 0 : i32
    %ne3A_24 = arith.cmpi ne, %rem3A, %ne3A_23 : i32
    %and3A = arith.andi %ne3A, %ne3A_24 : i1
    %sub3A = arith.constant 1 : i32
    %sub3A_25 = arith.subi %div3A, %sub3A : i32
    %select_n3A_26 = arith.select %and3A, %sub3A_25, %div3A : i32
    %while3A = arith.constant 0 : i32
    %while3A_27 = arith.constant 0 : i32
    %while3A_28 = arith.subi %select_n3A_26, %while3A_27 : i32
    %while3A_29 = arith.addi %while3A_27, %while3A_28 : i32
    %while3A_30 = arith.constant 1 : i32
    %while3A_31 = arith.divsi %while3A_28, %while3A_30 : i32
    %while3A_32 = arith.muli %while3A_31, %while3A_30 : i32
    %while3A_33 = arith.addi %while3A_27, %while3A_32 : i32
    %while3A_34 = arith.constant 1 : i32
    scf.for %while3A_36 = %while3A_27 to %while3A_33 step %while3A_34  : i32 {
      %mul3A_37 = arith.constant 2 : i32
      %mul3A_38 = arith.muli %mul3A_37, %while3A_36 : i32
      %add3A_39 = arith.constant 1 : i32
      %add3A_40 = arith.addi %mul3A_38, %add3A_39 : i32
      %add3A_41 = arith.addi %add3A_6, %mul3A_38 : i32
      %mul3A_42 = arith.constant 128 : i32
      %mul3A_43 = arith.muli %add3A_41, %mul3A_42 : i32
      "tpu.region"() ({
        %run_scoped3A = tpu.sem_alloc : memref<!tpu.dma_semaphore, #tpu.memory_space<semaphore_mem>>
        %dma_start3A_54 = tpu.memref_slice %arg4[%mul3A_43] : memref<160000xi32, #tpu.memory_space<hbm>> -> memref<128xi32, #tpu.memory_space<hbm>>
        %dma_start3A_55 = tpu.memref_slice %arg4[%mul3A_43] : memref<160000xi32, #tpu.memory_space<hbm>> -> memref<128xi32, #tpu.memory_space<hbm>>
        tpu.enqueue_dma source(%dma_start3A_55 : memref<128xi32, #tpu.memory_space<hbm>>) target(%arg8 : memref<128xi32, #tpu.memory_space<vmem>>) target_semaphore(%run_scoped3A : memref<!tpu.dma_semaphore, #tpu.memory_space<semaphore_mem>>)
        %dma_wait3A = tpu.memref_slice %arg4[%mul3A_43] : memref<160000xi32, #tpu.memory_space<hbm>> -> memref<128xi32, #tpu.memory_space<hbm>>
        %dma_wait3A_56 = tpu.memref_slice %arg4[%mul3A_43] : memref<160000xi32, #tpu.memory_space<hbm>> -> memref<128xi32, #tpu.memory_space<hbm>>
        tpu.wait_dma2 semaphore(%run_scoped3A : memref<!tpu.dma_semaphore, #tpu.memory_space<semaphore_mem>>) src(%dma_wait3A_56 : memref<128xi32, #tpu.memory_space<hbm>>) dst(%arg8 : memref<128xi32, #tpu.memory_space<vmem>>)
        tpu.yield
      }) : () -> ()
      "tpu.region"() ({
        %run_scoped3A = tpu.sem_alloc : memref<!tpu.dma_semaphore, #tpu.memory_space<semaphore_mem>>
        %dma_start3A_54 = tpu.memref_slice %arg5[%mul3A_43] : memref<160000xi32, #tpu.memory_space<hbm>> -> memref<128xi32, #tpu.memory_space<hbm>>
        %dma_start3A_55 = tpu.memref_slice %arg5[%mul3A_43] : memref<160000xi32, #tpu.memory_space<hbm>> -> memref<128xi32, #tpu.memory_space<hbm>>
        tpu.enqueue_dma source(%dma_start3A_55 : memref<128xi32, #tpu.memory_space<hbm>>) target(%arg9 : memref<128xi32, #tpu.memory_space<vmem>>) target_semaphore(%run_scoped3A : memref<!tpu.dma_semaphore, #tpu.memory_space<semaphore_mem>>)
        %dma_wait3A = tpu.memref_slice %arg5[%mul3A_43] : memref<160000xi32, #tpu.memory_space<hbm>> -> memref<128xi32, #tpu.memory_space<hbm>>
        %dma_wait3A_56 = tpu.memref_slice %arg5[%mul3A_43] : memref<160000xi32, #tpu.memory_space<hbm>> -> memref<128xi32, #tpu.memory_space<hbm>>
        tpu.wait_dma2 semaphore(%run_scoped3A : memref<!tpu.dma_semaphore, #tpu.memory_space<semaphore_mem>>) src(%dma_wait3A_56 : memref<128xi32, #tpu.memory_space<hbm>>) dst(%arg9 : memref<128xi32, #tpu.memory_space<vmem>>)
        tpu.yield
      }) : () -> ()
      %dma_start3A = arith.constant 0 : i32
      %dma_start3A_44 = arith.constant 0 : i32
      %dma_start3A_45 = tpu.memref_slice %arg2[%dma_start3A, %dma_start3A_44] : memref<10000x128xf32, #tpu.memory_space<hbm>> -> memref<10000x128xf32, #tpu.memory_space<hbm>>
      tpu.enqueue_indirect_dma source(%dma_start3A_45 : memref<10000x128xf32, #tpu.memory_space<hbm>>) target(%arg12 : memref<128x128xf32, #tpu.memory_space<vmem>>) offsets(%arg8 : memref<128xi32, #tpu.memory_space<vmem>>) semaphore(%arg16 : memref<!tpu.dma_semaphore, #tpu.memory_space<semaphore_mem>>)
      %dma_start3A_46 = arith.constant 0 : i32
      %dma_start3A_47 = arith.constant 0 : i32
      %dma_start3A_48 = tpu.memref_slice %arg3[%dma_start3A_46, %dma_start3A_47] : memref<10000x128xf32, #tpu.memory_space<hbm>> -> memref<10000x128xf32, #tpu.memory_space<hbm>>
      tpu.enqueue_indirect_dma source(%dma_start3A_48 : memref<10000x128xf32, #tpu.memory_space<hbm>>) target(%arg13 : memref<128x128xf32, #tpu.memory_space<vmem>>) offsets(%arg9 : memref<128xi32, #tpu.memory_space<vmem>>) semaphore(%arg16 : memref<!tpu.dma_semaphore, #tpu.memory_space<semaphore_mem>>)
      %lt3A_49 = arith.cmpi slt, %add3A_40, %select_n3A : i32
      %convert_element_type3A = arith.extui %lt3A_49 : i1 to i32
      %cond3A = arith.constant 0 : i32
      %cond3A_50 = arith.cmpi ne, %convert_element_type3A, %cond3A : i32
      scf.if %cond3A_50 {
        %add3A_54 = arith.addi %add3A_6, %add3A_40 : i32
        %mul3A_55 = arith.constant 128 : i32
        %mul3A_56 = arith.muli %add3A_54, %mul3A_55 : i32
        "tpu.region"() ({
          %run_scoped3A = tpu.sem_alloc : memref<!tpu.dma_semaphore, #tpu.memory_space<semaphore_mem>>
          %dma_start3A_112 = tpu.memref_slice %arg4[%mul3A_56] : memref<160000xi32, #tpu.memory_space<hbm>> -> memref<128xi32, #tpu.memory_space<hbm>>
          %dma_start3A_113 = tpu.memref_slice %arg4[%mul3A_56] : memref<160000xi32, #tpu.memory_space<hbm>> -> memref<128xi32, #tpu.memory_space<hbm>>
          tpu.enqueue_dma source(%dma_start3A_113 : memref<128xi32, #tpu.memory_space<hbm>>) target(%arg10 : memref<128xi32, #tpu.memory_space<vmem>>) target_semaphore(%run_scoped3A : memref<!tpu.dma_semaphore, #tpu.memory_space<semaphore_mem>>)
          %dma_wait3A_114 = tpu.memref_slice %arg4[%mul3A_56] : memref<160000xi32, #tpu.memory_space<hbm>> -> memref<128xi32, #tpu.memory_space<hbm>>
          %dma_wait3A_115 = tpu.memref_slice %arg4[%mul3A_56] : memref<160000xi32, #tpu.memory_space<hbm>> -> memref<128xi32, #tpu.memory_space<hbm>>
          tpu.wait_dma2 semaphore(%run_scoped3A : memref<!tpu.dma_semaphore, #tpu.memory_space<semaphore_mem>>) src(%dma_wait3A_115 : memref<128xi32, #tpu.memory_space<hbm>>) dst(%arg10 : memref<128xi32, #tpu.memory_space<vmem>>)
          tpu.yield
        }) : () -> ()
        "tpu.region"() ({
          %run_scoped3A = tpu.sem_alloc : memref<!tpu.dma_semaphore, #tpu.memory_space<semaphore_mem>>
          %dma_start3A_112 = tpu.memref_slice %arg5[%mul3A_56] : memref<160000xi32, #tpu.memory_space<hbm>> -> memref<128xi32, #tpu.memory_space<hbm>>
          %dma_start3A_113 = tpu.memref_slice %arg5[%mul3A_56] : memref<160000xi32, #tpu.memory_space<hbm>> -> memref<128xi32, #tpu.memory_space<hbm>>
          tpu.enqueue_dma source(%dma_start3A_113 : memref<128xi32, #tpu.memory_space<hbm>>) target(%arg11 : memref<128xi32, #tpu.memory_space<vmem>>) target_semaphore(%run_scoped3A : memref<!tpu.dma_semaphore, #tpu.memory_space<semaphore_mem>>)
          %dma_wait3A_114 = tpu.memref_slice %arg5[%mul3A_56] : memref<160000xi32, #tpu.memory_space<hbm>> -> memref<128xi32, #tpu.memory_space<hbm>>
          %dma_wait3A_115 = tpu.memref_slice %arg5[%mul3A_56] : memref<160000xi32, #tpu.memory_space<hbm>> -> memref<128xi32, #tpu.memory_space<hbm>>
          tpu.wait_dma2 semaphore(%run_scoped3A : memref<!tpu.dma_semaphore, #tpu.memory_space<semaphore_mem>>) src(%dma_wait3A_115 : memref<128xi32, #tpu.memory_space<hbm>>) dst(%arg11 : memref<128xi32, #tpu.memory_space<vmem>>)
          tpu.yield
        }) : () -> ()
        %dma_start3A_57 = arith.constant 0 : i32
        %dma_start3A_58 = arith.constant 0 : i32
        %dma_start3A_59 = tpu.memref_slice %arg2[%dma_start3A_57, %dma_start3A_58] : memref<10000x128xf32, #tpu.memory_space<hbm>> -> memref<10000x128xf32, #tpu.memory_space<hbm>>
        tpu.enqueue_indirect_dma source(%dma_start3A_59 : memref<10000x128xf32, #tpu.memory_space<hbm>>) target(%arg14 : memref<128x128xf32, #tpu.memory_space<vmem>>) offsets(%arg10 : memref<128xi32, #tpu.memory_space<vmem>>) semaphore(%arg17 : memref<!tpu.dma_semaphore, #tpu.memory_space<semaphore_mem>>)
        %dma_start3A_60 = arith.constant 0 : i32
        %dma_start3A_61 = arith.constant 0 : i32
        %dma_start3A_62 = tpu.memref_slice %arg3[%dma_start3A_60, %dma_start3A_61] : memref<10000x128xf32, #tpu.memory_space<hbm>> -> memref<10000x128xf32, #tpu.memory_space<hbm>>
        tpu.enqueue_indirect_dma source(%dma_start3A_62 : memref<10000x128xf32, #tpu.memory_space<hbm>>) target(%arg15 : memref<128x128xf32, #tpu.memory_space<vmem>>) offsets(%arg11 : memref<128xi32, #tpu.memory_space<vmem>>) semaphore(%arg17 : memref<!tpu.dma_semaphore, #tpu.memory_space<semaphore_mem>>)
        %dma_wait3A = arith.constant 0 : i32
        %dma_wait3A_63 = arith.constant 0 : i32
        %dma_wait3A_64 = tpu.memref_slice %arg2[%dma_wait3A, %dma_wait3A_63] : memref<10000x128xf32, #tpu.memory_space<hbm>> -> memref<10000x128xf32, #tpu.memory_space<hbm>>
        tpu.wait_indirect_dma semaphore(%arg16 : memref<!tpu.dma_semaphore, #tpu.memory_space<semaphore_mem>>) src(%dma_wait3A_64 : memref<10000x128xf32, #tpu.memory_space<hbm>>) dst(%arg12 : memref<128x128xf32, #tpu.memory_space<vmem>>)
        %dma_wait3A_65 = arith.constant 0 : i32
        %dma_wait3A_66 = arith.constant 0 : i32
        %dma_wait3A_67 = tpu.memref_slice %arg3[%dma_wait3A_65, %dma_wait3A_66] : memref<10000x128xf32, #tpu.memory_space<hbm>> -> memref<10000x128xf32, #tpu.memory_space<hbm>>
        tpu.wait_indirect_dma semaphore(%arg16 : memref<!tpu.dma_semaphore, #tpu.memory_space<semaphore_mem>>) src(%dma_wait3A_67 : memref<10000x128xf32, #tpu.memory_space<hbm>>) dst(%arg13 : memref<128x128xf32, #tpu.memory_space<vmem>>)
        %add3A_68 = arith.addi %mul3A_38, %add3A_6 : i32
        %mul3A_69 = arith.constant 128 : i32
        %mul3A_70 = arith.muli %add3A_68, %mul3A_69 : i32
        %dma_start3A_71 = arith.constant 0 : i32
        %dma_start3A_72 = tpu.memref_slice %arg6[%mul3A_70, %dma_start3A_71] : memref<160000x128xf32, #tpu.memory_space<hbm>> -> memref<128x128xf32, #tpu.memory_space<hbm>>
        %dma_start3A_73 = arith.constant 0 : i32
        %dma_start3A_74 = tpu.memref_slice %arg6[%mul3A_70, %dma_start3A_73] : memref<160000x128xf32, #tpu.memory_space<hbm>> -> memref<128x128xf32, #tpu.memory_space<hbm>>
        tpu.enqueue_dma source(%arg12 : memref<128x128xf32, #tpu.memory_space<vmem>>) target(%dma_start3A_74 : memref<128x128xf32, #tpu.memory_space<hbm>>) target_semaphore(%arg18 : memref<!tpu.dma_semaphore, #tpu.memory_space<semaphore_mem>>)
        %dma_start3A_75 = arith.constant 0 : i32
        %dma_start3A_76 = tpu.memref_slice %arg7[%mul3A_70, %dma_start3A_75] : memref<160000x128xf32, #tpu.memory_space<hbm>> -> memref<128x128xf32, #tpu.memory_space<hbm>>
        %dma_start3A_77 = arith.constant 0 : i32
        %dma_start3A_78 = tpu.memref_slice %arg7[%mul3A_70, %dma_start3A_77] : memref<160000x128xf32, #tpu.memory_space<hbm>> -> memref<128x128xf32, #tpu.memory_space<hbm>>
        tpu.enqueue_dma source(%arg13 : memref<128x128xf32, #tpu.memory_space<vmem>>) target(%dma_start3A_78 : memref<128x128xf32, #tpu.memory_space<hbm>>) target_semaphore(%arg18 : memref<!tpu.dma_semaphore, #tpu.memory_space<semaphore_mem>>)
        %dma_wait3A_79 = arith.constant 0 : i32
        %dma_wait3A_80 = arith.constant 0 : i32
        %dma_wait3A_81 = tpu.memref_slice %arg2[%dma_wait3A_79, %dma_wait3A_80] : memref<10000x128xf32, #tpu.memory_space<hbm>> -> memref<10000x128xf32, #tpu.memory_space<hbm>>
        tpu.wait_indirect_dma semaphore(%arg17 : memref<!tpu.dma_semaphore, #tpu.memory_space<semaphore_mem>>) src(%dma_wait3A_81 : memref<10000x128xf32, #tpu.memory_space<hbm>>) dst(%arg14 : memref<128x128xf32, #tpu.memory_space<vmem>>)
        %dma_wait3A_82 = arith.constant 0 : i32
        %dma_wait3A_83 = arith.constant 0 : i32
        %dma_wait3A_84 = tpu.memref_slice %arg3[%dma_wait3A_82, %dma_wait3A_83] : memref<10000x128xf32, #tpu.memory_space<hbm>> -> memref<10000x128xf32, #tpu.memory_space<hbm>>
        tpu.wait_indirect_dma semaphore(%arg17 : memref<!tpu.dma_semaphore, #tpu.memory_space<semaphore_mem>>) src(%dma_wait3A_84 : memref<10000x128xf32, #tpu.memory_space<hbm>>) dst(%arg15 : memref<128x128xf32, #tpu.memory_space<vmem>>)
        %add3A_85 = arith.addi %add3A_40, %add3A_6 : i32
        %mul3A_86 = arith.constant 128 : i32
        %mul3A_87 = arith.muli %add3A_85, %mul3A_86 : i32
        %dma_start3A_88 = arith.constant 0 : i32
        %dma_start3A_89 = tpu.memref_slice %arg6[%mul3A_87, %dma_start3A_88] : memref<160000x128xf32, #tpu.memory_space<hbm>> -> memref<128x128xf32, #tpu.memory_space<hbm>>
        %dma_start3A_90 = arith.constant 0 : i32
        %dma_start3A_91 = tpu.memref_slice %arg6[%mul3A_87, %dma_start3A_90] : memref<160000x128xf32, #tpu.memory_space<hbm>> -> memref<128x128xf32, #tpu.memory_space<hbm>>
        tpu.enqueue_dma source(%arg14 : memref<128x128xf32, #tpu.memory_space<vmem>>) target(%dma_start3A_91 : memref<128x128xf32, #tpu.memory_space<hbm>>) target_semaphore(%arg19 : memref<!tpu.dma_semaphore, #tpu.memory_space<semaphore_mem>>)
        %dma_start3A_92 = arith.constant 0 : i32
        %dma_start3A_93 = tpu.memref_slice %arg7[%mul3A_87, %dma_start3A_92] : memref<160000x128xf32, #tpu.memory_space<hbm>> -> memref<128x128xf32, #tpu.memory_space<hbm>>
        %dma_start3A_94 = arith.constant 0 : i32
        %dma_start3A_95 = tpu.memref_slice %arg7[%mul3A_87, %dma_start3A_94] : memref<160000x128xf32, #tpu.memory_space<hbm>> -> memref<128x128xf32, #tpu.memory_space<hbm>>
        tpu.enqueue_dma source(%arg15 : memref<128x128xf32, #tpu.memory_space<vmem>>) target(%dma_start3A_95 : memref<128x128xf32, #tpu.memory_space<hbm>>) target_semaphore(%arg19 : memref<!tpu.dma_semaphore, #tpu.memory_space<semaphore_mem>>)
        %dma_wait3A_96 = arith.constant 0 : i32
        %dma_wait3A_97 = tpu.memref_slice %arg6[%mul3A_70, %dma_wait3A_96] : memref<160000x128xf32, #tpu.memory_space<hbm>> -> memref<128x128xf32, #tpu.memory_space<hbm>>
        %dma_wait3A_98 = arith.constant 0 : i32
        %dma_wait3A_99 = tpu.memref_slice %arg6[%mul3A_70, %dma_wait3A_98] : memref<160000x128xf32, #tpu.memory_space<hbm>> -> memref<128x128xf32, #tpu.memory_space<hbm>>
        tpu.wait_dma2 semaphore(%arg18 : memref<!tpu.dma_semaphore, #tpu.memory_space<semaphore_mem>>) src(%arg12 : memref<128x128xf32, #tpu.memory_space<vmem>>) dst(%dma_wait3A_99 : memref<128x128xf32, #tpu.memory_space<hbm>>)
        %dma_wait3A_100 = arith.constant 0 : i32
        %dma_wait3A_101 = tpu.memref_slice %arg7[%mul3A_70, %dma_wait3A_100] : memref<160000x128xf32, #tpu.memory_space<hbm>> -> memref<128x128xf32, #tpu.memory_space<hbm>>
        %dma_wait3A_102 = arith.constant 0 : i32
        %dma_wait3A_103 = tpu.memref_slice %arg7[%mul3A_70, %dma_wait3A_102] : memref<160000x128xf32, #tpu.memory_space<hbm>> -> memref<128x128xf32, #tpu.memory_space<hbm>>
        tpu.wait_dma2 semaphore(%arg18 : memref<!tpu.dma_semaphore, #tpu.memory_space<semaphore_mem>>) src(%arg13 : memref<128x128xf32, #tpu.memory_space<vmem>>) dst(%dma_wait3A_103 : memref<128x128xf32, #tpu.memory_space<hbm>>)
        %dma_wait3A_104 = arith.constant 0 : i32
        %dma_wait3A_105 = tpu.memref_slice %arg6[%mul3A_87, %dma_wait3A_104] : memref<160000x128xf32, #tpu.memory_space<hbm>> -> memref<128x128xf32, #tpu.memory_space<hbm>>
        %dma_wait3A_106 = arith.constant 0 : i32
        %dma_wait3A_107 = tpu.memref_slice %arg6[%mul3A_87, %dma_wait3A_106] : memref<160000x128xf32, #tpu.memory_space<hbm>> -> memref<128x128xf32, #tpu.memory_space<hbm>>
        tpu.wait_dma2 semaphore(%arg19 : memref<!tpu.dma_semaphore, #tpu.memory_space<semaphore_mem>>) src(%arg14 : memref<128x128xf32, #tpu.memory_space<vmem>>) dst(%dma_wait3A_107 : memref<128x128xf32, #tpu.memory_space<hbm>>)
        %dma_wait3A_108 = arith.constant 0 : i32
        %dma_wait3A_109 = tpu.memref_slice %arg7[%mul3A_87, %dma_wait3A_108] : memref<160000x128xf32, #tpu.memory_space<hbm>> -> memref<128x128xf32, #tpu.memory_space<hbm>>
        %dma_wait3A_110 = arith.constant 0 : i32
        %dma_wait3A_111 = tpu.memref_slice %arg7[%mul3A_87, %dma_wait3A_110] : memref<160000x128xf32, #tpu.memory_space<hbm>> -> memref<128x128xf32, #tpu.memory_space<hbm>>
        tpu.wait_dma2 semaphore(%arg19 : memref<!tpu.dma_semaphore, #tpu.memory_space<semaphore_mem>>) src(%arg15 : memref<128x128xf32, #tpu.memory_space<vmem>>) dst(%dma_wait3A_111 : memref<128x128xf32, #tpu.memory_space<hbm>>)
      } else {
      }
      %ge3A = arith.cmpi sge, %add3A_40, %select_n3A : i32
      %convert_element_type3A_51 = arith.extui %ge3A : i1 to i32
      %cond3A_52 = arith.constant 0 : i32
      %cond3A_53 = arith.cmpi ne, %convert_element_type3A_51, %cond3A_52 : i32
      scf.if %cond3A_53 {
        %dma_wait3A = arith.constant 0 : i32
        %dma_wait3A_54 = arith.constant 0 : i32
        %dma_wait3A_55 = tpu.memref_slice %arg2[%dma_wait3A, %dma_wait3A_54] : memref<10000x128xf32, #tpu.memory_space<hbm>> -> memref<10000x128xf32, #tpu.memory_space<hbm>>
        tpu.wait_indirect_dma semaphore(%arg16 : memref<!tpu.dma_semaphore, #tpu.memory_space<semaphore_mem>>) src(%dma_wait3A_55 : memref<10000x128xf32, #tpu.memory_space<hbm>>) dst(%arg12 : memref<128x128xf32, #tpu.memory_space<vmem>>)
        %dma_wait3A_56 = arith.constant 0 : i32
        %dma_wait3A_57 = arith.constant 0 : i32
        %dma_wait3A_58 = tpu.memref_slice %arg3[%dma_wait3A_56, %dma_wait3A_57] : memref<10000x128xf32, #tpu.memory_space<hbm>> -> memref<10000x128xf32, #tpu.memory_space<hbm>>
        tpu.wait_indirect_dma semaphore(%arg16 : memref<!tpu.dma_semaphore, #tpu.memory_space<semaphore_mem>>) src(%dma_wait3A_58 : memref<10000x128xf32, #tpu.memory_space<hbm>>) dst(%arg13 : memref<128x128xf32, #tpu.memory_space<vmem>>)
        %add3A_59 = arith.addi %mul3A_38, %add3A_6 : i32
        %mul3A_60 = arith.constant 128 : i32
        %mul3A_61 = arith.muli %add3A_59, %mul3A_60 : i32
        %dma_start3A_62 = arith.constant 0 : i32
        %dma_start3A_63 = tpu.memref_slice %arg6[%mul3A_61, %dma_start3A_62] : memref<160000x128xf32, #tpu.memory_space<hbm>> -> memref<128x128xf32, #tpu.memory_space<hbm>>
        %dma_start3A_64 = arith.constant 0 : i32
        %dma_start3A_65 = tpu.memref_slice %arg6[%mul3A_61, %dma_start3A_64] : memref<160000x128xf32, #tpu.memory_space<hbm>> -> memref<128x128xf32, #tpu.memory_space<hbm>>
        tpu.enqueue_dma source(%arg12 : memref<128x128xf32, #tpu.memory_space<vmem>>) target(%dma_start3A_65 : memref<128x128xf32, #tpu.memory_space<hbm>>) target_semaphore(%arg18 : memref<!tpu.dma_semaphore, #tpu.memory_space<semaphore_mem>>)
        %dma_start3A_66 = arith.constant 0 : i32
        %dma_start3A_67 = tpu.memref_slice %arg7[%mul3A_61, %dma_start3A_66] : memref<160000x128xf32, #tpu.memory_space<hbm>> -> memref<128x128xf32, #tpu.memory_space<hbm>>
        %dma_start3A_68 = arith.constant 0 : i32
        %dma_start3A_69 = tpu.memref_slice %arg7[%mul3A_61, %dma_start3A_68] : memref<160000x128xf32, #tpu.memory_space<hbm>> -> memref<128x128xf32, #tpu.memory_space<hbm>>
        tpu.enqueue_dma source(%arg13 : memref<128x128xf32, #tpu.memory_space<vmem>>) target(%dma_start3A_69 : memref<128x128xf32, #tpu.memory_space<hbm>>) target_semaphore(%arg18 : memref<!tpu.dma_semaphore, #tpu.memory_space<semaphore_mem>>)
        %dma_wait3A_70 = arith.constant 0 : i32
        %dma_wait3A_71 = tpu.memref_slice %arg6[%mul3A_61, %dma_wait3A_70] : memref<160000x128xf32, #tpu.memory_space<hbm>> -> memref<128x128xf32, #tpu.memory_space<hbm>>
        %dma_wait3A_72 = arith.constant 0 : i32
        %dma_wait3A_73 = tpu.memref_slice %arg6[%mul3A_61, %dma_wait3A_72] : memref<160000x128xf32, #tpu.memory_space<hbm>> -> memref<128x128xf32, #tpu.memory_space<hbm>>
        tpu.wait_dma2 semaphore(%arg18 : memref<!tpu.dma_semaphore, #tpu.memory_space<semaphore_mem>>) src(%arg12 : memref<128x128xf32, #tpu.memory_space<vmem>>) dst(%dma_wait3A_73 : memref<128x128xf32, #tpu.memory_space<hbm>>)
        %dma_wait3A_74 = arith.constant 0 : i32
        %dma_wait3A_75 = tpu.memref_slice %arg7[%mul3A_61, %dma_wait3A_74] : memref<160000x128xf32, #tpu.memory_space<hbm>> -> memref<128x128xf32, #tpu.memory_space<hbm>>
        %dma_wait3A_76 = arith.constant 0 : i32
        %dma_wait3A_77 = tpu.memref_slice %arg7[%mul3A_61, %dma_wait3A_76] : memref<160000x128xf32, #tpu.memory_space<hbm>> -> memref<128x128xf32, #tpu.memory_space<hbm>>
        tpu.wait_dma2 semaphore(%arg18 : memref<!tpu.dma_semaphore, #tpu.memory_space<semaphore_mem>>) src(%arg13 : memref<128x128xf32, #tpu.memory_space<vmem>>) dst(%dma_wait3A_77 : memref<128x128xf32, #tpu.memory_space<hbm>>)
      } else {
      }
    }
    %while3A_35 = arith.constant 1 : i32
    scf.for %while3A_36 = %while3A_33 to %while3A_29 step %while3A_35  : i32 {
      %mul3A_37 = arith.constant 2 : i32
      %mul3A_38 = arith.muli %mul3A_37, %while3A_36 : i32
      %add3A_39 = arith.constant 1 : i32
      %add3A_40 = arith.addi %mul3A_38, %add3A_39 : i32
      %add3A_41 = arith.addi %add3A_6, %mul3A_38 : i32
      %mul3A_42 = arith.constant 128 : i32
      %mul3A_43 = arith.muli %add3A_41, %mul3A_42 : i32
      "tpu.region"() ({
        %run_scoped3A = tpu.sem_alloc : memref<!tpu.dma_semaphore, #tpu.memory_space<semaphore_mem>>
        %dma_start3A_54 = tpu.memref_slice %arg4[%mul3A_43] : memref<160000xi32, #tpu.memory_space<hbm>> -> memref<128xi32, #tpu.memory_space<hbm>>
        %dma_start3A_55 = tpu.memref_slice %arg4[%mul3A_43] : memref<160000xi32, #tpu.memory_space<hbm>> -> memref<128xi32, #tpu.memory_space<hbm>>
        tpu.enqueue_dma source(%dma_start3A_55 : memref<128xi32, #tpu.memory_space<hbm>>) target(%arg8 : memref<128xi32, #tpu.memory_space<vmem>>) target_semaphore(%run_scoped3A : memref<!tpu.dma_semaphore, #tpu.memory_space<semaphore_mem>>)
        %dma_wait3A = tpu.memref_slice %arg4[%mul3A_43] : memref<160000xi32, #tpu.memory_space<hbm>> -> memref<128xi32, #tpu.memory_space<hbm>>
        %dma_wait3A_56 = tpu.memref_slice %arg4[%mul3A_43] : memref<160000xi32, #tpu.memory_space<hbm>> -> memref<128xi32, #tpu.memory_space<hbm>>
        tpu.wait_dma2 semaphore(%run_scoped3A : memref<!tpu.dma_semaphore, #tpu.memory_space<semaphore_mem>>) src(%dma_wait3A_56 : memref<128xi32, #tpu.memory_space<hbm>>) dst(%arg8 : memref<128xi32, #tpu.memory_space<vmem>>)
        tpu.yield
      }) : () -> ()
      "tpu.region"() ({
        %run_scoped3A = tpu.sem_alloc : memref<!tpu.dma_semaphore, #tpu.memory_space<semaphore_mem>>
        %dma_start3A_54 = tpu.memref_slice %arg5[%mul3A_43] : memref<160000xi32, #tpu.memory_space<hbm>> -> memref<128xi32, #tpu.memory_space<hbm>>
        %dma_start3A_55 = tpu.memref_slice %arg5[%mul3A_43] : memref<160000xi32, #tpu.memory_space<hbm>> -> memref<128xi32, #tpu.memory_space<hbm>>
        tpu.enqueue_dma source(%dma_start3A_55 : memref<128xi32, #tpu.memory_space<hbm>>) target(%arg9 : memref<128xi32, #tpu.memory_space<vmem>>) target_semaphore(%run_scoped3A : memref<!tpu.dma_semaphore, #tpu.memory_space<semaphore_mem>>)
        %dma_wait3A = tpu.memref_slice %arg5[%mul3A_43] : memref<160000xi32, #tpu.memory_space<hbm>> -> memref<128xi32, #tpu.memory_space<hbm>>
        %dma_wait3A_56 = tpu.memref_slice %arg5[%mul3A_43] : memref<160000xi32, #tpu.memory_space<hbm>> -> memref<128xi32, #tpu.memory_space<hbm>>
        tpu.wait_dma2 semaphore(%run_scoped3A : memref<!tpu.dma_semaphore, #tpu.memory_space<semaphore_mem>>) src(%dma_wait3A_56 : memref<128xi32, #tpu.memory_space<hbm>>) dst(%arg9 : memref<128xi32, #tpu.memory_space<vmem>>)
        tpu.yield
      }) : () -> ()
      %dma_start3A = arith.constant 0 : i32
      %dma_start3A_44 = arith.constant 0 : i32
      %dma_start3A_45 = tpu.memref_slice %arg2[%dma_start3A, %dma_start3A_44] : memref<10000x128xf32, #tpu.memory_space<hbm>> -> memref<10000x128xf32, #tpu.memory_space<hbm>>
      tpu.enqueue_indirect_dma source(%dma_start3A_45 : memref<10000x128xf32, #tpu.memory_space<hbm>>) target(%arg12 : memref<128x128xf32, #tpu.memory_space<vmem>>) offsets(%arg8 : memref<128xi32, #tpu.memory_space<vmem>>) semaphore(%arg16 : memref<!tpu.dma_semaphore, #tpu.memory_space<semaphore_mem>>)
      %dma_start3A_46 = arith.constant 0 : i32
      %dma_start3A_47 = arith.constant 0 : i32
      %dma_start3A_48 = tpu.memref_slice %arg3[%dma_start3A_46, %dma_start3A_47] : memref<10000x128xf32, #tpu.memory_space<hbm>> -> memref<10000x128xf32, #tpu.memory_space<hbm>>
      tpu.enqueue_indirect_dma source(%dma_start3A_48 : memref<10000x128xf32, #tpu.memory_space<hbm>>) target(%arg13 : memref<128x128xf32, #tpu.memory_space<vmem>>) offsets(%arg9 : memref<128xi32, #tpu.memory_space<vmem>>) semaphore(%arg16 : memref<!tpu.dma_semaphore, #tpu.memory_space<semaphore_mem>>)
      %lt3A_49 = arith.cmpi slt, %add3A_40, %select_n3A : i32
      %convert_element_type3A = arith.extui %lt3A_49 : i1 to i32
      %cond3A = arith.constant 0 : i32
      %cond3A_50 = arith.cmpi ne, %convert_element_type3A, %cond3A : i32
      scf.if %cond3A_50 {
        %add3A_54 = arith.addi %add3A_6, %add3A_40 : i32
        %mul3A_55 = arith.constant 128 : i32
        %mul3A_56 = arith.muli %add3A_54, %mul3A_55 : i32
        "tpu.region"() ({
          %run_scoped3A = tpu.sem_alloc : memref<!tpu.dma_semaphore, #tpu.memory_space<semaphore_mem>>
          %dma_start3A_112 = tpu.memref_slice %arg4[%mul3A_56] : memref<160000xi32, #tpu.memory_space<hbm>> -> memref<128xi32, #tpu.memory_space<hbm>>
          %dma_start3A_113 = tpu.memref_slice %arg4[%mul3A_56] : memref<160000xi32, #tpu.memory_space<hbm>> -> memref<128xi32, #tpu.memory_space<hbm>>
          tpu.enqueue_dma source(%dma_start3A_113 : memref<128xi32, #tpu.memory_space<hbm>>) target(%arg10 : memref<128xi32, #tpu.memory_space<vmem>>) target_semaphore(%run_scoped3A : memref<!tpu.dma_semaphore, #tpu.memory_space<semaphore_mem>>)
          %dma_wait3A_114 = tpu.memref_slice %arg4[%mul3A_56] : memref<160000xi32, #tpu.memory_space<hbm>> -> memref<128xi32, #tpu.memory_space<hbm>>
          %dma_wait3A_115 = tpu.memref_slice %arg4[%mul3A_56] : memref<160000xi32, #tpu.memory_space<hbm>> -> memref<128xi32, #tpu.memory_space<hbm>>
          tpu.wait_dma2 semaphore(%run_scoped3A : memref<!tpu.dma_semaphore, #tpu.memory_space<semaphore_mem>>) src(%dma_wait3A_115 : memref<128xi32, #tpu.memory_space<hbm>>) dst(%arg10 : memref<128xi32, #tpu.memory_space<vmem>>)
          tpu.yield
        }) : () -> ()
        "tpu.region"() ({
          %run_scoped3A = tpu.sem_alloc : memref<!tpu.dma_semaphore, #tpu.memory_space<semaphore_mem>>
          %dma_start3A_112 = tpu.memref_slice %arg5[%mul3A_56] : memref<160000xi32, #tpu.memory_space<hbm>> -> memref<128xi32, #tpu.memory_space<hbm>>
          %dma_start3A_113 = tpu.memref_slice %arg5[%mul3A_56] : memref<160000xi32, #tpu.memory_space<hbm>> -> memref<128xi32, #tpu.memory_space<hbm>>
          tpu.enqueue_dma source(%dma_start3A_113 : memref<128xi32, #tpu.memory_space<hbm>>) target(%arg11 : memref<128xi32, #tpu.memory_space<vmem>>) target_semaphore(%run_scoped3A : memref<!tpu.dma_semaphore, #tpu.memory_space<semaphore_mem>>)
          %dma_wait3A_114 = tpu.memref_slice %arg5[%mul3A_56] : memref<160000xi32, #tpu.memory_space<hbm>> -> memref<128xi32, #tpu.memory_space<hbm>>
          %dma_wait3A_115 = tpu.memref_slice %arg5[%mul3A_56] : memref<160000xi32, #tpu.memory_space<hbm>> -> memref<128xi32, #tpu.memory_space<hbm>>
          tpu.wait_dma2 semaphore(%run_scoped3A : memref<!tpu.dma_semaphore, #tpu.memory_space<semaphore_mem>>) src(%dma_wait3A_115 : memref<128xi32, #tpu.memory_space<hbm>>) dst(%arg11 : memref<128xi32, #tpu.memory_space<vmem>>)
          tpu.yield
        }) : () -> ()
        %dma_start3A_57 = arith.constant 0 : i32
        %dma_start3A_58 = arith.constant 0 : i32
        %dma_start3A_59 = tpu.memref_slice %arg2[%dma_start3A_57, %dma_start3A_58] : memref<10000x128xf32, #tpu.memory_space<hbm>> -> memref<10000x128xf32, #tpu.memory_space<hbm>>
        tpu.enqueue_indirect_dma source(%dma_start3A_59 : memref<10000x128xf32, #tpu.memory_space<hbm>>) target(%arg14 : memref<128x128xf32, #tpu.memory_space<vmem>>) offsets(%arg10 : memref<128xi32, #tpu.memory_space<vmem>>) semaphore(%arg17 : memref<!tpu.dma_semaphore, #tpu.memory_space<semaphore_mem>>)
        %dma_start3A_60 = arith.constant 0 : i32
        %dma_start3A_61 = arith.constant 0 : i32
        %dma_start3A_62 = tpu.memref_slice %arg3[%dma_start3A_60, %dma_start3A_61] : memref<10000x128xf32, #tpu.memory_space<hbm>> -> memref<10000x128xf32, #tpu.memory_space<hbm>>
        tpu.enqueue_indirect_dma source(%dma_start3A_62 : memref<10000x128xf32, #tpu.memory_space<hbm>>) target(%arg15 : memref<128x128xf32, #tpu.memory_space<vmem>>) offsets(%arg11 : memref<128xi32, #tpu.memory_space<vmem>>) semaphore(%arg17 : memref<!tpu.dma_semaphore, #tpu.memory_space<semaphore_mem>>)
        %dma_wait3A = arith.constant 0 : i32
        %dma_wait3A_63 = arith.constant 0 : i32
        %dma_wait3A_64 = tpu.memref_slice %arg2[%dma_wait3A, %dma_wait3A_63] : memref<10000x128xf32, #tpu.memory_space<hbm>> -> memref<10000x128xf32, #tpu.memory_space<hbm>>
        tpu.wait_indirect_dma semaphore(%arg16 : memref<!tpu.dma_semaphore, #tpu.memory_space<semaphore_mem>>) src(%dma_wait3A_64 : memref<10000x128xf32, #tpu.memory_space<hbm>>) dst(%arg12 : memref<128x128xf32, #tpu.memory_space<vmem>>)
        %dma_wait3A_65 = arith.constant 0 : i32
        %dma_wait3A_66 = arith.constant 0 : i32
        %dma_wait3A_67 = tpu.memref_slice %arg3[%dma_wait3A_65, %dma_wait3A_66] : memref<10000x128xf32, #tpu.memory_space<hbm>> -> memref<10000x128xf32, #tpu.memory_space<hbm>>
        tpu.wait_indirect_dma semaphore(%arg16 : memref<!tpu.dma_semaphore, #tpu.memory_space<semaphore_mem>>) src(%dma_wait3A_67 : memref<10000x128xf32, #tpu.memory_space<hbm>>) dst(%arg13 : memref<128x128xf32, #tpu.memory_space<vmem>>)
        %add3A_68 = arith.addi %mul3A_38, %add3A_6 : i32
        %mul3A_69 = arith.constant 128 : i32
        %mul3A_70 = arith.muli %add3A_68, %mul3A_69 : i32
        %dma_start3A_71 = arith.constant 0 : i32
        %dma_start3A_72 = tpu.memref_slice %arg6[%mul3A_70, %dma_start3A_71] : memref<160000x128xf32, #tpu.memory_space<hbm>> -> memref<128x128xf32, #tpu.memory_space<hbm>>
        %dma_start3A_73 = arith.constant 0 : i32
        %dma_start3A_74 = tpu.memref_slice %arg6[%mul3A_70, %dma_start3A_73] : memref<160000x128xf32, #tpu.memory_space<hbm>> -> memref<128x128xf32, #tpu.memory_space<hbm>>
        tpu.enqueue_dma source(%arg12 : memref<128x128xf32, #tpu.memory_space<vmem>>) target(%dma_start3A_74 : memref<128x128xf32, #tpu.memory_space<hbm>>) target_semaphore(%arg18 : memref<!tpu.dma_semaphore, #tpu.memory_space<semaphore_mem>>)
        %dma_start3A_75 = arith.constant 0 : i32
        %dma_start3A_76 = tpu.memref_slice %arg7[%mul3A_70, %dma_start3A_75] : memref<160000x128xf32, #tpu.memory_space<hbm>> -> memref<128x128xf32, #tpu.memory_space<hbm>>
        %dma_start3A_77 = arith.constant 0 : i32
        %dma_start3A_78 = tpu.memref_slice %arg7[%mul3A_70, %dma_start3A_77] : memref<160000x128xf32, #tpu.memory_space<hbm>> -> memref<128x128xf32, #tpu.memory_space<hbm>>
        tpu.enqueue_dma source(%arg13 : memref<128x128xf32, #tpu.memory_space<vmem>>) target(%dma_start3A_78 : memref<128x128xf32, #tpu.memory_space<hbm>>) target_semaphore(%arg18 : memref<!tpu.dma_semaphore, #tpu.memory_space<semaphore_mem>>)
        %dma_wait3A_79 = arith.constant 0 : i32
        %dma_wait3A_80 = arith.constant 0 : i32
        %dma_wait3A_81 = tpu.memref_slice %arg2[%dma_wait3A_79, %dma_wait3A_80] : memref<10000x128xf32, #tpu.memory_space<hbm>> -> memref<10000x128xf32, #tpu.memory_space<hbm>>
        tpu.wait_indirect_dma semaphore(%arg17 : memref<!tpu.dma_semaphore, #tpu.memory_space<semaphore_mem>>) src(%dma_wait3A_81 : memref<10000x128xf32, #tpu.memory_space<hbm>>) dst(%arg14 : memref<128x128xf32, #tpu.memory_space<vmem>>)
        %dma_wait3A_82 = arith.constant 0 : i32
        %dma_wait3A_83 = arith.constant 0 : i32
        %dma_wait3A_84 = tpu.memref_slice %arg3[%dma_wait3A_82, %dma_wait3A_83] : memref<10000x128xf32, #tpu.memory_space<hbm>> -> memref<10000x128xf32, #tpu.memory_space<hbm>>
        tpu.wait_indirect_dma semaphore(%arg17 : memref<!tpu.dma_semaphore, #tpu.memory_space<semaphore_mem>>) src(%dma_wait3A_84 : memref<10000x128xf32, #tpu.memory_space<hbm>>) dst(%arg15 : memref<128x128xf32, #tpu.memory_space<vmem>>)
        %add3A_85 = arith.addi %add3A_40, %add3A_6 : i32
        %mul3A_86 = arith.constant 128 : i32
        %mul3A_87 = arith.muli %add3A_85, %mul3A_86 : i32
        %dma_start3A_88 = arith.constant 0 : i32
        %dma_start3A_89 = tpu.memref_slice %arg6[%mul3A_87, %dma_start3A_88] : memref<160000x128xf32, #tpu.memory_space<hbm>> -> memref<128x128xf32, #tpu.memory_space<hbm>>
        %dma_start3A_90 = arith.constant 0 : i32
        %dma_start3A_91 = tpu.memref_slice %arg6[%mul3A_87, %dma_start3A_90] : memref<160000x128xf32, #tpu.memory_space<hbm>> -> memref<128x128xf32, #tpu.memory_space<hbm>>
        tpu.enqueue_dma source(%arg14 : memref<128x128xf32, #tpu.memory_space<vmem>>) target(%dma_start3A_91 : memref<128x128xf32, #tpu.memory_space<hbm>>) target_semaphore(%arg19 : memref<!tpu.dma_semaphore, #tpu.memory_space<semaphore_mem>>)
        %dma_start3A_92 = arith.constant 0 : i32
        %dma_start3A_93 = tpu.memref_slice %arg7[%mul3A_87, %dma_start3A_92] : memref<160000x128xf32, #tpu.memory_space<hbm>> -> memref<128x128xf32, #tpu.memory_space<hbm>>
        %dma_start3A_94 = arith.constant 0 : i32
        %dma_start3A_95 = tpu.memref_slice %arg7[%mul3A_87, %dma_start3A_94] : memref<160000x128xf32, #tpu.memory_space<hbm>> -> memref<128x128xf32, #tpu.memory_space<hbm>>
        tpu.enqueue_dma source(%arg15 : memref<128x128xf32, #tpu.memory_space<vmem>>) target(%dma_start3A_95 : memref<128x128xf32, #tpu.memory_space<hbm>>) target_semaphore(%arg19 : memref<!tpu.dma_semaphore, #tpu.memory_space<semaphore_mem>>)
        %dma_wait3A_96 = arith.constant 0 : i32
        %dma_wait3A_97 = tpu.memref_slice %arg6[%mul3A_70, %dma_wait3A_96] : memref<160000x128xf32, #tpu.memory_space<hbm>> -> memref<128x128xf32, #tpu.memory_space<hbm>>
        %dma_wait3A_98 = arith.constant 0 : i32
        %dma_wait3A_99 = tpu.memref_slice %arg6[%mul3A_70, %dma_wait3A_98] : memref<160000x128xf32, #tpu.memory_space<hbm>> -> memref<128x128xf32, #tpu.memory_space<hbm>>
        tpu.wait_dma2 semaphore(%arg18 : memref<!tpu.dma_semaphore, #tpu.memory_space<semaphore_mem>>) src(%arg12 : memref<128x128xf32, #tpu.memory_space<vmem>>) dst(%dma_wait3A_99 : memref<128x128xf32, #tpu.memory_space<hbm>>)
        %dma_wait3A_100 = arith.constant 0 : i32
        %dma_wait3A_101 = tpu.memref_slice %arg7[%mul3A_70, %dma_wait3A_100] : memref<160000x128xf32, #tpu.memory_space<hbm>> -> memref<128x128xf32, #tpu.memory_space<hbm>>
        %dma_wait3A_102 = arith.constant 0 : i32
        %dma_wait3A_103 = tpu.memref_slice %arg7[%mul3A_70, %dma_wait3A_102] : memref<160000x128xf32, #tpu.memory_space<hbm>> -> memref<128x128xf32, #tpu.memory_space<hbm>>
        tpu.wait_dma2 semaphore(%arg18 : memref<!tpu.dma_semaphore, #tpu.memory_space<semaphore_mem>>) src(%arg13 : memref<128x128xf32, #tpu.memory_space<vmem>>) dst(%dma_wait3A_103 : memref<128x128xf32, #tpu.memory_space<hbm>>)
        %dma_wait3A_104 = arith.constant 0 : i32
        %dma_wait3A_105 = tpu.memref_slice %arg6[%mul3A_87, %dma_wait3A_104] : memref<160000x128xf32, #tpu.memory_space<hbm>> -> memref<128x128xf32, #tpu.memory_space<hbm>>
        %dma_wait3A_106 = arith.constant 0 : i32
        %dma_wait3A_107 = tpu.memref_slice %arg6[%mul3A_87, %dma_wait3A_106] : memref<160000x128xf32, #tpu.memory_space<hbm>> -> memref<128x128xf32, #tpu.memory_space<hbm>>
        tpu.wait_dma2 semaphore(%arg19 : memref<!tpu.dma_semaphore, #tpu.memory_space<semaphore_mem>>) src(%arg14 : memref<128x128xf32, #tpu.memory_space<vmem>>) dst(%dma_wait3A_107 : memref<128x128xf32, #tpu.memory_space<hbm>>)
        %dma_wait3A_108 = arith.constant 0 : i32
        %dma_wait3A_109 = tpu.memref_slice %arg7[%mul3A_87, %dma_wait3A_108] : memref<160000x128xf32, #tpu.memory_space<hbm>> -> memref<128x128xf32, #tpu.memory_space<hbm>>
        %dma_wait3A_110 = arith.constant 0 : i32
        %dma_wait3A_111 = tpu.memref_slice %arg7[%mul3A_87, %dma_wait3A_110] : memref<160000x128xf32, #tpu.memory_space<hbm>> -> memref<128x128xf32, #tpu.memory_space<hbm>>
        tpu.wait_dma2 semaphore(%arg19 : memref<!tpu.dma_semaphore, #tpu.memory_space<semaphore_mem>>) src(%arg15 : memref<128x128xf32, #tpu.memory_space<vmem>>) dst(%dma_wait3A_111 : memref<128x128xf32, #tpu.memory_space<hbm>>)
      } else {
      }
      %ge3A = arith.cmpi sge, %add3A_40, %select_n3A : i32
      %convert_element_type3A_51 = arith.extui %ge3A : i1 to i32
      %cond3A_52 = arith.constant 0 : i32
      %cond3A_53 = arith.cmpi ne, %convert_element_type3A_51, %cond3A_52 : i32
      scf.if %cond3A_53 {
        %dma_wait3A = arith.constant 0 : i32
        %dma_wait3A_54 = arith.constant 0 : i32
        %dma_wait3A_55 = tpu.memref_slice %arg2[%dma_wait3A, %dma_wait3A_54] : memref<10000x128xf32, #tpu.memory_space<hbm>> -> memref<10000x128xf32, #tpu.memory_space<hbm>>
        tpu.wait_indirect_dma semaphore(%arg16 : memref<!tpu.dma_semaphore, #tpu.memory_space<semaphore_mem>>) src(%dma_wait3A_55 : memref<10000x128xf32, #tpu.memory_space<hbm>>) dst(%arg12 : memref<128x128xf32, #tpu.memory_space<vmem>>)
        %dma_wait3A_56 = arith.constant 0 : i32
        %dma_wait3A_57 = arith.constant 0 : i32
        %dma_wait3A_58 = tpu.memref_slice %arg3[%dma_wait3A_56, %dma_wait3A_57] : memref<10000x128xf32, #tpu.memory_space<hbm>> -> memref<10000x128xf32, #tpu.memory_space<hbm>>
        tpu.wait_indirect_dma semaphore(%arg16 : memref<!tpu.dma_semaphore, #tpu.memory_space<semaphore_mem>>) src(%dma_wait3A_58 : memref<10000x128xf32, #tpu.memory_space<hbm>>) dst(%arg13 : memref<128x128xf32, #tpu.memory_space<vmem>>)
        %add3A_59 = arith.addi %mul3A_38, %add3A_6 : i32
        %mul3A_60 = arith.constant 128 : i32
        %mul3A_61 = arith.muli %add3A_59, %mul3A_60 : i32
        %dma_start3A_62 = arith.constant 0 : i32
        %dma_start3A_63 = tpu.memref_slice %arg6[%mul3A_61, %dma_start3A_62] : memref<160000x128xf32, #tpu.memory_space<hbm>> -> memref<128x128xf32, #tpu.memory_space<hbm>>
        %dma_start3A_64 = arith.constant 0 : i32
        %dma_start3A_65 = tpu.memref_slice %arg6[%mul3A_61, %dma_start3A_64] : memref<160000x128xf32, #tpu.memory_space<hbm>> -> memref<128x128xf32, #tpu.memory_space<hbm>>
        tpu.enqueue_dma source(%arg12 : memref<128x128xf32, #tpu.memory_space<vmem>>) target(%dma_start3A_65 : memref<128x128xf32, #tpu.memory_space<hbm>>) target_semaphore(%arg18 : memref<!tpu.dma_semaphore, #tpu.memory_space<semaphore_mem>>)
        %dma_start3A_66 = arith.constant 0 : i32
        %dma_start3A_67 = tpu.memref_slice %arg7[%mul3A_61, %dma_start3A_66] : memref<160000x128xf32, #tpu.memory_space<hbm>> -> memref<128x128xf32, #tpu.memory_space<hbm>>
        %dma_start3A_68 = arith.constant 0 : i32
        %dma_start3A_69 = tpu.memref_slice %arg7[%mul3A_61, %dma_start3A_68] : memref<160000x128xf32, #tpu.memory_space<hbm>> -> memref<128x128xf32, #tpu.memory_space<hbm>>
        tpu.enqueue_dma source(%arg13 : memref<128x128xf32, #tpu.memory_space<vmem>>) target(%dma_start3A_69 : memref<128x128xf32, #tpu.memory_space<hbm>>) target_semaphore(%arg18 : memref<!tpu.dma_semaphore, #tpu.memory_space<semaphore_mem>>)
        %dma_wait3A_70 = arith.constant 0 : i32
        %dma_wait3A_71 = tpu.memref_slice %arg6[%mul3A_61, %dma_wait3A_70] : memref<160000x128xf32, #tpu.memory_space<hbm>> -> memref<128x128xf32, #tpu.memory_space<hbm>>
        %dma_wait3A_72 = arith.constant 0 : i32
        %dma_wait3A_73 = tpu.memref_slice %arg6[%mul3A_61, %dma_wait3A_72] : memref<160000x128xf32, #tpu.memory_space<hbm>> -> memref<128x128xf32, #tpu.memory_space<hbm>>
        tpu.wait_dma2 semaphore(%arg18 : memref<!tpu.dma_semaphore, #tpu.memory_space<semaphore_mem>>) src(%arg12 : memref<128x128xf32, #tpu.memory_space<vmem>>) dst(%dma_wait3A_73 : memref<128x128xf32, #tpu.memory_space<hbm>>)
        %dma_wait3A_74 = arith.constant 0 : i32
        %dma_wait3A_75 = tpu.memref_slice %arg7[%mul3A_61, %dma_wait3A_74] : memref<160000x128xf32, #tpu.memory_space<hbm>> -> memref<128x128xf32, #tpu.memory_space<hbm>>
        %dma_wait3A_76 = arith.constant 0 : i32
        %dma_wait3A_77 = tpu.memref_slice %arg7[%mul3A_61, %dma_wait3A_76] : memref<160000x128xf32, #tpu.memory_space<hbm>> -> memref<128x128xf32, #tpu.memory_space<hbm>>
        tpu.wait_dma2 semaphore(%arg18 : memref<!tpu.dma_semaphore, #tpu.memory_space<semaphore_mem>>) src(%arg13 : memref<128x128xf32, #tpu.memory_space<vmem>>) dst(%dma_wait3A_77 : memref<128x128xf32, #tpu.memory_space<hbm>>)
      } else {
      }
    }
    return
  }
}

#map = affine_map<(d0, d1) -> (0, 0)>
#map1 = affine_map<(d0, d1) -> (0)>
module attributes {stable_mosaic.version = 14 : i64} {
  func.func @_sc_scatter1(%arg0: i32, %arg1: i32, %arg2: memref<160000x128xf32, #tpu.memory_space<hbm>>, %arg3: memref<160000xi32, #tpu.memory_space<hbm>>, %arg4: memref<10000x128xf32, #tpu.memory_space<hbm>>, %arg5: memref<10000x128xf32, #tpu.memory_space<hbm>>, %arg6: memref<10000x128xf32, #tpu.memory_space<hbm>>, %arg7: memref<128xi32, #tpu.memory_space<vmem>>, %arg8: memref<128xi32, #tpu.memory_space<vmem>>, %arg9: memref<128x128xf32, #tpu.memory_space<vmem>>, %arg10: memref<128x128xf32, #tpu.memory_space<vmem>>, %arg11: memref<10000x128xf32, #tpu.memory_space<vmem_shared>>, %arg12: memref<!tpu.dma_semaphore, #tpu.memory_space<semaphore_mem>>, %arg13: memref<!tpu.dma_semaphore, #tpu.memory_space<semaphore_mem>>, %arg14: memref<!tpu.dma_semaphore, #tpu.memory_space<semaphore_mem>>) attributes {dimension_semantics = [#tpu.dimension_semantics<core_parallel>, #tpu.dimension_semantics<subcore_parallel>], iteration_bounds = array<i64: 2, 16>, scalar_prefetch = 0 : i64, scratch_operands = 8 : i64, tpu.core_type = #tpu.core_type<sc_vector_subcore>, window_params = [{transform_indices = #map}, {transform_indices = #map1}, {transform_indices = #map}, {transform_indices = #map}, {transform_indices = #map}]} {
    %mul3A = arith.constant 624 : i32
    %mul3A_0 = arith.muli %arg1, %mul3A : i32
    "tpu.region"() ({
      %run_scoped3A = tpu.sem_alloc : memref<!tpu.dma_semaphore, #tpu.memory_space<semaphore_mem>>
      %dma_start3A_60 = arith.constant 0 : i32
      %dma_start3A_61 = tpu.memref_slice %arg11[%mul3A_0, %dma_start3A_60] : memref<10000x128xf32, #tpu.memory_space<vmem_shared>> -> memref<624x128xf32, #tpu.memory_space<vmem_shared>>
      %dma_start3A_62 = arith.constant 0 : i32
      %dma_start3A_63 = tpu.memref_slice %arg4[%mul3A_0, %dma_start3A_62] : memref<10000x128xf32, #tpu.memory_space<hbm>> -> memref<624x128xf32, #tpu.memory_space<hbm>>
      tpu.enqueue_dma source(%dma_start3A_63 : memref<624x128xf32, #tpu.memory_space<hbm>>) target(%dma_start3A_61 : memref<624x128xf32, #tpu.memory_space<vmem_shared>>) target_semaphore(%run_scoped3A : memref<!tpu.dma_semaphore, #tpu.memory_space<semaphore_mem>>)
      %dma_wait3A = arith.constant 0 : i32
      %dma_wait3A_64 = tpu.memref_slice %arg11[%mul3A_0, %dma_wait3A] : memref<10000x128xf32, #tpu.memory_space<vmem_shared>> -> memref<624x128xf32, #tpu.memory_space<vmem_shared>>
      %dma_wait3A_65 = arith.constant 0 : i32
      %dma_wait3A_66 = tpu.memref_slice %arg4[%mul3A_0, %dma_wait3A_65] : memref<10000x128xf32, #tpu.memory_space<hbm>> -> memref<624x128xf32, #tpu.memory_space<hbm>>
      tpu.wait_dma2 semaphore(%run_scoped3A : memref<!tpu.dma_semaphore, #tpu.memory_space<semaphore_mem>>) src(%dma_wait3A_66 : memref<624x128xf32, #tpu.memory_space<hbm>>) dst(%dma_wait3A_64 : memref<624x128xf32, #tpu.memory_space<vmem_shared>>)
      tpu.yield
    }) : () -> ()
    %eq3A = arith.constant 15 : i32
    %eq3A_1 = arith.cmpi eq, %arg1, %eq3A : i32
    %convert_element_type3A = arith.extui %eq3A_1 : i1 to i32
    %cond3A = arith.constant 0 : i32
    %cond3A_2 = arith.cmpi ne, %convert_element_type3A, %cond3A : i32
    scf.if %cond3A_2 {
      "tpu.region"() ({
        %run_scoped3A = tpu.sem_alloc : memref<!tpu.dma_semaphore, #tpu.memory_space<semaphore_mem>>
        %dma_start3A_60 = arith.constant 9984 : i32
        %dma_start3A_61 = arith.constant 0 : i32
        %dma_start3A_62 = tpu.memref_slice %arg11[%dma_start3A_60, %dma_start3A_61] : memref<10000x128xf32, #tpu.memory_space<vmem_shared>> -> memref<16x128xf32, #tpu.memory_space<vmem_shared>>
        %dma_start3A_63 = arith.constant 9984 : i32
        %dma_start3A_64 = arith.constant 0 : i32
        %dma_start3A_65 = tpu.memref_slice %arg4[%dma_start3A_63, %dma_start3A_64] : memref<10000x128xf32, #tpu.memory_space<hbm>> -> memref<16x128xf32, #tpu.memory_space<hbm>>
        tpu.enqueue_dma source(%dma_start3A_65 : memref<16x128xf32, #tpu.memory_space<hbm>>) target(%dma_start3A_62 : memref<16x128xf32, #tpu.memory_space<vmem_shared>>) target_semaphore(%run_scoped3A : memref<!tpu.dma_semaphore, #tpu.memory_space<semaphore_mem>>)
        %dma_wait3A = arith.constant 9984 : i32
        %dma_wait3A_66 = arith.constant 0 : i32
        %dma_wait3A_67 = tpu.memref_slice %arg11[%dma_wait3A, %dma_wait3A_66] : memref<10000x128xf32, #tpu.memory_space<vmem_shared>> -> memref<16x128xf32, #tpu.memory_space<vmem_shared>>
        %dma_wait3A_68 = arith.constant 9984 : i32
        %dma_wait3A_69 = arith.constant 0 : i32
        %dma_wait3A_70 = tpu.memref_slice %arg4[%dma_wait3A_68, %dma_wait3A_69] : memref<10000x128xf32, #tpu.memory_space<hbm>> -> memref<16x128xf32, #tpu.memory_space<hbm>>
        tpu.wait_dma2 semaphore(%run_scoped3A : memref<!tpu.dma_semaphore, #tpu.memory_space<semaphore_mem>>) src(%dma_wait3A_70 : memref<16x128xf32, #tpu.memory_space<hbm>>) dst(%dma_wait3A_67 : memref<16x128xf32, #tpu.memory_space<vmem_shared>>)
        tpu.yield
      }) : () -> ()
    } else {
    }
    %lt3A = arith.constant 1 : i32
    %lt3A_3 = arith.cmpi slt, %arg1, %lt3A : i32
    %jit3A = arith.constant 40 : i32
    %jit3A_4 = arith.constant 39 : i32
    %select_n3A = arith.select %lt3A_3, %jit3A, %jit3A_4 : i32
    %mul3A_5 = arith.constant 625 : i32
    %mul3A_6 = arith.muli %arg0, %mul3A_5 : i32
    %mul3A_7 = arith.constant 39 : i32
    %mul3A_8 = arith.muli %mul3A_7, %arg1 : i32
    %add3A = arith.addi %mul3A_6, %mul3A_8 : i32
    %min3A = arith.constant 1 : i32
    %min3A_9 = arith.minsi %arg1, %min3A : i32
    %add3A_10 = arith.addi %add3A, %min3A_9 : i32
    %barrier3A = arith.constant 0 : index
    tpu.barrier barrier_id(%barrier3A)
    %add3A_11 = arith.constant 0 : i32
    %add3A_12 = arith.addi %add3A_10, %add3A_11 : i32
    %mul3A_13 = arith.constant 128 : i32
    %mul3A_14 = arith.muli %add3A_12, %mul3A_13 : i32
    %dma_start3A = arith.constant 0 : i32
    %dma_start3A_15 = tpu.memref_slice %arg2[%mul3A_14, %dma_start3A] : memref<160000x128xf32, #tpu.memory_space<hbm>> -> memref<128x128xf32, #tpu.memory_space<hbm>>
    %dma_start3A_16 = arith.constant 0 : i32
    %dma_start3A_17 = tpu.memref_slice %arg2[%mul3A_14, %dma_start3A_16] : memref<160000x128xf32, #tpu.memory_space<hbm>> -> memref<128x128xf32, #tpu.memory_space<hbm>>
    tpu.enqueue_dma source(%dma_start3A_17 : memref<128x128xf32, #tpu.memory_space<hbm>>) target(%arg9 : memref<128x128xf32, #tpu.memory_space<vmem>>) target_semaphore(%arg12 : memref<!tpu.dma_semaphore, #tpu.memory_space<semaphore_mem>>)
    %dma_start3A_18 = tpu.memref_slice %arg3[%mul3A_14] : memref<160000xi32, #tpu.memory_space<hbm>> -> memref<128xi32, #tpu.memory_space<hbm>>
    %dma_start3A_19 = tpu.memref_slice %arg3[%mul3A_14] : memref<160000xi32, #tpu.memory_space<hbm>> -> memref<128xi32, #tpu.memory_space<hbm>>
    tpu.enqueue_dma source(%dma_start3A_19 : memref<128xi32, #tpu.memory_space<hbm>>) target(%arg7 : memref<128xi32, #tpu.memory_space<vmem>>) target_semaphore(%arg12 : memref<!tpu.dma_semaphore, #tpu.memory_space<semaphore_mem>>)
    %add3A_20 = arith.constant 1 : i32
    %add3A_21 = arith.addi %select_n3A, %add3A_20 : i32
    %jit3A_22 = arith.constant 2 : i32
    %div3A = arith.divsi %add3A_21, %jit3A_22 : i32
    %sign3A = arith.constant 0 : i32
    %sign3A_23 = arith.cmpi sgt, %add3A_21, %sign3A : i32
    %sign3A_24 = arith.extui %sign3A_23 : i1 to i32
    %sign3A_25 = arith.constant 0 : i32
    %sign3A_26 = arith.cmpi slt, %add3A_21, %sign3A_25 : i32
    %sign3A_27 = arith.extui %sign3A_26 : i1 to i32
    %sign3A_28 = arith.subi %sign3A_24, %sign3A_27 : i32
    %sign3A_29 = arith.constant 0 : i32
    %sign3A_30 = arith.cmpi sgt, %jit3A_22, %sign3A_29 : i32
    %sign3A_31 = arith.extui %sign3A_30 : i1 to i32
    %sign3A_32 = arith.constant 0 : i32
    %sign3A_33 = arith.cmpi slt, %jit3A_22, %sign3A_32 : i32
    %sign3A_34 = arith.extui %sign3A_33 : i1 to i32
    %sign3A_35 = arith.subi %sign3A_31, %sign3A_34 : i32
    %ne3A = arith.cmpi ne, %sign3A_28, %sign3A_35 : i32
    %rem3A = arith.remsi %add3A_21, %jit3A_22 : i32
    %ne3A_36 = arith.constant 0 : i32
    %ne3A_37 = arith.cmpi ne, %rem3A, %ne3A_36 : i32
    %and3A = arith.andi %ne3A, %ne3A_37 : i1
    %sub3A = arith.constant 1 : i32
    %sub3A_38 = arith.subi %div3A, %sub3A : i32
    %select_n3A_39 = arith.select %and3A, %sub3A_38, %div3A : i32
    %while3A = arith.constant 0 : i32
    %while3A_40 = arith.constant 0 : i32
    %while3A_41 = arith.subi %select_n3A_39, %while3A_40 : i32
    %while3A_42 = arith.addi %while3A_40, %while3A_41 : i32
    %while3A_43 = arith.constant 1 : i32
    %while3A_44 = arith.divsi %while3A_41, %while3A_43 : i32
    %while3A_45 = arith.muli %while3A_44, %while3A_43 : i32
    %while3A_46 = arith.addi %while3A_40, %while3A_45 : i32
    %while3A_47 = arith.constant 1 : i32
    scf.for %while3A_60 = %while3A_40 to %while3A_46 step %while3A_47  : i32 {
      %mul3A_61 = arith.constant 2 : i32
      %mul3A_62 = arith.muli %mul3A_61, %while3A_60 : i32
      %add3A_63 = arith.constant 1 : i32
      %add3A_64 = arith.addi %mul3A_62, %add3A_63 : i32
      %dma_wait3A = arith.constant 0 : i32
      %dma_wait3A_65 = arith.constant 0 : i32
      %dma_wait3A_66 = tpu.memref_slice %arg2[%dma_wait3A, %dma_wait3A_65] : memref<160000x128xf32, #tpu.memory_space<hbm>> -> memref<128x128xf32, #tpu.memory_space<hbm>>
      %dma_wait3A_67 = arith.constant 0 : i32
      %dma_wait3A_68 = arith.constant 0 : i32
      %dma_wait3A_69 = tpu.memref_slice %arg2[%dma_wait3A_67, %dma_wait3A_68] : memref<160000x128xf32, #tpu.memory_space<hbm>> -> memref<128x128xf32, #tpu.memory_space<hbm>>
      tpu.wait_dma2 semaphore(%arg12 : memref<!tpu.dma_semaphore, #tpu.memory_space<semaphore_mem>>) src(%dma_wait3A_69 : memref<128x128xf32, #tpu.memory_space<hbm>>) dst(%arg9 : memref<128x128xf32, #tpu.memory_space<vmem>>)
      %dma_wait3A_70 = arith.constant 0 : i32
      %dma_wait3A_71 = tpu.memref_slice %arg3[%dma_wait3A_70] : memref<160000xi32, #tpu.memory_space<hbm>> -> memref<128xi32, #tpu.memory_space<hbm>>
      %dma_wait3A_72 = arith.constant 0 : i32
      %dma_wait3A_73 = tpu.memref_slice %arg3[%dma_wait3A_72] : memref<160000xi32, #tpu.memory_space<hbm>> -> memref<128xi32, #tpu.memory_space<hbm>>
      tpu.wait_dma2 semaphore(%arg12 : memref<!tpu.dma_semaphore, #tpu.memory_space<semaphore_mem>>) src(%dma_wait3A_73 : memref<128xi32, #tpu.memory_space<hbm>>) dst(%arg7 : memref<128xi32, #tpu.memory_space<vmem>>)
      %lt3A_74 = arith.cmpi slt, %add3A_64, %select_n3A : i32
      %convert_element_type3A_75 = arith.extui %lt3A_74 : i1 to i32
      %cond3A_76 = arith.constant 0 : i32
      %cond3A_77 = arith.cmpi ne, %convert_element_type3A_75, %cond3A_76 : i32
      scf.if %cond3A_77 {
        %add3A_88 = arith.addi %add3A_10, %add3A_64 : i32
        %mul3A_89 = arith.constant 128 : i32
        %mul3A_90 = arith.muli %add3A_88, %mul3A_89 : i32
        %dma_start3A_91 = arith.constant 0 : i32
        %dma_start3A_92 = tpu.memref_slice %arg2[%mul3A_90, %dma_start3A_91] : memref<160000x128xf32, #tpu.memory_space<hbm>> -> memref<128x128xf32, #tpu.memory_space<hbm>>
        %dma_start3A_93 = arith.constant 0 : i32
        %dma_start3A_94 = tpu.memref_slice %arg2[%mul3A_90, %dma_start3A_93] : memref<160000x128xf32, #tpu.memory_space<hbm>> -> memref<128x128xf32, #tpu.memory_space<hbm>>
        tpu.enqueue_dma source(%dma_start3A_94 : memref<128x128xf32, #tpu.memory_space<hbm>>) target(%arg10 : memref<128x128xf32, #tpu.memory_space<vmem>>) target_semaphore(%arg13 : memref<!tpu.dma_semaphore, #tpu.memory_space<semaphore_mem>>)
        %dma_start3A_95 = tpu.memref_slice %arg3[%mul3A_90] : memref<160000xi32, #tpu.memory_space<hbm>> -> memref<128xi32, #tpu.memory_space<hbm>>
        %dma_start3A_96 = tpu.memref_slice %arg3[%mul3A_90] : memref<160000xi32, #tpu.memory_space<hbm>> -> memref<128xi32, #tpu.memory_space<hbm>>
        tpu.enqueue_dma source(%dma_start3A_96 : memref<128xi32, #tpu.memory_space<hbm>>) target(%arg8 : memref<128xi32, #tpu.memory_space<vmem>>) target_semaphore(%arg13 : memref<!tpu.dma_semaphore, #tpu.memory_space<semaphore_mem>>)
      } else {
      }
      %dma_start3A_78 = arith.constant 0 : i32
      %dma_start3A_79 = arith.constant 0 : i32
      %dma_start3A_80 = tpu.memref_slice %arg11[%dma_start3A_78, %dma_start3A_79] : memref<10000x128xf32, #tpu.memory_space<vmem_shared>> -> memref<10000x128xf32, #tpu.memory_space<vmem_shared>>
      tpu.enqueue_indirect_dma source(%arg9 : memref<128x128xf32, #tpu.memory_space<vmem>>) target(%dma_start3A_80 : memref<10000x128xf32, #tpu.memory_space<vmem_shared>>) offsets(%arg7 : memref<128xi32, #tpu.memory_space<vmem>>) semaphore(%arg14 : memref<!tpu.dma_semaphore, #tpu.memory_space<semaphore_mem>>) {add = true}
      %dma_wait3A_81 = arith.constant 0 : i32
      %dma_wait3A_82 = arith.constant 0 : i32
      %dma_wait3A_83 = tpu.memref_slice %arg11[%dma_wait3A_81, %dma_wait3A_82] : memref<10000x128xf32, #tpu.memory_space<vmem_shared>> -> memref<10000x128xf32, #tpu.memory_space<vmem_shared>>
      tpu.wait_indirect_dma semaphore(%arg14 : memref<!tpu.dma_semaphore, #tpu.memory_space<semaphore_mem>>) src(%arg9 : memref<128x128xf32, #tpu.memory_space<vmem>>) dst(%dma_wait3A_83 : memref<10000x128xf32, #tpu.memory_space<vmem_shared>>)
      %lt3A_84 = arith.cmpi slt, %add3A_64, %select_n3A : i32
      %convert_element_type3A_85 = arith.extui %lt3A_84 : i1 to i32
      %cond3A_86 = arith.constant 0 : i32
      %cond3A_87 = arith.cmpi ne, %convert_element_type3A_85, %cond3A_86 : i32
      scf.if %cond3A_87 {
        %dma_wait3A_88 = arith.constant 0 : i32
        %dma_wait3A_89 = arith.constant 0 : i32
        %dma_wait3A_90 = tpu.memref_slice %arg2[%dma_wait3A_88, %dma_wait3A_89] : memref<160000x128xf32, #tpu.memory_space<hbm>> -> memref<128x128xf32, #tpu.memory_space<hbm>>
        %dma_wait3A_91 = arith.constant 0 : i32
        %dma_wait3A_92 = arith.constant 0 : i32
        %dma_wait3A_93 = tpu.memref_slice %arg2[%dma_wait3A_91, %dma_wait3A_92] : memref<160000x128xf32, #tpu.memory_space<hbm>> -> memref<128x128xf32, #tpu.memory_space<hbm>>
        tpu.wait_dma2 semaphore(%arg13 : memref<!tpu.dma_semaphore, #tpu.memory_space<semaphore_mem>>) src(%dma_wait3A_93 : memref<128x128xf32, #tpu.memory_space<hbm>>) dst(%arg10 : memref<128x128xf32, #tpu.memory_space<vmem>>)
        %dma_wait3A_94 = arith.constant 0 : i32
        %dma_wait3A_95 = tpu.memref_slice %arg3[%dma_wait3A_94] : memref<160000xi32, #tpu.memory_space<hbm>> -> memref<128xi32, #tpu.memory_space<hbm>>
        %dma_wait3A_96 = arith.constant 0 : i32
        %dma_wait3A_97 = tpu.memref_slice %arg3[%dma_wait3A_96] : memref<160000xi32, #tpu.memory_space<hbm>> -> memref<128xi32, #tpu.memory_space<hbm>>
        tpu.wait_dma2 semaphore(%arg13 : memref<!tpu.dma_semaphore, #tpu.memory_space<semaphore_mem>>) src(%dma_wait3A_97 : memref<128xi32, #tpu.memory_space<hbm>>) dst(%arg8 : memref<128xi32, #tpu.memory_space<vmem>>)
        %add3A_98 = arith.constant 1 : i32
        %add3A_99 = arith.addi %add3A_64, %add3A_98 : i32
        %lt3A_100 = arith.cmpi slt, %add3A_99, %select_n3A : i32
        %convert_element_type3A_101 = arith.extui %lt3A_100 : i1 to i32
        %cond3A_102 = arith.constant 0 : i32
        %cond3A_103 = arith.cmpi ne, %convert_element_type3A_101, %cond3A_102 : i32
        scf.if %cond3A_103 {
          %add3A_110 = arith.constant 1 : i32
          %add3A_111 = arith.addi %add3A_64, %add3A_110 : i32
          %add3A_112 = arith.addi %add3A_10, %add3A_111 : i32
          %mul3A_113 = arith.constant 128 : i32
          %mul3A_114 = arith.muli %add3A_112, %mul3A_113 : i32
          %dma_start3A_115 = arith.constant 0 : i32
          %dma_start3A_116 = tpu.memref_slice %arg2[%mul3A_114, %dma_start3A_115] : memref<160000x128xf32, #tpu.memory_space<hbm>> -> memref<128x128xf32, #tpu.memory_space<hbm>>
          %dma_start3A_117 = arith.constant 0 : i32
          %dma_start3A_118 = tpu.memref_slice %arg2[%mul3A_114, %dma_start3A_117] : memref<160000x128xf32, #tpu.memory_space<hbm>> -> memref<128x128xf32, #tpu.memory_space<hbm>>
          tpu.enqueue_dma source(%dma_start3A_118 : memref<128x128xf32, #tpu.memory_space<hbm>>) target(%arg9 : memref<128x128xf32, #tpu.memory_space<vmem>>) target_semaphore(%arg12 : memref<!tpu.dma_semaphore, #tpu.memory_space<semaphore_mem>>)
          %dma_start3A_119 = tpu.memref_slice %arg3[%mul3A_114] : memref<160000xi32, #tpu.memory_space<hbm>> -> memref<128xi32, #tpu.memory_space<hbm>>
          %dma_start3A_120 = tpu.memref_slice %arg3[%mul3A_114] : memref<160000xi32, #tpu.memory_space<hbm>> -> memref<128xi32, #tpu.memory_space<hbm>>
          tpu.enqueue_dma source(%dma_start3A_120 : memref<128xi32, #tpu.memory_space<hbm>>) target(%arg7 : memref<128xi32, #tpu.memory_space<vmem>>) target_semaphore(%arg12 : memref<!tpu.dma_semaphore, #tpu.memory_space<semaphore_mem>>)
        } else {
        }
        %dma_start3A_104 = arith.constant 0 : i32
        %dma_start3A_105 = arith.constant 0 : i32
        %dma_start3A_106 = tpu.memref_slice %arg11[%dma_start3A_104, %dma_start3A_105] : memref<10000x128xf32, #tpu.memory_space<vmem_shared>> -> memref<10000x128xf32, #tpu.memory_space<vmem_shared>>
        tpu.enqueue_indirect_dma source(%arg10 : memref<128x128xf32, #tpu.memory_space<vmem>>) target(%dma_start3A_106 : memref<10000x128xf32, #tpu.memory_space<vmem_shared>>) offsets(%arg8 : memref<128xi32, #tpu.memory_space<vmem>>) semaphore(%arg14 : memref<!tpu.dma_semaphore, #tpu.memory_space<semaphore_mem>>) {add = true}
        %dma_wait3A_107 = arith.constant 0 : i32
        %dma_wait3A_108 = arith.constant 0 : i32
        %dma_wait3A_109 = tpu.memref_slice %arg11[%dma_wait3A_107, %dma_wait3A_108] : memref<10000x128xf32, #tpu.memory_space<vmem_shared>> -> memref<10000x128xf32, #tpu.memory_space<vmem_shared>>
        tpu.wait_indirect_dma semaphore(%arg14 : memref<!tpu.dma_semaphore, #tpu.memory_space<semaphore_mem>>) src(%arg10 : memref<128x128xf32, #tpu.memory_space<vmem>>) dst(%dma_wait3A_109 : memref<10000x128xf32, #tpu.memory_space<vmem_shared>>)
      } else {
      }
    }
    %while3A_48 = arith.constant 1 : i32
    scf.for %while3A_60 = %while3A_46 to %while3A_42 step %while3A_48  : i32 {
      %mul3A_61 = arith.constant 2 : i32
      %mul3A_62 = arith.muli %mul3A_61, %while3A_60 : i32
      %add3A_63 = arith.constant 1 : i32
      %add3A_64 = arith.addi %mul3A_62, %add3A_63 : i32
      %dma_wait3A = arith.constant 0 : i32
      %dma_wait3A_65 = arith.constant 0 : i32
      %dma_wait3A_66 = tpu.memref_slice %arg2[%dma_wait3A, %dma_wait3A_65] : memref<160000x128xf32, #tpu.memory_space<hbm>> -> memref<128x128xf32, #tpu.memory_space<hbm>>
      %dma_wait3A_67 = arith.constant 0 : i32
      %dma_wait3A_68 = arith.constant 0 : i32
      %dma_wait3A_69 = tpu.memref_slice %arg2[%dma_wait3A_67, %dma_wait3A_68] : memref<160000x128xf32, #tpu.memory_space<hbm>> -> memref<128x128xf32, #tpu.memory_space<hbm>>
      tpu.wait_dma2 semaphore(%arg12 : memref<!tpu.dma_semaphore, #tpu.memory_space<semaphore_mem>>) src(%dma_wait3A_69 : memref<128x128xf32, #tpu.memory_space<hbm>>) dst(%arg9 : memref<128x128xf32, #tpu.memory_space<vmem>>)
      %dma_wait3A_70 = arith.constant 0 : i32
      %dma_wait3A_71 = tpu.memref_slice %arg3[%dma_wait3A_70] : memref<160000xi32, #tpu.memory_space<hbm>> -> memref<128xi32, #tpu.memory_space<hbm>>
      %dma_wait3A_72 = arith.constant 0 : i32
      %dma_wait3A_73 = tpu.memref_slice %arg3[%dma_wait3A_72] : memref<160000xi32, #tpu.memory_space<hbm>> -> memref<128xi32, #tpu.memory_space<hbm>>
      tpu.wait_dma2 semaphore(%arg12 : memref<!tpu.dma_semaphore, #tpu.memory_space<semaphore_mem>>) src(%dma_wait3A_73 : memref<128xi32, #tpu.memory_space<hbm>>) dst(%arg7 : memref<128xi32, #tpu.memory_space<vmem>>)
      %lt3A_74 = arith.cmpi slt, %add3A_64, %select_n3A : i32
      %convert_element_type3A_75 = arith.extui %lt3A_74 : i1 to i32
      %cond3A_76 = arith.constant 0 : i32
      %cond3A_77 = arith.cmpi ne, %convert_element_type3A_75, %cond3A_76 : i32
      scf.if %cond3A_77 {
        %add3A_88 = arith.addi %add3A_10, %add3A_64 : i32
        %mul3A_89 = arith.constant 128 : i32
        %mul3A_90 = arith.muli %add3A_88, %mul3A_89 : i32
        %dma_start3A_91 = arith.constant 0 : i32
        %dma_start3A_92 = tpu.memref_slice %arg2[%mul3A_90, %dma_start3A_91] : memref<160000x128xf32, #tpu.memory_space<hbm>> -> memref<128x128xf32, #tpu.memory_space<hbm>>
        %dma_start3A_93 = arith.constant 0 : i32
        %dma_start3A_94 = tpu.memref_slice %arg2[%mul3A_90, %dma_start3A_93] : memref<160000x128xf32, #tpu.memory_space<hbm>> -> memref<128x128xf32, #tpu.memory_space<hbm>>
        tpu.enqueue_dma source(%dma_start3A_94 : memref<128x128xf32, #tpu.memory_space<hbm>>) target(%arg10 : memref<128x128xf32, #tpu.memory_space<vmem>>) target_semaphore(%arg13 : memref<!tpu.dma_semaphore, #tpu.memory_space<semaphore_mem>>)
        %dma_start3A_95 = tpu.memref_slice %arg3[%mul3A_90] : memref<160000xi32, #tpu.memory_space<hbm>> -> memref<128xi32, #tpu.memory_space<hbm>>
        %dma_start3A_96 = tpu.memref_slice %arg3[%mul3A_90] : memref<160000xi32, #tpu.memory_space<hbm>> -> memref<128xi32, #tpu.memory_space<hbm>>
        tpu.enqueue_dma source(%dma_start3A_96 : memref<128xi32, #tpu.memory_space<hbm>>) target(%arg8 : memref<128xi32, #tpu.memory_space<vmem>>) target_semaphore(%arg13 : memref<!tpu.dma_semaphore, #tpu.memory_space<semaphore_mem>>)
      } else {
      }
      %dma_start3A_78 = arith.constant 0 : i32
      %dma_start3A_79 = arith.constant 0 : i32
      %dma_start3A_80 = tpu.memref_slice %arg11[%dma_start3A_78, %dma_start3A_79] : memref<10000x128xf32, #tpu.memory_space<vmem_shared>> -> memref<10000x128xf32, #tpu.memory_space<vmem_shared>>
      tpu.enqueue_indirect_dma source(%arg9 : memref<128x128xf32, #tpu.memory_space<vmem>>) target(%dma_start3A_80 : memref<10000x128xf32, #tpu.memory_space<vmem_shared>>) offsets(%arg7 : memref<128xi32, #tpu.memory_space<vmem>>) semaphore(%arg14 : memref<!tpu.dma_semaphore, #tpu.memory_space<semaphore_mem>>) {add = true}
      %dma_wait3A_81 = arith.constant 0 : i32
      %dma_wait3A_82 = arith.constant 0 : i32
      %dma_wait3A_83 = tpu.memref_slice %arg11[%dma_wait3A_81, %dma_wait3A_82] : memref<10000x128xf32, #tpu.memory_space<vmem_shared>> -> memref<10000x128xf32, #tpu.memory_space<vmem_shared>>
      tpu.wait_indirect_dma semaphore(%arg14 : memref<!tpu.dma_semaphore, #tpu.memory_space<semaphore_mem>>) src(%arg9 : memref<128x128xf32, #tpu.memory_space<vmem>>) dst(%dma_wait3A_83 : memref<10000x128xf32, #tpu.memory_space<vmem_shared>>)
      %lt3A_84 = arith.cmpi slt, %add3A_64, %select_n3A : i32
      %convert_element_type3A_85 = arith.extui %lt3A_84 : i1 to i32
      %cond3A_86 = arith.constant 0 : i32
      %cond3A_87 = arith.cmpi ne, %convert_element_type3A_85, %cond3A_86 : i32
      scf.if %cond3A_87 {
        %dma_wait3A_88 = arith.constant 0 : i32
        %dma_wait3A_89 = arith.constant 0 : i32
        %dma_wait3A_90 = tpu.memref_slice %arg2[%dma_wait3A_88, %dma_wait3A_89] : memref<160000x128xf32, #tpu.memory_space<hbm>> -> memref<128x128xf32, #tpu.memory_space<hbm>>
        %dma_wait3A_91 = arith.constant 0 : i32
        %dma_wait3A_92 = arith.constant 0 : i32
        %dma_wait3A_93 = tpu.memref_slice %arg2[%dma_wait3A_91, %dma_wait3A_92] : memref<160000x128xf32, #tpu.memory_space<hbm>> -> memref<128x128xf32, #tpu.memory_space<hbm>>
        tpu.wait_dma2 semaphore(%arg13 : memref<!tpu.dma_semaphore, #tpu.memory_space<semaphore_mem>>) src(%dma_wait3A_93 : memref<128x128xf32, #tpu.memory_space<hbm>>) dst(%arg10 : memref<128x128xf32, #tpu.memory_space<vmem>>)
        %dma_wait3A_94 = arith.constant 0 : i32
        %dma_wait3A_95 = tpu.memref_slice %arg3[%dma_wait3A_94] : memref<160000xi32, #tpu.memory_space<hbm>> -> memref<128xi32, #tpu.memory_space<hbm>>
        %dma_wait3A_96 = arith.constant 0 : i32
        %dma_wait3A_97 = tpu.memref_slice %arg3[%dma_wait3A_96] : memref<160000xi32, #tpu.memory_space<hbm>> -> memref<128xi32, #tpu.memory_space<hbm>>
        tpu.wait_dma2 semaphore(%arg13 : memref<!tpu.dma_semaphore, #tpu.memory_space<semaphore_mem>>) src(%dma_wait3A_97 : memref<128xi32, #tpu.memory_space<hbm>>) dst(%arg8 : memref<128xi32, #tpu.memory_space<vmem>>)
        %add3A_98 = arith.constant 1 : i32
        %add3A_99 = arith.addi %add3A_64, %add3A_98 : i32
        %lt3A_100 = arith.cmpi slt, %add3A_99, %select_n3A : i32
        %convert_element_type3A_101 = arith.extui %lt3A_100 : i1 to i32
        %cond3A_102 = arith.constant 0 : i32
        %cond3A_103 = arith.cmpi ne, %convert_element_type3A_101, %cond3A_102 : i32
        scf.if %cond3A_103 {
          %add3A_110 = arith.constant 1 : i32
          %add3A_111 = arith.addi %add3A_64, %add3A_110 : i32
          %add3A_112 = arith.addi %add3A_10, %add3A_111 : i32
          %mul3A_113 = arith.constant 128 : i32
          %mul3A_114 = arith.muli %add3A_112, %mul3A_113 : i32
          %dma_start3A_115 = arith.constant 0 : i32
          %dma_start3A_116 = tpu.memref_slice %arg2[%mul3A_114, %dma_start3A_115] : memref<160000x128xf32, #tpu.memory_space<hbm>> -> memref<128x128xf32, #tpu.memory_space<hbm>>
          %dma_start3A_117 = arith.constant 0 : i32
          %dma_start3A_118 = tpu.memref_slice %arg2[%mul3A_114, %dma_start3A_117] : memref<160000x128xf32, #tpu.memory_space<hbm>> -> memref<128x128xf32, #tpu.memory_space<hbm>>
          tpu.enqueue_dma source(%dma_start3A_118 : memref<128x128xf32, #tpu.memory_space<hbm>>) target(%arg9 : memref<128x128xf32, #tpu.memory_space<vmem>>) target_semaphore(%arg12 : memref<!tpu.dma_semaphore, #tpu.memory_space<semaphore_mem>>)
          %dma_start3A_119 = tpu.memref_slice %arg3[%mul3A_114] : memref<160000xi32, #tpu.memory_space<hbm>> -> memref<128xi32, #tpu.memory_space<hbm>>
          %dma_start3A_120 = tpu.memref_slice %arg3[%mul3A_114] : memref<160000xi32, #tpu.memory_space<hbm>> -> memref<128xi32, #tpu.memory_space<hbm>>
          tpu.enqueue_dma source(%dma_start3A_120 : memref<128xi32, #tpu.memory_space<hbm>>) target(%arg7 : memref<128xi32, #tpu.memory_space<vmem>>) target_semaphore(%arg12 : memref<!tpu.dma_semaphore, #tpu.memory_space<semaphore_mem>>)
        } else {
        }
        %dma_start3A_104 = arith.constant 0 : i32
        %dma_start3A_105 = arith.constant 0 : i32
        %dma_start3A_106 = tpu.memref_slice %arg11[%dma_start3A_104, %dma_start3A_105] : memref<10000x128xf32, #tpu.memory_space<vmem_shared>> -> memref<10000x128xf32, #tpu.memory_space<vmem_shared>>
        tpu.enqueue_indirect_dma source(%arg10 : memref<128x128xf32, #tpu.memory_space<vmem>>) target(%dma_start3A_106 : memref<10000x128xf32, #tpu.memory_space<vmem_shared>>) offsets(%arg8 : memref<128xi32, #tpu.memory_space<vmem>>) semaphore(%arg14 : memref<!tpu.dma_semaphore, #tpu.memory_space<semaphore_mem>>) {add = true}
        %dma_wait3A_107 = arith.constant 0 : i32
        %dma_wait3A_108 = arith.constant 0 : i32
        %dma_wait3A_109 = tpu.memref_slice %arg11[%dma_wait3A_107, %dma_wait3A_108] : memref<10000x128xf32, #tpu.memory_space<vmem_shared>> -> memref<10000x128xf32, #tpu.memory_space<vmem_shared>>
        tpu.wait_indirect_dma semaphore(%arg14 : memref<!tpu.dma_semaphore, #tpu.memory_space<semaphore_mem>>) src(%arg10 : memref<128x128xf32, #tpu.memory_space<vmem>>) dst(%dma_wait3A_109 : memref<10000x128xf32, #tpu.memory_space<vmem_shared>>)
      } else {
      }
    }
    %barrier3A_49 = arith.constant 0 : index
    tpu.barrier barrier_id(%barrier3A_49)
    %eq3A_50 = arith.constant 0 : i32
    %eq3A_51 = arith.cmpi eq, %arg0, %eq3A_50 : i32
    %convert_element_type3A_52 = arith.extui %eq3A_51 : i1 to i32
    %cond3A_53 = arith.constant 0 : i32
    %cond3A_54 = arith.cmpi ne, %convert_element_type3A_52, %cond3A_53 : i32
    scf.if %cond3A_54 {
      %mul3A_60 = arith.constant 624 : i32
      %mul3A_61 = arith.muli %arg1, %mul3A_60 : i32
      "tpu.region"() ({
        %run_scoped3A = tpu.sem_alloc : memref<!tpu.dma_semaphore, #tpu.memory_space<semaphore_mem>>
        %dma_start3A_67 = arith.constant 0 : i32
        %dma_start3A_68 = tpu.memref_slice %arg5[%mul3A_61, %dma_start3A_67] : memref<10000x128xf32, #tpu.memory_space<hbm>> -> memref<624x128xf32, #tpu.memory_space<hbm>>
        %dma_start3A_69 = arith.constant 0 : i32
        %dma_start3A_70 = tpu.memref_slice %arg11[%mul3A_61, %dma_start3A_69] : memref<10000x128xf32, #tpu.memory_space<vmem_shared>> -> memref<624x128xf32, #tpu.memory_space<vmem_shared>>
        tpu.enqueue_dma source(%dma_start3A_70 : memref<624x128xf32, #tpu.memory_space<vmem_shared>>) target(%dma_start3A_68 : memref<624x128xf32, #tpu.memory_space<hbm>>) target_semaphore(%run_scoped3A : memref<!tpu.dma_semaphore, #tpu.memory_space<semaphore_mem>>)
        %dma_wait3A = arith.constant 0 : i32
        %dma_wait3A_71 = tpu.memref_slice %arg5[%mul3A_61, %dma_wait3A] : memref<10000x128xf32, #tpu.memory_space<hbm>> -> memref<624x128xf32, #tpu.memory_space<hbm>>
        %dma_wait3A_72 = arith.constant 0 : i32
        %dma_wait3A_73 = tpu.memref_slice %arg11[%mul3A_61, %dma_wait3A_72] : memref<10000x128xf32, #tpu.memory_space<vmem_shared>> -> memref<624x128xf32, #tpu.memory_space<vmem_shared>>
        tpu.wait_dma2 semaphore(%run_scoped3A : memref<!tpu.dma_semaphore, #tpu.memory_space<semaphore_mem>>) src(%dma_wait3A_73 : memref<624x128xf32, #tpu.memory_space<vmem_shared>>) dst(%dma_wait3A_71 : memref<624x128xf32, #tpu.memory_space<hbm>>)
        tpu.yield
      }) : () -> ()
      %eq3A_62 = arith.constant 15 : i32
      %eq3A_63 = arith.cmpi eq, %arg1, %eq3A_62 : i32
      %convert_element_type3A_64 = arith.extui %eq3A_63 : i1 to i32
      %cond3A_65 = arith.constant 0 : i32
      %cond3A_66 = arith.cmpi ne, %convert_element_type3A_64, %cond3A_65 : i32
      scf.if %cond3A_66 {
        "tpu.region"() ({
          %run_scoped3A = tpu.sem_alloc : memref<!tpu.dma_semaphore, #tpu.memory_space<semaphore_mem>>
          %dma_start3A_67 = arith.constant 9984 : i32
          %dma_start3A_68 = arith.constant 0 : i32
          %dma_start3A_69 = tpu.memref_slice %arg5[%dma_start3A_67, %dma_start3A_68] : memref<10000x128xf32, #tpu.memory_space<hbm>> -> memref<16x128xf32, #tpu.memory_space<hbm>>
          %dma_start3A_70 = arith.constant 9984 : i32
          %dma_start3A_71 = arith.constant 0 : i32
          %dma_start3A_72 = tpu.memref_slice %arg11[%dma_start3A_70, %dma_start3A_71] : memref<10000x128xf32, #tpu.memory_space<vmem_shared>> -> memref<16x128xf32, #tpu.memory_space<vmem_shared>>
          tpu.enqueue_dma source(%dma_start3A_72 : memref<16x128xf32, #tpu.memory_space<vmem_shared>>) target(%dma_start3A_69 : memref<16x128xf32, #tpu.memory_space<hbm>>) target_semaphore(%run_scoped3A : memref<!tpu.dma_semaphore, #tpu.memory_space<semaphore_mem>>)
          %dma_wait3A = arith.constant 9984 : i32
          %dma_wait3A_73 = arith.constant 0 : i32
          %dma_wait3A_74 = tpu.memref_slice %arg5[%dma_wait3A, %dma_wait3A_73] : memref<10000x128xf32, #tpu.memory_space<hbm>> -> memref<16x128xf32, #tpu.memory_space<hbm>>
          %dma_wait3A_75 = arith.constant 9984 : i32
          %dma_wait3A_76 = arith.constant 0 : i32
          %dma_wait3A_77 = tpu.memref_slice %arg11[%dma_wait3A_75, %dma_wait3A_76] : memref<10000x128xf32, #tpu.memory_space<vmem_shared>> -> memref<16x128xf32, #tpu.memory_space<vmem_shared>>
          tpu.wait_dma2 semaphore(%run_scoped3A : memref<!tpu.dma_semaphore, #tpu.memory_space<semaphore_mem>>) src(%dma_wait3A_77 : memref<16x128xf32, #tpu.memory_space<vmem_shared>>) dst(%dma_wait3A_74 : memref<16x128xf32, #tpu.memory_space<hbm>>)
          tpu.yield
        }) : () -> ()
      } else {
      }
    } else {
    }
    %eq3A_55 = arith.constant 1 : i32
    %eq3A_56 = arith.cmpi eq, %arg0, %eq3A_55 : i32
    %convert_element_type3A_57 = arith.extui %eq3A_56 : i1 to i32
    %cond3A_58 = arith.constant 0 : i32
    %cond3A_59 = arith.cmpi ne, %convert_element_type3A_57, %cond3A_58 : i32
    scf.if %cond3A_59 {
      %mul3A_60 = arith.constant 624 : i32
      %mul3A_61 = arith.muli %arg1, %mul3A_60 : i32
      "tpu.region"() ({
        %run_scoped3A = tpu.sem_alloc : memref<!tpu.dma_semaphore, #tpu.memory_space<semaphore_mem>>
        %dma_start3A_67 = arith.constant 0 : i32
        %dma_start3A_68 = tpu.memref_slice %arg6[%mul3A_61, %dma_start3A_67] : memref<10000x128xf32, #tpu.memory_space<hbm>> -> memref<624x128xf32, #tpu.memory_space<hbm>>
        %dma_start3A_69 = arith.constant 0 : i32
        %dma_start3A_70 = tpu.memref_slice %arg11[%mul3A_61, %dma_start3A_69] : memref<10000x128xf32, #tpu.memory_space<vmem_shared>> -> memref<624x128xf32, #tpu.memory_space<vmem_shared>>
        tpu.enqueue_dma source(%dma_start3A_70 : memref<624x128xf32, #tpu.memory_space<vmem_shared>>) target(%dma_start3A_68 : memref<624x128xf32, #tpu.memory_space<hbm>>) target_semaphore(%run_scoped3A : memref<!tpu.dma_semaphore, #tpu.memory_space<semaphore_mem>>)
        %dma_wait3A = arith.constant 0 : i32
        %dma_wait3A_71 = tpu.memref_slice %arg6[%mul3A_61, %dma_wait3A] : memref<10000x128xf32, #tpu.memory_space<hbm>> -> memref<624x128xf32, #tpu.memory_space<hbm>>
        %dma_wait3A_72 = arith.constant 0 : i32
        %dma_wait3A_73 = tpu.memref_slice %arg11[%mul3A_61, %dma_wait3A_72] : memref<10000x128xf32, #tpu.memory_space<vmem_shared>> -> memref<624x128xf32, #tpu.memory_space<vmem_shared>>
        tpu.wait_dma2 semaphore(%run_scoped3A : memref<!tpu.dma_semaphore, #tpu.memory_space<semaphore_mem>>) src(%dma_wait3A_73 : memref<624x128xf32, #tpu.memory_space<vmem_shared>>) dst(%dma_wait3A_71 : memref<624x128xf32, #tpu.memory_space<hbm>>)
        tpu.yield
      }) : () -> ()
      %eq3A_62 = arith.constant 15 : i32
      %eq3A_63 = arith.cmpi eq, %arg1, %eq3A_62 : i32
      %convert_element_type3A_64 = arith.extui %eq3A_63 : i1 to i32
      %cond3A_65 = arith.constant 0 : i32
      %cond3A_66 = arith.cmpi ne, %convert_element_type3A_64, %cond3A_65 : i32
      scf.if %cond3A_66 {
        "tpu.region"() ({
          %run_scoped3A = tpu.sem_alloc : memref<!tpu.dma_semaphore, #tpu.memory_space<semaphore_mem>>
          %dma_start3A_67 = arith.constant 9984 : i32
          %dma_start3A_68 = arith.constant 0 : i32
          %dma_start3A_69 = tpu.memref_slice %arg6[%dma_start3A_67, %dma_start3A_68] : memref<10000x128xf32, #tpu.memory_space<hbm>> -> memref<16x128xf32, #tpu.memory_space<hbm>>
          %dma_start3A_70 = arith.constant 9984 : i32
          %dma_start3A_71 = arith.constant 0 : i32
          %dma_start3A_72 = tpu.memref_slice %arg11[%dma_start3A_70, %dma_start3A_71] : memref<10000x128xf32, #tpu.memory_space<vmem_shared>> -> memref<16x128xf32, #tpu.memory_space<vmem_shared>>
          tpu.enqueue_dma source(%dma_start3A_72 : memref<16x128xf32, #tpu.memory_space<vmem_shared>>) target(%dma_start3A_69 : memref<16x128xf32, #tpu.memory_space<hbm>>) target_semaphore(%run_scoped3A : memref<!tpu.dma_semaphore, #tpu.memory_space<semaphore_mem>>)
          %dma_wait3A = arith.constant 9984 : i32
          %dma_wait3A_73 = arith.constant 0 : i32
          %dma_wait3A_74 = tpu.memref_slice %arg6[%dma_wait3A, %dma_wait3A_73] : memref<10000x128xf32, #tpu.memory_space<hbm>> -> memref<16x128xf32, #tpu.memory_space<hbm>>
          %dma_wait3A_75 = arith.constant 9984 : i32
          %dma_wait3A_76 = arith.constant 0 : i32
          %dma_wait3A_77 = tpu.memref_slice %arg11[%dma_wait3A_75, %dma_wait3A_76] : memref<10000x128xf32, #tpu.memory_space<vmem_shared>> -> memref<16x128xf32, #tpu.memory_space<vmem_shared>>
          tpu.wait_dma2 semaphore(%run_scoped3A : memref<!tpu.dma_semaphore, #tpu.memory_space<semaphore_mem>>) src(%dma_wait3A_77 : memref<16x128xf32, #tpu.memory_space<vmem_shared>>) dst(%dma_wait3A_74 : memref<16x128xf32, #tpu.memory_space<hbm>>)
          tpu.yield
        }) : () -> ()
      } else {
      }
    } else {
    }
    return
  }
}

#map = affine_map<(d0, d1) -> (0, 0)>
#map1 = affine_map<(d0, d1) -> (0)>
module attributes {stable_mosaic.version = 14 : i64} {
  func.func @_sc_gather(%arg0: i32, %arg1: i32, %arg2: memref<10000x128xf32, #tpu.memory_space<hbm>>, %arg3: memref<10000x128xf32, #tpu.memory_space<hbm>>, %arg4: memref<160000xi32, #tpu.memory_space<hbm>>, %arg5: memref<160000xi32, #tpu.memory_space<hbm>>, %arg6: memref<160000x128xf32, #tpu.memory_space<hbm>>, %arg7: memref<160000x128xf32, #tpu.memory_space<hbm>>, %arg8: memref<128xi32, #tpu.memory_space<vmem>>, %arg9: memref<128xi32, #tpu.memory_space<vmem>>, %arg10: memref<128xi32, #tpu.memory_space<vmem>>, %arg11: memref<128xi32, #tpu.memory_space<vmem>>, %arg12: memref<128x128xf32, #tpu.memory_space<vmem>>, %arg13: memref<128x128xf32, #tpu.memory_space<vmem>>, %arg14: memref<128x128xf32, #tpu.memory_space<vmem>>, %arg15: memref<128x128xf32, #tpu.memory_space<vmem>>, %arg16: memref<!tpu.dma_semaphore, #tpu.memory_space<semaphore_mem>>, %arg17: memref<!tpu.dma_semaphore, #tpu.memory_space<semaphore_mem>>, %arg18: memref<!tpu.dma_semaphore, #tpu.memory_space<semaphore_mem>>, %arg19: memref<!tpu.dma_semaphore, #tpu.memory_space<semaphore_mem>>) attributes {dimension_semantics = [#tpu.dimension_semantics<core_parallel>, #tpu.dimension_semantics<subcore_parallel>], iteration_bounds = array<i64: 2, 16>, scalar_prefetch = 0 : i64, scratch_operands = 12 : i64, tpu.core_type = #tpu.core_type<sc_vector_subcore>, window_params = [{transform_indices = #map}, {transform_indices = #map}, {transform_indices = #map1}, {transform_indices = #map1}, {transform_indices = #map}, {transform_indices = #map}]} {
    %mul3A = arith.constant 2 : i32
    %mul3A_0 = arith.muli %arg1, %mul3A : i32
    %add3A = arith.addi %mul3A_0, %arg0 : i32
    %lt3A = arith.constant 2 : i32
    %lt3A_1 = arith.cmpi slt, %add3A, %lt3A : i32
    %jit3A = arith.constant 40 : i32
    %jit3A_2 = arith.constant 39 : i32
    %select_n3A = arith.select %lt3A_1, %jit3A, %jit3A_2 : i32
    %mul3A_3 = arith.constant 39 : i32
    %mul3A_4 = arith.muli %mul3A_3, %add3A : i32
    %min3A = arith.constant 2 : i32
    %min3A_5 = arith.minsi %add3A, %min3A : i32
    %add3A_6 = arith.addi %mul3A_4, %min3A_5 : i32
    %add3A_7 = arith.constant 1 : i32
    %add3A_8 = arith.addi %select_n3A, %add3A_7 : i32
    %jit3A_9 = arith.constant 2 : i32
    %div3A = arith.divsi %add3A_8, %jit3A_9 : i32
    %sign3A = arith.constant 0 : i32
    %sign3A_10 = arith.cmpi sgt, %add3A_8, %sign3A : i32
    %sign3A_11 = arith.extui %sign3A_10 : i1 to i32
    %sign3A_12 = arith.constant 0 : i32
    %sign3A_13 = arith.cmpi slt, %add3A_8, %sign3A_12 : i32
    %sign3A_14 = arith.extui %sign3A_13 : i1 to i32
    %sign3A_15 = arith.subi %sign3A_11, %sign3A_14 : i32
    %sign3A_16 = arith.constant 0 : i32
    %sign3A_17 = arith.cmpi sgt, %jit3A_9, %sign3A_16 : i32
    %sign3A_18 = arith.extui %sign3A_17 : i1 to i32
    %sign3A_19 = arith.constant 0 : i32
    %sign3A_20 = arith.cmpi slt, %jit3A_9, %sign3A_19 : i32
    %sign3A_21 = arith.extui %sign3A_20 : i1 to i32
    %sign3A_22 = arith.subi %sign3A_18, %sign3A_21 : i32
    %ne3A = arith.cmpi ne, %sign3A_15, %sign3A_22 : i32
    %rem3A = arith.remsi %add3A_8, %jit3A_9 : i32
    %ne3A_23 = arith.constant 0 : i32
    %ne3A_24 = arith.cmpi ne, %rem3A, %ne3A_23 : i32
    %and3A = arith.andi %ne3A, %ne3A_24 : i1
    %sub3A = arith.constant 1 : i32
    %sub3A_25 = arith.subi %div3A, %sub3A : i32
    %select_n3A_26 = arith.select %and3A, %sub3A_25, %div3A : i32
    %while3A = arith.constant 0 : i32
    %while3A_27 = arith.constant 0 : i32
    %while3A_28 = arith.subi %select_n3A_26, %while3A_27 : i32
    %while3A_29 = arith.addi %while3A_27, %while3A_28 : i32
    %while3A_30 = arith.constant 1 : i32
    %while3A_31 = arith.divsi %while3A_28, %while3A_30 : i32
    %while3A_32 = arith.muli %while3A_31, %while3A_30 : i32
    %while3A_33 = arith.addi %while3A_27, %while3A_32 : i32
    %while3A_34 = arith.constant 1 : i32
    scf.for %while3A_36 = %while3A_27 to %while3A_33 step %while3A_34  : i32 {
      %mul3A_37 = arith.constant 2 : i32
      %mul3A_38 = arith.muli %mul3A_37, %while3A_36 : i32
      %add3A_39 = arith.constant 1 : i32
      %add3A_40 = arith.addi %mul3A_38, %add3A_39 : i32
      %add3A_41 = arith.addi %add3A_6, %mul3A_38 : i32
      %mul3A_42 = arith.constant 128 : i32
      %mul3A_43 = arith.muli %add3A_41, %mul3A_42 : i32
      "tpu.region"() ({
        %run_scoped3A = tpu.sem_alloc : memref<!tpu.dma_semaphore, #tpu.memory_space<semaphore_mem>>
        %dma_start3A_54 = tpu.memref_slice %arg4[%mul3A_43] : memref<160000xi32, #tpu.memory_space<hbm>> -> memref<128xi32, #tpu.memory_space<hbm>>
        %dma_start3A_55 = tpu.memref_slice %arg4[%mul3A_43] : memref<160000xi32, #tpu.memory_space<hbm>> -> memref<128xi32, #tpu.memory_space<hbm>>
        tpu.enqueue_dma source(%dma_start3A_55 : memref<128xi32, #tpu.memory_space<hbm>>) target(%arg8 : memref<128xi32, #tpu.memory_space<vmem>>) target_semaphore(%run_scoped3A : memref<!tpu.dma_semaphore, #tpu.memory_space<semaphore_mem>>)
        %dma_wait3A = tpu.memref_slice %arg4[%mul3A_43] : memref<160000xi32, #tpu.memory_space<hbm>> -> memref<128xi32, #tpu.memory_space<hbm>>
        %dma_wait3A_56 = tpu.memref_slice %arg4[%mul3A_43] : memref<160000xi32, #tpu.memory_space<hbm>> -> memref<128xi32, #tpu.memory_space<hbm>>
        tpu.wait_dma2 semaphore(%run_scoped3A : memref<!tpu.dma_semaphore, #tpu.memory_space<semaphore_mem>>) src(%dma_wait3A_56 : memref<128xi32, #tpu.memory_space<hbm>>) dst(%arg8 : memref<128xi32, #tpu.memory_space<vmem>>)
        tpu.yield
      }) : () -> ()
      "tpu.region"() ({
        %run_scoped3A = tpu.sem_alloc : memref<!tpu.dma_semaphore, #tpu.memory_space<semaphore_mem>>
        %dma_start3A_54 = tpu.memref_slice %arg5[%mul3A_43] : memref<160000xi32, #tpu.memory_space<hbm>> -> memref<128xi32, #tpu.memory_space<hbm>>
        %dma_start3A_55 = tpu.memref_slice %arg5[%mul3A_43] : memref<160000xi32, #tpu.memory_space<hbm>> -> memref<128xi32, #tpu.memory_space<hbm>>
        tpu.enqueue_dma source(%dma_start3A_55 : memref<128xi32, #tpu.memory_space<hbm>>) target(%arg9 : memref<128xi32, #tpu.memory_space<vmem>>) target_semaphore(%run_scoped3A : memref<!tpu.dma_semaphore, #tpu.memory_space<semaphore_mem>>)
        %dma_wait3A = tpu.memref_slice %arg5[%mul3A_43] : memref<160000xi32, #tpu.memory_space<hbm>> -> memref<128xi32, #tpu.memory_space<hbm>>
        %dma_wait3A_56 = tpu.memref_slice %arg5[%mul3A_43] : memref<160000xi32, #tpu.memory_space<hbm>> -> memref<128xi32, #tpu.memory_space<hbm>>
        tpu.wait_dma2 semaphore(%run_scoped3A : memref<!tpu.dma_semaphore, #tpu.memory_space<semaphore_mem>>) src(%dma_wait3A_56 : memref<128xi32, #tpu.memory_space<hbm>>) dst(%arg9 : memref<128xi32, #tpu.memory_space<vmem>>)
        tpu.yield
      }) : () -> ()
      %dma_start3A = arith.constant 0 : i32
      %dma_start3A_44 = arith.constant 0 : i32
      %dma_start3A_45 = tpu.memref_slice %arg2[%dma_start3A, %dma_start3A_44] : memref<10000x128xf32, #tpu.memory_space<hbm>> -> memref<10000x128xf32, #tpu.memory_space<hbm>>
      tpu.enqueue_indirect_dma source(%dma_start3A_45 : memref<10000x128xf32, #tpu.memory_space<hbm>>) target(%arg12 : memref<128x128xf32, #tpu.memory_space<vmem>>) offsets(%arg8 : memref<128xi32, #tpu.memory_space<vmem>>) semaphore(%arg16 : memref<!tpu.dma_semaphore, #tpu.memory_space<semaphore_mem>>)
      %dma_start3A_46 = arith.constant 0 : i32
      %dma_start3A_47 = arith.constant 0 : i32
      %dma_start3A_48 = tpu.memref_slice %arg3[%dma_start3A_46, %dma_start3A_47] : memref<10000x128xf32, #tpu.memory_space<hbm>> -> memref<10000x128xf32, #tpu.memory_space<hbm>>
      tpu.enqueue_indirect_dma source(%dma_start3A_48 : memref<10000x128xf32, #tpu.memory_space<hbm>>) target(%arg13 : memref<128x128xf32, #tpu.memory_space<vmem>>) offsets(%arg9 : memref<128xi32, #tpu.memory_space<vmem>>) semaphore(%arg16 : memref<!tpu.dma_semaphore, #tpu.memory_space<semaphore_mem>>)
      %lt3A_49 = arith.cmpi slt, %add3A_40, %select_n3A : i32
      %convert_element_type3A = arith.extui %lt3A_49 : i1 to i32
      %cond3A = arith.constant 0 : i32
      %cond3A_50 = arith.cmpi ne, %convert_element_type3A, %cond3A : i32
      scf.if %cond3A_50 {
        %add3A_54 = arith.addi %add3A_6, %add3A_40 : i32
        %mul3A_55 = arith.constant 128 : i32
        %mul3A_56 = arith.muli %add3A_54, %mul3A_55 : i32
        "tpu.region"() ({
          %run_scoped3A = tpu.sem_alloc : memref<!tpu.dma_semaphore, #tpu.memory_space<semaphore_mem>>
          %dma_start3A_112 = tpu.memref_slice %arg4[%mul3A_56] : memref<160000xi32, #tpu.memory_space<hbm>> -> memref<128xi32, #tpu.memory_space<hbm>>
          %dma_start3A_113 = tpu.memref_slice %arg4[%mul3A_56] : memref<160000xi32, #tpu.memory_space<hbm>> -> memref<128xi32, #tpu.memory_space<hbm>>
          tpu.enqueue_dma source(%dma_start3A_113 : memref<128xi32, #tpu.memory_space<hbm>>) target(%arg10 : memref<128xi32, #tpu.memory_space<vmem>>) target_semaphore(%run_scoped3A : memref<!tpu.dma_semaphore, #tpu.memory_space<semaphore_mem>>)
          %dma_wait3A_114 = tpu.memref_slice %arg4[%mul3A_56] : memref<160000xi32, #tpu.memory_space<hbm>> -> memref<128xi32, #tpu.memory_space<hbm>>
          %dma_wait3A_115 = tpu.memref_slice %arg4[%mul3A_56] : memref<160000xi32, #tpu.memory_space<hbm>> -> memref<128xi32, #tpu.memory_space<hbm>>
          tpu.wait_dma2 semaphore(%run_scoped3A : memref<!tpu.dma_semaphore, #tpu.memory_space<semaphore_mem>>) src(%dma_wait3A_115 : memref<128xi32, #tpu.memory_space<hbm>>) dst(%arg10 : memref<128xi32, #tpu.memory_space<vmem>>)
          tpu.yield
        }) : () -> ()
        "tpu.region"() ({
          %run_scoped3A = tpu.sem_alloc : memref<!tpu.dma_semaphore, #tpu.memory_space<semaphore_mem>>
          %dma_start3A_112 = tpu.memref_slice %arg5[%mul3A_56] : memref<160000xi32, #tpu.memory_space<hbm>> -> memref<128xi32, #tpu.memory_space<hbm>>
          %dma_start3A_113 = tpu.memref_slice %arg5[%mul3A_56] : memref<160000xi32, #tpu.memory_space<hbm>> -> memref<128xi32, #tpu.memory_space<hbm>>
          tpu.enqueue_dma source(%dma_start3A_113 : memref<128xi32, #tpu.memory_space<hbm>>) target(%arg11 : memref<128xi32, #tpu.memory_space<vmem>>) target_semaphore(%run_scoped3A : memref<!tpu.dma_semaphore, #tpu.memory_space<semaphore_mem>>)
          %dma_wait3A_114 = tpu.memref_slice %arg5[%mul3A_56] : memref<160000xi32, #tpu.memory_space<hbm>> -> memref<128xi32, #tpu.memory_space<hbm>>
          %dma_wait3A_115 = tpu.memref_slice %arg5[%mul3A_56] : memref<160000xi32, #tpu.memory_space<hbm>> -> memref<128xi32, #tpu.memory_space<hbm>>
          tpu.wait_dma2 semaphore(%run_scoped3A : memref<!tpu.dma_semaphore, #tpu.memory_space<semaphore_mem>>) src(%dma_wait3A_115 : memref<128xi32, #tpu.memory_space<hbm>>) dst(%arg11 : memref<128xi32, #tpu.memory_space<vmem>>)
          tpu.yield
        }) : () -> ()
        %dma_start3A_57 = arith.constant 0 : i32
        %dma_start3A_58 = arith.constant 0 : i32
        %dma_start3A_59 = tpu.memref_slice %arg2[%dma_start3A_57, %dma_start3A_58] : memref<10000x128xf32, #tpu.memory_space<hbm>> -> memref<10000x128xf32, #tpu.memory_space<hbm>>
        tpu.enqueue_indirect_dma source(%dma_start3A_59 : memref<10000x128xf32, #tpu.memory_space<hbm>>) target(%arg14 : memref<128x128xf32, #tpu.memory_space<vmem>>) offsets(%arg10 : memref<128xi32, #tpu.memory_space<vmem>>) semaphore(%arg17 : memref<!tpu.dma_semaphore, #tpu.memory_space<semaphore_mem>>)
        %dma_start3A_60 = arith.constant 0 : i32
        %dma_start3A_61 = arith.constant 0 : i32
        %dma_start3A_62 = tpu.memref_slice %arg3[%dma_start3A_60, %dma_start3A_61] : memref<10000x128xf32, #tpu.memory_space<hbm>> -> memref<10000x128xf32, #tpu.memory_space<hbm>>
        tpu.enqueue_indirect_dma source(%dma_start3A_62 : memref<10000x128xf32, #tpu.memory_space<hbm>>) target(%arg15 : memref<128x128xf32, #tpu.memory_space<vmem>>) offsets(%arg11 : memref<128xi32, #tpu.memory_space<vmem>>) semaphore(%arg17 : memref<!tpu.dma_semaphore, #tpu.memory_space<semaphore_mem>>)
        %dma_wait3A = arith.constant 0 : i32
        %dma_wait3A_63 = arith.constant 0 : i32
        %dma_wait3A_64 = tpu.memref_slice %arg2[%dma_wait3A, %dma_wait3A_63] : memref<10000x128xf32, #tpu.memory_space<hbm>> -> memref<10000x128xf32, #tpu.memory_space<hbm>>
        tpu.wait_indirect_dma semaphore(%arg16 : memref<!tpu.dma_semaphore, #tpu.memory_space<semaphore_mem>>) src(%dma_wait3A_64 : memref<10000x128xf32, #tpu.memory_space<hbm>>) dst(%arg12 : memref<128x128xf32, #tpu.memory_space<vmem>>)
        %dma_wait3A_65 = arith.constant 0 : i32
        %dma_wait3A_66 = arith.constant 0 : i32
        %dma_wait3A_67 = tpu.memref_slice %arg3[%dma_wait3A_65, %dma_wait3A_66] : memref<10000x128xf32, #tpu.memory_space<hbm>> -> memref<10000x128xf32, #tpu.memory_space<hbm>>
        tpu.wait_indirect_dma semaphore(%arg16 : memref<!tpu.dma_semaphore, #tpu.memory_space<semaphore_mem>>) src(%dma_wait3A_67 : memref<10000x128xf32, #tpu.memory_space<hbm>>) dst(%arg13 : memref<128x128xf32, #tpu.memory_space<vmem>>)
        %add3A_68 = arith.addi %mul3A_38, %add3A_6 : i32
        %mul3A_69 = arith.constant 128 : i32
        %mul3A_70 = arith.muli %add3A_68, %mul3A_69 : i32
        %dma_start3A_71 = arith.constant 0 : i32
        %dma_start3A_72 = tpu.memref_slice %arg6[%mul3A_70, %dma_start3A_71] : memref<160000x128xf32, #tpu.memory_space<hbm>> -> memref<128x128xf32, #tpu.memory_space<hbm>>
        %dma_start3A_73 = arith.constant 0 : i32
        %dma_start3A_74 = tpu.memref_slice %arg6[%mul3A_70, %dma_start3A_73] : memref<160000x128xf32, #tpu.memory_space<hbm>> -> memref<128x128xf32, #tpu.memory_space<hbm>>
        tpu.enqueue_dma source(%arg12 : memref<128x128xf32, #tpu.memory_space<vmem>>) target(%dma_start3A_74 : memref<128x128xf32, #tpu.memory_space<hbm>>) target_semaphore(%arg18 : memref<!tpu.dma_semaphore, #tpu.memory_space<semaphore_mem>>)
        %dma_start3A_75 = arith.constant 0 : i32
        %dma_start3A_76 = tpu.memref_slice %arg7[%mul3A_70, %dma_start3A_75] : memref<160000x128xf32, #tpu.memory_space<hbm>> -> memref<128x128xf32, #tpu.memory_space<hbm>>
        %dma_start3A_77 = arith.constant 0 : i32
        %dma_start3A_78 = tpu.memref_slice %arg7[%mul3A_70, %dma_start3A_77] : memref<160000x128xf32, #tpu.memory_space<hbm>> -> memref<128x128xf32, #tpu.memory_space<hbm>>
        tpu.enqueue_dma source(%arg13 : memref<128x128xf32, #tpu.memory_space<vmem>>) target(%dma_start3A_78 : memref<128x128xf32, #tpu.memory_space<hbm>>) target_semaphore(%arg18 : memref<!tpu.dma_semaphore, #tpu.memory_space<semaphore_mem>>)
        %dma_wait3A_79 = arith.constant 0 : i32
        %dma_wait3A_80 = arith.constant 0 : i32
        %dma_wait3A_81 = tpu.memref_slice %arg2[%dma_wait3A_79, %dma_wait3A_80] : memref<10000x128xf32, #tpu.memory_space<hbm>> -> memref<10000x128xf32, #tpu.memory_space<hbm>>
        tpu.wait_indirect_dma semaphore(%arg17 : memref<!tpu.dma_semaphore, #tpu.memory_space<semaphore_mem>>) src(%dma_wait3A_81 : memref<10000x128xf32, #tpu.memory_space<hbm>>) dst(%arg14 : memref<128x128xf32, #tpu.memory_space<vmem>>)
        %dma_wait3A_82 = arith.constant 0 : i32
        %dma_wait3A_83 = arith.constant 0 : i32
        %dma_wait3A_84 = tpu.memref_slice %arg3[%dma_wait3A_82, %dma_wait3A_83] : memref<10000x128xf32, #tpu.memory_space<hbm>> -> memref<10000x128xf32, #tpu.memory_space<hbm>>
        tpu.wait_indirect_dma semaphore(%arg17 : memref<!tpu.dma_semaphore, #tpu.memory_space<semaphore_mem>>) src(%dma_wait3A_84 : memref<10000x128xf32, #tpu.memory_space<hbm>>) dst(%arg15 : memref<128x128xf32, #tpu.memory_space<vmem>>)
        %add3A_85 = arith.addi %add3A_40, %add3A_6 : i32
        %mul3A_86 = arith.constant 128 : i32
        %mul3A_87 = arith.muli %add3A_85, %mul3A_86 : i32
        %dma_start3A_88 = arith.constant 0 : i32
        %dma_start3A_89 = tpu.memref_slice %arg6[%mul3A_87, %dma_start3A_88] : memref<160000x128xf32, #tpu.memory_space<hbm>> -> memref<128x128xf32, #tpu.memory_space<hbm>>
        %dma_start3A_90 = arith.constant 0 : i32
        %dma_start3A_91 = tpu.memref_slice %arg6[%mul3A_87, %dma_start3A_90] : memref<160000x128xf32, #tpu.memory_space<hbm>> -> memref<128x128xf32, #tpu.memory_space<hbm>>
        tpu.enqueue_dma source(%arg14 : memref<128x128xf32, #tpu.memory_space<vmem>>) target(%dma_start3A_91 : memref<128x128xf32, #tpu.memory_space<hbm>>) target_semaphore(%arg19 : memref<!tpu.dma_semaphore, #tpu.memory_space<semaphore_mem>>)
        %dma_start3A_92 = arith.constant 0 : i32
        %dma_start3A_93 = tpu.memref_slice %arg7[%mul3A_87, %dma_start3A_92] : memref<160000x128xf32, #tpu.memory_space<hbm>> -> memref<128x128xf32, #tpu.memory_space<hbm>>
        %dma_start3A_94 = arith.constant 0 : i32
        %dma_start3A_95 = tpu.memref_slice %arg7[%mul3A_87, %dma_start3A_94] : memref<160000x128xf32, #tpu.memory_space<hbm>> -> memref<128x128xf32, #tpu.memory_space<hbm>>
        tpu.enqueue_dma source(%arg15 : memref<128x128xf32, #tpu.memory_space<vmem>>) target(%dma_start3A_95 : memref<128x128xf32, #tpu.memory_space<hbm>>) target_semaphore(%arg19 : memref<!tpu.dma_semaphore, #tpu.memory_space<semaphore_mem>>)
        %dma_wait3A_96 = arith.constant 0 : i32
        %dma_wait3A_97 = tpu.memref_slice %arg6[%mul3A_70, %dma_wait3A_96] : memref<160000x128xf32, #tpu.memory_space<hbm>> -> memref<128x128xf32, #tpu.memory_space<hbm>>
        %dma_wait3A_98 = arith.constant 0 : i32
        %dma_wait3A_99 = tpu.memref_slice %arg6[%mul3A_70, %dma_wait3A_98] : memref<160000x128xf32, #tpu.memory_space<hbm>> -> memref<128x128xf32, #tpu.memory_space<hbm>>
        tpu.wait_dma2 semaphore(%arg18 : memref<!tpu.dma_semaphore, #tpu.memory_space<semaphore_mem>>) src(%arg12 : memref<128x128xf32, #tpu.memory_space<vmem>>) dst(%dma_wait3A_99 : memref<128x128xf32, #tpu.memory_space<hbm>>)
        %dma_wait3A_100 = arith.constant 0 : i32
        %dma_wait3A_101 = tpu.memref_slice %arg7[%mul3A_70, %dma_wait3A_100] : memref<160000x128xf32, #tpu.memory_space<hbm>> -> memref<128x128xf32, #tpu.memory_space<hbm>>
        %dma_wait3A_102 = arith.constant 0 : i32
        %dma_wait3A_103 = tpu.memref_slice %arg7[%mul3A_70, %dma_wait3A_102] : memref<160000x128xf32, #tpu.memory_space<hbm>> -> memref<128x128xf32, #tpu.memory_space<hbm>>
        tpu.wait_dma2 semaphore(%arg18 : memref<!tpu.dma_semaphore, #tpu.memory_space<semaphore_mem>>) src(%arg13 : memref<128x128xf32, #tpu.memory_space<vmem>>) dst(%dma_wait3A_103 : memref<128x128xf32, #tpu.memory_space<hbm>>)
        %dma_wait3A_104 = arith.constant 0 : i32
        %dma_wait3A_105 = tpu.memref_slice %arg6[%mul3A_87, %dma_wait3A_104] : memref<160000x128xf32, #tpu.memory_space<hbm>> -> memref<128x128xf32, #tpu.memory_space<hbm>>
        %dma_wait3A_106 = arith.constant 0 : i32
        %dma_wait3A_107 = tpu.memref_slice %arg6[%mul3A_87, %dma_wait3A_106] : memref<160000x128xf32, #tpu.memory_space<hbm>> -> memref<128x128xf32, #tpu.memory_space<hbm>>
        tpu.wait_dma2 semaphore(%arg19 : memref<!tpu.dma_semaphore, #tpu.memory_space<semaphore_mem>>) src(%arg14 : memref<128x128xf32, #tpu.memory_space<vmem>>) dst(%dma_wait3A_107 : memref<128x128xf32, #tpu.memory_space<hbm>>)
        %dma_wait3A_108 = arith.constant 0 : i32
        %dma_wait3A_109 = tpu.memref_slice %arg7[%mul3A_87, %dma_wait3A_108] : memref<160000x128xf32, #tpu.memory_space<hbm>> -> memref<128x128xf32, #tpu.memory_space<hbm>>
        %dma_wait3A_110 = arith.constant 0 : i32
        %dma_wait3A_111 = tpu.memref_slice %arg7[%mul3A_87, %dma_wait3A_110] : memref<160000x128xf32, #tpu.memory_space<hbm>> -> memref<128x128xf32, #tpu.memory_space<hbm>>
        tpu.wait_dma2 semaphore(%arg19 : memref<!tpu.dma_semaphore, #tpu.memory_space<semaphore_mem>>) src(%arg15 : memref<128x128xf32, #tpu.memory_space<vmem>>) dst(%dma_wait3A_111 : memref<128x128xf32, #tpu.memory_space<hbm>>)
      } else {
      }
      %ge3A = arith.cmpi sge, %add3A_40, %select_n3A : i32
      %convert_element_type3A_51 = arith.extui %ge3A : i1 to i32
      %cond3A_52 = arith.constant 0 : i32
      %cond3A_53 = arith.cmpi ne, %convert_element_type3A_51, %cond3A_52 : i32
      scf.if %cond3A_53 {
        %dma_wait3A = arith.constant 0 : i32
        %dma_wait3A_54 = arith.constant 0 : i32
        %dma_wait3A_55 = tpu.memref_slice %arg2[%dma_wait3A, %dma_wait3A_54] : memref<10000x128xf32, #tpu.memory_space<hbm>> -> memref<10000x128xf32, #tpu.memory_space<hbm>>
        tpu.wait_indirect_dma semaphore(%arg16 : memref<!tpu.dma_semaphore, #tpu.memory_space<semaphore_mem>>) src(%dma_wait3A_55 : memref<10000x128xf32, #tpu.memory_space<hbm>>) dst(%arg12 : memref<128x128xf32, #tpu.memory_space<vmem>>)
        %dma_wait3A_56 = arith.constant 0 : i32
        %dma_wait3A_57 = arith.constant 0 : i32
        %dma_wait3A_58 = tpu.memref_slice %arg3[%dma_wait3A_56, %dma_wait3A_57] : memref<10000x128xf32, #tpu.memory_space<hbm>> -> memref<10000x128xf32, #tpu.memory_space<hbm>>
        tpu.wait_indirect_dma semaphore(%arg16 : memref<!tpu.dma_semaphore, #tpu.memory_space<semaphore_mem>>) src(%dma_wait3A_58 : memref<10000x128xf32, #tpu.memory_space<hbm>>) dst(%arg13 : memref<128x128xf32, #tpu.memory_space<vmem>>)
        %add3A_59 = arith.addi %mul3A_38, %add3A_6 : i32
        %mul3A_60 = arith.constant 128 : i32
        %mul3A_61 = arith.muli %add3A_59, %mul3A_60 : i32
        %dma_start3A_62 = arith.constant 0 : i32
        %dma_start3A_63 = tpu.memref_slice %arg6[%mul3A_61, %dma_start3A_62] : memref<160000x128xf32, #tpu.memory_space<hbm>> -> memref<128x128xf32, #tpu.memory_space<hbm>>
        %dma_start3A_64 = arith.constant 0 : i32
        %dma_start3A_65 = tpu.memref_slice %arg6[%mul3A_61, %dma_start3A_64] : memref<160000x128xf32, #tpu.memory_space<hbm>> -> memref<128x128xf32, #tpu.memory_space<hbm>>
        tpu.enqueue_dma source(%arg12 : memref<128x128xf32, #tpu.memory_space<vmem>>) target(%dma_start3A_65 : memref<128x128xf32, #tpu.memory_space<hbm>>) target_semaphore(%arg18 : memref<!tpu.dma_semaphore, #tpu.memory_space<semaphore_mem>>)
        %dma_start3A_66 = arith.constant 0 : i32
        %dma_start3A_67 = tpu.memref_slice %arg7[%mul3A_61, %dma_start3A_66] : memref<160000x128xf32, #tpu.memory_space<hbm>> -> memref<128x128xf32, #tpu.memory_space<hbm>>
        %dma_start3A_68 = arith.constant 0 : i32
        %dma_start3A_69 = tpu.memref_slice %arg7[%mul3A_61, %dma_start3A_68] : memref<160000x128xf32, #tpu.memory_space<hbm>> -> memref<128x128xf32, #tpu.memory_space<hbm>>
        tpu.enqueue_dma source(%arg13 : memref<128x128xf32, #tpu.memory_space<vmem>>) target(%dma_start3A_69 : memref<128x128xf32, #tpu.memory_space<hbm>>) target_semaphore(%arg18 : memref<!tpu.dma_semaphore, #tpu.memory_space<semaphore_mem>>)
        %dma_wait3A_70 = arith.constant 0 : i32
        %dma_wait3A_71 = tpu.memref_slice %arg6[%mul3A_61, %dma_wait3A_70] : memref<160000x128xf32, #tpu.memory_space<hbm>> -> memref<128x128xf32, #tpu.memory_space<hbm>>
        %dma_wait3A_72 = arith.constant 0 : i32
        %dma_wait3A_73 = tpu.memref_slice %arg6[%mul3A_61, %dma_wait3A_72] : memref<160000x128xf32, #tpu.memory_space<hbm>> -> memref<128x128xf32, #tpu.memory_space<hbm>>
        tpu.wait_dma2 semaphore(%arg18 : memref<!tpu.dma_semaphore, #tpu.memory_space<semaphore_mem>>) src(%arg12 : memref<128x128xf32, #tpu.memory_space<vmem>>) dst(%dma_wait3A_73 : memref<128x128xf32, #tpu.memory_space<hbm>>)
        %dma_wait3A_74 = arith.constant 0 : i32
        %dma_wait3A_75 = tpu.memref_slice %arg7[%mul3A_61, %dma_wait3A_74] : memref<160000x128xf32, #tpu.memory_space<hbm>> -> memref<128x128xf32, #tpu.memory_space<hbm>>
        %dma_wait3A_76 = arith.constant 0 : i32
        %dma_wait3A_77 = tpu.memref_slice %arg7[%mul3A_61, %dma_wait3A_76] : memref<160000x128xf32, #tpu.memory_space<hbm>> -> memref<128x128xf32, #tpu.memory_space<hbm>>
        tpu.wait_dma2 semaphore(%arg18 : memref<!tpu.dma_semaphore, #tpu.memory_space<semaphore_mem>>) src(%arg13 : memref<128x128xf32, #tpu.memory_space<vmem>>) dst(%dma_wait3A_77 : memref<128x128xf32, #tpu.memory_space<hbm>>)
      } else {
      }
    }
    %while3A_35 = arith.constant 1 : i32
    scf.for %while3A_36 = %while3A_33 to %while3A_29 step %while3A_35  : i32 {
      %mul3A_37 = arith.constant 2 : i32
      %mul3A_38 = arith.muli %mul3A_37, %while3A_36 : i32
      %add3A_39 = arith.constant 1 : i32
      %add3A_40 = arith.addi %mul3A_38, %add3A_39 : i32
      %add3A_41 = arith.addi %add3A_6, %mul3A_38 : i32
      %mul3A_42 = arith.constant 128 : i32
      %mul3A_43 = arith.muli %add3A_41, %mul3A_42 : i32
      "tpu.region"() ({
        %run_scoped3A = tpu.sem_alloc : memref<!tpu.dma_semaphore, #tpu.memory_space<semaphore_mem>>
        %dma_start3A_54 = tpu.memref_slice %arg4[%mul3A_43] : memref<160000xi32, #tpu.memory_space<hbm>> -> memref<128xi32, #tpu.memory_space<hbm>>
        %dma_start3A_55 = tpu.memref_slice %arg4[%mul3A_43] : memref<160000xi32, #tpu.memory_space<hbm>> -> memref<128xi32, #tpu.memory_space<hbm>>
        tpu.enqueue_dma source(%dma_start3A_55 : memref<128xi32, #tpu.memory_space<hbm>>) target(%arg8 : memref<128xi32, #tpu.memory_space<vmem>>) target_semaphore(%run_scoped3A : memref<!tpu.dma_semaphore, #tpu.memory_space<semaphore_mem>>)
        %dma_wait3A = tpu.memref_slice %arg4[%mul3A_43] : memref<160000xi32, #tpu.memory_space<hbm>> -> memref<128xi32, #tpu.memory_space<hbm>>
        %dma_wait3A_56 = tpu.memref_slice %arg4[%mul3A_43] : memref<160000xi32, #tpu.memory_space<hbm>> -> memref<128xi32, #tpu.memory_space<hbm>>
        tpu.wait_dma2 semaphore(%run_scoped3A : memref<!tpu.dma_semaphore, #tpu.memory_space<semaphore_mem>>) src(%dma_wait3A_56 : memref<128xi32, #tpu.memory_space<hbm>>) dst(%arg8 : memref<128xi32, #tpu.memory_space<vmem>>)
        tpu.yield
      }) : () -> ()
      "tpu.region"() ({
        %run_scoped3A = tpu.sem_alloc : memref<!tpu.dma_semaphore, #tpu.memory_space<semaphore_mem>>
        %dma_start3A_54 = tpu.memref_slice %arg5[%mul3A_43] : memref<160000xi32, #tpu.memory_space<hbm>> -> memref<128xi32, #tpu.memory_space<hbm>>
        %dma_start3A_55 = tpu.memref_slice %arg5[%mul3A_43] : memref<160000xi32, #tpu.memory_space<hbm>> -> memref<128xi32, #tpu.memory_space<hbm>>
        tpu.enqueue_dma source(%dma_start3A_55 : memref<128xi32, #tpu.memory_space<hbm>>) target(%arg9 : memref<128xi32, #tpu.memory_space<vmem>>) target_semaphore(%run_scoped3A : memref<!tpu.dma_semaphore, #tpu.memory_space<semaphore_mem>>)
        %dma_wait3A = tpu.memref_slice %arg5[%mul3A_43] : memref<160000xi32, #tpu.memory_space<hbm>> -> memref<128xi32, #tpu.memory_space<hbm>>
        %dma_wait3A_56 = tpu.memref_slice %arg5[%mul3A_43] : memref<160000xi32, #tpu.memory_space<hbm>> -> memref<128xi32, #tpu.memory_space<hbm>>
        tpu.wait_dma2 semaphore(%run_scoped3A : memref<!tpu.dma_semaphore, #tpu.memory_space<semaphore_mem>>) src(%dma_wait3A_56 : memref<128xi32, #tpu.memory_space<hbm>>) dst(%arg9 : memref<128xi32, #tpu.memory_space<vmem>>)
        tpu.yield
      }) : () -> ()
      %dma_start3A = arith.constant 0 : i32
      %dma_start3A_44 = arith.constant 0 : i32
      %dma_start3A_45 = tpu.memref_slice %arg2[%dma_start3A, %dma_start3A_44] : memref<10000x128xf32, #tpu.memory_space<hbm>> -> memref<10000x128xf32, #tpu.memory_space<hbm>>
      tpu.enqueue_indirect_dma source(%dma_start3A_45 : memref<10000x128xf32, #tpu.memory_space<hbm>>) target(%arg12 : memref<128x128xf32, #tpu.memory_space<vmem>>) offsets(%arg8 : memref<128xi32, #tpu.memory_space<vmem>>) semaphore(%arg16 : memref<!tpu.dma_semaphore, #tpu.memory_space<semaphore_mem>>)
      %dma_start3A_46 = arith.constant 0 : i32
      %dma_start3A_47 = arith.constant 0 : i32
      %dma_start3A_48 = tpu.memref_slice %arg3[%dma_start3A_46, %dma_start3A_47] : memref<10000x128xf32, #tpu.memory_space<hbm>> -> memref<10000x128xf32, #tpu.memory_space<hbm>>
      tpu.enqueue_indirect_dma source(%dma_start3A_48 : memref<10000x128xf32, #tpu.memory_space<hbm>>) target(%arg13 : memref<128x128xf32, #tpu.memory_space<vmem>>) offsets(%arg9 : memref<128xi32, #tpu.memory_space<vmem>>) semaphore(%arg16 : memref<!tpu.dma_semaphore, #tpu.memory_space<semaphore_mem>>)
      %lt3A_49 = arith.cmpi slt, %add3A_40, %select_n3A : i32
      %convert_element_type3A = arith.extui %lt3A_49 : i1 to i32
      %cond3A = arith.constant 0 : i32
      %cond3A_50 = arith.cmpi ne, %convert_element_type3A, %cond3A : i32
      scf.if %cond3A_50 {
        %add3A_54 = arith.addi %add3A_6, %add3A_40 : i32
        %mul3A_55 = arith.constant 128 : i32
        %mul3A_56 = arith.muli %add3A_54, %mul3A_55 : i32
        "tpu.region"() ({
          %run_scoped3A = tpu.sem_alloc : memref<!tpu.dma_semaphore, #tpu.memory_space<semaphore_mem>>
          %dma_start3A_112 = tpu.memref_slice %arg4[%mul3A_56] : memref<160000xi32, #tpu.memory_space<hbm>> -> memref<128xi32, #tpu.memory_space<hbm>>
          %dma_start3A_113 = tpu.memref_slice %arg4[%mul3A_56] : memref<160000xi32, #tpu.memory_space<hbm>> -> memref<128xi32, #tpu.memory_space<hbm>>
          tpu.enqueue_dma source(%dma_start3A_113 : memref<128xi32, #tpu.memory_space<hbm>>) target(%arg10 : memref<128xi32, #tpu.memory_space<vmem>>) target_semaphore(%run_scoped3A : memref<!tpu.dma_semaphore, #tpu.memory_space<semaphore_mem>>)
          %dma_wait3A_114 = tpu.memref_slice %arg4[%mul3A_56] : memref<160000xi32, #tpu.memory_space<hbm>> -> memref<128xi32, #tpu.memory_space<hbm>>
          %dma_wait3A_115 = tpu.memref_slice %arg4[%mul3A_56] : memref<160000xi32, #tpu.memory_space<hbm>> -> memref<128xi32, #tpu.memory_space<hbm>>
          tpu.wait_dma2 semaphore(%run_scoped3A : memref<!tpu.dma_semaphore, #tpu.memory_space<semaphore_mem>>) src(%dma_wait3A_115 : memref<128xi32, #tpu.memory_space<hbm>>) dst(%arg10 : memref<128xi32, #tpu.memory_space<vmem>>)
          tpu.yield
        }) : () -> ()
        "tpu.region"() ({
          %run_scoped3A = tpu.sem_alloc : memref<!tpu.dma_semaphore, #tpu.memory_space<semaphore_mem>>
          %dma_start3A_112 = tpu.memref_slice %arg5[%mul3A_56] : memref<160000xi32, #tpu.memory_space<hbm>> -> memref<128xi32, #tpu.memory_space<hbm>>
          %dma_start3A_113 = tpu.memref_slice %arg5[%mul3A_56] : memref<160000xi32, #tpu.memory_space<hbm>> -> memref<128xi32, #tpu.memory_space<hbm>>
          tpu.enqueue_dma source(%dma_start3A_113 : memref<128xi32, #tpu.memory_space<hbm>>) target(%arg11 : memref<128xi32, #tpu.memory_space<vmem>>) target_semaphore(%run_scoped3A : memref<!tpu.dma_semaphore, #tpu.memory_space<semaphore_mem>>)
          %dma_wait3A_114 = tpu.memref_slice %arg5[%mul3A_56] : memref<160000xi32, #tpu.memory_space<hbm>> -> memref<128xi32, #tpu.memory_space<hbm>>
          %dma_wait3A_115 = tpu.memref_slice %arg5[%mul3A_56] : memref<160000xi32, #tpu.memory_space<hbm>> -> memref<128xi32, #tpu.memory_space<hbm>>
          tpu.wait_dma2 semaphore(%run_scoped3A : memref<!tpu.dma_semaphore, #tpu.memory_space<semaphore_mem>>) src(%dma_wait3A_115 : memref<128xi32, #tpu.memory_space<hbm>>) dst(%arg11 : memref<128xi32, #tpu.memory_space<vmem>>)
          tpu.yield
        }) : () -> ()
        %dma_start3A_57 = arith.constant 0 : i32
        %dma_start3A_58 = arith.constant 0 : i32
        %dma_start3A_59 = tpu.memref_slice %arg2[%dma_start3A_57, %dma_start3A_58] : memref<10000x128xf32, #tpu.memory_space<hbm>> -> memref<10000x128xf32, #tpu.memory_space<hbm>>
        tpu.enqueue_indirect_dma source(%dma_start3A_59 : memref<10000x128xf32, #tpu.memory_space<hbm>>) target(%arg14 : memref<128x128xf32, #tpu.memory_space<vmem>>) offsets(%arg10 : memref<128xi32, #tpu.memory_space<vmem>>) semaphore(%arg17 : memref<!tpu.dma_semaphore, #tpu.memory_space<semaphore_mem>>)
        %dma_start3A_60 = arith.constant 0 : i32
        %dma_start3A_61 = arith.constant 0 : i32
        %dma_start3A_62 = tpu.memref_slice %arg3[%dma_start3A_60, %dma_start3A_61] : memref<10000x128xf32, #tpu.memory_space<hbm>> -> memref<10000x128xf32, #tpu.memory_space<hbm>>
        tpu.enqueue_indirect_dma source(%dma_start3A_62 : memref<10000x128xf32, #tpu.memory_space<hbm>>) target(%arg15 : memref<128x128xf32, #tpu.memory_space<vmem>>) offsets(%arg11 : memref<128xi32, #tpu.memory_space<vmem>>) semaphore(%arg17 : memref<!tpu.dma_semaphore, #tpu.memory_space<semaphore_mem>>)
        %dma_wait3A = arith.constant 0 : i32
        %dma_wait3A_63 = arith.constant 0 : i32
        %dma_wait3A_64 = tpu.memref_slice %arg2[%dma_wait3A, %dma_wait3A_63] : memref<10000x128xf32, #tpu.memory_space<hbm>> -> memref<10000x128xf32, #tpu.memory_space<hbm>>
        tpu.wait_indirect_dma semaphore(%arg16 : memref<!tpu.dma_semaphore, #tpu.memory_space<semaphore_mem>>) src(%dma_wait3A_64 : memref<10000x128xf32, #tpu.memory_space<hbm>>) dst(%arg12 : memref<128x128xf32, #tpu.memory_space<vmem>>)
        %dma_wait3A_65 = arith.constant 0 : i32
        %dma_wait3A_66 = arith.constant 0 : i32
        %dma_wait3A_67 = tpu.memref_slice %arg3[%dma_wait3A_65, %dma_wait3A_66] : memref<10000x128xf32, #tpu.memory_space<hbm>> -> memref<10000x128xf32, #tpu.memory_space<hbm>>
        tpu.wait_indirect_dma semaphore(%arg16 : memref<!tpu.dma_semaphore, #tpu.memory_space<semaphore_mem>>) src(%dma_wait3A_67 : memref<10000x128xf32, #tpu.memory_space<hbm>>) dst(%arg13 : memref<128x128xf32, #tpu.memory_space<vmem>>)
        %add3A_68 = arith.addi %mul3A_38, %add3A_6 : i32
        %mul3A_69 = arith.constant 128 : i32
        %mul3A_70 = arith.muli %add3A_68, %mul3A_69 : i32
        %dma_start3A_71 = arith.constant 0 : i32
        %dma_start3A_72 = tpu.memref_slice %arg6[%mul3A_70, %dma_start3A_71] : memref<160000x128xf32, #tpu.memory_space<hbm>> -> memref<128x128xf32, #tpu.memory_space<hbm>>
        %dma_start3A_73 = arith.constant 0 : i32
        %dma_start3A_74 = tpu.memref_slice %arg6[%mul3A_70, %dma_start3A_73] : memref<160000x128xf32, #tpu.memory_space<hbm>> -> memref<128x128xf32, #tpu.memory_space<hbm>>
        tpu.enqueue_dma source(%arg12 : memref<128x128xf32, #tpu.memory_space<vmem>>) target(%dma_start3A_74 : memref<128x128xf32, #tpu.memory_space<hbm>>) target_semaphore(%arg18 : memref<!tpu.dma_semaphore, #tpu.memory_space<semaphore_mem>>)
        %dma_start3A_75 = arith.constant 0 : i32
        %dma_start3A_76 = tpu.memref_slice %arg7[%mul3A_70, %dma_start3A_75] : memref<160000x128xf32, #tpu.memory_space<hbm>> -> memref<128x128xf32, #tpu.memory_space<hbm>>
        %dma_start3A_77 = arith.constant 0 : i32
        %dma_start3A_78 = tpu.memref_slice %arg7[%mul3A_70, %dma_start3A_77] : memref<160000x128xf32, #tpu.memory_space<hbm>> -> memref<128x128xf32, #tpu.memory_space<hbm>>
        tpu.enqueue_dma source(%arg13 : memref<128x128xf32, #tpu.memory_space<vmem>>) target(%dma_start3A_78 : memref<128x128xf32, #tpu.memory_space<hbm>>) target_semaphore(%arg18 : memref<!tpu.dma_semaphore, #tpu.memory_space<semaphore_mem>>)
        %dma_wait3A_79 = arith.constant 0 : i32
        %dma_wait3A_80 = arith.constant 0 : i32
        %dma_wait3A_81 = tpu.memref_slice %arg2[%dma_wait3A_79, %dma_wait3A_80] : memref<10000x128xf32, #tpu.memory_space<hbm>> -> memref<10000x128xf32, #tpu.memory_space<hbm>>
        tpu.wait_indirect_dma semaphore(%arg17 : memref<!tpu.dma_semaphore, #tpu.memory_space<semaphore_mem>>) src(%dma_wait3A_81 : memref<10000x128xf32, #tpu.memory_space<hbm>>) dst(%arg14 : memref<128x128xf32, #tpu.memory_space<vmem>>)
        %dma_wait3A_82 = arith.constant 0 : i32
        %dma_wait3A_83 = arith.constant 0 : i32
        %dma_wait3A_84 = tpu.memref_slice %arg3[%dma_wait3A_82, %dma_wait3A_83] : memref<10000x128xf32, #tpu.memory_space<hbm>> -> memref<10000x128xf32, #tpu.memory_space<hbm>>
        tpu.wait_indirect_dma semaphore(%arg17 : memref<!tpu.dma_semaphore, #tpu.memory_space<semaphore_mem>>) src(%dma_wait3A_84 : memref<10000x128xf32, #tpu.memory_space<hbm>>) dst(%arg15 : memref<128x128xf32, #tpu.memory_space<vmem>>)
        %add3A_85 = arith.addi %add3A_40, %add3A_6 : i32
        %mul3A_86 = arith.constant 128 : i32
        %mul3A_87 = arith.muli %add3A_85, %mul3A_86 : i32
        %dma_start3A_88 = arith.constant 0 : i32
        %dma_start3A_89 = tpu.memref_slice %arg6[%mul3A_87, %dma_start3A_88] : memref<160000x128xf32, #tpu.memory_space<hbm>> -> memref<128x128xf32, #tpu.memory_space<hbm>>
        %dma_start3A_90 = arith.constant 0 : i32
        %dma_start3A_91 = tpu.memref_slice %arg6[%mul3A_87, %dma_start3A_90] : memref<160000x128xf32, #tpu.memory_space<hbm>> -> memref<128x128xf32, #tpu.memory_space<hbm>>
        tpu.enqueue_dma source(%arg14 : memref<128x128xf32, #tpu.memory_space<vmem>>) target(%dma_start3A_91 : memref<128x128xf32, #tpu.memory_space<hbm>>) target_semaphore(%arg19 : memref<!tpu.dma_semaphore, #tpu.memory_space<semaphore_mem>>)
        %dma_start3A_92 = arith.constant 0 : i32
        %dma_start3A_93 = tpu.memref_slice %arg7[%mul3A_87, %dma_start3A_92] : memref<160000x128xf32, #tpu.memory_space<hbm>> -> memref<128x128xf32, #tpu.memory_space<hbm>>
        %dma_start3A_94 = arith.constant 0 : i32
        %dma_start3A_95 = tpu.memref_slice %arg7[%mul3A_87, %dma_start3A_94] : memref<160000x128xf32, #tpu.memory_space<hbm>> -> memref<128x128xf32, #tpu.memory_space<hbm>>
        tpu.enqueue_dma source(%arg15 : memref<128x128xf32, #tpu.memory_space<vmem>>) target(%dma_start3A_95 : memref<128x128xf32, #tpu.memory_space<hbm>>) target_semaphore(%arg19 : memref<!tpu.dma_semaphore, #tpu.memory_space<semaphore_mem>>)
        %dma_wait3A_96 = arith.constant 0 : i32
        %dma_wait3A_97 = tpu.memref_slice %arg6[%mul3A_70, %dma_wait3A_96] : memref<160000x128xf32, #tpu.memory_space<hbm>> -> memref<128x128xf32, #tpu.memory_space<hbm>>
        %dma_wait3A_98 = arith.constant 0 : i32
        %dma_wait3A_99 = tpu.memref_slice %arg6[%mul3A_70, %dma_wait3A_98] : memref<160000x128xf32, #tpu.memory_space<hbm>> -> memref<128x128xf32, #tpu.memory_space<hbm>>
        tpu.wait_dma2 semaphore(%arg18 : memref<!tpu.dma_semaphore, #tpu.memory_space<semaphore_mem>>) src(%arg12 : memref<128x128xf32, #tpu.memory_space<vmem>>) dst(%dma_wait3A_99 : memref<128x128xf32, #tpu.memory_space<hbm>>)
        %dma_wait3A_100 = arith.constant 0 : i32
        %dma_wait3A_101 = tpu.memref_slice %arg7[%mul3A_70, %dma_wait3A_100] : memref<160000x128xf32, #tpu.memory_space<hbm>> -> memref<128x128xf32, #tpu.memory_space<hbm>>
        %dma_wait3A_102 = arith.constant 0 : i32
        %dma_wait3A_103 = tpu.memref_slice %arg7[%mul3A_70, %dma_wait3A_102] : memref<160000x128xf32, #tpu.memory_space<hbm>> -> memref<128x128xf32, #tpu.memory_space<hbm>>
        tpu.wait_dma2 semaphore(%arg18 : memref<!tpu.dma_semaphore, #tpu.memory_space<semaphore_mem>>) src(%arg13 : memref<128x128xf32, #tpu.memory_space<vmem>>) dst(%dma_wait3A_103 : memref<128x128xf32, #tpu.memory_space<hbm>>)
        %dma_wait3A_104 = arith.constant 0 : i32
        %dma_wait3A_105 = tpu.memref_slice %arg6[%mul3A_87, %dma_wait3A_104] : memref<160000x128xf32, #tpu.memory_space<hbm>> -> memref<128x128xf32, #tpu.memory_space<hbm>>
        %dma_wait3A_106 = arith.constant 0 : i32
        %dma_wait3A_107 = tpu.memref_slice %arg6[%mul3A_87, %dma_wait3A_106] : memref<160000x128xf32, #tpu.memory_space<hbm>> -> memref<128x128xf32, #tpu.memory_space<hbm>>
        tpu.wait_dma2 semaphore(%arg19 : memref<!tpu.dma_semaphore, #tpu.memory_space<semaphore_mem>>) src(%arg14 : memref<128x128xf32, #tpu.memory_space<vmem>>) dst(%dma_wait3A_107 : memref<128x128xf32, #tpu.memory_space<hbm>>)
        %dma_wait3A_108 = arith.constant 0 : i32
        %dma_wait3A_109 = tpu.memref_slice %arg7[%mul3A_87, %dma_wait3A_108] : memref<160000x128xf32, #tpu.memory_space<hbm>> -> memref<128x128xf32, #tpu.memory_space<hbm>>
        %dma_wait3A_110 = arith.constant 0 : i32
        %dma_wait3A_111 = tpu.memref_slice %arg7[%mul3A_87, %dma_wait3A_110] : memref<160000x128xf32, #tpu.memory_space<hbm>> -> memref<128x128xf32, #tpu.memory_space<hbm>>
        tpu.wait_dma2 semaphore(%arg19 : memref<!tpu.dma_semaphore, #tpu.memory_space<semaphore_mem>>) src(%arg15 : memref<128x128xf32, #tpu.memory_space<vmem>>) dst(%dma_wait3A_111 : memref<128x128xf32, #tpu.memory_space<hbm>>)
      } else {
      }
      %ge3A = arith.cmpi sge, %add3A_40, %select_n3A : i32
      %convert_element_type3A_51 = arith.extui %ge3A : i1 to i32
      %cond3A_52 = arith.constant 0 : i32
      %cond3A_53 = arith.cmpi ne, %convert_element_type3A_51, %cond3A_52 : i32
      scf.if %cond3A_53 {
        %dma_wait3A = arith.constant 0 : i32
        %dma_wait3A_54 = arith.constant 0 : i32
        %dma_wait3A_55 = tpu.memref_slice %arg2[%dma_wait3A, %dma_wait3A_54] : memref<10000x128xf32, #tpu.memory_space<hbm>> -> memref<10000x128xf32, #tpu.memory_space<hbm>>
        tpu.wait_indirect_dma semaphore(%arg16 : memref<!tpu.dma_semaphore, #tpu.memory_space<semaphore_mem>>) src(%dma_wait3A_55 : memref<10000x128xf32, #tpu.memory_space<hbm>>) dst(%arg12 : memref<128x128xf32, #tpu.memory_space<vmem>>)
        %dma_wait3A_56 = arith.constant 0 : i32
        %dma_wait3A_57 = arith.constant 0 : i32
        %dma_wait3A_58 = tpu.memref_slice %arg3[%dma_wait3A_56, %dma_wait3A_57] : memref<10000x128xf32, #tpu.memory_space<hbm>> -> memref<10000x128xf32, #tpu.memory_space<hbm>>
        tpu.wait_indirect_dma semaphore(%arg16 : memref<!tpu.dma_semaphore, #tpu.memory_space<semaphore_mem>>) src(%dma_wait3A_58 : memref<10000x128xf32, #tpu.memory_space<hbm>>) dst(%arg13 : memref<128x128xf32, #tpu.memory_space<vmem>>)
        %add3A_59 = arith.addi %mul3A_38, %add3A_6 : i32
        %mul3A_60 = arith.constant 128 : i32
        %mul3A_61 = arith.muli %add3A_59, %mul3A_60 : i32
        %dma_start3A_62 = arith.constant 0 : i32
        %dma_start3A_63 = tpu.memref_slice %arg6[%mul3A_61, %dma_start3A_62] : memref<160000x128xf32, #tpu.memory_space<hbm>> -> memref<128x128xf32, #tpu.memory_space<hbm>>
        %dma_start3A_64 = arith.constant 0 : i32
        %dma_start3A_65 = tpu.memref_slice %arg6[%mul3A_61, %dma_start3A_64] : memref<160000x128xf32, #tpu.memory_space<hbm>> -> memref<128x128xf32, #tpu.memory_space<hbm>>
        tpu.enqueue_dma source(%arg12 : memref<128x128xf32, #tpu.memory_space<vmem>>) target(%dma_start3A_65 : memref<128x128xf32, #tpu.memory_space<hbm>>) target_semaphore(%arg18 : memref<!tpu.dma_semaphore, #tpu.memory_space<semaphore_mem>>)
        %dma_start3A_66 = arith.constant 0 : i32
        %dma_start3A_67 = tpu.memref_slice %arg7[%mul3A_61, %dma_start3A_66] : memref<160000x128xf32, #tpu.memory_space<hbm>> -> memref<128x128xf32, #tpu.memory_space<hbm>>
        %dma_start3A_68 = arith.constant 0 : i32
        %dma_start3A_69 = tpu.memref_slice %arg7[%mul3A_61, %dma_start3A_68] : memref<160000x128xf32, #tpu.memory_space<hbm>> -> memref<128x128xf32, #tpu.memory_space<hbm>>
        tpu.enqueue_dma source(%arg13 : memref<128x128xf32, #tpu.memory_space<vmem>>) target(%dma_start3A_69 : memref<128x128xf32, #tpu.memory_space<hbm>>) target_semaphore(%arg18 : memref<!tpu.dma_semaphore, #tpu.memory_space<semaphore_mem>>)
        %dma_wait3A_70 = arith.constant 0 : i32
        %dma_wait3A_71 = tpu.memref_slice %arg6[%mul3A_61, %dma_wait3A_70] : memref<160000x128xf32, #tpu.memory_space<hbm>> -> memref<128x128xf32, #tpu.memory_space<hbm>>
        %dma_wait3A_72 = arith.constant 0 : i32
        %dma_wait3A_73 = tpu.memref_slice %arg6[%mul3A_61, %dma_wait3A_72] : memref<160000x128xf32, #tpu.memory_space<hbm>> -> memref<128x128xf32, #tpu.memory_space<hbm>>
        tpu.wait_dma2 semaphore(%arg18 : memref<!tpu.dma_semaphore, #tpu.memory_space<semaphore_mem>>) src(%arg12 : memref<128x128xf32, #tpu.memory_space<vmem>>) dst(%dma_wait3A_73 : memref<128x128xf32, #tpu.memory_space<hbm>>)
        %dma_wait3A_74 = arith.constant 0 : i32
        %dma_wait3A_75 = tpu.memref_slice %arg7[%mul3A_61, %dma_wait3A_74] : memref<160000x128xf32, #tpu.memory_space<hbm>> -> memref<128x128xf32, #tpu.memory_space<hbm>>
        %dma_wait3A_76 = arith.constant 0 : i32
        %dma_wait3A_77 = tpu.memref_slice %arg7[%mul3A_61, %dma_wait3A_76] : memref<160000x128xf32, #tpu.memory_space<hbm>> -> memref<128x128xf32, #tpu.memory_space<hbm>>
        tpu.wait_dma2 semaphore(%arg18 : memref<!tpu.dma_semaphore, #tpu.memory_space<semaphore_mem>>) src(%arg13 : memref<128x128xf32, #tpu.memory_space<vmem>>) dst(%dma_wait3A_77 : memref<128x128xf32, #tpu.memory_space<hbm>>)
      } else {
      }
    }
    return
  }
}

#map = affine_map<(d0, d1) -> (0, 0)>
#map1 = affine_map<(d0, d1) -> (0)>
module attributes {stable_mosaic.version = 14 : i64} {
  func.func @_sc_scatter2(%arg0: i32, %arg1: i32, %arg2: memref<160000x128xf32, #tpu.memory_space<hbm>>, %arg3: memref<160000xi32, #tpu.memory_space<hbm>>, %arg4: memref<160000xi32, #tpu.memory_space<hbm>>, %arg5: memref<10000x128xf32, #tpu.memory_space<hbm>>, %arg6: memref<10000x128xf32, #tpu.memory_space<hbm>>, %arg7: memref<10000x128xf32, #tpu.memory_space<hbm>>, %arg8: memref<128xi32, #tpu.memory_space<vmem>>, %arg9: memref<128xi32, #tpu.memory_space<vmem>>, %arg10: memref<128x128xf32, #tpu.memory_space<vmem>>, %arg11: memref<128x128xf32, #tpu.memory_space<vmem>>, %arg12: memref<10000x128xf32, #tpu.memory_space<vmem_shared>>, %arg13: memref<!tpu.dma_semaphore, #tpu.memory_space<semaphore_mem>>, %arg14: memref<!tpu.dma_semaphore, #tpu.memory_space<semaphore_mem>>, %arg15: memref<!tpu.dma_semaphore, #tpu.memory_space<semaphore_mem>>) attributes {dimension_semantics = [#tpu.dimension_semantics<core_parallel>, #tpu.dimension_semantics<subcore_parallel>], iteration_bounds = array<i64: 2, 16>, scalar_prefetch = 0 : i64, scratch_operands = 8 : i64, tpu.core_type = #tpu.core_type<sc_vector_subcore>, window_params = [{transform_indices = #map}, {transform_indices = #map1}, {transform_indices = #map1}, {transform_indices = #map}, {transform_indices = #map}, {transform_indices = #map}]} {
    %mul3A = arith.constant 624 : i32
    %mul3A_0 = arith.muli %arg1, %mul3A : i32
    "tpu.region"() ({
      %run_scoped3A = tpu.sem_alloc : memref<!tpu.dma_semaphore, #tpu.memory_space<semaphore_mem>>
      %dma_start3A = arith.constant 0 : i32
      %dma_start3A_29 = tpu.memref_slice %arg12[%mul3A_0, %dma_start3A] : memref<10000x128xf32, #tpu.memory_space<vmem_shared>> -> memref<624x128xf32, #tpu.memory_space<vmem_shared>>
      %dma_start3A_30 = arith.constant 0 : i32
      %dma_start3A_31 = tpu.memref_slice %arg5[%mul3A_0, %dma_start3A_30] : memref<10000x128xf32, #tpu.memory_space<hbm>> -> memref<624x128xf32, #tpu.memory_space<hbm>>
      tpu.enqueue_dma source(%dma_start3A_31 : memref<624x128xf32, #tpu.memory_space<hbm>>) target(%dma_start3A_29 : memref<624x128xf32, #tpu.memory_space<vmem_shared>>) target_semaphore(%run_scoped3A : memref<!tpu.dma_semaphore, #tpu.memory_space<semaphore_mem>>)
      %dma_wait3A = arith.constant 0 : i32
      %dma_wait3A_32 = tpu.memref_slice %arg12[%mul3A_0, %dma_wait3A] : memref<10000x128xf32, #tpu.memory_space<vmem_shared>> -> memref<624x128xf32, #tpu.memory_space<vmem_shared>>
      %dma_wait3A_33 = arith.constant 0 : i32
      %dma_wait3A_34 = tpu.memref_slice %arg5[%mul3A_0, %dma_wait3A_33] : memref<10000x128xf32, #tpu.memory_space<hbm>> -> memref<624x128xf32, #tpu.memory_space<hbm>>
      tpu.wait_dma2 semaphore(%run_scoped3A : memref<!tpu.dma_semaphore, #tpu.memory_space<semaphore_mem>>) src(%dma_wait3A_34 : memref<624x128xf32, #tpu.memory_space<hbm>>) dst(%dma_wait3A_32 : memref<624x128xf32, #tpu.memory_space<vmem_shared>>)
      tpu.yield
    }) : () -> ()
    %eq3A = arith.constant 15 : i32
    %eq3A_1 = arith.cmpi eq, %arg1, %eq3A : i32
    %convert_element_type3A = arith.extui %eq3A_1 : i1 to i32
    %cond3A = arith.constant 0 : i32
    %cond3A_2 = arith.cmpi ne, %convert_element_type3A, %cond3A : i32
    scf.if %cond3A_2 {
      "tpu.region"() ({
        %run_scoped3A = tpu.sem_alloc : memref<!tpu.dma_semaphore, #tpu.memory_space<semaphore_mem>>
        %dma_start3A = arith.constant 9984 : i32
        %dma_start3A_29 = arith.constant 0 : i32
        %dma_start3A_30 = tpu.memref_slice %arg12[%dma_start3A, %dma_start3A_29] : memref<10000x128xf32, #tpu.memory_space<vmem_shared>> -> memref<16x128xf32, #tpu.memory_space<vmem_shared>>
        %dma_start3A_31 = arith.constant 9984 : i32
        %dma_start3A_32 = arith.constant 0 : i32
        %dma_start3A_33 = tpu.memref_slice %arg5[%dma_start3A_31, %dma_start3A_32] : memref<10000x128xf32, #tpu.memory_space<hbm>> -> memref<16x128xf32, #tpu.memory_space<hbm>>
        tpu.enqueue_dma source(%dma_start3A_33 : memref<16x128xf32, #tpu.memory_space<hbm>>) target(%dma_start3A_30 : memref<16x128xf32, #tpu.memory_space<vmem_shared>>) target_semaphore(%run_scoped3A : memref<!tpu.dma_semaphore, #tpu.memory_space<semaphore_mem>>)
        %dma_wait3A = arith.constant 9984 : i32
        %dma_wait3A_34 = arith.constant 0 : i32
        %dma_wait3A_35 = tpu.memref_slice %arg12[%dma_wait3A, %dma_wait3A_34] : memref<10000x128xf32, #tpu.memory_space<vmem_shared>> -> memref<16x128xf32, #tpu.memory_space<vmem_shared>>
        %dma_wait3A_36 = arith.constant 9984 : i32
        %dma_wait3A_37 = arith.constant 0 : i32
        %dma_wait3A_38 = tpu.memref_slice %arg5[%dma_wait3A_36, %dma_wait3A_37] : memref<10000x128xf32, #tpu.memory_space<hbm>> -> memref<16x128xf32, #tpu.memory_space<hbm>>
        tpu.wait_dma2 semaphore(%run_scoped3A : memref<!tpu.dma_semaphore, #tpu.memory_space<semaphore_mem>>) src(%dma_wait3A_38 : memref<16x128xf32, #tpu.memory_space<hbm>>) dst(%dma_wait3A_35 : memref<16x128xf32, #tpu.memory_space<vmem_shared>>)
        tpu.yield
      }) : () -> ()
    } else {
    }
    %lt3A = arith.constant 2 : i32
    %lt3A_3 = arith.cmpi slt, %arg1, %lt3A : i32
    %jit3A = arith.constant 79 : i32
    %jit3A_4 = arith.constant 78 : i32
    %select_n3A = arith.select %lt3A_3, %jit3A, %jit3A_4 : i32
    %mul3A_5 = arith.constant 78 : i32
    %mul3A_6 = arith.muli %mul3A_5, %arg1 : i32
    %min3A = arith.constant 2 : i32
    %min3A_7 = arith.minsi %arg1, %min3A : i32
    %add3A = arith.addi %mul3A_6, %min3A_7 : i32
    %barrier3A = arith.constant 0 : index
    tpu.barrier barrier_id(%barrier3A)
    %eq3A_8 = arith.constant 0 : i32
    %eq3A_9 = arith.cmpi eq, %arg0, %eq3A_8 : i32
    %convert_element_type3A_10 = arith.extui %eq3A_9 : i1 to i32
    %cond3A_11 = arith.constant 0 : i32
    %cond3A_12 = arith.cmpi ne, %convert_element_type3A_10, %cond3A_11 : i32
    scf.if %cond3A_12 {
      %add3A_29 = arith.constant 0 : i32
      %add3A_30 = arith.addi %add3A, %add3A_29 : i32
      %mul3A_31 = arith.constant 128 : i32
      %mul3A_32 = arith.muli %add3A_30, %mul3A_31 : i32
      %dma_start3A = arith.constant 0 : i32
      %dma_start3A_33 = tpu.memref_slice %arg2[%mul3A_32, %dma_start3A] : memref<160000x128xf32, #tpu.memory_space<hbm>> -> memref<128x128xf32, #tpu.memory_space<hbm>>
      %dma_start3A_34 = arith.constant 0 : i32
      %dma_start3A_35 = tpu.memref_slice %arg2[%mul3A_32, %dma_start3A_34] : memref<160000x128xf32, #tpu.memory_space<hbm>> -> memref<128x128xf32, #tpu.memory_space<hbm>>
      tpu.enqueue_dma source(%dma_start3A_35 : memref<128x128xf32, #tpu.memory_space<hbm>>) target(%arg10 : memref<128x128xf32, #tpu.memory_space<vmem>>) target_semaphore(%arg13 : memref<!tpu.dma_semaphore, #tpu.memory_space<semaphore_mem>>)
      %dma_start3A_36 = tpu.memref_slice %arg3[%mul3A_32] : memref<160000xi32, #tpu.memory_space<hbm>> -> memref<128xi32, #tpu.memory_space<hbm>>
      %dma_start3A_37 = tpu.memref_slice %arg3[%mul3A_32] : memref<160000xi32, #tpu.memory_space<hbm>> -> memref<128xi32, #tpu.memory_space<hbm>>
      tpu.enqueue_dma source(%dma_start3A_37 : memref<128xi32, #tpu.memory_space<hbm>>) target(%arg8 : memref<128xi32, #tpu.memory_space<vmem>>) target_semaphore(%arg13 : memref<!tpu.dma_semaphore, #tpu.memory_space<semaphore_mem>>)
      %add3A_38 = arith.constant 1 : i32
      %add3A_39 = arith.addi %select_n3A, %add3A_38 : i32
      %jit3A_40 = arith.constant 2 : i32
      %div3A = arith.divsi %add3A_39, %jit3A_40 : i32
      %sign3A = arith.constant 0 : i32
      %sign3A_41 = arith.cmpi sgt, %add3A_39, %sign3A : i32
      %sign3A_42 = arith.extui %sign3A_41 : i1 to i32
      %sign3A_43 = arith.constant 0 : i32
      %sign3A_44 = arith.cmpi slt, %add3A_39, %sign3A_43 : i32
      %sign3A_45 = arith.extui %sign3A_44 : i1 to i32
      %sign3A_46 = arith.subi %sign3A_42, %sign3A_45 : i32
      %sign3A_47 = arith.constant 0 : i32
      %sign3A_48 = arith.cmpi sgt, %jit3A_40, %sign3A_47 : i32
      %sign3A_49 = arith.extui %sign3A_48 : i1 to i32
      %sign3A_50 = arith.constant 0 : i32
      %sign3A_51 = arith.cmpi slt, %jit3A_40, %sign3A_50 : i32
      %sign3A_52 = arith.extui %sign3A_51 : i1 to i32
      %sign3A_53 = arith.subi %sign3A_49, %sign3A_52 : i32
      %ne3A = arith.cmpi ne, %sign3A_46, %sign3A_53 : i32
      %rem3A = arith.remsi %add3A_39, %jit3A_40 : i32
      %ne3A_54 = arith.constant 0 : i32
      %ne3A_55 = arith.cmpi ne, %rem3A, %ne3A_54 : i32
      %and3A = arith.andi %ne3A, %ne3A_55 : i1
      %sub3A = arith.constant 1 : i32
      %sub3A_56 = arith.subi %div3A, %sub3A : i32
      %select_n3A_57 = arith.select %and3A, %sub3A_56, %div3A : i32
      %while3A = arith.constant 0 : i32
      %while3A_58 = arith.constant 0 : i32
      %while3A_59 = arith.subi %select_n3A_57, %while3A_58 : i32
      %while3A_60 = arith.addi %while3A_58, %while3A_59 : i32
      %while3A_61 = arith.constant 1 : i32
      %while3A_62 = arith.divsi %while3A_59, %while3A_61 : i32
      %while3A_63 = arith.muli %while3A_62, %while3A_61 : i32
      %while3A_64 = arith.addi %while3A_58, %while3A_63 : i32
      %while3A_65 = arith.constant 1 : i32
      scf.for %while3A_67 = %while3A_58 to %while3A_64 step %while3A_65  : i32 {
        %mul3A_68 = arith.constant 2 : i32
        %mul3A_69 = arith.muli %mul3A_68, %while3A_67 : i32
        %add3A_70 = arith.constant 1 : i32
        %add3A_71 = arith.addi %mul3A_69, %add3A_70 : i32
        %dma_wait3A = arith.constant 0 : i32
        %dma_wait3A_72 = arith.constant 0 : i32
        %dma_wait3A_73 = tpu.memref_slice %arg2[%dma_wait3A, %dma_wait3A_72] : memref<160000x128xf32, #tpu.memory_space<hbm>> -> memref<128x128xf32, #tpu.memory_space<hbm>>
        %dma_wait3A_74 = arith.constant 0 : i32
        %dma_wait3A_75 = arith.constant 0 : i32
        %dma_wait3A_76 = tpu.memref_slice %arg2[%dma_wait3A_74, %dma_wait3A_75] : memref<160000x128xf32, #tpu.memory_space<hbm>> -> memref<128x128xf32, #tpu.memory_space<hbm>>
        tpu.wait_dma2 semaphore(%arg13 : memref<!tpu.dma_semaphore, #tpu.memory_space<semaphore_mem>>) src(%dma_wait3A_76 : memref<128x128xf32, #tpu.memory_space<hbm>>) dst(%arg10 : memref<128x128xf32, #tpu.memory_space<vmem>>)
        %dma_wait3A_77 = arith.constant 0 : i32
        %dma_wait3A_78 = tpu.memref_slice %arg3[%dma_wait3A_77] : memref<160000xi32, #tpu.memory_space<hbm>> -> memref<128xi32, #tpu.memory_space<hbm>>
        %dma_wait3A_79 = arith.constant 0 : i32
        %dma_wait3A_80 = tpu.memref_slice %arg3[%dma_wait3A_79] : memref<160000xi32, #tpu.memory_space<hbm>> -> memref<128xi32, #tpu.memory_space<hbm>>
        tpu.wait_dma2 semaphore(%arg13 : memref<!tpu.dma_semaphore, #tpu.memory_space<semaphore_mem>>) src(%dma_wait3A_80 : memref<128xi32, #tpu.memory_space<hbm>>) dst(%arg8 : memref<128xi32, #tpu.memory_space<vmem>>)
        %lt3A_81 = arith.cmpi slt, %add3A_71, %select_n3A : i32
        %convert_element_type3A_82 = arith.extui %lt3A_81 : i1 to i32
        %cond3A_83 = arith.constant 0 : i32
        %cond3A_84 = arith.cmpi ne, %convert_element_type3A_82, %cond3A_83 : i32
        scf.if %cond3A_84 {
          %add3A_95 = arith.addi %add3A, %add3A_71 : i32
          %mul3A_96 = arith.constant 128 : i32
          %mul3A_97 = arith.muli %add3A_95, %mul3A_96 : i32
          %dma_start3A_98 = arith.constant 0 : i32
          %dma_start3A_99 = tpu.memref_slice %arg2[%mul3A_97, %dma_start3A_98] : memref<160000x128xf32, #tpu.memory_space<hbm>> -> memref<128x128xf32, #tpu.memory_space<hbm>>
          %dma_start3A_100 = arith.constant 0 : i32
          %dma_start3A_101 = tpu.memref_slice %arg2[%mul3A_97, %dma_start3A_100] : memref<160000x128xf32, #tpu.memory_space<hbm>> -> memref<128x128xf32, #tpu.memory_space<hbm>>
          tpu.enqueue_dma source(%dma_start3A_101 : memref<128x128xf32, #tpu.memory_space<hbm>>) target(%arg11 : memref<128x128xf32, #tpu.memory_space<vmem>>) target_semaphore(%arg14 : memref<!tpu.dma_semaphore, #tpu.memory_space<semaphore_mem>>)
          %dma_start3A_102 = tpu.memref_slice %arg3[%mul3A_97] : memref<160000xi32, #tpu.memory_space<hbm>> -> memref<128xi32, #tpu.memory_space<hbm>>
          %dma_start3A_103 = tpu.memref_slice %arg3[%mul3A_97] : memref<160000xi32, #tpu.memory_space<hbm>> -> memref<128xi32, #tpu.memory_space<hbm>>
          tpu.enqueue_dma source(%dma_start3A_103 : memref<128xi32, #tpu.memory_space<hbm>>) target(%arg9 : memref<128xi32, #tpu.memory_space<vmem>>) target_semaphore(%arg14 : memref<!tpu.dma_semaphore, #tpu.memory_space<semaphore_mem>>)
        } else {
        }
        %dma_start3A_85 = arith.constant 0 : i32
        %dma_start3A_86 = arith.constant 0 : i32
        %dma_start3A_87 = tpu.memref_slice %arg12[%dma_start3A_85, %dma_start3A_86] : memref<10000x128xf32, #tpu.memory_space<vmem_shared>> -> memref<10000x128xf32, #tpu.memory_space<vmem_shared>>
        tpu.enqueue_indirect_dma source(%arg10 : memref<128x128xf32, #tpu.memory_space<vmem>>) target(%dma_start3A_87 : memref<10000x128xf32, #tpu.memory_space<vmem_shared>>) offsets(%arg8 : memref<128xi32, #tpu.memory_space<vmem>>) semaphore(%arg15 : memref<!tpu.dma_semaphore, #tpu.memory_space<semaphore_mem>>) {add = true}
        %dma_wait3A_88 = arith.constant 0 : i32
        %dma_wait3A_89 = arith.constant 0 : i32
        %dma_wait3A_90 = tpu.memref_slice %arg12[%dma_wait3A_88, %dma_wait3A_89] : memref<10000x128xf32, #tpu.memory_space<vmem_shared>> -> memref<10000x128xf32, #tpu.memory_space<vmem_shared>>
        tpu.wait_indirect_dma semaphore(%arg15 : memref<!tpu.dma_semaphore, #tpu.memory_space<semaphore_mem>>) src(%arg10 : memref<128x128xf32, #tpu.memory_space<vmem>>) dst(%dma_wait3A_90 : memref<10000x128xf32, #tpu.memory_space<vmem_shared>>)
        %lt3A_91 = arith.cmpi slt, %add3A_71, %select_n3A : i32
        %convert_element_type3A_92 = arith.extui %lt3A_91 : i1 to i32
        %cond3A_93 = arith.constant 0 : i32
        %cond3A_94 = arith.cmpi ne, %convert_element_type3A_92, %cond3A_93 : i32
        scf.if %cond3A_94 {
          %dma_wait3A_95 = arith.constant 0 : i32
          %dma_wait3A_96 = arith.constant 0 : i32
          %dma_wait3A_97 = tpu.memref_slice %arg2[%dma_wait3A_95, %dma_wait3A_96] : memref<160000x128xf32, #tpu.memory_space<hbm>> -> memref<128x128xf32, #tpu.memory_space<hbm>>
          %dma_wait3A_98 = arith.constant 0 : i32
          %dma_wait3A_99 = arith.constant 0 : i32
          %dma_wait3A_100 = tpu.memref_slice %arg2[%dma_wait3A_98, %dma_wait3A_99] : memref<160000x128xf32, #tpu.memory_space<hbm>> -> memref<128x128xf32, #tpu.memory_space<hbm>>
          tpu.wait_dma2 semaphore(%arg14 : memref<!tpu.dma_semaphore, #tpu.memory_space<semaphore_mem>>) src(%dma_wait3A_100 : memref<128x128xf32, #tpu.memory_space<hbm>>) dst(%arg11 : memref<128x128xf32, #tpu.memory_space<vmem>>)
          %dma_wait3A_101 = arith.constant 0 : i32
          %dma_wait3A_102 = tpu.memref_slice %arg3[%dma_wait3A_101] : memref<160000xi32, #tpu.memory_space<hbm>> -> memref<128xi32, #tpu.memory_space<hbm>>
          %dma_wait3A_103 = arith.constant 0 : i32
          %dma_wait3A_104 = tpu.memref_slice %arg3[%dma_wait3A_103] : memref<160000xi32, #tpu.memory_space<hbm>> -> memref<128xi32, #tpu.memory_space<hbm>>
          tpu.wait_dma2 semaphore(%arg14 : memref<!tpu.dma_semaphore, #tpu.memory_space<semaphore_mem>>) src(%dma_wait3A_104 : memref<128xi32, #tpu.memory_space<hbm>>) dst(%arg9 : memref<128xi32, #tpu.memory_space<vmem>>)
          %add3A_105 = arith.constant 1 : i32
          %add3A_106 = arith.addi %add3A_71, %add3A_105 : i32
          %lt3A_107 = arith.cmpi slt, %add3A_106, %select_n3A : i32
          %convert_element_type3A_108 = arith.extui %lt3A_107 : i1 to i32
          %cond3A_109 = arith.constant 0 : i32
          %cond3A_110 = arith.cmpi ne, %convert_element_type3A_108, %cond3A_109 : i32
          scf.if %cond3A_110 {
            %add3A_117 = arith.constant 1 : i32
            %add3A_118 = arith.addi %add3A_71, %add3A_117 : i32
            %add3A_119 = arith.addi %add3A, %add3A_118 : i32
            %mul3A_120 = arith.constant 128 : i32
            %mul3A_121 = arith.muli %add3A_119, %mul3A_120 : i32
            %dma_start3A_122 = arith.constant 0 : i32
            %dma_start3A_123 = tpu.memref_slice %arg2[%mul3A_121, %dma_start3A_122] : memref<160000x128xf32, #tpu.memory_space<hbm>> -> memref<128x128xf32, #tpu.memory_space<hbm>>
            %dma_start3A_124 = arith.constant 0 : i32
            %dma_start3A_125 = tpu.memref_slice %arg2[%mul3A_121, %dma_start3A_124] : memref<160000x128xf32, #tpu.memory_space<hbm>> -> memref<128x128xf32, #tpu.memory_space<hbm>>
            tpu.enqueue_dma source(%dma_start3A_125 : memref<128x128xf32, #tpu.memory_space<hbm>>) target(%arg10 : memref<128x128xf32, #tpu.memory_space<vmem>>) target_semaphore(%arg13 : memref<!tpu.dma_semaphore, #tpu.memory_space<semaphore_mem>>)
            %dma_start3A_126 = tpu.memref_slice %arg3[%mul3A_121] : memref<160000xi32, #tpu.memory_space<hbm>> -> memref<128xi32, #tpu.memory_space<hbm>>
            %dma_start3A_127 = tpu.memref_slice %arg3[%mul3A_121] : memref<160000xi32, #tpu.memory_space<hbm>> -> memref<128xi32, #tpu.memory_space<hbm>>
            tpu.enqueue_dma source(%dma_start3A_127 : memref<128xi32, #tpu.memory_space<hbm>>) target(%arg8 : memref<128xi32, #tpu.memory_space<vmem>>) target_semaphore(%arg13 : memref<!tpu.dma_semaphore, #tpu.memory_space<semaphore_mem>>)
          } else {
          }
          %dma_start3A_111 = arith.constant 0 : i32
          %dma_start3A_112 = arith.constant 0 : i32
          %dma_start3A_113 = tpu.memref_slice %arg12[%dma_start3A_111, %dma_start3A_112] : memref<10000x128xf32, #tpu.memory_space<vmem_shared>> -> memref<10000x128xf32, #tpu.memory_space<vmem_shared>>
          tpu.enqueue_indirect_dma source(%arg11 : memref<128x128xf32, #tpu.memory_space<vmem>>) target(%dma_start3A_113 : memref<10000x128xf32, #tpu.memory_space<vmem_shared>>) offsets(%arg9 : memref<128xi32, #tpu.memory_space<vmem>>) semaphore(%arg15 : memref<!tpu.dma_semaphore, #tpu.memory_space<semaphore_mem>>) {add = true}
          %dma_wait3A_114 = arith.constant 0 : i32
          %dma_wait3A_115 = arith.constant 0 : i32
          %dma_wait3A_116 = tpu.memref_slice %arg12[%dma_wait3A_114, %dma_wait3A_115] : memref<10000x128xf32, #tpu.memory_space<vmem_shared>> -> memref<10000x128xf32, #tpu.memory_space<vmem_shared>>
          tpu.wait_indirect_dma semaphore(%arg15 : memref<!tpu.dma_semaphore, #tpu.memory_space<semaphore_mem>>) src(%arg11 : memref<128x128xf32, #tpu.memory_space<vmem>>) dst(%dma_wait3A_116 : memref<10000x128xf32, #tpu.memory_space<vmem_shared>>)
        } else {
        }
      }
      %while3A_66 = arith.constant 1 : i32
      scf.for %while3A_67 = %while3A_64 to %while3A_60 step %while3A_66  : i32 {
        %mul3A_68 = arith.constant 2 : i32
        %mul3A_69 = arith.muli %mul3A_68, %while3A_67 : i32
        %add3A_70 = arith.constant 1 : i32
        %add3A_71 = arith.addi %mul3A_69, %add3A_70 : i32
        %dma_wait3A = arith.constant 0 : i32
        %dma_wait3A_72 = arith.constant 0 : i32
        %dma_wait3A_73 = tpu.memref_slice %arg2[%dma_wait3A, %dma_wait3A_72] : memref<160000x128xf32, #tpu.memory_space<hbm>> -> memref<128x128xf32, #tpu.memory_space<hbm>>
        %dma_wait3A_74 = arith.constant 0 : i32
        %dma_wait3A_75 = arith.constant 0 : i32
        %dma_wait3A_76 = tpu.memref_slice %arg2[%dma_wait3A_74, %dma_wait3A_75] : memref<160000x128xf32, #tpu.memory_space<hbm>> -> memref<128x128xf32, #tpu.memory_space<hbm>>
        tpu.wait_dma2 semaphore(%arg13 : memref<!tpu.dma_semaphore, #tpu.memory_space<semaphore_mem>>) src(%dma_wait3A_76 : memref<128x128xf32, #tpu.memory_space<hbm>>) dst(%arg10 : memref<128x128xf32, #tpu.memory_space<vmem>>)
        %dma_wait3A_77 = arith.constant 0 : i32
        %dma_wait3A_78 = tpu.memref_slice %arg3[%dma_wait3A_77] : memref<160000xi32, #tpu.memory_space<hbm>> -> memref<128xi32, #tpu.memory_space<hbm>>
        %dma_wait3A_79 = arith.constant 0 : i32
        %dma_wait3A_80 = tpu.memref_slice %arg3[%dma_wait3A_79] : memref<160000xi32, #tpu.memory_space<hbm>> -> memref<128xi32, #tpu.memory_space<hbm>>
        tpu.wait_dma2 semaphore(%arg13 : memref<!tpu.dma_semaphore, #tpu.memory_space<semaphore_mem>>) src(%dma_wait3A_80 : memref<128xi32, #tpu.memory_space<hbm>>) dst(%arg8 : memref<128xi32, #tpu.memory_space<vmem>>)
        %lt3A_81 = arith.cmpi slt, %add3A_71, %select_n3A : i32
        %convert_element_type3A_82 = arith.extui %lt3A_81 : i1 to i32
        %cond3A_83 = arith.constant 0 : i32
        %cond3A_84 = arith.cmpi ne, %convert_element_type3A_82, %cond3A_83 : i32
        scf.if %cond3A_84 {
          %add3A_95 = arith.addi %add3A, %add3A_71 : i32
          %mul3A_96 = arith.constant 128 : i32
          %mul3A_97 = arith.muli %add3A_95, %mul3A_96 : i32
          %dma_start3A_98 = arith.constant 0 : i32
          %dma_start3A_99 = tpu.memref_slice %arg2[%mul3A_97, %dma_start3A_98] : memref<160000x128xf32, #tpu.memory_space<hbm>> -> memref<128x128xf32, #tpu.memory_space<hbm>>
          %dma_start3A_100 = arith.constant 0 : i32
          %dma_start3A_101 = tpu.memref_slice %arg2[%mul3A_97, %dma_start3A_100] : memref<160000x128xf32, #tpu.memory_space<hbm>> -> memref<128x128xf32, #tpu.memory_space<hbm>>
          tpu.enqueue_dma source(%dma_start3A_101 : memref<128x128xf32, #tpu.memory_space<hbm>>) target(%arg11 : memref<128x128xf32, #tpu.memory_space<vmem>>) target_semaphore(%arg14 : memref<!tpu.dma_semaphore, #tpu.memory_space<semaphore_mem>>)
          %dma_start3A_102 = tpu.memref_slice %arg3[%mul3A_97] : memref<160000xi32, #tpu.memory_space<hbm>> -> memref<128xi32, #tpu.memory_space<hbm>>
          %dma_start3A_103 = tpu.memref_slice %arg3[%mul3A_97] : memref<160000xi32, #tpu.memory_space<hbm>> -> memref<128xi32, #tpu.memory_space<hbm>>
          tpu.enqueue_dma source(%dma_start3A_103 : memref<128xi32, #tpu.memory_space<hbm>>) target(%arg9 : memref<128xi32, #tpu.memory_space<vmem>>) target_semaphore(%arg14 : memref<!tpu.dma_semaphore, #tpu.memory_space<semaphore_mem>>)
        } else {
        }
        %dma_start3A_85 = arith.constant 0 : i32
        %dma_start3A_86 = arith.constant 0 : i32
        %dma_start3A_87 = tpu.memref_slice %arg12[%dma_start3A_85, %dma_start3A_86] : memref<10000x128xf32, #tpu.memory_space<vmem_shared>> -> memref<10000x128xf32, #tpu.memory_space<vmem_shared>>
        tpu.enqueue_indirect_dma source(%arg10 : memref<128x128xf32, #tpu.memory_space<vmem>>) target(%dma_start3A_87 : memref<10000x128xf32, #tpu.memory_space<vmem_shared>>) offsets(%arg8 : memref<128xi32, #tpu.memory_space<vmem>>) semaphore(%arg15 : memref<!tpu.dma_semaphore, #tpu.memory_space<semaphore_mem>>) {add = true}
        %dma_wait3A_88 = arith.constant 0 : i32
        %dma_wait3A_89 = arith.constant 0 : i32
        %dma_wait3A_90 = tpu.memref_slice %arg12[%dma_wait3A_88, %dma_wait3A_89] : memref<10000x128xf32, #tpu.memory_space<vmem_shared>> -> memref<10000x128xf32, #tpu.memory_space<vmem_shared>>
        tpu.wait_indirect_dma semaphore(%arg15 : memref<!tpu.dma_semaphore, #tpu.memory_space<semaphore_mem>>) src(%arg10 : memref<128x128xf32, #tpu.memory_space<vmem>>) dst(%dma_wait3A_90 : memref<10000x128xf32, #tpu.memory_space<vmem_shared>>)
        %lt3A_91 = arith.cmpi slt, %add3A_71, %select_n3A : i32
        %convert_element_type3A_92 = arith.extui %lt3A_91 : i1 to i32
        %cond3A_93 = arith.constant 0 : i32
        %cond3A_94 = arith.cmpi ne, %convert_element_type3A_92, %cond3A_93 : i32
        scf.if %cond3A_94 {
          %dma_wait3A_95 = arith.constant 0 : i32
          %dma_wait3A_96 = arith.constant 0 : i32
          %dma_wait3A_97 = tpu.memref_slice %arg2[%dma_wait3A_95, %dma_wait3A_96] : memref<160000x128xf32, #tpu.memory_space<hbm>> -> memref<128x128xf32, #tpu.memory_space<hbm>>
          %dma_wait3A_98 = arith.constant 0 : i32
          %dma_wait3A_99 = arith.constant 0 : i32
          %dma_wait3A_100 = tpu.memref_slice %arg2[%dma_wait3A_98, %dma_wait3A_99] : memref<160000x128xf32, #tpu.memory_space<hbm>> -> memref<128x128xf32, #tpu.memory_space<hbm>>
          tpu.wait_dma2 semaphore(%arg14 : memref<!tpu.dma_semaphore, #tpu.memory_space<semaphore_mem>>) src(%dma_wait3A_100 : memref<128x128xf32, #tpu.memory_space<hbm>>) dst(%arg11 : memref<128x128xf32, #tpu.memory_space<vmem>>)
          %dma_wait3A_101 = arith.constant 0 : i32
          %dma_wait3A_102 = tpu.memref_slice %arg3[%dma_wait3A_101] : memref<160000xi32, #tpu.memory_space<hbm>> -> memref<128xi32, #tpu.memory_space<hbm>>
          %dma_wait3A_103 = arith.constant 0 : i32
          %dma_wait3A_104 = tpu.memref_slice %arg3[%dma_wait3A_103] : memref<160000xi32, #tpu.memory_space<hbm>> -> memref<128xi32, #tpu.memory_space<hbm>>
          tpu.wait_dma2 semaphore(%arg14 : memref<!tpu.dma_semaphore, #tpu.memory_space<semaphore_mem>>) src(%dma_wait3A_104 : memref<128xi32, #tpu.memory_space<hbm>>) dst(%arg9 : memref<128xi32, #tpu.memory_space<vmem>>)
          %add3A_105 = arith.constant 1 : i32
          %add3A_106 = arith.addi %add3A_71, %add3A_105 : i32
          %lt3A_107 = arith.cmpi slt, %add3A_106, %select_n3A : i32
          %convert_element_type3A_108 = arith.extui %lt3A_107 : i1 to i32
          %cond3A_109 = arith.constant 0 : i32
          %cond3A_110 = arith.cmpi ne, %convert_element_type3A_108, %cond3A_109 : i32
          scf.if %cond3A_110 {
            %add3A_117 = arith.constant 1 : i32
            %add3A_118 = arith.addi %add3A_71, %add3A_117 : i32
            %add3A_119 = arith.addi %add3A, %add3A_118 : i32
            %mul3A_120 = arith.constant 128 : i32
            %mul3A_121 = arith.muli %add3A_119, %mul3A_120 : i32
            %dma_start3A_122 = arith.constant 0 : i32
            %dma_start3A_123 = tpu.memref_slice %arg2[%mul3A_121, %dma_start3A_122] : memref<160000x128xf32, #tpu.memory_space<hbm>> -> memref<128x128xf32, #tpu.memory_space<hbm>>
            %dma_start3A_124 = arith.constant 0 : i32
            %dma_start3A_125 = tpu.memref_slice %arg2[%mul3A_121, %dma_start3A_124] : memref<160000x128xf32, #tpu.memory_space<hbm>> -> memref<128x128xf32, #tpu.memory_space<hbm>>
            tpu.enqueue_dma source(%dma_start3A_125 : memref<128x128xf32, #tpu.memory_space<hbm>>) target(%arg10 : memref<128x128xf32, #tpu.memory_space<vmem>>) target_semaphore(%arg13 : memref<!tpu.dma_semaphore, #tpu.memory_space<semaphore_mem>>)
            %dma_start3A_126 = tpu.memref_slice %arg3[%mul3A_121] : memref<160000xi32, #tpu.memory_space<hbm>> -> memref<128xi32, #tpu.memory_space<hbm>>
            %dma_start3A_127 = tpu.memref_slice %arg3[%mul3A_121] : memref<160000xi32, #tpu.memory_space<hbm>> -> memref<128xi32, #tpu.memory_space<hbm>>
            tpu.enqueue_dma source(%dma_start3A_127 : memref<128xi32, #tpu.memory_space<hbm>>) target(%arg8 : memref<128xi32, #tpu.memory_space<vmem>>) target_semaphore(%arg13 : memref<!tpu.dma_semaphore, #tpu.memory_space<semaphore_mem>>)
          } else {
          }
          %dma_start3A_111 = arith.constant 0 : i32
          %dma_start3A_112 = arith.constant 0 : i32
          %dma_start3A_113 = tpu.memref_slice %arg12[%dma_start3A_111, %dma_start3A_112] : memref<10000x128xf32, #tpu.memory_space<vmem_shared>> -> memref<10000x128xf32, #tpu.memory_space<vmem_shared>>
          tpu.enqueue_indirect_dma source(%arg11 : memref<128x128xf32, #tpu.memory_space<vmem>>) target(%dma_start3A_113 : memref<10000x128xf32, #tpu.memory_space<vmem_shared>>) offsets(%arg9 : memref<128xi32, #tpu.memory_space<vmem>>) semaphore(%arg15 : memref<!tpu.dma_semaphore, #tpu.memory_space<semaphore_mem>>) {add = true}
          %dma_wait3A_114 = arith.constant 0 : i32
          %dma_wait3A_115 = arith.constant 0 : i32
          %dma_wait3A_116 = tpu.memref_slice %arg12[%dma_wait3A_114, %dma_wait3A_115] : memref<10000x128xf32, #tpu.memory_space<vmem_shared>> -> memref<10000x128xf32, #tpu.memory_space<vmem_shared>>
          tpu.wait_indirect_dma semaphore(%arg15 : memref<!tpu.dma_semaphore, #tpu.memory_space<semaphore_mem>>) src(%arg11 : memref<128x128xf32, #tpu.memory_space<vmem>>) dst(%dma_wait3A_116 : memref<10000x128xf32, #tpu.memory_space<vmem_shared>>)
        } else {
        }
      }
    } else {
    }
    %eq3A_13 = arith.constant 1 : i32
    %eq3A_14 = arith.cmpi eq, %arg0, %eq3A_13 : i32
    %convert_element_type3A_15 = arith.extui %eq3A_14 : i1 to i32
    %cond3A_16 = arith.constant 0 : i32
    %cond3A_17 = arith.cmpi ne, %convert_element_type3A_15, %cond3A_16 : i32
    scf.if %cond3A_17 {
      %add3A_29 = arith.constant 0 : i32
      %add3A_30 = arith.addi %add3A, %add3A_29 : i32
      %mul3A_31 = arith.constant 128 : i32
      %mul3A_32 = arith.muli %add3A_30, %mul3A_31 : i32
      %dma_start3A = arith.constant 0 : i32
      %dma_start3A_33 = tpu.memref_slice %arg2[%mul3A_32, %dma_start3A] : memref<160000x128xf32, #tpu.memory_space<hbm>> -> memref<128x128xf32, #tpu.memory_space<hbm>>
      %dma_start3A_34 = arith.constant 0 : i32
      %dma_start3A_35 = tpu.memref_slice %arg2[%mul3A_32, %dma_start3A_34] : memref<160000x128xf32, #tpu.memory_space<hbm>> -> memref<128x128xf32, #tpu.memory_space<hbm>>
      tpu.enqueue_dma source(%dma_start3A_35 : memref<128x128xf32, #tpu.memory_space<hbm>>) target(%arg10 : memref<128x128xf32, #tpu.memory_space<vmem>>) target_semaphore(%arg13 : memref<!tpu.dma_semaphore, #tpu.memory_space<semaphore_mem>>)
      %dma_start3A_36 = tpu.memref_slice %arg4[%mul3A_32] : memref<160000xi32, #tpu.memory_space<hbm>> -> memref<128xi32, #tpu.memory_space<hbm>>
      %dma_start3A_37 = tpu.memref_slice %arg4[%mul3A_32] : memref<160000xi32, #tpu.memory_space<hbm>> -> memref<128xi32, #tpu.memory_space<hbm>>
      tpu.enqueue_dma source(%dma_start3A_37 : memref<128xi32, #tpu.memory_space<hbm>>) target(%arg8 : memref<128xi32, #tpu.memory_space<vmem>>) target_semaphore(%arg13 : memref<!tpu.dma_semaphore, #tpu.memory_space<semaphore_mem>>)
      %add3A_38 = arith.constant 1 : i32
      %add3A_39 = arith.addi %select_n3A, %add3A_38 : i32
      %jit3A_40 = arith.constant 2 : i32
      %div3A = arith.divsi %add3A_39, %jit3A_40 : i32
      %sign3A = arith.constant 0 : i32
      %sign3A_41 = arith.cmpi sgt, %add3A_39, %sign3A : i32
      %sign3A_42 = arith.extui %sign3A_41 : i1 to i32
      %sign3A_43 = arith.constant 0 : i32
      %sign3A_44 = arith.cmpi slt, %add3A_39, %sign3A_43 : i32
      %sign3A_45 = arith.extui %sign3A_44 : i1 to i32
      %sign3A_46 = arith.subi %sign3A_42, %sign3A_45 : i32
      %sign3A_47 = arith.constant 0 : i32
      %sign3A_48 = arith.cmpi sgt, %jit3A_40, %sign3A_47 : i32
      %sign3A_49 = arith.extui %sign3A_48 : i1 to i32
      %sign3A_50 = arith.constant 0 : i32
      %sign3A_51 = arith.cmpi slt, %jit3A_40, %sign3A_50 : i32
      %sign3A_52 = arith.extui %sign3A_51 : i1 to i32
      %sign3A_53 = arith.subi %sign3A_49, %sign3A_52 : i32
      %ne3A = arith.cmpi ne, %sign3A_46, %sign3A_53 : i32
      %rem3A = arith.remsi %add3A_39, %jit3A_40 : i32
      %ne3A_54 = arith.constant 0 : i32
      %ne3A_55 = arith.cmpi ne, %rem3A, %ne3A_54 : i32
      %and3A = arith.andi %ne3A, %ne3A_55 : i1
      %sub3A = arith.constant 1 : i32
      %sub3A_56 = arith.subi %div3A, %sub3A : i32
      %select_n3A_57 = arith.select %and3A, %sub3A_56, %div3A : i32
      %while3A = arith.constant 0 : i32
      %while3A_58 = arith.constant 0 : i32
      %while3A_59 = arith.subi %select_n3A_57, %while3A_58 : i32
      %while3A_60 = arith.addi %while3A_58, %while3A_59 : i32
      %while3A_61 = arith.constant 1 : i32
      %while3A_62 = arith.divsi %while3A_59, %while3A_61 : i32
      %while3A_63 = arith.muli %while3A_62, %while3A_61 : i32
      %while3A_64 = arith.addi %while3A_58, %while3A_63 : i32
      %while3A_65 = arith.constant 1 : i32
      scf.for %while3A_67 = %while3A_58 to %while3A_64 step %while3A_65  : i32 {
        %mul3A_68 = arith.constant 2 : i32
        %mul3A_69 = arith.muli %mul3A_68, %while3A_67 : i32
        %add3A_70 = arith.constant 1 : i32
        %add3A_71 = arith.addi %mul3A_69, %add3A_70 : i32
        %dma_wait3A = arith.constant 0 : i32
        %dma_wait3A_72 = arith.constant 0 : i32
        %dma_wait3A_73 = tpu.memref_slice %arg2[%dma_wait3A, %dma_wait3A_72] : memref<160000x128xf32, #tpu.memory_space<hbm>> -> memref<128x128xf32, #tpu.memory_space<hbm>>
        %dma_wait3A_74 = arith.constant 0 : i32
        %dma_wait3A_75 = arith.constant 0 : i32
        %dma_wait3A_76 = tpu.memref_slice %arg2[%dma_wait3A_74, %dma_wait3A_75] : memref<160000x128xf32, #tpu.memory_space<hbm>> -> memref<128x128xf32, #tpu.memory_space<hbm>>
        tpu.wait_dma2 semaphore(%arg13 : memref<!tpu.dma_semaphore, #tpu.memory_space<semaphore_mem>>) src(%dma_wait3A_76 : memref<128x128xf32, #tpu.memory_space<hbm>>) dst(%arg10 : memref<128x128xf32, #tpu.memory_space<vmem>>)
        %dma_wait3A_77 = arith.constant 0 : i32
        %dma_wait3A_78 = tpu.memref_slice %arg4[%dma_wait3A_77] : memref<160000xi32, #tpu.memory_space<hbm>> -> memref<128xi32, #tpu.memory_space<hbm>>
        %dma_wait3A_79 = arith.constant 0 : i32
        %dma_wait3A_80 = tpu.memref_slice %arg4[%dma_wait3A_79] : memref<160000xi32, #tpu.memory_space<hbm>> -> memref<128xi32, #tpu.memory_space<hbm>>
        tpu.wait_dma2 semaphore(%arg13 : memref<!tpu.dma_semaphore, #tpu.memory_space<semaphore_mem>>) src(%dma_wait3A_80 : memref<128xi32, #tpu.memory_space<hbm>>) dst(%arg8 : memref<128xi32, #tpu.memory_space<vmem>>)
        %lt3A_81 = arith.cmpi slt, %add3A_71, %select_n3A : i32
        %convert_element_type3A_82 = arith.extui %lt3A_81 : i1 to i32
        %cond3A_83 = arith.constant 0 : i32
        %cond3A_84 = arith.cmpi ne, %convert_element_type3A_82, %cond3A_83 : i32
        scf.if %cond3A_84 {
          %add3A_95 = arith.addi %add3A, %add3A_71 : i32
          %mul3A_96 = arith.constant 128 : i32
          %mul3A_97 = arith.muli %add3A_95, %mul3A_96 : i32
          %dma_start3A_98 = arith.constant 0 : i32
          %dma_start3A_99 = tpu.memref_slice %arg2[%mul3A_97, %dma_start3A_98] : memref<160000x128xf32, #tpu.memory_space<hbm>> -> memref<128x128xf32, #tpu.memory_space<hbm>>
          %dma_start3A_100 = arith.constant 0 : i32
          %dma_start3A_101 = tpu.memref_slice %arg2[%mul3A_97, %dma_start3A_100] : memref<160000x128xf32, #tpu.memory_space<hbm>> -> memref<128x128xf32, #tpu.memory_space<hbm>>
          tpu.enqueue_dma source(%dma_start3A_101 : memref<128x128xf32, #tpu.memory_space<hbm>>) target(%arg11 : memref<128x128xf32, #tpu.memory_space<vmem>>) target_semaphore(%arg14 : memref<!tpu.dma_semaphore, #tpu.memory_space<semaphore_mem>>)
          %dma_start3A_102 = tpu.memref_slice %arg4[%mul3A_97] : memref<160000xi32, #tpu.memory_space<hbm>> -> memref<128xi32, #tpu.memory_space<hbm>>
          %dma_start3A_103 = tpu.memref_slice %arg4[%mul3A_97] : memref<160000xi32, #tpu.memory_space<hbm>> -> memref<128xi32, #tpu.memory_space<hbm>>
          tpu.enqueue_dma source(%dma_start3A_103 : memref<128xi32, #tpu.memory_space<hbm>>) target(%arg9 : memref<128xi32, #tpu.memory_space<vmem>>) target_semaphore(%arg14 : memref<!tpu.dma_semaphore, #tpu.memory_space<semaphore_mem>>)
        } else {
        }
        %dma_start3A_85 = arith.constant 0 : i32
        %dma_start3A_86 = arith.constant 0 : i32
        %dma_start3A_87 = tpu.memref_slice %arg12[%dma_start3A_85, %dma_start3A_86] : memref<10000x128xf32, #tpu.memory_space<vmem_shared>> -> memref<10000x128xf32, #tpu.memory_space<vmem_shared>>
        tpu.enqueue_indirect_dma source(%arg10 : memref<128x128xf32, #tpu.memory_space<vmem>>) target(%dma_start3A_87 : memref<10000x128xf32, #tpu.memory_space<vmem_shared>>) offsets(%arg8 : memref<128xi32, #tpu.memory_space<vmem>>) semaphore(%arg15 : memref<!tpu.dma_semaphore, #tpu.memory_space<semaphore_mem>>) {add = true}
        %dma_wait3A_88 = arith.constant 0 : i32
        %dma_wait3A_89 = arith.constant 0 : i32
        %dma_wait3A_90 = tpu.memref_slice %arg12[%dma_wait3A_88, %dma_wait3A_89] : memref<10000x128xf32, #tpu.memory_space<vmem_shared>> -> memref<10000x128xf32, #tpu.memory_space<vmem_shared>>
        tpu.wait_indirect_dma semaphore(%arg15 : memref<!tpu.dma_semaphore, #tpu.memory_space<semaphore_mem>>) src(%arg10 : memref<128x128xf32, #tpu.memory_space<vmem>>) dst(%dma_wait3A_90 : memref<10000x128xf32, #tpu.memory_space<vmem_shared>>)
        %lt3A_91 = arith.cmpi slt, %add3A_71, %select_n3A : i32
        %convert_element_type3A_92 = arith.extui %lt3A_91 : i1 to i32
        %cond3A_93 = arith.constant 0 : i32
        %cond3A_94 = arith.cmpi ne, %convert_element_type3A_92, %cond3A_93 : i32
        scf.if %cond3A_94 {
          %dma_wait3A_95 = arith.constant 0 : i32
          %dma_wait3A_96 = arith.constant 0 : i32
          %dma_wait3A_97 = tpu.memref_slice %arg2[%dma_wait3A_95, %dma_wait3A_96] : memref<160000x128xf32, #tpu.memory_space<hbm>> -> memref<128x128xf32, #tpu.memory_space<hbm>>
          %dma_wait3A_98 = arith.constant 0 : i32
          %dma_wait3A_99 = arith.constant 0 : i32
          %dma_wait3A_100 = tpu.memref_slice %arg2[%dma_wait3A_98, %dma_wait3A_99] : memref<160000x128xf32, #tpu.memory_space<hbm>> -> memref<128x128xf32, #tpu.memory_space<hbm>>
          tpu.wait_dma2 semaphore(%arg14 : memref<!tpu.dma_semaphore, #tpu.memory_space<semaphore_mem>>) src(%dma_wait3A_100 : memref<128x128xf32, #tpu.memory_space<hbm>>) dst(%arg11 : memref<128x128xf32, #tpu.memory_space<vmem>>)
          %dma_wait3A_101 = arith.constant 0 : i32
          %dma_wait3A_102 = tpu.memref_slice %arg4[%dma_wait3A_101] : memref<160000xi32, #tpu.memory_space<hbm>> -> memref<128xi32, #tpu.memory_space<hbm>>
          %dma_wait3A_103 = arith.constant 0 : i32
          %dma_wait3A_104 = tpu.memref_slice %arg4[%dma_wait3A_103] : memref<160000xi32, #tpu.memory_space<hbm>> -> memref<128xi32, #tpu.memory_space<hbm>>
          tpu.wait_dma2 semaphore(%arg14 : memref<!tpu.dma_semaphore, #tpu.memory_space<semaphore_mem>>) src(%dma_wait3A_104 : memref<128xi32, #tpu.memory_space<hbm>>) dst(%arg9 : memref<128xi32, #tpu.memory_space<vmem>>)
          %add3A_105 = arith.constant 1 : i32
          %add3A_106 = arith.addi %add3A_71, %add3A_105 : i32
          %lt3A_107 = arith.cmpi slt, %add3A_106, %select_n3A : i32
          %convert_element_type3A_108 = arith.extui %lt3A_107 : i1 to i32
          %cond3A_109 = arith.constant 0 : i32
          %cond3A_110 = arith.cmpi ne, %convert_element_type3A_108, %cond3A_109 : i32
          scf.if %cond3A_110 {
            %add3A_117 = arith.constant 1 : i32
            %add3A_118 = arith.addi %add3A_71, %add3A_117 : i32
            %add3A_119 = arith.addi %add3A, %add3A_118 : i32
            %mul3A_120 = arith.constant 128 : i32
            %mul3A_121 = arith.muli %add3A_119, %mul3A_120 : i32
            %dma_start3A_122 = arith.constant 0 : i32
            %dma_start3A_123 = tpu.memref_slice %arg2[%mul3A_121, %dma_start3A_122] : memref<160000x128xf32, #tpu.memory_space<hbm>> -> memref<128x128xf32, #tpu.memory_space<hbm>>
            %dma_start3A_124 = arith.constant 0 : i32
            %dma_start3A_125 = tpu.memref_slice %arg2[%mul3A_121, %dma_start3A_124] : memref<160000x128xf32, #tpu.memory_space<hbm>> -> memref<128x128xf32, #tpu.memory_space<hbm>>
            tpu.enqueue_dma source(%dma_start3A_125 : memref<128x128xf32, #tpu.memory_space<hbm>>) target(%arg10 : memref<128x128xf32, #tpu.memory_space<vmem>>) target_semaphore(%arg13 : memref<!tpu.dma_semaphore, #tpu.memory_space<semaphore_mem>>)
            %dma_start3A_126 = tpu.memref_slice %arg4[%mul3A_121] : memref<160000xi32, #tpu.memory_space<hbm>> -> memref<128xi32, #tpu.memory_space<hbm>>
            %dma_start3A_127 = tpu.memref_slice %arg4[%mul3A_121] : memref<160000xi32, #tpu.memory_space<hbm>> -> memref<128xi32, #tpu.memory_space<hbm>>
            tpu.enqueue_dma source(%dma_start3A_127 : memref<128xi32, #tpu.memory_space<hbm>>) target(%arg8 : memref<128xi32, #tpu.memory_space<vmem>>) target_semaphore(%arg13 : memref<!tpu.dma_semaphore, #tpu.memory_space<semaphore_mem>>)
          } else {
          }
          %dma_start3A_111 = arith.constant 0 : i32
          %dma_start3A_112 = arith.constant 0 : i32
          %dma_start3A_113 = tpu.memref_slice %arg12[%dma_start3A_111, %dma_start3A_112] : memref<10000x128xf32, #tpu.memory_space<vmem_shared>> -> memref<10000x128xf32, #tpu.memory_space<vmem_shared>>
          tpu.enqueue_indirect_dma source(%arg11 : memref<128x128xf32, #tpu.memory_space<vmem>>) target(%dma_start3A_113 : memref<10000x128xf32, #tpu.memory_space<vmem_shared>>) offsets(%arg9 : memref<128xi32, #tpu.memory_space<vmem>>) semaphore(%arg15 : memref<!tpu.dma_semaphore, #tpu.memory_space<semaphore_mem>>) {add = true}
          %dma_wait3A_114 = arith.constant 0 : i32
          %dma_wait3A_115 = arith.constant 0 : i32
          %dma_wait3A_116 = tpu.memref_slice %arg12[%dma_wait3A_114, %dma_wait3A_115] : memref<10000x128xf32, #tpu.memory_space<vmem_shared>> -> memref<10000x128xf32, #tpu.memory_space<vmem_shared>>
          tpu.wait_indirect_dma semaphore(%arg15 : memref<!tpu.dma_semaphore, #tpu.memory_space<semaphore_mem>>) src(%arg11 : memref<128x128xf32, #tpu.memory_space<vmem>>) dst(%dma_wait3A_116 : memref<10000x128xf32, #tpu.memory_space<vmem_shared>>)
        } else {
        }
      }
      %while3A_66 = arith.constant 1 : i32
      scf.for %while3A_67 = %while3A_64 to %while3A_60 step %while3A_66  : i32 {
        %mul3A_68 = arith.constant 2 : i32
        %mul3A_69 = arith.muli %mul3A_68, %while3A_67 : i32
        %add3A_70 = arith.constant 1 : i32
        %add3A_71 = arith.addi %mul3A_69, %add3A_70 : i32
        %dma_wait3A = arith.constant 0 : i32
        %dma_wait3A_72 = arith.constant 0 : i32
        %dma_wait3A_73 = tpu.memref_slice %arg2[%dma_wait3A, %dma_wait3A_72] : memref<160000x128xf32, #tpu.memory_space<hbm>> -> memref<128x128xf32, #tpu.memory_space<hbm>>
        %dma_wait3A_74 = arith.constant 0 : i32
        %dma_wait3A_75 = arith.constant 0 : i32
        %dma_wait3A_76 = tpu.memref_slice %arg2[%dma_wait3A_74, %dma_wait3A_75] : memref<160000x128xf32, #tpu.memory_space<hbm>> -> memref<128x128xf32, #tpu.memory_space<hbm>>
        tpu.wait_dma2 semaphore(%arg13 : memref<!tpu.dma_semaphore, #tpu.memory_space<semaphore_mem>>) src(%dma_wait3A_76 : memref<128x128xf32, #tpu.memory_space<hbm>>) dst(%arg10 : memref<128x128xf32, #tpu.memory_space<vmem>>)
        %dma_wait3A_77 = arith.constant 0 : i32
        %dma_wait3A_78 = tpu.memref_slice %arg4[%dma_wait3A_77] : memref<160000xi32, #tpu.memory_space<hbm>> -> memref<128xi32, #tpu.memory_space<hbm>>
        %dma_wait3A_79 = arith.constant 0 : i32
        %dma_wait3A_80 = tpu.memref_slice %arg4[%dma_wait3A_79] : memref<160000xi32, #tpu.memory_space<hbm>> -> memref<128xi32, #tpu.memory_space<hbm>>
        tpu.wait_dma2 semaphore(%arg13 : memref<!tpu.dma_semaphore, #tpu.memory_space<semaphore_mem>>) src(%dma_wait3A_80 : memref<128xi32, #tpu.memory_space<hbm>>) dst(%arg8 : memref<128xi32, #tpu.memory_space<vmem>>)
        %lt3A_81 = arith.cmpi slt, %add3A_71, %select_n3A : i32
        %convert_element_type3A_82 = arith.extui %lt3A_81 : i1 to i32
        %cond3A_83 = arith.constant 0 : i32
        %cond3A_84 = arith.cmpi ne, %convert_element_type3A_82, %cond3A_83 : i32
        scf.if %cond3A_84 {
          %add3A_95 = arith.addi %add3A, %add3A_71 : i32
          %mul3A_96 = arith.constant 128 : i32
          %mul3A_97 = arith.muli %add3A_95, %mul3A_96 : i32
          %dma_start3A_98 = arith.constant 0 : i32
          %dma_start3A_99 = tpu.memref_slice %arg2[%mul3A_97, %dma_start3A_98] : memref<160000x128xf32, #tpu.memory_space<hbm>> -> memref<128x128xf32, #tpu.memory_space<hbm>>
          %dma_start3A_100 = arith.constant 0 : i32
          %dma_start3A_101 = tpu.memref_slice %arg2[%mul3A_97, %dma_start3A_100] : memref<160000x128xf32, #tpu.memory_space<hbm>> -> memref<128x128xf32, #tpu.memory_space<hbm>>
          tpu.enqueue_dma source(%dma_start3A_101 : memref<128x128xf32, #tpu.memory_space<hbm>>) target(%arg11 : memref<128x128xf32, #tpu.memory_space<vmem>>) target_semaphore(%arg14 : memref<!tpu.dma_semaphore, #tpu.memory_space<semaphore_mem>>)
          %dma_start3A_102 = tpu.memref_slice %arg4[%mul3A_97] : memref<160000xi32, #tpu.memory_space<hbm>> -> memref<128xi32, #tpu.memory_space<hbm>>
          %dma_start3A_103 = tpu.memref_slice %arg4[%mul3A_97] : memref<160000xi32, #tpu.memory_space<hbm>> -> memref<128xi32, #tpu.memory_space<hbm>>
          tpu.enqueue_dma source(%dma_start3A_103 : memref<128xi32, #tpu.memory_space<hbm>>) target(%arg9 : memref<128xi32, #tpu.memory_space<vmem>>) target_semaphore(%arg14 : memref<!tpu.dma_semaphore, #tpu.memory_space<semaphore_mem>>)
        } else {
        }
        %dma_start3A_85 = arith.constant 0 : i32
        %dma_start3A_86 = arith.constant 0 : i32
        %dma_start3A_87 = tpu.memref_slice %arg12[%dma_start3A_85, %dma_start3A_86] : memref<10000x128xf32, #tpu.memory_space<vmem_shared>> -> memref<10000x128xf32, #tpu.memory_space<vmem_shared>>
        tpu.enqueue_indirect_dma source(%arg10 : memref<128x128xf32, #tpu.memory_space<vmem>>) target(%dma_start3A_87 : memref<10000x128xf32, #tpu.memory_space<vmem_shared>>) offsets(%arg8 : memref<128xi32, #tpu.memory_space<vmem>>) semaphore(%arg15 : memref<!tpu.dma_semaphore, #tpu.memory_space<semaphore_mem>>) {add = true}
        %dma_wait3A_88 = arith.constant 0 : i32
        %dma_wait3A_89 = arith.constant 0 : i32
        %dma_wait3A_90 = tpu.memref_slice %arg12[%dma_wait3A_88, %dma_wait3A_89] : memref<10000x128xf32, #tpu.memory_space<vmem_shared>> -> memref<10000x128xf32, #tpu.memory_space<vmem_shared>>
        tpu.wait_indirect_dma semaphore(%arg15 : memref<!tpu.dma_semaphore, #tpu.memory_space<semaphore_mem>>) src(%arg10 : memref<128x128xf32, #tpu.memory_space<vmem>>) dst(%dma_wait3A_90 : memref<10000x128xf32, #tpu.memory_space<vmem_shared>>)
        %lt3A_91 = arith.cmpi slt, %add3A_71, %select_n3A : i32
        %convert_element_type3A_92 = arith.extui %lt3A_91 : i1 to i32
        %cond3A_93 = arith.constant 0 : i32
        %cond3A_94 = arith.cmpi ne, %convert_element_type3A_92, %cond3A_93 : i32
        scf.if %cond3A_94 {
          %dma_wait3A_95 = arith.constant 0 : i32
          %dma_wait3A_96 = arith.constant 0 : i32
          %dma_wait3A_97 = tpu.memref_slice %arg2[%dma_wait3A_95, %dma_wait3A_96] : memref<160000x128xf32, #tpu.memory_space<hbm>> -> memref<128x128xf32, #tpu.memory_space<hbm>>
          %dma_wait3A_98 = arith.constant 0 : i32
          %dma_wait3A_99 = arith.constant 0 : i32
          %dma_wait3A_100 = tpu.memref_slice %arg2[%dma_wait3A_98, %dma_wait3A_99] : memref<160000x128xf32, #tpu.memory_space<hbm>> -> memref<128x128xf32, #tpu.memory_space<hbm>>
          tpu.wait_dma2 semaphore(%arg14 : memref<!tpu.dma_semaphore, #tpu.memory_space<semaphore_mem>>) src(%dma_wait3A_100 : memref<128x128xf32, #tpu.memory_space<hbm>>) dst(%arg11 : memref<128x128xf32, #tpu.memory_space<vmem>>)
          %dma_wait3A_101 = arith.constant 0 : i32
          %dma_wait3A_102 = tpu.memref_slice %arg4[%dma_wait3A_101] : memref<160000xi32, #tpu.memory_space<hbm>> -> memref<128xi32, #tpu.memory_space<hbm>>
          %dma_wait3A_103 = arith.constant 0 : i32
          %dma_wait3A_104 = tpu.memref_slice %arg4[%dma_wait3A_103] : memref<160000xi32, #tpu.memory_space<hbm>> -> memref<128xi32, #tpu.memory_space<hbm>>
          tpu.wait_dma2 semaphore(%arg14 : memref<!tpu.dma_semaphore, #tpu.memory_space<semaphore_mem>>) src(%dma_wait3A_104 : memref<128xi32, #tpu.memory_space<hbm>>) dst(%arg9 : memref<128xi32, #tpu.memory_space<vmem>>)
          %add3A_105 = arith.constant 1 : i32
          %add3A_106 = arith.addi %add3A_71, %add3A_105 : i32
          %lt3A_107 = arith.cmpi slt, %add3A_106, %select_n3A : i32
          %convert_element_type3A_108 = arith.extui %lt3A_107 : i1 to i32
          %cond3A_109 = arith.constant 0 : i32
          %cond3A_110 = arith.cmpi ne, %convert_element_type3A_108, %cond3A_109 : i32
          scf.if %cond3A_110 {
            %add3A_117 = arith.constant 1 : i32
            %add3A_118 = arith.addi %add3A_71, %add3A_117 : i32
            %add3A_119 = arith.addi %add3A, %add3A_118 : i32
            %mul3A_120 = arith.constant 128 : i32
            %mul3A_121 = arith.muli %add3A_119, %mul3A_120 : i32
            %dma_start3A_122 = arith.constant 0 : i32
            %dma_start3A_123 = tpu.memref_slice %arg2[%mul3A_121, %dma_start3A_122] : memref<160000x128xf32, #tpu.memory_space<hbm>> -> memref<128x128xf32, #tpu.memory_space<hbm>>
            %dma_start3A_124 = arith.constant 0 : i32
            %dma_start3A_125 = tpu.memref_slice %arg2[%mul3A_121, %dma_start3A_124] : memref<160000x128xf32, #tpu.memory_space<hbm>> -> memref<128x128xf32, #tpu.memory_space<hbm>>
            tpu.enqueue_dma source(%dma_start3A_125 : memref<128x128xf32, #tpu.memory_space<hbm>>) target(%arg10 : memref<128x128xf32, #tpu.memory_space<vmem>>) target_semaphore(%arg13 : memref<!tpu.dma_semaphore, #tpu.memory_space<semaphore_mem>>)
            %dma_start3A_126 = tpu.memref_slice %arg4[%mul3A_121] : memref<160000xi32, #tpu.memory_space<hbm>> -> memref<128xi32, #tpu.memory_space<hbm>>
            %dma_start3A_127 = tpu.memref_slice %arg4[%mul3A_121] : memref<160000xi32, #tpu.memory_space<hbm>> -> memref<128xi32, #tpu.memory_space<hbm>>
            tpu.enqueue_dma source(%dma_start3A_127 : memref<128xi32, #tpu.memory_space<hbm>>) target(%arg8 : memref<128xi32, #tpu.memory_space<vmem>>) target_semaphore(%arg13 : memref<!tpu.dma_semaphore, #tpu.memory_space<semaphore_mem>>)
          } else {
          }
          %dma_start3A_111 = arith.constant 0 : i32
          %dma_start3A_112 = arith.constant 0 : i32
          %dma_start3A_113 = tpu.memref_slice %arg12[%dma_start3A_111, %dma_start3A_112] : memref<10000x128xf32, #tpu.memory_space<vmem_shared>> -> memref<10000x128xf32, #tpu.memory_space<vmem_shared>>
          tpu.enqueue_indirect_dma source(%arg11 : memref<128x128xf32, #tpu.memory_space<vmem>>) target(%dma_start3A_113 : memref<10000x128xf32, #tpu.memory_space<vmem_shared>>) offsets(%arg9 : memref<128xi32, #tpu.memory_space<vmem>>) semaphore(%arg15 : memref<!tpu.dma_semaphore, #tpu.memory_space<semaphore_mem>>) {add = true}
          %dma_wait3A_114 = arith.constant 0 : i32
          %dma_wait3A_115 = arith.constant 0 : i32
          %dma_wait3A_116 = tpu.memref_slice %arg12[%dma_wait3A_114, %dma_wait3A_115] : memref<10000x128xf32, #tpu.memory_space<vmem_shared>> -> memref<10000x128xf32, #tpu.memory_space<vmem_shared>>
          tpu.wait_indirect_dma semaphore(%arg15 : memref<!tpu.dma_semaphore, #tpu.memory_space<semaphore_mem>>) src(%arg11 : memref<128x128xf32, #tpu.memory_space<vmem>>) dst(%dma_wait3A_116 : memref<10000x128xf32, #tpu.memory_space<vmem_shared>>)
        } else {
        }
      }
    } else {
    }
    %barrier3A_18 = arith.constant 0 : index
    tpu.barrier barrier_id(%barrier3A_18)
    %eq3A_19 = arith.constant 0 : i32
    %eq3A_20 = arith.cmpi eq, %arg0, %eq3A_19 : i32
    %convert_element_type3A_21 = arith.extui %eq3A_20 : i1 to i32
    %cond3A_22 = arith.constant 0 : i32
    %cond3A_23 = arith.cmpi ne, %convert_element_type3A_21, %cond3A_22 : i32
    scf.if %cond3A_23 {
      %mul3A_29 = arith.constant 624 : i32
      %mul3A_30 = arith.muli %arg1, %mul3A_29 : i32
      "tpu.region"() ({
        %run_scoped3A = tpu.sem_alloc : memref<!tpu.dma_semaphore, #tpu.memory_space<semaphore_mem>>
        %dma_start3A = arith.constant 0 : i32
        %dma_start3A_36 = tpu.memref_slice %arg6[%mul3A_30, %dma_start3A] : memref<10000x128xf32, #tpu.memory_space<hbm>> -> memref<624x128xf32, #tpu.memory_space<hbm>>
        %dma_start3A_37 = arith.constant 0 : i32
        %dma_start3A_38 = tpu.memref_slice %arg12[%mul3A_30, %dma_start3A_37] : memref<10000x128xf32, #tpu.memory_space<vmem_shared>> -> memref<624x128xf32, #tpu.memory_space<vmem_shared>>
        tpu.enqueue_dma source(%dma_start3A_38 : memref<624x128xf32, #tpu.memory_space<vmem_shared>>) target(%dma_start3A_36 : memref<624x128xf32, #tpu.memory_space<hbm>>) target_semaphore(%run_scoped3A : memref<!tpu.dma_semaphore, #tpu.memory_space<semaphore_mem>>)
        %dma_wait3A = arith.constant 0 : i32
        %dma_wait3A_39 = tpu.memref_slice %arg6[%mul3A_30, %dma_wait3A] : memref<10000x128xf32, #tpu.memory_space<hbm>> -> memref<624x128xf32, #tpu.memory_space<hbm>>
        %dma_wait3A_40 = arith.constant 0 : i32
        %dma_wait3A_41 = tpu.memref_slice %arg12[%mul3A_30, %dma_wait3A_40] : memref<10000x128xf32, #tpu.memory_space<vmem_shared>> -> memref<624x128xf32, #tpu.memory_space<vmem_shared>>
        tpu.wait_dma2 semaphore(%run_scoped3A : memref<!tpu.dma_semaphore, #tpu.memory_space<semaphore_mem>>) src(%dma_wait3A_41 : memref<624x128xf32, #tpu.memory_space<vmem_shared>>) dst(%dma_wait3A_39 : memref<624x128xf32, #tpu.memory_space<hbm>>)
        tpu.yield
      }) : () -> ()
      %eq3A_31 = arith.constant 15 : i32
      %eq3A_32 = arith.cmpi eq, %arg1, %eq3A_31 : i32
      %convert_element_type3A_33 = arith.extui %eq3A_32 : i1 to i32
      %cond3A_34 = arith.constant 0 : i32
      %cond3A_35 = arith.cmpi ne, %convert_element_type3A_33, %cond3A_34 : i32
      scf.if %cond3A_35 {
        "tpu.region"() ({
          %run_scoped3A = tpu.sem_alloc : memref<!tpu.dma_semaphore, #tpu.memory_space<semaphore_mem>>
          %dma_start3A = arith.constant 9984 : i32
          %dma_start3A_36 = arith.constant 0 : i32
          %dma_start3A_37 = tpu.memref_slice %arg6[%dma_start3A, %dma_start3A_36] : memref<10000x128xf32, #tpu.memory_space<hbm>> -> memref<16x128xf32, #tpu.memory_space<hbm>>
          %dma_start3A_38 = arith.constant 9984 : i32
          %dma_start3A_39 = arith.constant 0 : i32
          %dma_start3A_40 = tpu.memref_slice %arg12[%dma_start3A_38, %dma_start3A_39] : memref<10000x128xf32, #tpu.memory_space<vmem_shared>> -> memref<16x128xf32, #tpu.memory_space<vmem_shared>>
          tpu.enqueue_dma source(%dma_start3A_40 : memref<16x128xf32, #tpu.memory_space<vmem_shared>>) target(%dma_start3A_37 : memref<16x128xf32, #tpu.memory_space<hbm>>) target_semaphore(%run_scoped3A : memref<!tpu.dma_semaphore, #tpu.memory_space<semaphore_mem>>)
          %dma_wait3A = arith.constant 9984 : i32
          %dma_wait3A_41 = arith.constant 0 : i32
          %dma_wait3A_42 = tpu.memref_slice %arg6[%dma_wait3A, %dma_wait3A_41] : memref<10000x128xf32, #tpu.memory_space<hbm>> -> memref<16x128xf32, #tpu.memory_space<hbm>>
          %dma_wait3A_43 = arith.constant 9984 : i32
          %dma_wait3A_44 = arith.constant 0 : i32
          %dma_wait3A_45 = tpu.memref_slice %arg12[%dma_wait3A_43, %dma_wait3A_44] : memref<10000x128xf32, #tpu.memory_space<vmem_shared>> -> memref<16x128xf32, #tpu.memory_space<vmem_shared>>
          tpu.wait_dma2 semaphore(%run_scoped3A : memref<!tpu.dma_semaphore, #tpu.memory_space<semaphore_mem>>) src(%dma_wait3A_45 : memref<16x128xf32, #tpu.memory_space<vmem_shared>>) dst(%dma_wait3A_42 : memref<16x128xf32, #tpu.memory_space<hbm>>)
          tpu.yield
        }) : () -> ()
      } else {
      }
    } else {
    }
    %eq3A_24 = arith.constant 1 : i32
    %eq3A_25 = arith.cmpi eq, %arg0, %eq3A_24 : i32
    %convert_element_type3A_26 = arith.extui %eq3A_25 : i1 to i32
    %cond3A_27 = arith.constant 0 : i32
    %cond3A_28 = arith.cmpi ne, %convert_element_type3A_26, %cond3A_27 : i32
    scf.if %cond3A_28 {
      %mul3A_29 = arith.constant 624 : i32
      %mul3A_30 = arith.muli %arg1, %mul3A_29 : i32
      "tpu.region"() ({
        %run_scoped3A = tpu.sem_alloc : memref<!tpu.dma_semaphore, #tpu.memory_space<semaphore_mem>>
        %dma_start3A = arith.constant 0 : i32
        %dma_start3A_36 = tpu.memref_slice %arg7[%mul3A_30, %dma_start3A] : memref<10000x128xf32, #tpu.memory_space<hbm>> -> memref<624x128xf32, #tpu.memory_space<hbm>>
        %dma_start3A_37 = arith.constant 0 : i32
        %dma_start3A_38 = tpu.memref_slice %arg12[%mul3A_30, %dma_start3A_37] : memref<10000x128xf32, #tpu.memory_space<vmem_shared>> -> memref<624x128xf32, #tpu.memory_space<vmem_shared>>
        tpu.enqueue_dma source(%dma_start3A_38 : memref<624x128xf32, #tpu.memory_space<vmem_shared>>) target(%dma_start3A_36 : memref<624x128xf32, #tpu.memory_space<hbm>>) target_semaphore(%run_scoped3A : memref<!tpu.dma_semaphore, #tpu.memory_space<semaphore_mem>>)
        %dma_wait3A = arith.constant 0 : i32
        %dma_wait3A_39 = tpu.memref_slice %arg7[%mul3A_30, %dma_wait3A] : memref<10000x128xf32, #tpu.memory_space<hbm>> -> memref<624x128xf32, #tpu.memory_space<hbm>>
        %dma_wait3A_40 = arith.constant 0 : i32
        %dma_wait3A_41 = tpu.memref_slice %arg12[%mul3A_30, %dma_wait3A_40] : memref<10000x128xf32, #tpu.memory_space<vmem_shared>> -> memref<624x128xf32, #tpu.memory_space<vmem_shared>>
        tpu.wait_dma2 semaphore(%run_scoped3A : memref<!tpu.dma_semaphore, #tpu.memory_space<semaphore_mem>>) src(%dma_wait3A_41 : memref<624x128xf32, #tpu.memory_space<vmem_shared>>) dst(%dma_wait3A_39 : memref<624x128xf32, #tpu.memory_space<hbm>>)
        tpu.yield
      }) : () -> ()
      %eq3A_31 = arith.constant 15 : i32
      %eq3A_32 = arith.cmpi eq, %arg1, %eq3A_31 : i32
      %convert_element_type3A_33 = arith.extui %eq3A_32 : i1 to i32
      %cond3A_34 = arith.constant 0 : i32
      %cond3A_35 = arith.cmpi ne, %convert_element_type3A_33, %cond3A_34 : i32
      scf.if %cond3A_35 {
        "tpu.region"() ({
          %run_scoped3A = tpu.sem_alloc : memref<!tpu.dma_semaphore, #tpu.memory_space<semaphore_mem>>
          %dma_start3A = arith.constant 9984 : i32
          %dma_start3A_36 = arith.constant 0 : i32
          %dma_start3A_37 = tpu.memref_slice %arg7[%dma_start3A, %dma_start3A_36] : memref<10000x128xf32, #tpu.memory_space<hbm>> -> memref<16x128xf32, #tpu.memory_space<hbm>>
          %dma_start3A_38 = arith.constant 9984 : i32
          %dma_start3A_39 = arith.constant 0 : i32
          %dma_start3A_40 = tpu.memref_slice %arg12[%dma_start3A_38, %dma_start3A_39] : memref<10000x128xf32, #tpu.memory_space<vmem_shared>> -> memref<16x128xf32, #tpu.memory_space<vmem_shared>>
          tpu.enqueue_dma source(%dma_start3A_40 : memref<16x128xf32, #tpu.memory_space<vmem_shared>>) target(%dma_start3A_37 : memref<16x128xf32, #tpu.memory_space<hbm>>) target_semaphore(%run_scoped3A : memref<!tpu.dma_semaphore, #tpu.memory_space<semaphore_mem>>)
          %dma_wait3A = arith.constant 9984 : i32
          %dma_wait3A_41 = arith.constant 0 : i32
          %dma_wait3A_42 = tpu.memref_slice %arg7[%dma_wait3A, %dma_wait3A_41] : memref<10000x128xf32, #tpu.memory_space<hbm>> -> memref<16x128xf32, #tpu.memory_space<hbm>>
          %dma_wait3A_43 = arith.constant 9984 : i32
          %dma_wait3A_44 = arith.constant 0 : i32
          %dma_wait3A_45 = tpu.memref_slice %arg12[%dma_wait3A_43, %dma_wait3A_44] : memref<10000x128xf32, #tpu.memory_space<vmem_shared>> -> memref<16x128xf32, #tpu.memory_space<vmem_shared>>
          tpu.wait_dma2 semaphore(%run_scoped3A : memref<!tpu.dma_semaphore, #tpu.memory_space<semaphore_mem>>) src(%dma_wait3A_45 : memref<16x128xf32, #tpu.memory_space<vmem_shared>>) dst(%dma_wait3A_42 : memref<16x128xf32, #tpu.memory_space<hbm>>)
          tpu.yield
        }) : () -> ()
      } else {
      }
    } else {
    }
    return
  }
}

#map = affine_map<(d0, d1) -> (0, 0)>
#map1 = affine_map<(d0, d1) -> (0)>
module attributes {stable_mosaic.version = 14 : i64} {
  func.func @_sc_scatter2(%arg0: i32, %arg1: i32, %arg2: memref<160000x128xf32, #tpu.memory_space<hbm>>, %arg3: memref<160000xi32, #tpu.memory_space<hbm>>, %arg4: memref<160000xi32, #tpu.memory_space<hbm>>, %arg5: memref<10000x128xf32, #tpu.memory_space<hbm>>, %arg6: memref<10000x128xf32, #tpu.memory_space<hbm>>, %arg7: memref<10000x128xf32, #tpu.memory_space<hbm>>, %arg8: memref<128xi32, #tpu.memory_space<vmem>>, %arg9: memref<128xi32, #tpu.memory_space<vmem>>, %arg10: memref<128x128xf32, #tpu.memory_space<vmem>>, %arg11: memref<128x128xf32, #tpu.memory_space<vmem>>, %arg12: memref<10000x128xf32, #tpu.memory_space<vmem_shared>>, %arg13: memref<!tpu.dma_semaphore, #tpu.memory_space<semaphore_mem>>, %arg14: memref<!tpu.dma_semaphore, #tpu.memory_space<semaphore_mem>>, %arg15: memref<!tpu.dma_semaphore, #tpu.memory_space<semaphore_mem>>) attributes {dimension_semantics = [#tpu.dimension_semantics<core_parallel>, #tpu.dimension_semantics<subcore_parallel>], iteration_bounds = array<i64: 2, 16>, scalar_prefetch = 0 : i64, scratch_operands = 8 : i64, tpu.core_type = #tpu.core_type<sc_vector_subcore>, window_params = [{transform_indices = #map}, {transform_indices = #map1}, {transform_indices = #map1}, {transform_indices = #map}, {transform_indices = #map}, {transform_indices = #map}]} {
    %mul3A = arith.constant 624 : i32
    %mul3A_0 = arith.muli %arg1, %mul3A : i32
    "tpu.region"() ({
      %run_scoped3A = tpu.sem_alloc : memref<!tpu.dma_semaphore, #tpu.memory_space<semaphore_mem>>
      %dma_start3A = arith.constant 0 : i32
      %dma_start3A_29 = tpu.memref_slice %arg12[%mul3A_0, %dma_start3A] : memref<10000x128xf32, #tpu.memory_space<vmem_shared>> -> memref<624x128xf32, #tpu.memory_space<vmem_shared>>
      %dma_start3A_30 = arith.constant 0 : i32
      %dma_start3A_31 = tpu.memref_slice %arg5[%mul3A_0, %dma_start3A_30] : memref<10000x128xf32, #tpu.memory_space<hbm>> -> memref<624x128xf32, #tpu.memory_space<hbm>>
      tpu.enqueue_dma source(%dma_start3A_31 : memref<624x128xf32, #tpu.memory_space<hbm>>) target(%dma_start3A_29 : memref<624x128xf32, #tpu.memory_space<vmem_shared>>) target_semaphore(%run_scoped3A : memref<!tpu.dma_semaphore, #tpu.memory_space<semaphore_mem>>)
      %dma_wait3A = arith.constant 0 : i32
      %dma_wait3A_32 = tpu.memref_slice %arg12[%mul3A_0, %dma_wait3A] : memref<10000x128xf32, #tpu.memory_space<vmem_shared>> -> memref<624x128xf32, #tpu.memory_space<vmem_shared>>
      %dma_wait3A_33 = arith.constant 0 : i32
      %dma_wait3A_34 = tpu.memref_slice %arg5[%mul3A_0, %dma_wait3A_33] : memref<10000x128xf32, #tpu.memory_space<hbm>> -> memref<624x128xf32, #tpu.memory_space<hbm>>
      tpu.wait_dma2 semaphore(%run_scoped3A : memref<!tpu.dma_semaphore, #tpu.memory_space<semaphore_mem>>) src(%dma_wait3A_34 : memref<624x128xf32, #tpu.memory_space<hbm>>) dst(%dma_wait3A_32 : memref<624x128xf32, #tpu.memory_space<vmem_shared>>)
      tpu.yield
    }) : () -> ()
    %eq3A = arith.constant 15 : i32
    %eq3A_1 = arith.cmpi eq, %arg1, %eq3A : i32
    %convert_element_type3A = arith.extui %eq3A_1 : i1 to i32
    %cond3A = arith.constant 0 : i32
    %cond3A_2 = arith.cmpi ne, %convert_element_type3A, %cond3A : i32
    scf.if %cond3A_2 {
      "tpu.region"() ({
        %run_scoped3A = tpu.sem_alloc : memref<!tpu.dma_semaphore, #tpu.memory_space<semaphore_mem>>
        %dma_start3A = arith.constant 9984 : i32
        %dma_start3A_29 = arith.constant 0 : i32
        %dma_start3A_30 = tpu.memref_slice %arg12[%dma_start3A, %dma_start3A_29] : memref<10000x128xf32, #tpu.memory_space<vmem_shared>> -> memref<16x128xf32, #tpu.memory_space<vmem_shared>>
        %dma_start3A_31 = arith.constant 9984 : i32
        %dma_start3A_32 = arith.constant 0 : i32
        %dma_start3A_33 = tpu.memref_slice %arg5[%dma_start3A_31, %dma_start3A_32] : memref<10000x128xf32, #tpu.memory_space<hbm>> -> memref<16x128xf32, #tpu.memory_space<hbm>>
        tpu.enqueue_dma source(%dma_start3A_33 : memref<16x128xf32, #tpu.memory_space<hbm>>) target(%dma_start3A_30 : memref<16x128xf32, #tpu.memory_space<vmem_shared>>) target_semaphore(%run_scoped3A : memref<!tpu.dma_semaphore, #tpu.memory_space<semaphore_mem>>)
        %dma_wait3A = arith.constant 9984 : i32
        %dma_wait3A_34 = arith.constant 0 : i32
        %dma_wait3A_35 = tpu.memref_slice %arg12[%dma_wait3A, %dma_wait3A_34] : memref<10000x128xf32, #tpu.memory_space<vmem_shared>> -> memref<16x128xf32, #tpu.memory_space<vmem_shared>>
        %dma_wait3A_36 = arith.constant 9984 : i32
        %dma_wait3A_37 = arith.constant 0 : i32
        %dma_wait3A_38 = tpu.memref_slice %arg5[%dma_wait3A_36, %dma_wait3A_37] : memref<10000x128xf32, #tpu.memory_space<hbm>> -> memref<16x128xf32, #tpu.memory_space<hbm>>
        tpu.wait_dma2 semaphore(%run_scoped3A : memref<!tpu.dma_semaphore, #tpu.memory_space<semaphore_mem>>) src(%dma_wait3A_38 : memref<16x128xf32, #tpu.memory_space<hbm>>) dst(%dma_wait3A_35 : memref<16x128xf32, #tpu.memory_space<vmem_shared>>)
        tpu.yield
      }) : () -> ()
    } else {
    }
    %lt3A = arith.constant 2 : i32
    %lt3A_3 = arith.cmpi slt, %arg1, %lt3A : i32
    %jit3A = arith.constant 79 : i32
    %jit3A_4 = arith.constant 78 : i32
    %select_n3A = arith.select %lt3A_3, %jit3A, %jit3A_4 : i32
    %mul3A_5 = arith.constant 78 : i32
    %mul3A_6 = arith.muli %mul3A_5, %arg1 : i32
    %min3A = arith.constant 2 : i32
    %min3A_7 = arith.minsi %arg1, %min3A : i32
    %add3A = arith.addi %mul3A_6, %min3A_7 : i32
    %barrier3A = arith.constant 0 : index
    tpu.barrier barrier_id(%barrier3A)
    %eq3A_8 = arith.constant 0 : i32
    %eq3A_9 = arith.cmpi eq, %arg0, %eq3A_8 : i32
    %convert_element_type3A_10 = arith.extui %eq3A_9 : i1 to i32
    %cond3A_11 = arith.constant 0 : i32
    %cond3A_12 = arith.cmpi ne, %convert_element_type3A_10, %cond3A_11 : i32
    scf.if %cond3A_12 {
      %add3A_29 = arith.constant 0 : i32
      %add3A_30 = arith.addi %add3A, %add3A_29 : i32
      %mul3A_31 = arith.constant 128 : i32
      %mul3A_32 = arith.muli %add3A_30, %mul3A_31 : i32
      %dma_start3A = arith.constant 0 : i32
      %dma_start3A_33 = tpu.memref_slice %arg2[%mul3A_32, %dma_start3A] : memref<160000x128xf32, #tpu.memory_space<hbm>> -> memref<128x128xf32, #tpu.memory_space<hbm>>
      %dma_start3A_34 = arith.constant 0 : i32
      %dma_start3A_35 = tpu.memref_slice %arg2[%mul3A_32, %dma_start3A_34] : memref<160000x128xf32, #tpu.memory_space<hbm>> -> memref<128x128xf32, #tpu.memory_space<hbm>>
      tpu.enqueue_dma source(%dma_start3A_35 : memref<128x128xf32, #tpu.memory_space<hbm>>) target(%arg10 : memref<128x128xf32, #tpu.memory_space<vmem>>) target_semaphore(%arg13 : memref<!tpu.dma_semaphore, #tpu.memory_space<semaphore_mem>>)
      %dma_start3A_36 = tpu.memref_slice %arg3[%mul3A_32] : memref<160000xi32, #tpu.memory_space<hbm>> -> memref<128xi32, #tpu.memory_space<hbm>>
      %dma_start3A_37 = tpu.memref_slice %arg3[%mul3A_32] : memref<160000xi32, #tpu.memory_space<hbm>> -> memref<128xi32, #tpu.memory_space<hbm>>
      tpu.enqueue_dma source(%dma_start3A_37 : memref<128xi32, #tpu.memory_space<hbm>>) target(%arg8 : memref<128xi32, #tpu.memory_space<vmem>>) target_semaphore(%arg13 : memref<!tpu.dma_semaphore, #tpu.memory_space<semaphore_mem>>)
      %add3A_38 = arith.constant 1 : i32
      %add3A_39 = arith.addi %select_n3A, %add3A_38 : i32
      %jit3A_40 = arith.constant 2 : i32
      %div3A = arith.divsi %add3A_39, %jit3A_40 : i32
      %sign3A = arith.constant 0 : i32
      %sign3A_41 = arith.cmpi sgt, %add3A_39, %sign3A : i32
      %sign3A_42 = arith.extui %sign3A_41 : i1 to i32
      %sign3A_43 = arith.constant 0 : i32
      %sign3A_44 = arith.cmpi slt, %add3A_39, %sign3A_43 : i32
      %sign3A_45 = arith.extui %sign3A_44 : i1 to i32
      %sign3A_46 = arith.subi %sign3A_42, %sign3A_45 : i32
      %sign3A_47 = arith.constant 0 : i32
      %sign3A_48 = arith.cmpi sgt, %jit3A_40, %sign3A_47 : i32
      %sign3A_49 = arith.extui %sign3A_48 : i1 to i32
      %sign3A_50 = arith.constant 0 : i32
      %sign3A_51 = arith.cmpi slt, %jit3A_40, %sign3A_50 : i32
      %sign3A_52 = arith.extui %sign3A_51 : i1 to i32
      %sign3A_53 = arith.subi %sign3A_49, %sign3A_52 : i32
      %ne3A = arith.cmpi ne, %sign3A_46, %sign3A_53 : i32
      %rem3A = arith.remsi %add3A_39, %jit3A_40 : i32
      %ne3A_54 = arith.constant 0 : i32
      %ne3A_55 = arith.cmpi ne, %rem3A, %ne3A_54 : i32
      %and3A = arith.andi %ne3A, %ne3A_55 : i1
      %sub3A = arith.constant 1 : i32
      %sub3A_56 = arith.subi %div3A, %sub3A : i32
      %select_n3A_57 = arith.select %and3A, %sub3A_56, %div3A : i32
      %while3A = arith.constant 0 : i32
      %while3A_58 = arith.constant 0 : i32
      %while3A_59 = arith.subi %select_n3A_57, %while3A_58 : i32
      %while3A_60 = arith.addi %while3A_58, %while3A_59 : i32
      %while3A_61 = arith.constant 1 : i32
      %while3A_62 = arith.divsi %while3A_59, %while3A_61 : i32
      %while3A_63 = arith.muli %while3A_62, %while3A_61 : i32
      %while3A_64 = arith.addi %while3A_58, %while3A_63 : i32
      %while3A_65 = arith.constant 1 : i32
      scf.for %while3A_67 = %while3A_58 to %while3A_64 step %while3A_65  : i32 {
        %mul3A_68 = arith.constant 2 : i32
        %mul3A_69 = arith.muli %mul3A_68, %while3A_67 : i32
        %add3A_70 = arith.constant 1 : i32
        %add3A_71 = arith.addi %mul3A_69, %add3A_70 : i32
        %dma_wait3A = arith.constant 0 : i32
        %dma_wait3A_72 = arith.constant 0 : i32
        %dma_wait3A_73 = tpu.memref_slice %arg2[%dma_wait3A, %dma_wait3A_72] : memref<160000x128xf32, #tpu.memory_space<hbm>> -> memref<128x128xf32, #tpu.memory_space<hbm>>
        %dma_wait3A_74 = arith.constant 0 : i32
        %dma_wait3A_75 = arith.constant 0 : i32
        %dma_wait3A_76 = tpu.memref_slice %arg2[%dma_wait3A_74, %dma_wait3A_75] : memref<160000x128xf32, #tpu.memory_space<hbm>> -> memref<128x128xf32, #tpu.memory_space<hbm>>
        tpu.wait_dma2 semaphore(%arg13 : memref<!tpu.dma_semaphore, #tpu.memory_space<semaphore_mem>>) src(%dma_wait3A_76 : memref<128x128xf32, #tpu.memory_space<hbm>>) dst(%arg10 : memref<128x128xf32, #tpu.memory_space<vmem>>)
        %dma_wait3A_77 = arith.constant 0 : i32
        %dma_wait3A_78 = tpu.memref_slice %arg3[%dma_wait3A_77] : memref<160000xi32, #tpu.memory_space<hbm>> -> memref<128xi32, #tpu.memory_space<hbm>>
        %dma_wait3A_79 = arith.constant 0 : i32
        %dma_wait3A_80 = tpu.memref_slice %arg3[%dma_wait3A_79] : memref<160000xi32, #tpu.memory_space<hbm>> -> memref<128xi32, #tpu.memory_space<hbm>>
        tpu.wait_dma2 semaphore(%arg13 : memref<!tpu.dma_semaphore, #tpu.memory_space<semaphore_mem>>) src(%dma_wait3A_80 : memref<128xi32, #tpu.memory_space<hbm>>) dst(%arg8 : memref<128xi32, #tpu.memory_space<vmem>>)
        %lt3A_81 = arith.cmpi slt, %add3A_71, %select_n3A : i32
        %convert_element_type3A_82 = arith.extui %lt3A_81 : i1 to i32
        %cond3A_83 = arith.constant 0 : i32
        %cond3A_84 = arith.cmpi ne, %convert_element_type3A_82, %cond3A_83 : i32
        scf.if %cond3A_84 {
          %add3A_95 = arith.addi %add3A, %add3A_71 : i32
          %mul3A_96 = arith.constant 128 : i32
          %mul3A_97 = arith.muli %add3A_95, %mul3A_96 : i32
          %dma_start3A_98 = arith.constant 0 : i32
          %dma_start3A_99 = tpu.memref_slice %arg2[%mul3A_97, %dma_start3A_98] : memref<160000x128xf32, #tpu.memory_space<hbm>> -> memref<128x128xf32, #tpu.memory_space<hbm>>
          %dma_start3A_100 = arith.constant 0 : i32
          %dma_start3A_101 = tpu.memref_slice %arg2[%mul3A_97, %dma_start3A_100] : memref<160000x128xf32, #tpu.memory_space<hbm>> -> memref<128x128xf32, #tpu.memory_space<hbm>>
          tpu.enqueue_dma source(%dma_start3A_101 : memref<128x128xf32, #tpu.memory_space<hbm>>) target(%arg11 : memref<128x128xf32, #tpu.memory_space<vmem>>) target_semaphore(%arg14 : memref<!tpu.dma_semaphore, #tpu.memory_space<semaphore_mem>>)
          %dma_start3A_102 = tpu.memref_slice %arg3[%mul3A_97] : memref<160000xi32, #tpu.memory_space<hbm>> -> memref<128xi32, #tpu.memory_space<hbm>>
          %dma_start3A_103 = tpu.memref_slice %arg3[%mul3A_97] : memref<160000xi32, #tpu.memory_space<hbm>> -> memref<128xi32, #tpu.memory_space<hbm>>
          tpu.enqueue_dma source(%dma_start3A_103 : memref<128xi32, #tpu.memory_space<hbm>>) target(%arg9 : memref<128xi32, #tpu.memory_space<vmem>>) target_semaphore(%arg14 : memref<!tpu.dma_semaphore, #tpu.memory_space<semaphore_mem>>)
        } else {
        }
        %dma_start3A_85 = arith.constant 0 : i32
        %dma_start3A_86 = arith.constant 0 : i32
        %dma_start3A_87 = tpu.memref_slice %arg12[%dma_start3A_85, %dma_start3A_86] : memref<10000x128xf32, #tpu.memory_space<vmem_shared>> -> memref<10000x128xf32, #tpu.memory_space<vmem_shared>>
        tpu.enqueue_indirect_dma source(%arg10 : memref<128x128xf32, #tpu.memory_space<vmem>>) target(%dma_start3A_87 : memref<10000x128xf32, #tpu.memory_space<vmem_shared>>) offsets(%arg8 : memref<128xi32, #tpu.memory_space<vmem>>) semaphore(%arg15 : memref<!tpu.dma_semaphore, #tpu.memory_space<semaphore_mem>>) {add = true}
        %dma_wait3A_88 = arith.constant 0 : i32
        %dma_wait3A_89 = arith.constant 0 : i32
        %dma_wait3A_90 = tpu.memref_slice %arg12[%dma_wait3A_88, %dma_wait3A_89] : memref<10000x128xf32, #tpu.memory_space<vmem_shared>> -> memref<10000x128xf32, #tpu.memory_space<vmem_shared>>
        tpu.wait_indirect_dma semaphore(%arg15 : memref<!tpu.dma_semaphore, #tpu.memory_space<semaphore_mem>>) src(%arg10 : memref<128x128xf32, #tpu.memory_space<vmem>>) dst(%dma_wait3A_90 : memref<10000x128xf32, #tpu.memory_space<vmem_shared>>)
        %lt3A_91 = arith.cmpi slt, %add3A_71, %select_n3A : i32
        %convert_element_type3A_92 = arith.extui %lt3A_91 : i1 to i32
        %cond3A_93 = arith.constant 0 : i32
        %cond3A_94 = arith.cmpi ne, %convert_element_type3A_92, %cond3A_93 : i32
        scf.if %cond3A_94 {
          %dma_wait3A_95 = arith.constant 0 : i32
          %dma_wait3A_96 = arith.constant 0 : i32
          %dma_wait3A_97 = tpu.memref_slice %arg2[%dma_wait3A_95, %dma_wait3A_96] : memref<160000x128xf32, #tpu.memory_space<hbm>> -> memref<128x128xf32, #tpu.memory_space<hbm>>
          %dma_wait3A_98 = arith.constant 0 : i32
          %dma_wait3A_99 = arith.constant 0 : i32
          %dma_wait3A_100 = tpu.memref_slice %arg2[%dma_wait3A_98, %dma_wait3A_99] : memref<160000x128xf32, #tpu.memory_space<hbm>> -> memref<128x128xf32, #tpu.memory_space<hbm>>
          tpu.wait_dma2 semaphore(%arg14 : memref<!tpu.dma_semaphore, #tpu.memory_space<semaphore_mem>>) src(%dma_wait3A_100 : memref<128x128xf32, #tpu.memory_space<hbm>>) dst(%arg11 : memref<128x128xf32, #tpu.memory_space<vmem>>)
          %dma_wait3A_101 = arith.constant 0 : i32
          %dma_wait3A_102 = tpu.memref_slice %arg3[%dma_wait3A_101] : memref<160000xi32, #tpu.memory_space<hbm>> -> memref<128xi32, #tpu.memory_space<hbm>>
          %dma_wait3A_103 = arith.constant 0 : i32
          %dma_wait3A_104 = tpu.memref_slice %arg3[%dma_wait3A_103] : memref<160000xi32, #tpu.memory_space<hbm>> -> memref<128xi32, #tpu.memory_space<hbm>>
          tpu.wait_dma2 semaphore(%arg14 : memref<!tpu.dma_semaphore, #tpu.memory_space<semaphore_mem>>) src(%dma_wait3A_104 : memref<128xi32, #tpu.memory_space<hbm>>) dst(%arg9 : memref<128xi32, #tpu.memory_space<vmem>>)
          %add3A_105 = arith.constant 1 : i32
          %add3A_106 = arith.addi %add3A_71, %add3A_105 : i32
          %lt3A_107 = arith.cmpi slt, %add3A_106, %select_n3A : i32
          %convert_element_type3A_108 = arith.extui %lt3A_107 : i1 to i32
          %cond3A_109 = arith.constant 0 : i32
          %cond3A_110 = arith.cmpi ne, %convert_element_type3A_108, %cond3A_109 : i32
          scf.if %cond3A_110 {
            %add3A_117 = arith.constant 1 : i32
            %add3A_118 = arith.addi %add3A_71, %add3A_117 : i32
            %add3A_119 = arith.addi %add3A, %add3A_118 : i32
            %mul3A_120 = arith.constant 128 : i32
            %mul3A_121 = arith.muli %add3A_119, %mul3A_120 : i32
            %dma_start3A_122 = arith.constant 0 : i32
            %dma_start3A_123 = tpu.memref_slice %arg2[%mul3A_121, %dma_start3A_122] : memref<160000x128xf32, #tpu.memory_space<hbm>> -> memref<128x128xf32, #tpu.memory_space<hbm>>
            %dma_start3A_124 = arith.constant 0 : i32
            %dma_start3A_125 = tpu.memref_slice %arg2[%mul3A_121, %dma_start3A_124] : memref<160000x128xf32, #tpu.memory_space<hbm>> -> memref<128x128xf32, #tpu.memory_space<hbm>>
            tpu.enqueue_dma source(%dma_start3A_125 : memref<128x128xf32, #tpu.memory_space<hbm>>) target(%arg10 : memref<128x128xf32, #tpu.memory_space<vmem>>) target_semaphore(%arg13 : memref<!tpu.dma_semaphore, #tpu.memory_space<semaphore_mem>>)
            %dma_start3A_126 = tpu.memref_slice %arg3[%mul3A_121] : memref<160000xi32, #tpu.memory_space<hbm>> -> memref<128xi32, #tpu.memory_space<hbm>>
            %dma_start3A_127 = tpu.memref_slice %arg3[%mul3A_121] : memref<160000xi32, #tpu.memory_space<hbm>> -> memref<128xi32, #tpu.memory_space<hbm>>
            tpu.enqueue_dma source(%dma_start3A_127 : memref<128xi32, #tpu.memory_space<hbm>>) target(%arg8 : memref<128xi32, #tpu.memory_space<vmem>>) target_semaphore(%arg13 : memref<!tpu.dma_semaphore, #tpu.memory_space<semaphore_mem>>)
          } else {
          }
          %dma_start3A_111 = arith.constant 0 : i32
          %dma_start3A_112 = arith.constant 0 : i32
          %dma_start3A_113 = tpu.memref_slice %arg12[%dma_start3A_111, %dma_start3A_112] : memref<10000x128xf32, #tpu.memory_space<vmem_shared>> -> memref<10000x128xf32, #tpu.memory_space<vmem_shared>>
          tpu.enqueue_indirect_dma source(%arg11 : memref<128x128xf32, #tpu.memory_space<vmem>>) target(%dma_start3A_113 : memref<10000x128xf32, #tpu.memory_space<vmem_shared>>) offsets(%arg9 : memref<128xi32, #tpu.memory_space<vmem>>) semaphore(%arg15 : memref<!tpu.dma_semaphore, #tpu.memory_space<semaphore_mem>>) {add = true}
          %dma_wait3A_114 = arith.constant 0 : i32
          %dma_wait3A_115 = arith.constant 0 : i32
          %dma_wait3A_116 = tpu.memref_slice %arg12[%dma_wait3A_114, %dma_wait3A_115] : memref<10000x128xf32, #tpu.memory_space<vmem_shared>> -> memref<10000x128xf32, #tpu.memory_space<vmem_shared>>
          tpu.wait_indirect_dma semaphore(%arg15 : memref<!tpu.dma_semaphore, #tpu.memory_space<semaphore_mem>>) src(%arg11 : memref<128x128xf32, #tpu.memory_space<vmem>>) dst(%dma_wait3A_116 : memref<10000x128xf32, #tpu.memory_space<vmem_shared>>)
        } else {
        }
      }
      %while3A_66 = arith.constant 1 : i32
      scf.for %while3A_67 = %while3A_64 to %while3A_60 step %while3A_66  : i32 {
        %mul3A_68 = arith.constant 2 : i32
        %mul3A_69 = arith.muli %mul3A_68, %while3A_67 : i32
        %add3A_70 = arith.constant 1 : i32
        %add3A_71 = arith.addi %mul3A_69, %add3A_70 : i32
        %dma_wait3A = arith.constant 0 : i32
        %dma_wait3A_72 = arith.constant 0 : i32
        %dma_wait3A_73 = tpu.memref_slice %arg2[%dma_wait3A, %dma_wait3A_72] : memref<160000x128xf32, #tpu.memory_space<hbm>> -> memref<128x128xf32, #tpu.memory_space<hbm>>
        %dma_wait3A_74 = arith.constant 0 : i32
        %dma_wait3A_75 = arith.constant 0 : i32
        %dma_wait3A_76 = tpu.memref_slice %arg2[%dma_wait3A_74, %dma_wait3A_75] : memref<160000x128xf32, #tpu.memory_space<hbm>> -> memref<128x128xf32, #tpu.memory_space<hbm>>
        tpu.wait_dma2 semaphore(%arg13 : memref<!tpu.dma_semaphore, #tpu.memory_space<semaphore_mem>>) src(%dma_wait3A_76 : memref<128x128xf32, #tpu.memory_space<hbm>>) dst(%arg10 : memref<128x128xf32, #tpu.memory_space<vmem>>)
        %dma_wait3A_77 = arith.constant 0 : i32
        %dma_wait3A_78 = tpu.memref_slice %arg3[%dma_wait3A_77] : memref<160000xi32, #tpu.memory_space<hbm>> -> memref<128xi32, #tpu.memory_space<hbm>>
        %dma_wait3A_79 = arith.constant 0 : i32
        %dma_wait3A_80 = tpu.memref_slice %arg3[%dma_wait3A_79] : memref<160000xi32, #tpu.memory_space<hbm>> -> memref<128xi32, #tpu.memory_space<hbm>>
        tpu.wait_dma2 semaphore(%arg13 : memref<!tpu.dma_semaphore, #tpu.memory_space<semaphore_mem>>) src(%dma_wait3A_80 : memref<128xi32, #tpu.memory_space<hbm>>) dst(%arg8 : memref<128xi32, #tpu.memory_space<vmem>>)
        %lt3A_81 = arith.cmpi slt, %add3A_71, %select_n3A : i32
        %convert_element_type3A_82 = arith.extui %lt3A_81 : i1 to i32
        %cond3A_83 = arith.constant 0 : i32
        %cond3A_84 = arith.cmpi ne, %convert_element_type3A_82, %cond3A_83 : i32
        scf.if %cond3A_84 {
          %add3A_95 = arith.addi %add3A, %add3A_71 : i32
          %mul3A_96 = arith.constant 128 : i32
          %mul3A_97 = arith.muli %add3A_95, %mul3A_96 : i32
          %dma_start3A_98 = arith.constant 0 : i32
          %dma_start3A_99 = tpu.memref_slice %arg2[%mul3A_97, %dma_start3A_98] : memref<160000x128xf32, #tpu.memory_space<hbm>> -> memref<128x128xf32, #tpu.memory_space<hbm>>
          %dma_start3A_100 = arith.constant 0 : i32
          %dma_start3A_101 = tpu.memref_slice %arg2[%mul3A_97, %dma_start3A_100] : memref<160000x128xf32, #tpu.memory_space<hbm>> -> memref<128x128xf32, #tpu.memory_space<hbm>>
          tpu.enqueue_dma source(%dma_start3A_101 : memref<128x128xf32, #tpu.memory_space<hbm>>) target(%arg11 : memref<128x128xf32, #tpu.memory_space<vmem>>) target_semaphore(%arg14 : memref<!tpu.dma_semaphore, #tpu.memory_space<semaphore_mem>>)
          %dma_start3A_102 = tpu.memref_slice %arg3[%mul3A_97] : memref<160000xi32, #tpu.memory_space<hbm>> -> memref<128xi32, #tpu.memory_space<hbm>>
          %dma_start3A_103 = tpu.memref_slice %arg3[%mul3A_97] : memref<160000xi32, #tpu.memory_space<hbm>> -> memref<128xi32, #tpu.memory_space<hbm>>
          tpu.enqueue_dma source(%dma_start3A_103 : memref<128xi32, #tpu.memory_space<hbm>>) target(%arg9 : memref<128xi32, #tpu.memory_space<vmem>>) target_semaphore(%arg14 : memref<!tpu.dma_semaphore, #tpu.memory_space<semaphore_mem>>)
        } else {
        }
        %dma_start3A_85 = arith.constant 0 : i32
        %dma_start3A_86 = arith.constant 0 : i32
        %dma_start3A_87 = tpu.memref_slice %arg12[%dma_start3A_85, %dma_start3A_86] : memref<10000x128xf32, #tpu.memory_space<vmem_shared>> -> memref<10000x128xf32, #tpu.memory_space<vmem_shared>>
        tpu.enqueue_indirect_dma source(%arg10 : memref<128x128xf32, #tpu.memory_space<vmem>>) target(%dma_start3A_87 : memref<10000x128xf32, #tpu.memory_space<vmem_shared>>) offsets(%arg8 : memref<128xi32, #tpu.memory_space<vmem>>) semaphore(%arg15 : memref<!tpu.dma_semaphore, #tpu.memory_space<semaphore_mem>>) {add = true}
        %dma_wait3A_88 = arith.constant 0 : i32
        %dma_wait3A_89 = arith.constant 0 : i32
        %dma_wait3A_90 = tpu.memref_slice %arg12[%dma_wait3A_88, %dma_wait3A_89] : memref<10000x128xf32, #tpu.memory_space<vmem_shared>> -> memref<10000x128xf32, #tpu.memory_space<vmem_shared>>
        tpu.wait_indirect_dma semaphore(%arg15 : memref<!tpu.dma_semaphore, #tpu.memory_space<semaphore_mem>>) src(%arg10 : memref<128x128xf32, #tpu.memory_space<vmem>>) dst(%dma_wait3A_90 : memref<10000x128xf32, #tpu.memory_space<vmem_shared>>)
        %lt3A_91 = arith.cmpi slt, %add3A_71, %select_n3A : i32
        %convert_element_type3A_92 = arith.extui %lt3A_91 : i1 to i32
        %cond3A_93 = arith.constant 0 : i32
        %cond3A_94 = arith.cmpi ne, %convert_element_type3A_92, %cond3A_93 : i32
        scf.if %cond3A_94 {
          %dma_wait3A_95 = arith.constant 0 : i32
          %dma_wait3A_96 = arith.constant 0 : i32
          %dma_wait3A_97 = tpu.memref_slice %arg2[%dma_wait3A_95, %dma_wait3A_96] : memref<160000x128xf32, #tpu.memory_space<hbm>> -> memref<128x128xf32, #tpu.memory_space<hbm>>
          %dma_wait3A_98 = arith.constant 0 : i32
          %dma_wait3A_99 = arith.constant 0 : i32
          %dma_wait3A_100 = tpu.memref_slice %arg2[%dma_wait3A_98, %dma_wait3A_99] : memref<160000x128xf32, #tpu.memory_space<hbm>> -> memref<128x128xf32, #tpu.memory_space<hbm>>
          tpu.wait_dma2 semaphore(%arg14 : memref<!tpu.dma_semaphore, #tpu.memory_space<semaphore_mem>>) src(%dma_wait3A_100 : memref<128x128xf32, #tpu.memory_space<hbm>>) dst(%arg11 : memref<128x128xf32, #tpu.memory_space<vmem>>)
          %dma_wait3A_101 = arith.constant 0 : i32
          %dma_wait3A_102 = tpu.memref_slice %arg3[%dma_wait3A_101] : memref<160000xi32, #tpu.memory_space<hbm>> -> memref<128xi32, #tpu.memory_space<hbm>>
          %dma_wait3A_103 = arith.constant 0 : i32
          %dma_wait3A_104 = tpu.memref_slice %arg3[%dma_wait3A_103] : memref<160000xi32, #tpu.memory_space<hbm>> -> memref<128xi32, #tpu.memory_space<hbm>>
          tpu.wait_dma2 semaphore(%arg14 : memref<!tpu.dma_semaphore, #tpu.memory_space<semaphore_mem>>) src(%dma_wait3A_104 : memref<128xi32, #tpu.memory_space<hbm>>) dst(%arg9 : memref<128xi32, #tpu.memory_space<vmem>>)
          %add3A_105 = arith.constant 1 : i32
          %add3A_106 = arith.addi %add3A_71, %add3A_105 : i32
          %lt3A_107 = arith.cmpi slt, %add3A_106, %select_n3A : i32
          %convert_element_type3A_108 = arith.extui %lt3A_107 : i1 to i32
          %cond3A_109 = arith.constant 0 : i32
          %cond3A_110 = arith.cmpi ne, %convert_element_type3A_108, %cond3A_109 : i32
          scf.if %cond3A_110 {
            %add3A_117 = arith.constant 1 : i32
            %add3A_118 = arith.addi %add3A_71, %add3A_117 : i32
            %add3A_119 = arith.addi %add3A, %add3A_118 : i32
            %mul3A_120 = arith.constant 128 : i32
            %mul3A_121 = arith.muli %add3A_119, %mul3A_120 : i32
            %dma_start3A_122 = arith.constant 0 : i32
            %dma_start3A_123 = tpu.memref_slice %arg2[%mul3A_121, %dma_start3A_122] : memref<160000x128xf32, #tpu.memory_space<hbm>> -> memref<128x128xf32, #tpu.memory_space<hbm>>
            %dma_start3A_124 = arith.constant 0 : i32
            %dma_start3A_125 = tpu.memref_slice %arg2[%mul3A_121, %dma_start3A_124] : memref<160000x128xf32, #tpu.memory_space<hbm>> -> memref<128x128xf32, #tpu.memory_space<hbm>>
            tpu.enqueue_dma source(%dma_start3A_125 : memref<128x128xf32, #tpu.memory_space<hbm>>) target(%arg10 : memref<128x128xf32, #tpu.memory_space<vmem>>) target_semaphore(%arg13 : memref<!tpu.dma_semaphore, #tpu.memory_space<semaphore_mem>>)
            %dma_start3A_126 = tpu.memref_slice %arg3[%mul3A_121] : memref<160000xi32, #tpu.memory_space<hbm>> -> memref<128xi32, #tpu.memory_space<hbm>>
            %dma_start3A_127 = tpu.memref_slice %arg3[%mul3A_121] : memref<160000xi32, #tpu.memory_space<hbm>> -> memref<128xi32, #tpu.memory_space<hbm>>
            tpu.enqueue_dma source(%dma_start3A_127 : memref<128xi32, #tpu.memory_space<hbm>>) target(%arg8 : memref<128xi32, #tpu.memory_space<vmem>>) target_semaphore(%arg13 : memref<!tpu.dma_semaphore, #tpu.memory_space<semaphore_mem>>)
          } else {
          }
          %dma_start3A_111 = arith.constant 0 : i32
          %dma_start3A_112 = arith.constant 0 : i32
          %dma_start3A_113 = tpu.memref_slice %arg12[%dma_start3A_111, %dma_start3A_112] : memref<10000x128xf32, #tpu.memory_space<vmem_shared>> -> memref<10000x128xf32, #tpu.memory_space<vmem_shared>>
          tpu.enqueue_indirect_dma source(%arg11 : memref<128x128xf32, #tpu.memory_space<vmem>>) target(%dma_start3A_113 : memref<10000x128xf32, #tpu.memory_space<vmem_shared>>) offsets(%arg9 : memref<128xi32, #tpu.memory_space<vmem>>) semaphore(%arg15 : memref<!tpu.dma_semaphore, #tpu.memory_space<semaphore_mem>>) {add = true}
          %dma_wait3A_114 = arith.constant 0 : i32
          %dma_wait3A_115 = arith.constant 0 : i32
          %dma_wait3A_116 = tpu.memref_slice %arg12[%dma_wait3A_114, %dma_wait3A_115] : memref<10000x128xf32, #tpu.memory_space<vmem_shared>> -> memref<10000x128xf32, #tpu.memory_space<vmem_shared>>
          tpu.wait_indirect_dma semaphore(%arg15 : memref<!tpu.dma_semaphore, #tpu.memory_space<semaphore_mem>>) src(%arg11 : memref<128x128xf32, #tpu.memory_space<vmem>>) dst(%dma_wait3A_116 : memref<10000x128xf32, #tpu.memory_space<vmem_shared>>)
        } else {
        }
      }
    } else {
    }
    %eq3A_13 = arith.constant 1 : i32
    %eq3A_14 = arith.cmpi eq, %arg0, %eq3A_13 : i32
    %convert_element_type3A_15 = arith.extui %eq3A_14 : i1 to i32
    %cond3A_16 = arith.constant 0 : i32
    %cond3A_17 = arith.cmpi ne, %convert_element_type3A_15, %cond3A_16 : i32
    scf.if %cond3A_17 {
      %add3A_29 = arith.constant 0 : i32
      %add3A_30 = arith.addi %add3A, %add3A_29 : i32
      %mul3A_31 = arith.constant 128 : i32
      %mul3A_32 = arith.muli %add3A_30, %mul3A_31 : i32
      %dma_start3A = arith.constant 0 : i32
      %dma_start3A_33 = tpu.memref_slice %arg2[%mul3A_32, %dma_start3A] : memref<160000x128xf32, #tpu.memory_space<hbm>> -> memref<128x128xf32, #tpu.memory_space<hbm>>
      %dma_start3A_34 = arith.constant 0 : i32
      %dma_start3A_35 = tpu.memref_slice %arg2[%mul3A_32, %dma_start3A_34] : memref<160000x128xf32, #tpu.memory_space<hbm>> -> memref<128x128xf32, #tpu.memory_space<hbm>>
      tpu.enqueue_dma source(%dma_start3A_35 : memref<128x128xf32, #tpu.memory_space<hbm>>) target(%arg10 : memref<128x128xf32, #tpu.memory_space<vmem>>) target_semaphore(%arg13 : memref<!tpu.dma_semaphore, #tpu.memory_space<semaphore_mem>>)
      %dma_start3A_36 = tpu.memref_slice %arg4[%mul3A_32] : memref<160000xi32, #tpu.memory_space<hbm>> -> memref<128xi32, #tpu.memory_space<hbm>>
      %dma_start3A_37 = tpu.memref_slice %arg4[%mul3A_32] : memref<160000xi32, #tpu.memory_space<hbm>> -> memref<128xi32, #tpu.memory_space<hbm>>
      tpu.enqueue_dma source(%dma_start3A_37 : memref<128xi32, #tpu.memory_space<hbm>>) target(%arg8 : memref<128xi32, #tpu.memory_space<vmem>>) target_semaphore(%arg13 : memref<!tpu.dma_semaphore, #tpu.memory_space<semaphore_mem>>)
      %add3A_38 = arith.constant 1 : i32
      %add3A_39 = arith.addi %select_n3A, %add3A_38 : i32
      %jit3A_40 = arith.constant 2 : i32
      %div3A = arith.divsi %add3A_39, %jit3A_40 : i32
      %sign3A = arith.constant 0 : i32
      %sign3A_41 = arith.cmpi sgt, %add3A_39, %sign3A : i32
      %sign3A_42 = arith.extui %sign3A_41 : i1 to i32
      %sign3A_43 = arith.constant 0 : i32
      %sign3A_44 = arith.cmpi slt, %add3A_39, %sign3A_43 : i32
      %sign3A_45 = arith.extui %sign3A_44 : i1 to i32
      %sign3A_46 = arith.subi %sign3A_42, %sign3A_45 : i32
      %sign3A_47 = arith.constant 0 : i32
      %sign3A_48 = arith.cmpi sgt, %jit3A_40, %sign3A_47 : i32
      %sign3A_49 = arith.extui %sign3A_48 : i1 to i32
      %sign3A_50 = arith.constant 0 : i32
      %sign3A_51 = arith.cmpi slt, %jit3A_40, %sign3A_50 : i32
      %sign3A_52 = arith.extui %sign3A_51 : i1 to i32
      %sign3A_53 = arith.subi %sign3A_49, %sign3A_52 : i32
      %ne3A = arith.cmpi ne, %sign3A_46, %sign3A_53 : i32
      %rem3A = arith.remsi %add3A_39, %jit3A_40 : i32
      %ne3A_54 = arith.constant 0 : i32
      %ne3A_55 = arith.cmpi ne, %rem3A, %ne3A_54 : i32
      %and3A = arith.andi %ne3A, %ne3A_55 : i1
      %sub3A = arith.constant 1 : i32
      %sub3A_56 = arith.subi %div3A, %sub3A : i32
      %select_n3A_57 = arith.select %and3A, %sub3A_56, %div3A : i32
      %while3A = arith.constant 0 : i32
      %while3A_58 = arith.constant 0 : i32
      %while3A_59 = arith.subi %select_n3A_57, %while3A_58 : i32
      %while3A_60 = arith.addi %while3A_58, %while3A_59 : i32
      %while3A_61 = arith.constant 1 : i32
      %while3A_62 = arith.divsi %while3A_59, %while3A_61 : i32
      %while3A_63 = arith.muli %while3A_62, %while3A_61 : i32
      %while3A_64 = arith.addi %while3A_58, %while3A_63 : i32
      %while3A_65 = arith.constant 1 : i32
      scf.for %while3A_67 = %while3A_58 to %while3A_64 step %while3A_65  : i32 {
        %mul3A_68 = arith.constant 2 : i32
        %mul3A_69 = arith.muli %mul3A_68, %while3A_67 : i32
        %add3A_70 = arith.constant 1 : i32
        %add3A_71 = arith.addi %mul3A_69, %add3A_70 : i32
        %dma_wait3A = arith.constant 0 : i32
        %dma_wait3A_72 = arith.constant 0 : i32
        %dma_wait3A_73 = tpu.memref_slice %arg2[%dma_wait3A, %dma_wait3A_72] : memref<160000x128xf32, #tpu.memory_space<hbm>> -> memref<128x128xf32, #tpu.memory_space<hbm>>
        %dma_wait3A_74 = arith.constant 0 : i32
        %dma_wait3A_75 = arith.constant 0 : i32
        %dma_wait3A_76 = tpu.memref_slice %arg2[%dma_wait3A_74, %dma_wait3A_75] : memref<160000x128xf32, #tpu.memory_space<hbm>> -> memref<128x128xf32, #tpu.memory_space<hbm>>
        tpu.wait_dma2 semaphore(%arg13 : memref<!tpu.dma_semaphore, #tpu.memory_space<semaphore_mem>>) src(%dma_wait3A_76 : memref<128x128xf32, #tpu.memory_space<hbm>>) dst(%arg10 : memref<128x128xf32, #tpu.memory_space<vmem>>)
        %dma_wait3A_77 = arith.constant 0 : i32
        %dma_wait3A_78 = tpu.memref_slice %arg4[%dma_wait3A_77] : memref<160000xi32, #tpu.memory_space<hbm>> -> memref<128xi32, #tpu.memory_space<hbm>>
        %dma_wait3A_79 = arith.constant 0 : i32
        %dma_wait3A_80 = tpu.memref_slice %arg4[%dma_wait3A_79] : memref<160000xi32, #tpu.memory_space<hbm>> -> memref<128xi32, #tpu.memory_space<hbm>>
        tpu.wait_dma2 semaphore(%arg13 : memref<!tpu.dma_semaphore, #tpu.memory_space<semaphore_mem>>) src(%dma_wait3A_80 : memref<128xi32, #tpu.memory_space<hbm>>) dst(%arg8 : memref<128xi32, #tpu.memory_space<vmem>>)
        %lt3A_81 = arith.cmpi slt, %add3A_71, %select_n3A : i32
        %convert_element_type3A_82 = arith.extui %lt3A_81 : i1 to i32
        %cond3A_83 = arith.constant 0 : i32
        %cond3A_84 = arith.cmpi ne, %convert_element_type3A_82, %cond3A_83 : i32
        scf.if %cond3A_84 {
          %add3A_95 = arith.addi %add3A, %add3A_71 : i32
          %mul3A_96 = arith.constant 128 : i32
          %mul3A_97 = arith.muli %add3A_95, %mul3A_96 : i32
          %dma_start3A_98 = arith.constant 0 : i32
          %dma_start3A_99 = tpu.memref_slice %arg2[%mul3A_97, %dma_start3A_98] : memref<160000x128xf32, #tpu.memory_space<hbm>> -> memref<128x128xf32, #tpu.memory_space<hbm>>
          %dma_start3A_100 = arith.constant 0 : i32
          %dma_start3A_101 = tpu.memref_slice %arg2[%mul3A_97, %dma_start3A_100] : memref<160000x128xf32, #tpu.memory_space<hbm>> -> memref<128x128xf32, #tpu.memory_space<hbm>>
          tpu.enqueue_dma source(%dma_start3A_101 : memref<128x128xf32, #tpu.memory_space<hbm>>) target(%arg11 : memref<128x128xf32, #tpu.memory_space<vmem>>) target_semaphore(%arg14 : memref<!tpu.dma_semaphore, #tpu.memory_space<semaphore_mem>>)
          %dma_start3A_102 = tpu.memref_slice %arg4[%mul3A_97] : memref<160000xi32, #tpu.memory_space<hbm>> -> memref<128xi32, #tpu.memory_space<hbm>>
          %dma_start3A_103 = tpu.memref_slice %arg4[%mul3A_97] : memref<160000xi32, #tpu.memory_space<hbm>> -> memref<128xi32, #tpu.memory_space<hbm>>
          tpu.enqueue_dma source(%dma_start3A_103 : memref<128xi32, #tpu.memory_space<hbm>>) target(%arg9 : memref<128xi32, #tpu.memory_space<vmem>>) target_semaphore(%arg14 : memref<!tpu.dma_semaphore, #tpu.memory_space<semaphore_mem>>)
        } else {
        }
        %dma_start3A_85 = arith.constant 0 : i32
        %dma_start3A_86 = arith.constant 0 : i32
        %dma_start3A_87 = tpu.memref_slice %arg12[%dma_start3A_85, %dma_start3A_86] : memref<10000x128xf32, #tpu.memory_space<vmem_shared>> -> memref<10000x128xf32, #tpu.memory_space<vmem_shared>>
        tpu.enqueue_indirect_dma source(%arg10 : memref<128x128xf32, #tpu.memory_space<vmem>>) target(%dma_start3A_87 : memref<10000x128xf32, #tpu.memory_space<vmem_shared>>) offsets(%arg8 : memref<128xi32, #tpu.memory_space<vmem>>) semaphore(%arg15 : memref<!tpu.dma_semaphore, #tpu.memory_space<semaphore_mem>>) {add = true}
        %dma_wait3A_88 = arith.constant 0 : i32
        %dma_wait3A_89 = arith.constant 0 : i32
        %dma_wait3A_90 = tpu.memref_slice %arg12[%dma_wait3A_88, %dma_wait3A_89] : memref<10000x128xf32, #tpu.memory_space<vmem_shared>> -> memref<10000x128xf32, #tpu.memory_space<vmem_shared>>
        tpu.wait_indirect_dma semaphore(%arg15 : memref<!tpu.dma_semaphore, #tpu.memory_space<semaphore_mem>>) src(%arg10 : memref<128x128xf32, #tpu.memory_space<vmem>>) dst(%dma_wait3A_90 : memref<10000x128xf32, #tpu.memory_space<vmem_shared>>)
        %lt3A_91 = arith.cmpi slt, %add3A_71, %select_n3A : i32
        %convert_element_type3A_92 = arith.extui %lt3A_91 : i1 to i32
        %cond3A_93 = arith.constant 0 : i32
        %cond3A_94 = arith.cmpi ne, %convert_element_type3A_92, %cond3A_93 : i32
        scf.if %cond3A_94 {
          %dma_wait3A_95 = arith.constant 0 : i32
          %dma_wait3A_96 = arith.constant 0 : i32
          %dma_wait3A_97 = tpu.memref_slice %arg2[%dma_wait3A_95, %dma_wait3A_96] : memref<160000x128xf32, #tpu.memory_space<hbm>> -> memref<128x128xf32, #tpu.memory_space<hbm>>
          %dma_wait3A_98 = arith.constant 0 : i32
          %dma_wait3A_99 = arith.constant 0 : i32
          %dma_wait3A_100 = tpu.memref_slice %arg2[%dma_wait3A_98, %dma_wait3A_99] : memref<160000x128xf32, #tpu.memory_space<hbm>> -> memref<128x128xf32, #tpu.memory_space<hbm>>
          tpu.wait_dma2 semaphore(%arg14 : memref<!tpu.dma_semaphore, #tpu.memory_space<semaphore_mem>>) src(%dma_wait3A_100 : memref<128x128xf32, #tpu.memory_space<hbm>>) dst(%arg11 : memref<128x128xf32, #tpu.memory_space<vmem>>)
          %dma_wait3A_101 = arith.constant 0 : i32
          %dma_wait3A_102 = tpu.memref_slice %arg4[%dma_wait3A_101] : memref<160000xi32, #tpu.memory_space<hbm>> -> memref<128xi32, #tpu.memory_space<hbm>>
          %dma_wait3A_103 = arith.constant 0 : i32
          %dma_wait3A_104 = tpu.memref_slice %arg4[%dma_wait3A_103] : memref<160000xi32, #tpu.memory_space<hbm>> -> memref<128xi32, #tpu.memory_space<hbm>>
          tpu.wait_dma2 semaphore(%arg14 : memref<!tpu.dma_semaphore, #tpu.memory_space<semaphore_mem>>) src(%dma_wait3A_104 : memref<128xi32, #tpu.memory_space<hbm>>) dst(%arg9 : memref<128xi32, #tpu.memory_space<vmem>>)
          %add3A_105 = arith.constant 1 : i32
          %add3A_106 = arith.addi %add3A_71, %add3A_105 : i32
          %lt3A_107 = arith.cmpi slt, %add3A_106, %select_n3A : i32
          %convert_element_type3A_108 = arith.extui %lt3A_107 : i1 to i32
          %cond3A_109 = arith.constant 0 : i32
          %cond3A_110 = arith.cmpi ne, %convert_element_type3A_108, %cond3A_109 : i32
          scf.if %cond3A_110 {
            %add3A_117 = arith.constant 1 : i32
            %add3A_118 = arith.addi %add3A_71, %add3A_117 : i32
            %add3A_119 = arith.addi %add3A, %add3A_118 : i32
            %mul3A_120 = arith.constant 128 : i32
            %mul3A_121 = arith.muli %add3A_119, %mul3A_120 : i32
            %dma_start3A_122 = arith.constant 0 : i32
            %dma_start3A_123 = tpu.memref_slice %arg2[%mul3A_121, %dma_start3A_122] : memref<160000x128xf32, #tpu.memory_space<hbm>> -> memref<128x128xf32, #tpu.memory_space<hbm>>
            %dma_start3A_124 = arith.constant 0 : i32
            %dma_start3A_125 = tpu.memref_slice %arg2[%mul3A_121, %dma_start3A_124] : memref<160000x128xf32, #tpu.memory_space<hbm>> -> memref<128x128xf32, #tpu.memory_space<hbm>>
            tpu.enqueue_dma source(%dma_start3A_125 : memref<128x128xf32, #tpu.memory_space<hbm>>) target(%arg10 : memref<128x128xf32, #tpu.memory_space<vmem>>) target_semaphore(%arg13 : memref<!tpu.dma_semaphore, #tpu.memory_space<semaphore_mem>>)
            %dma_start3A_126 = tpu.memref_slice %arg4[%mul3A_121] : memref<160000xi32, #tpu.memory_space<hbm>> -> memref<128xi32, #tpu.memory_space<hbm>>
            %dma_start3A_127 = tpu.memref_slice %arg4[%mul3A_121] : memref<160000xi32, #tpu.memory_space<hbm>> -> memref<128xi32, #tpu.memory_space<hbm>>
            tpu.enqueue_dma source(%dma_start3A_127 : memref<128xi32, #tpu.memory_space<hbm>>) target(%arg8 : memref<128xi32, #tpu.memory_space<vmem>>) target_semaphore(%arg13 : memref<!tpu.dma_semaphore, #tpu.memory_space<semaphore_mem>>)
          } else {
          }
          %dma_start3A_111 = arith.constant 0 : i32
          %dma_start3A_112 = arith.constant 0 : i32
          %dma_start3A_113 = tpu.memref_slice %arg12[%dma_start3A_111, %dma_start3A_112] : memref<10000x128xf32, #tpu.memory_space<vmem_shared>> -> memref<10000x128xf32, #tpu.memory_space<vmem_shared>>
          tpu.enqueue_indirect_dma source(%arg11 : memref<128x128xf32, #tpu.memory_space<vmem>>) target(%dma_start3A_113 : memref<10000x128xf32, #tpu.memory_space<vmem_shared>>) offsets(%arg9 : memref<128xi32, #tpu.memory_space<vmem>>) semaphore(%arg15 : memref<!tpu.dma_semaphore, #tpu.memory_space<semaphore_mem>>) {add = true}
          %dma_wait3A_114 = arith.constant 0 : i32
          %dma_wait3A_115 = arith.constant 0 : i32
          %dma_wait3A_116 = tpu.memref_slice %arg12[%dma_wait3A_114, %dma_wait3A_115] : memref<10000x128xf32, #tpu.memory_space<vmem_shared>> -> memref<10000x128xf32, #tpu.memory_space<vmem_shared>>
          tpu.wait_indirect_dma semaphore(%arg15 : memref<!tpu.dma_semaphore, #tpu.memory_space<semaphore_mem>>) src(%arg11 : memref<128x128xf32, #tpu.memory_space<vmem>>) dst(%dma_wait3A_116 : memref<10000x128xf32, #tpu.memory_space<vmem_shared>>)
        } else {
        }
      }
      %while3A_66 = arith.constant 1 : i32
      scf.for %while3A_67 = %while3A_64 to %while3A_60 step %while3A_66  : i32 {
        %mul3A_68 = arith.constant 2 : i32
        %mul3A_69 = arith.muli %mul3A_68, %while3A_67 : i32
        %add3A_70 = arith.constant 1 : i32
        %add3A_71 = arith.addi %mul3A_69, %add3A_70 : i32
        %dma_wait3A = arith.constant 0 : i32
        %dma_wait3A_72 = arith.constant 0 : i32
        %dma_wait3A_73 = tpu.memref_slice %arg2[%dma_wait3A, %dma_wait3A_72] : memref<160000x128xf32, #tpu.memory_space<hbm>> -> memref<128x128xf32, #tpu.memory_space<hbm>>
        %dma_wait3A_74 = arith.constant 0 : i32
        %dma_wait3A_75 = arith.constant 0 : i32
        %dma_wait3A_76 = tpu.memref_slice %arg2[%dma_wait3A_74, %dma_wait3A_75] : memref<160000x128xf32, #tpu.memory_space<hbm>> -> memref<128x128xf32, #tpu.memory_space<hbm>>
        tpu.wait_dma2 semaphore(%arg13 : memref<!tpu.dma_semaphore, #tpu.memory_space<semaphore_mem>>) src(%dma_wait3A_76 : memref<128x128xf32, #tpu.memory_space<hbm>>) dst(%arg10 : memref<128x128xf32, #tpu.memory_space<vmem>>)
        %dma_wait3A_77 = arith.constant 0 : i32
        %dma_wait3A_78 = tpu.memref_slice %arg4[%dma_wait3A_77] : memref<160000xi32, #tpu.memory_space<hbm>> -> memref<128xi32, #tpu.memory_space<hbm>>
        %dma_wait3A_79 = arith.constant 0 : i32
        %dma_wait3A_80 = tpu.memref_slice %arg4[%dma_wait3A_79] : memref<160000xi32, #tpu.memory_space<hbm>> -> memref<128xi32, #tpu.memory_space<hbm>>
        tpu.wait_dma2 semaphore(%arg13 : memref<!tpu.dma_semaphore, #tpu.memory_space<semaphore_mem>>) src(%dma_wait3A_80 : memref<128xi32, #tpu.memory_space<hbm>>) dst(%arg8 : memref<128xi32, #tpu.memory_space<vmem>>)
        %lt3A_81 = arith.cmpi slt, %add3A_71, %select_n3A : i32
        %convert_element_type3A_82 = arith.extui %lt3A_81 : i1 to i32
        %cond3A_83 = arith.constant 0 : i32
        %cond3A_84 = arith.cmpi ne, %convert_element_type3A_82, %cond3A_83 : i32
        scf.if %cond3A_84 {
          %add3A_95 = arith.addi %add3A, %add3A_71 : i32
          %mul3A_96 = arith.constant 128 : i32
          %mul3A_97 = arith.muli %add3A_95, %mul3A_96 : i32
          %dma_start3A_98 = arith.constant 0 : i32
          %dma_start3A_99 = tpu.memref_slice %arg2[%mul3A_97, %dma_start3A_98] : memref<160000x128xf32, #tpu.memory_space<hbm>> -> memref<128x128xf32, #tpu.memory_space<hbm>>
          %dma_start3A_100 = arith.constant 0 : i32
          %dma_start3A_101 = tpu.memref_slice %arg2[%mul3A_97, %dma_start3A_100] : memref<160000x128xf32, #tpu.memory_space<hbm>> -> memref<128x128xf32, #tpu.memory_space<hbm>>
          tpu.enqueue_dma source(%dma_start3A_101 : memref<128x128xf32, #tpu.memory_space<hbm>>) target(%arg11 : memref<128x128xf32, #tpu.memory_space<vmem>>) target_semaphore(%arg14 : memref<!tpu.dma_semaphore, #tpu.memory_space<semaphore_mem>>)
          %dma_start3A_102 = tpu.memref_slice %arg4[%mul3A_97] : memref<160000xi32, #tpu.memory_space<hbm>> -> memref<128xi32, #tpu.memory_space<hbm>>
          %dma_start3A_103 = tpu.memref_slice %arg4[%mul3A_97] : memref<160000xi32, #tpu.memory_space<hbm>> -> memref<128xi32, #tpu.memory_space<hbm>>
          tpu.enqueue_dma source(%dma_start3A_103 : memref<128xi32, #tpu.memory_space<hbm>>) target(%arg9 : memref<128xi32, #tpu.memory_space<vmem>>) target_semaphore(%arg14 : memref<!tpu.dma_semaphore, #tpu.memory_space<semaphore_mem>>)
        } else {
        }
        %dma_start3A_85 = arith.constant 0 : i32
        %dma_start3A_86 = arith.constant 0 : i32
        %dma_start3A_87 = tpu.memref_slice %arg12[%dma_start3A_85, %dma_start3A_86] : memref<10000x128xf32, #tpu.memory_space<vmem_shared>> -> memref<10000x128xf32, #tpu.memory_space<vmem_shared>>
        tpu.enqueue_indirect_dma source(%arg10 : memref<128x128xf32, #tpu.memory_space<vmem>>) target(%dma_start3A_87 : memref<10000x128xf32, #tpu.memory_space<vmem_shared>>) offsets(%arg8 : memref<128xi32, #tpu.memory_space<vmem>>) semaphore(%arg15 : memref<!tpu.dma_semaphore, #tpu.memory_space<semaphore_mem>>) {add = true}
        %dma_wait3A_88 = arith.constant 0 : i32
        %dma_wait3A_89 = arith.constant 0 : i32
        %dma_wait3A_90 = tpu.memref_slice %arg12[%dma_wait3A_88, %dma_wait3A_89] : memref<10000x128xf32, #tpu.memory_space<vmem_shared>> -> memref<10000x128xf32, #tpu.memory_space<vmem_shared>>
        tpu.wait_indirect_dma semaphore(%arg15 : memref<!tpu.dma_semaphore, #tpu.memory_space<semaphore_mem>>) src(%arg10 : memref<128x128xf32, #tpu.memory_space<vmem>>) dst(%dma_wait3A_90 : memref<10000x128xf32, #tpu.memory_space<vmem_shared>>)
        %lt3A_91 = arith.cmpi slt, %add3A_71, %select_n3A : i32
        %convert_element_type3A_92 = arith.extui %lt3A_91 : i1 to i32
        %cond3A_93 = arith.constant 0 : i32
        %cond3A_94 = arith.cmpi ne, %convert_element_type3A_92, %cond3A_93 : i32
        scf.if %cond3A_94 {
          %dma_wait3A_95 = arith.constant 0 : i32
          %dma_wait3A_96 = arith.constant 0 : i32
          %dma_wait3A_97 = tpu.memref_slice %arg2[%dma_wait3A_95, %dma_wait3A_96] : memref<160000x128xf32, #tpu.memory_space<hbm>> -> memref<128x128xf32, #tpu.memory_space<hbm>>
          %dma_wait3A_98 = arith.constant 0 : i32
          %dma_wait3A_99 = arith.constant 0 : i32
          %dma_wait3A_100 = tpu.memref_slice %arg2[%dma_wait3A_98, %dma_wait3A_99] : memref<160000x128xf32, #tpu.memory_space<hbm>> -> memref<128x128xf32, #tpu.memory_space<hbm>>
          tpu.wait_dma2 semaphore(%arg14 : memref<!tpu.dma_semaphore, #tpu.memory_space<semaphore_mem>>) src(%dma_wait3A_100 : memref<128x128xf32, #tpu.memory_space<hbm>>) dst(%arg11 : memref<128x128xf32, #tpu.memory_space<vmem>>)
          %dma_wait3A_101 = arith.constant 0 : i32
          %dma_wait3A_102 = tpu.memref_slice %arg4[%dma_wait3A_101] : memref<160000xi32, #tpu.memory_space<hbm>> -> memref<128xi32, #tpu.memory_space<hbm>>
          %dma_wait3A_103 = arith.constant 0 : i32
          %dma_wait3A_104 = tpu.memref_slice %arg4[%dma_wait3A_103] : memref<160000xi32, #tpu.memory_space<hbm>> -> memref<128xi32, #tpu.memory_space<hbm>>
          tpu.wait_dma2 semaphore(%arg14 : memref<!tpu.dma_semaphore, #tpu.memory_space<semaphore_mem>>) src(%dma_wait3A_104 : memref<128xi32, #tpu.memory_space<hbm>>) dst(%arg9 : memref<128xi32, #tpu.memory_space<vmem>>)
          %add3A_105 = arith.constant 1 : i32
          %add3A_106 = arith.addi %add3A_71, %add3A_105 : i32
          %lt3A_107 = arith.cmpi slt, %add3A_106, %select_n3A : i32
          %convert_element_type3A_108 = arith.extui %lt3A_107 : i1 to i32
          %cond3A_109 = arith.constant 0 : i32
          %cond3A_110 = arith.cmpi ne, %convert_element_type3A_108, %cond3A_109 : i32
          scf.if %cond3A_110 {
            %add3A_117 = arith.constant 1 : i32
            %add3A_118 = arith.addi %add3A_71, %add3A_117 : i32
            %add3A_119 = arith.addi %add3A, %add3A_118 : i32
            %mul3A_120 = arith.constant 128 : i32
            %mul3A_121 = arith.muli %add3A_119, %mul3A_120 : i32
            %dma_start3A_122 = arith.constant 0 : i32
            %dma_start3A_123 = tpu.memref_slice %arg2[%mul3A_121, %dma_start3A_122] : memref<160000x128xf32, #tpu.memory_space<hbm>> -> memref<128x128xf32, #tpu.memory_space<hbm>>
            %dma_start3A_124 = arith.constant 0 : i32
            %dma_start3A_125 = tpu.memref_slice %arg2[%mul3A_121, %dma_start3A_124] : memref<160000x128xf32, #tpu.memory_space<hbm>> -> memref<128x128xf32, #tpu.memory_space<hbm>>
            tpu.enqueue_dma source(%dma_start3A_125 : memref<128x128xf32, #tpu.memory_space<hbm>>) target(%arg10 : memref<128x128xf32, #tpu.memory_space<vmem>>) target_semaphore(%arg13 : memref<!tpu.dma_semaphore, #tpu.memory_space<semaphore_mem>>)
            %dma_start3A_126 = tpu.memref_slice %arg4[%mul3A_121] : memref<160000xi32, #tpu.memory_space<hbm>> -> memref<128xi32, #tpu.memory_space<hbm>>
            %dma_start3A_127 = tpu.memref_slice %arg4[%mul3A_121] : memref<160000xi32, #tpu.memory_space<hbm>> -> memref<128xi32, #tpu.memory_space<hbm>>
            tpu.enqueue_dma source(%dma_start3A_127 : memref<128xi32, #tpu.memory_space<hbm>>) target(%arg8 : memref<128xi32, #tpu.memory_space<vmem>>) target_semaphore(%arg13 : memref<!tpu.dma_semaphore, #tpu.memory_space<semaphore_mem>>)
          } else {
          }
          %dma_start3A_111 = arith.constant 0 : i32
          %dma_start3A_112 = arith.constant 0 : i32
          %dma_start3A_113 = tpu.memref_slice %arg12[%dma_start3A_111, %dma_start3A_112] : memref<10000x128xf32, #tpu.memory_space<vmem_shared>> -> memref<10000x128xf32, #tpu.memory_space<vmem_shared>>
          tpu.enqueue_indirect_dma source(%arg11 : memref<128x128xf32, #tpu.memory_space<vmem>>) target(%dma_start3A_113 : memref<10000x128xf32, #tpu.memory_space<vmem_shared>>) offsets(%arg9 : memref<128xi32, #tpu.memory_space<vmem>>) semaphore(%arg15 : memref<!tpu.dma_semaphore, #tpu.memory_space<semaphore_mem>>) {add = true}
          %dma_wait3A_114 = arith.constant 0 : i32
          %dma_wait3A_115 = arith.constant 0 : i32
          %dma_wait3A_116 = tpu.memref_slice %arg12[%dma_wait3A_114, %dma_wait3A_115] : memref<10000x128xf32, #tpu.memory_space<vmem_shared>> -> memref<10000x128xf32, #tpu.memory_space<vmem_shared>>
          tpu.wait_indirect_dma semaphore(%arg15 : memref<!tpu.dma_semaphore, #tpu.memory_space<semaphore_mem>>) src(%arg11 : memref<128x128xf32, #tpu.memory_space<vmem>>) dst(%dma_wait3A_116 : memref<10000x128xf32, #tpu.memory_space<vmem_shared>>)
        } else {
        }
      }
    } else {
    }
    %barrier3A_18 = arith.constant 0 : index
    tpu.barrier barrier_id(%barrier3A_18)
    %eq3A_19 = arith.constant 0 : i32
    %eq3A_20 = arith.cmpi eq, %arg0, %eq3A_19 : i32
    %convert_element_type3A_21 = arith.extui %eq3A_20 : i1 to i32
    %cond3A_22 = arith.constant 0 : i32
    %cond3A_23 = arith.cmpi ne, %convert_element_type3A_21, %cond3A_22 : i32
    scf.if %cond3A_23 {
      %mul3A_29 = arith.constant 624 : i32
      %mul3A_30 = arith.muli %arg1, %mul3A_29 : i32
      "tpu.region"() ({
        %run_scoped3A = tpu.sem_alloc : memref<!tpu.dma_semaphore, #tpu.memory_space<semaphore_mem>>
        %dma_start3A = arith.constant 0 : i32
        %dma_start3A_36 = tpu.memref_slice %arg6[%mul3A_30, %dma_start3A] : memref<10000x128xf32, #tpu.memory_space<hbm>> -> memref<624x128xf32, #tpu.memory_space<hbm>>
        %dma_start3A_37 = arith.constant 0 : i32
        %dma_start3A_38 = tpu.memref_slice %arg12[%mul3A_30, %dma_start3A_37] : memref<10000x128xf32, #tpu.memory_space<vmem_shared>> -> memref<624x128xf32, #tpu.memory_space<vmem_shared>>
        tpu.enqueue_dma source(%dma_start3A_38 : memref<624x128xf32, #tpu.memory_space<vmem_shared>>) target(%dma_start3A_36 : memref<624x128xf32, #tpu.memory_space<hbm>>) target_semaphore(%run_scoped3A : memref<!tpu.dma_semaphore, #tpu.memory_space<semaphore_mem>>)
        %dma_wait3A = arith.constant 0 : i32
        %dma_wait3A_39 = tpu.memref_slice %arg6[%mul3A_30, %dma_wait3A] : memref<10000x128xf32, #tpu.memory_space<hbm>> -> memref<624x128xf32, #tpu.memory_space<hbm>>
        %dma_wait3A_40 = arith.constant 0 : i32
        %dma_wait3A_41 = tpu.memref_slice %arg12[%mul3A_30, %dma_wait3A_40] : memref<10000x128xf32, #tpu.memory_space<vmem_shared>> -> memref<624x128xf32, #tpu.memory_space<vmem_shared>>
        tpu.wait_dma2 semaphore(%run_scoped3A : memref<!tpu.dma_semaphore, #tpu.memory_space<semaphore_mem>>) src(%dma_wait3A_41 : memref<624x128xf32, #tpu.memory_space<vmem_shared>>) dst(%dma_wait3A_39 : memref<624x128xf32, #tpu.memory_space<hbm>>)
        tpu.yield
      }) : () -> ()
      %eq3A_31 = arith.constant 15 : i32
      %eq3A_32 = arith.cmpi eq, %arg1, %eq3A_31 : i32
      %convert_element_type3A_33 = arith.extui %eq3A_32 : i1 to i32
      %cond3A_34 = arith.constant 0 : i32
      %cond3A_35 = arith.cmpi ne, %convert_element_type3A_33, %cond3A_34 : i32
      scf.if %cond3A_35 {
        "tpu.region"() ({
          %run_scoped3A = tpu.sem_alloc : memref<!tpu.dma_semaphore, #tpu.memory_space<semaphore_mem>>
          %dma_start3A = arith.constant 9984 : i32
          %dma_start3A_36 = arith.constant 0 : i32
          %dma_start3A_37 = tpu.memref_slice %arg6[%dma_start3A, %dma_start3A_36] : memref<10000x128xf32, #tpu.memory_space<hbm>> -> memref<16x128xf32, #tpu.memory_space<hbm>>
          %dma_start3A_38 = arith.constant 9984 : i32
          %dma_start3A_39 = arith.constant 0 : i32
          %dma_start3A_40 = tpu.memref_slice %arg12[%dma_start3A_38, %dma_start3A_39] : memref<10000x128xf32, #tpu.memory_space<vmem_shared>> -> memref<16x128xf32, #tpu.memory_space<vmem_shared>>
          tpu.enqueue_dma source(%dma_start3A_40 : memref<16x128xf32, #tpu.memory_space<vmem_shared>>) target(%dma_start3A_37 : memref<16x128xf32, #tpu.memory_space<hbm>>) target_semaphore(%run_scoped3A : memref<!tpu.dma_semaphore, #tpu.memory_space<semaphore_mem>>)
          %dma_wait3A = arith.constant 9984 : i32
          %dma_wait3A_41 = arith.constant 0 : i32
          %dma_wait3A_42 = tpu.memref_slice %arg6[%dma_wait3A, %dma_wait3A_41] : memref<10000x128xf32, #tpu.memory_space<hbm>> -> memref<16x128xf32, #tpu.memory_space<hbm>>
          %dma_wait3A_43 = arith.constant 9984 : i32
          %dma_wait3A_44 = arith.constant 0 : i32
          %dma_wait3A_45 = tpu.memref_slice %arg12[%dma_wait3A_43, %dma_wait3A_44] : memref<10000x128xf32, #tpu.memory_space<vmem_shared>> -> memref<16x128xf32, #tpu.memory_space<vmem_shared>>
          tpu.wait_dma2 semaphore(%run_scoped3A : memref<!tpu.dma_semaphore, #tpu.memory_space<semaphore_mem>>) src(%dma_wait3A_45 : memref<16x128xf32, #tpu.memory_space<vmem_shared>>) dst(%dma_wait3A_42 : memref<16x128xf32, #tpu.memory_space<hbm>>)
          tpu.yield
        }) : () -> ()
      } else {
      }
    } else {
    }
    %eq3A_24 = arith.constant 1 : i32
    %eq3A_25 = arith.cmpi eq, %arg0, %eq3A_24 : i32
    %convert_element_type3A_26 = arith.extui %eq3A_25 : i1 to i32
    %cond3A_27 = arith.constant 0 : i32
    %cond3A_28 = arith.cmpi ne, %convert_element_type3A_26, %cond3A_27 : i32
    scf.if %cond3A_28 {
      %mul3A_29 = arith.constant 624 : i32
      %mul3A_30 = arith.muli %arg1, %mul3A_29 : i32
      "tpu.region"() ({
        %run_scoped3A = tpu.sem_alloc : memref<!tpu.dma_semaphore, #tpu.memory_space<semaphore_mem>>
        %dma_start3A = arith.constant 0 : i32
        %dma_start3A_36 = tpu.memref_slice %arg7[%mul3A_30, %dma_start3A] : memref<10000x128xf32, #tpu.memory_space<hbm>> -> memref<624x128xf32, #tpu.memory_space<hbm>>
        %dma_start3A_37 = arith.constant 0 : i32
        %dma_start3A_38 = tpu.memref_slice %arg12[%mul3A_30, %dma_start3A_37] : memref<10000x128xf32, #tpu.memory_space<vmem_shared>> -> memref<624x128xf32, #tpu.memory_space<vmem_shared>>
        tpu.enqueue_dma source(%dma_start3A_38 : memref<624x128xf32, #tpu.memory_space<vmem_shared>>) target(%dma_start3A_36 : memref<624x128xf32, #tpu.memory_space<hbm>>) target_semaphore(%run_scoped3A : memref<!tpu.dma_semaphore, #tpu.memory_space<semaphore_mem>>)
        %dma_wait3A = arith.constant 0 : i32
        %dma_wait3A_39 = tpu.memref_slice %arg7[%mul3A_30, %dma_wait3A] : memref<10000x128xf32, #tpu.memory_space<hbm>> -> memref<624x128xf32, #tpu.memory_space<hbm>>
        %dma_wait3A_40 = arith.constant 0 : i32
        %dma_wait3A_41 = tpu.memref_slice %arg12[%mul3A_30, %dma_wait3A_40] : memref<10000x128xf32, #tpu.memory_space<vmem_shared>> -> memref<624x128xf32, #tpu.memory_space<vmem_shared>>
        tpu.wait_dma2 semaphore(%run_scoped3A : memref<!tpu.dma_semaphore, #tpu.memory_space<semaphore_mem>>) src(%dma_wait3A_41 : memref<624x128xf32, #tpu.memory_space<vmem_shared>>) dst(%dma_wait3A_39 : memref<624x128xf32, #tpu.memory_space<hbm>>)
        tpu.yield
      }) : () -> ()
      %eq3A_31 = arith.constant 15 : i32
      %eq3A_32 = arith.cmpi eq, %arg1, %eq3A_31 : i32
      %convert_element_type3A_33 = arith.extui %eq3A_32 : i1 to i32
      %cond3A_34 = arith.constant 0 : i32
      %cond3A_35 = arith.cmpi ne, %convert_element_type3A_33, %cond3A_34 : i32
      scf.if %cond3A_35 {
        "tpu.region"() ({
          %run_scoped3A = tpu.sem_alloc : memref<!tpu.dma_semaphore, #tpu.memory_space<semaphore_mem>>
          %dma_start3A = arith.constant 9984 : i32
          %dma_start3A_36 = arith.constant 0 : i32
          %dma_start3A_37 = tpu.memref_slice %arg7[%dma_start3A, %dma_start3A_36] : memref<10000x128xf32, #tpu.memory_space<hbm>> -> memref<16x128xf32, #tpu.memory_space<hbm>>
          %dma_start3A_38 = arith.constant 9984 : i32
          %dma_start3A_39 = arith.constant 0 : i32
          %dma_start3A_40 = tpu.memref_slice %arg12[%dma_start3A_38, %dma_start3A_39] : memref<10000x128xf32, #tpu.memory_space<vmem_shared>> -> memref<16x128xf32, #tpu.memory_space<vmem_shared>>
          tpu.enqueue_dma source(%dma_start3A_40 : memref<16x128xf32, #tpu.memory_space<vmem_shared>>) target(%dma_start3A_37 : memref<16x128xf32, #tpu.memory_space<hbm>>) target_semaphore(%run_scoped3A : memref<!tpu.dma_semaphore, #tpu.memory_space<semaphore_mem>>)
          %dma_wait3A = arith.constant 9984 : i32
          %dma_wait3A_41 = arith.constant 0 : i32
          %dma_wait3A_42 = tpu.memref_slice %arg7[%dma_wait3A, %dma_wait3A_41] : memref<10000x128xf32, #tpu.memory_space<hbm>> -> memref<16x128xf32, #tpu.memory_space<hbm>>
          %dma_wait3A_43 = arith.constant 9984 : i32
          %dma_wait3A_44 = arith.constant 0 : i32
          %dma_wait3A_45 = tpu.memref_slice %arg12[%dma_wait3A_43, %dma_wait3A_44] : memref<10000x128xf32, #tpu.memory_space<vmem_shared>> -> memref<16x128xf32, #tpu.memory_space<vmem_shared>>
          tpu.wait_dma2 semaphore(%run_scoped3A : memref<!tpu.dma_semaphore, #tpu.memory_space<semaphore_mem>>) src(%dma_wait3A_45 : memref<16x128xf32, #tpu.memory_space<vmem_shared>>) dst(%dma_wait3A_42 : memref<16x128xf32, #tpu.memory_space<hbm>>)
          tpu.yield
        }) : () -> ()
      } else {
      }
    } else {
    }
    return
  }
}

module attributes {stable_mosaic.version = 14 : i64} {
  func.func @_edge_enc_tail_body(%arg0: i32, %arg1: memref<4000x16xf32, #tpu.memory_space<vmem>>, %arg2: memref<16x128xf32, #tpu.memory_space<vmem>>, %arg3: memref<1x128xf32, #tpu.memory_space<vmem>>, %arg4: memref<128x128xf32, #tpu.memory_space<vmem>>, %arg5: memref<1x128xf32, #tpu.memory_space<vmem>>, %arg6: memref<128x128xf32, #tpu.memory_space<vmem>>, %arg7: memref<1x128xf32, #tpu.memory_space<vmem>>, %arg8: memref<1x128xf32, #tpu.memory_space<vmem>>, %arg9: memref<1x128xf32, #tpu.memory_space<vmem>>, %arg10: memref<4000x128xf32, #tpu.memory_space<vmem>>, %arg11: memref<4000x128xf32, #tpu.memory_space<vmem>>, %arg12: memref<128x128xf32, #tpu.memory_space<vmem>>, %arg13: memref<1x128xf32, #tpu.memory_space<vmem>>, %arg14: memref<128x128xf32, #tpu.memory_space<vmem>>, %arg15: memref<1x128xf32, #tpu.memory_space<vmem>>, %arg16: memref<128x128xf32, #tpu.memory_space<vmem>>, %arg17: memref<1x128xf32, #tpu.memory_space<vmem>>, %arg18: memref<1x128xf32, #tpu.memory_space<vmem>>, %arg19: memref<1x128xf32, #tpu.memory_space<vmem>>, %arg20: memref<4000x128xf32, #tpu.memory_space<vmem>>, %arg21: memref<4000x128xf32, #tpu.memory_space<vmem>>) attributes {dimension_semantics = [#tpu.dimension_semantics<arbitrary>], iteration_bounds = array<i64: 40>, scalar_prefetch = 0 : i64, scratch_operands = 0 : i64, tpu.core_type = #tpu.core_type<tc>, window_params = [{transform_indices = @transform_0, window_bounds = array<i64: 4000, 16>}, {pipeline_mode = #tpu.pipeline_mode<synchronous>, transform_indices = @transform_1, window_bounds = array<i64: 16, 128>}, {pipeline_mode = #tpu.pipeline_mode<synchronous>, transform_indices = @transform_2, window_bounds = array<i64: 1, 128>}, {pipeline_mode = #tpu.pipeline_mode<synchronous>, transform_indices = @transform_3, window_bounds = array<i64: 128, 128>}, {pipeline_mode = #tpu.pipeline_mode<synchronous>, transform_indices = @transform_4, window_bounds = array<i64: 1, 128>}, {pipeline_mode = #tpu.pipeline_mode<synchronous>, transform_indices = @transform_5, window_bounds = array<i64: 128, 128>}, {pipeline_mode = #tpu.pipeline_mode<synchronous>, transform_indices = @transform_6, window_bounds = array<i64: 1, 128>}, {pipeline_mode = #tpu.pipeline_mode<synchronous>, transform_indices = @transform_7, window_bounds = array<i64: 1, 128>}, {pipeline_mode = #tpu.pipeline_mode<synchronous>, transform_indices = @transform_8, window_bounds = array<i64: 1, 128>}, {transform_indices = @transform_9, window_bounds = array<i64: 4000, 128>}, {transform_indices = @transform_10, window_bounds = array<i64: 4000, 128>}, {pipeline_mode = #tpu.pipeline_mode<synchronous>, transform_indices = @transform_11, window_bounds = array<i64: 128, 128>}, {pipeline_mode = #tpu.pipeline_mode<synchronous>, transform_indices = @transform_12, window_bounds = array<i64: 1, 128>}, {pipeline_mode = #tpu.pipeline_mode<synchronous>, transform_indices = @transform_13, window_bounds = array<i64: 128, 128>}, {pipeline_mode = #tpu.pipeline_mode<synchronous>, transform_indices = @transform_14, window_bounds = array<i64: 1, 128>}, {pipeline_mode = #tpu.pipeline_mode<synchronous>, transform_indices = @transform_15, window_bounds = array<i64: 128, 128>}, {pipeline_mode = #tpu.pipeline_mode<synchronous>, transform_indices = @transform_16, window_bounds = array<i64: 1, 128>}, {pipeline_mode = #tpu.pipeline_mode<synchronous>, transform_indices = @transform_17, window_bounds = array<i64: 1, 128>}, {pipeline_mode = #tpu.pipeline_mode<synchronous>, transform_indices = @transform_18, window_bounds = array<i64: 1, 128>}, {transform_indices = @transform_19, window_bounds = array<i64: 4000, 128>}, {transform_indices = @transform_20, window_bounds = array<i64: 4000, 128>}]} {
    %get3A = arith.constant 0 : index
    %get3A_0 = arith.constant 0 : index
    %get3A_1 = vector.load %arg1[%get3A, %get3A_0] : memref<4000x16xf32, #tpu.memory_space<vmem>>, vector<4000x16xf32>
    %get3A_2 = arith.constant 0 : index
    %get3A_3 = arith.constant 0 : index
    %get3A_4 = vector.load %arg2[%get3A_2, %get3A_3] : memref<16x128xf32, #tpu.memory_space<vmem>>, vector<16x128xf32>
    %get3A_5 = arith.constant 0 : index
    %get3A_6 = arith.constant 0 : index
    %get3A_7 = vector.load %arg3[%get3A_5, %get3A_6] : memref<1x128xf32, #tpu.memory_space<vmem>>, vector<1x128xf32>
    %get3A_8 = arith.constant 0 : index
    %get3A_9 = arith.constant 0 : index
    %get3A_10 = vector.load %arg4[%get3A_8, %get3A_9] : memref<128x128xf32, #tpu.memory_space<vmem>>, vector<128x128xf32>
    %get3A_11 = arith.constant 0 : index
    %get3A_12 = arith.constant 0 : index
    %get3A_13 = vector.load %arg5[%get3A_11, %get3A_12] : memref<1x128xf32, #tpu.memory_space<vmem>>, vector<1x128xf32>
    %get3A_14 = arith.constant 0 : index
    %get3A_15 = arith.constant 0 : index
    %get3A_16 = vector.load %arg6[%get3A_14, %get3A_15] : memref<128x128xf32, #tpu.memory_space<vmem>>, vector<128x128xf32>
    %get3A_17 = arith.constant 0 : index
    %get3A_18 = arith.constant 0 : index
    %get3A_19 = vector.load %arg7[%get3A_17, %get3A_18] : memref<1x128xf32, #tpu.memory_space<vmem>>, vector<1x128xf32>
    %get3A_20 = arith.constant 0 : index
    %get3A_21 = arith.constant 0 : index
    %get3A_22 = vector.load %arg8[%get3A_20, %get3A_21] : memref<1x128xf32, #tpu.memory_space<vmem>>, vector<1x128xf32>
    %get3A_23 = arith.constant 0 : index
    %get3A_24 = arith.constant 0 : index
    %get3A_25 = vector.load %arg9[%get3A_23, %get3A_24] : memref<1x128xf32, #tpu.memory_space<vmem>>, vector<1x128xf32>
    %dot_general3A = arith.constant dense<0.000000e+00> : vector<4000x128xf32>
    %dot_general3A_26 = tpu.matmul %get3A_1, %get3A_4, %dot_general3A {dimension_numbers = #tpu.dot_dimension_numbers<[1], [0], [0], [1], [0, 0, 1, 1], [], []>, transpose_lhs_hint = false} : vector<4000x16xf32>, vector<16x128xf32>, vector<4000x128xf32> -> vector<4000x128xf32>
    %add3A = vector.broadcast %get3A_7 : vector<1x128xf32> to vector<4000x128xf32>
    %add3A_27 = arith.addf %dot_general3A_26, %add3A : vector<4000x128xf32>
    %gt3A = arith.constant 0.000000e+00 : f32
    %gt3A_28 = vector.broadcast %gt3A : f32 to vector<4000x128xf32>
    %gt3A_29 = arith.cmpf ogt, %add3A_27, %gt3A_28 : vector<4000x128xf32>
    %min3A = arith.constant 0.000000e+00 : f32
    %min3A_30 = vector.broadcast %min3A : f32 to vector<4000x128xf32>
    %min3A_31 = arith.minimumf %add3A_27, %min3A_30 : vector<4000x128xf32>
    %exp3A = math.exp %min3A_31 : vector<4000x128xf32>
    %sub3A = arith.constant 1.000000e+00 : f32
    %sub3A_32 = vector.broadcast %sub3A : f32 to vector<4000x128xf32>
    %sub3A_33 = arith.subf %exp3A, %sub3A_32 : vector<4000x128xf32>
    %select_n3A = arith.select %gt3A_29, %add3A_27, %sub3A_33 : vector<4000x128xi1>, vector<4000x128xf32>
    %dot_general3A_34 = arith.constant dense<0.000000e+00> : vector<4000x128xf32>
    %dot_general3A_35 = tpu.matmul %select_n3A, %get3A_10, %dot_general3A_34 {dimension_numbers = #tpu.dot_dimension_numbers<[1], [0], [0], [1], [0, 0, 1, 1], [], []>, transpose_lhs_hint = false} : vector<4000x128xf32>, vector<128x128xf32>, vector<4000x128xf32> -> vector<4000x128xf32>
    %add3A_36 = vector.broadcast %get3A_13 : vector<1x128xf32> to vector<4000x128xf32>
    %add3A_37 = arith.addf %dot_general3A_35, %add3A_36 : vector<4000x128xf32>
    %gt3A_38 = arith.constant 0.000000e+00 : f32
    %gt3A_39 = vector.broadcast %gt3A_38 : f32 to vector<4000x128xf32>
    %gt3A_40 = arith.cmpf ogt, %add3A_37, %gt3A_39 : vector<4000x128xf32>
    %min3A_41 = arith.constant 0.000000e+00 : f32
    %min3A_42 = vector.broadcast %min3A_41 : f32 to vector<4000x128xf32>
    %min3A_43 = arith.minimumf %add3A_37, %min3A_42 : vector<4000x128xf32>
    %exp3A_44 = math.exp %min3A_43 : vector<4000x128xf32>
    %sub3A_45 = arith.constant 1.000000e+00 : f32
    %sub3A_46 = vector.broadcast %sub3A_45 : f32 to vector<4000x128xf32>
    %sub3A_47 = arith.subf %exp3A_44, %sub3A_46 : vector<4000x128xf32>
    %select_n3A_48 = arith.select %gt3A_40, %add3A_37, %sub3A_47 : vector<4000x128xi1>, vector<4000x128xf32>
    %dot_general3A_49 = arith.constant dense<0.000000e+00> : vector<4000x128xf32>
    %dot_general3A_50 = tpu.matmul %select_n3A_48, %get3A_16, %dot_general3A_49 {dimension_numbers = #tpu.dot_dimension_numbers<[1], [0], [0], [1], [0, 0, 1, 1], [], []>, transpose_lhs_hint = false} : vector<4000x128xf32>, vector<128x128xf32>, vector<4000x128xf32> -> vector<4000x128xf32>
    %add3A_51 = vector.broadcast %get3A_19 : vector<1x128xf32> to vector<4000x128xf32>
    %add3A_52 = arith.addf %dot_general3A_50, %add3A_51 : vector<4000x128xf32>
    %reduce_sum3A = arith.constant dense<0.000000e+00> : vector<4000xf32>
    %reduce_sum3A_53 = vector.multi_reduction <add>, %add3A_52, %reduce_sum3A [1] : vector<4000x128xf32> to vector<4000xf32>
    %broadcast_in_dim3A = vector.shape_cast %reduce_sum3A_53 : vector<4000xf32> to vector<4000x1xf32>
    %div3A = arith.constant 1.280000e+02 : f32
    %div3A_54 = vector.broadcast %div3A : f32 to vector<4000x1xf32>
    %div3A_55 = arith.divf %broadcast_in_dim3A, %div3A_54 : vector<4000x1xf32>
    %sub3A_56 = vector.broadcast %div3A_55 : vector<4000x1xf32> to vector<4000x128xf32>
    %sub3A_57 = arith.subf %add3A_52, %sub3A_56 : vector<4000x128xf32>
    %mul3A = arith.mulf %sub3A_57, %sub3A_57 : vector<4000x128xf32>
    %reduce_sum3A_58 = arith.constant dense<0.000000e+00> : vector<4000xf32>
    %reduce_sum3A_59 = vector.multi_reduction <add>, %mul3A, %reduce_sum3A_58 [1] : vector<4000x128xf32> to vector<4000xf32>
    %broadcast_in_dim3A_60 = vector.shape_cast %reduce_sum3A_59 : vector<4000xf32> to vector<4000x1xf32>
    %div3A_61 = arith.constant 1.280000e+02 : f32
    %div3A_62 = vector.broadcast %div3A_61 : f32 to vector<4000x1xf32>
    %div3A_63 = arith.divf %broadcast_in_dim3A_60, %div3A_62 : vector<4000x1xf32>
    %add3A_64 = arith.constant 9.99999997E-7 : f32
    %add3A_65 = vector.broadcast %add3A_64 : f32 to vector<4000x1xf32>
    %add3A_66 = arith.addf %div3A_63, %add3A_65 : vector<4000x1xf32>
    %rsqrt3A = math.rsqrt %add3A_66 : vector<4000x1xf32>
    %mul3A_67 = vector.broadcast %rsqrt3A : vector<4000x1xf32> to vector<4000x128xf32>
    %mul3A_68 = arith.mulf %sub3A_57, %mul3A_67 : vector<4000x128xf32>
    %mul3A_69 = vector.broadcast %get3A_22 : vector<1x128xf32> to vector<4000x128xf32>
    %mul3A_70 = arith.mulf %mul3A_68, %mul3A_69 : vector<4000x128xf32>
    %add3A_71 = vector.broadcast %get3A_25 : vector<1x128xf32> to vector<4000x128xf32>
    %add3A_72 = arith.addf %mul3A_70, %add3A_71 : vector<4000x128xf32>
    %get3A_73 = arith.constant 0 : index
    %get3A_74 = arith.constant 0 : index
    %get3A_75 = vector.load %arg12[%get3A_73, %get3A_74] : memref<128x128xf32, #tpu.memory_space<vmem>>, vector<128x128xf32>
    %dot_general3A_76 = arith.constant dense<0.000000e+00> : vector<4000x128xf32>
    %dot_general3A_77 = tpu.matmul %add3A_72, %get3A_75, %dot_general3A_76 {dimension_numbers = #tpu.dot_dimension_numbers<[1], [0], [0], [1], [0, 0, 1, 1], [], []>, transpose_lhs_hint = false} : vector<4000x128xf32>, vector<128x128xf32>, vector<4000x128xf32> -> vector<4000x128xf32>
    %get3A_78 = arith.constant 0 : index
    %get3A_79 = arith.constant 0 : index
    %get3A_80 = vector.load %arg10[%get3A_78, %get3A_79] : memref<4000x128xf32, #tpu.memory_space<vmem>>, vector<4000x128xf32>
    %add3A_81 = arith.addf %dot_general3A_77, %get3A_80 : vector<4000x128xf32>
    %get3A_82 = arith.constant 0 : index
    %get3A_83 = arith.constant 0 : index
    %get3A_84 = vector.load %arg11[%get3A_82, %get3A_83] : memref<4000x128xf32, #tpu.memory_space<vmem>>, vector<4000x128xf32>
    %add3A_85 = arith.addf %add3A_81, %get3A_84 : vector<4000x128xf32>
    %get3A_86 = arith.constant 0 : index
    %get3A_87 = arith.constant 0 : index
    %get3A_88 = vector.load %arg13[%get3A_86, %get3A_87] : memref<1x128xf32, #tpu.memory_space<vmem>>, vector<1x128xf32>
    %add3A_89 = vector.broadcast %get3A_88 : vector<1x128xf32> to vector<4000x128xf32>
    %add3A_90 = arith.addf %add3A_85, %add3A_89 : vector<4000x128xf32>
    %gt3A_91 = arith.constant 0.000000e+00 : f32
    %gt3A_92 = vector.broadcast %gt3A_91 : f32 to vector<4000x128xf32>
    %gt3A_93 = arith.cmpf ogt, %add3A_90, %gt3A_92 : vector<4000x128xf32>
    %min3A_94 = arith.constant 0.000000e+00 : f32
    %min3A_95 = vector.broadcast %min3A_94 : f32 to vector<4000x128xf32>
    %min3A_96 = arith.minimumf %add3A_90, %min3A_95 : vector<4000x128xf32>
    %exp3A_97 = math.exp %min3A_96 : vector<4000x128xf32>
    %sub3A_98 = arith.constant 1.000000e+00 : f32
    %sub3A_99 = vector.broadcast %sub3A_98 : f32 to vector<4000x128xf32>
    %sub3A_100 = arith.subf %exp3A_97, %sub3A_99 : vector<4000x128xf32>
    %select_n3A_101 = arith.select %gt3A_93, %add3A_90, %sub3A_100 : vector<4000x128xi1>, vector<4000x128xf32>
    %get3A_102 = arith.constant 0 : index
    %get3A_103 = arith.constant 0 : index
    %get3A_104 = vector.load %arg14[%get3A_102, %get3A_103] : memref<128x128xf32, #tpu.memory_space<vmem>>, vector<128x128xf32>
    %dot_general3A_105 = arith.constant dense<0.000000e+00> : vector<4000x128xf32>
    %dot_general3A_106 = tpu.matmul %select_n3A_101, %get3A_104, %dot_general3A_105 {dimension_numbers = #tpu.dot_dimension_numbers<[1], [0], [0], [1], [0, 0, 1, 1], [], []>, transpose_lhs_hint = false} : vector<4000x128xf32>, vector<128x128xf32>, vector<4000x128xf32> -> vector<4000x128xf32>
    %get3A_107 = arith.constant 0 : index
    %get3A_108 = arith.constant 0 : index
    %get3A_109 = vector.load %arg15[%get3A_107, %get3A_108] : memref<1x128xf32, #tpu.memory_space<vmem>>, vector<1x128xf32>
    %add3A_110 = vector.broadcast %get3A_109 : vector<1x128xf32> to vector<4000x128xf32>
    %add3A_111 = arith.addf %dot_general3A_106, %add3A_110 : vector<4000x128xf32>
    %gt3A_112 = arith.constant 0.000000e+00 : f32
    %gt3A_113 = vector.broadcast %gt3A_112 : f32 to vector<4000x128xf32>
    %gt3A_114 = arith.cmpf ogt, %add3A_111, %gt3A_113 : vector<4000x128xf32>
    %min3A_115 = arith.constant 0.000000e+00 : f32
    %min3A_116 = vector.broadcast %min3A_115 : f32 to vector<4000x128xf32>
    %min3A_117 = arith.minimumf %add3A_111, %min3A_116 : vector<4000x128xf32>
    %exp3A_118 = math.exp %min3A_117 : vector<4000x128xf32>
    %sub3A_119 = arith.constant 1.000000e+00 : f32
    %sub3A_120 = vector.broadcast %sub3A_119 : f32 to vector<4000x128xf32>
    %sub3A_121 = arith.subf %exp3A_118, %sub3A_120 : vector<4000x128xf32>
    %select_n3A_122 = arith.select %gt3A_114, %add3A_111, %sub3A_121 : vector<4000x128xi1>, vector<4000x128xf32>
    %get3A_123 = arith.constant 0 : index
    %get3A_124 = arith.constant 0 : index
    %get3A_125 = vector.load %arg16[%get3A_123, %get3A_124] : memref<128x128xf32, #tpu.memory_space<vmem>>, vector<128x128xf32>
    %dot_general3A_126 = arith.constant dense<0.000000e+00> : vector<4000x128xf32>
    %dot_general3A_127 = tpu.matmul %select_n3A_122, %get3A_125, %dot_general3A_126 {dimension_numbers = #tpu.dot_dimension_numbers<[1], [0], [0], [1], [0, 0, 1, 1], [], []>, transpose_lhs_hint = false} : vector<4000x128xf32>, vector<128x128xf32>, vector<4000x128xf32> -> vector<4000x128xf32>
    %get3A_128 = arith.constant 0 : index
    %get3A_129 = arith.constant 0 : index
    %get3A_130 = vector.load %arg17[%get3A_128, %get3A_129] : memref<1x128xf32, #tpu.memory_space<vmem>>, vector<1x128xf32>
    %add3A_131 = vector.broadcast %get3A_130 : vector<1x128xf32> to vector<4000x128xf32>
    %add3A_132 = arith.addf %dot_general3A_127, %add3A_131 : vector<4000x128xf32>
    %get3A_133 = arith.constant 0 : index
    %get3A_134 = arith.constant 0 : index
    %get3A_135 = vector.load %arg18[%get3A_133, %get3A_134] : memref<1x128xf32, #tpu.memory_space<vmem>>, vector<1x128xf32>
    %get3A_136 = arith.constant 0 : index
    %get3A_137 = arith.constant 0 : index
    %get3A_138 = vector.load %arg19[%get3A_136, %get3A_137] : memref<1x128xf32, #tpu.memory_space<vmem>>, vector<1x128xf32>
    %reduce_sum3A_139 = arith.constant dense<0.000000e+00> : vector<4000xf32>
    %reduce_sum3A_140 = vector.multi_reduction <add>, %add3A_132, %reduce_sum3A_139 [1] : vector<4000x128xf32> to vector<4000xf32>
    %broadcast_in_dim3A_141 = vector.shape_cast %reduce_sum3A_140 : vector<4000xf32> to vector<4000x1xf32>
    %div3A_142 = arith.constant 1.280000e+02 : f32
    %div3A_143 = vector.broadcast %div3A_142 : f32 to vector<4000x1xf32>
    %div3A_144 = arith.divf %broadcast_in_dim3A_141, %div3A_143 : vector<4000x1xf32>
    %sub3A_145 = vector.broadcast %div3A_144 : vector<4000x1xf32> to vector<4000x128xf32>
    %sub3A_146 = arith.subf %add3A_132, %sub3A_145 : vector<4000x128xf32>
    %mul3A_147 = arith.mulf %sub3A_146, %sub3A_146 : vector<4000x128xf32>
    %reduce_sum3A_148 = arith.constant dense<0.000000e+00> : vector<4000xf32>
    %reduce_sum3A_149 = vector.multi_reduction <add>, %mul3A_147, %reduce_sum3A_148 [1] : vector<4000x128xf32> to vector<4000xf32>
    %broadcast_in_dim3A_150 = vector.shape_cast %reduce_sum3A_149 : vector<4000xf32> to vector<4000x1xf32>
    %div3A_151 = arith.constant 1.280000e+02 : f32
    %div3A_152 = vector.broadcast %div3A_151 : f32 to vector<4000x1xf32>
    %div3A_153 = arith.divf %broadcast_in_dim3A_150, %div3A_152 : vector<4000x1xf32>
    %add3A_154 = arith.constant 9.99999997E-7 : f32
    %add3A_155 = vector.broadcast %add3A_154 : f32 to vector<4000x1xf32>
    %add3A_156 = arith.addf %div3A_153, %add3A_155 : vector<4000x1xf32>
    %rsqrt3A_157 = math.rsqrt %add3A_156 : vector<4000x1xf32>
    %mul3A_158 = vector.broadcast %rsqrt3A_157 : vector<4000x1xf32> to vector<4000x128xf32>
    %mul3A_159 = arith.mulf %sub3A_146, %mul3A_158 : vector<4000x128xf32>
    %mul3A_160 = vector.broadcast %get3A_135 : vector<1x128xf32> to vector<4000x128xf32>
    %mul3A_161 = arith.mulf %mul3A_159, %mul3A_160 : vector<4000x128xf32>
    %add3A_162 = vector.broadcast %get3A_138 : vector<1x128xf32> to vector<4000x128xf32>
    %add3A_163 = arith.addf %mul3A_161, %add3A_162 : vector<4000x128xf32>
    %swap3A = arith.constant 0 : index
    %swap3A_164 = arith.constant 0 : index
    %swap3A_165 = vector.load %arg20[%swap3A, %swap3A_164] : memref<4000x128xf32, #tpu.memory_space<vmem>>, vector<4000x128xf32>
    tpu.vector_store %arg20[%swap3A, %swap3A_164], %add3A_163 {strides = array<i32>} : memref<4000x128xf32, #tpu.memory_space<vmem>>, vector<4000x128xf32>,
    %add3A_166 = arith.addf %add3A_72, %add3A_163 : vector<4000x128xf32>
    %swap3A_167 = arith.constant 0 : index
    %swap3A_168 = arith.constant 0 : index
    %swap3A_169 = vector.load %arg21[%swap3A_167, %swap3A_168] : memref<4000x128xf32, #tpu.memory_space<vmem>>, vector<4000x128xf32>
    tpu.vector_store %arg21[%swap3A_167, %swap3A_168], %add3A_166 {strides = array<i32>} : memref<4000x128xf32, #tpu.memory_space<vmem>>, vector<4000x128xf32>,
    return
  }
  func.func @transform_0(%arg0: i32) -> (i32, i32) {
    %c0_i32 = arith.constant 0 : i32
    %c0_i32_0 = arith.constant 0 : i32
    return %arg0, %c0_i32 : i32, i32
  }
  func.func @transform_1(%arg0: i32) -> (i32, i32) {
    %c0_i32 = arith.constant 0 : i32
    %c0_i32_0 = arith.constant 0 : i32
    %c0_i32_1 = arith.constant 0 : i32
    return %c0_i32, %c0_i32_0 : i32, i32
  }
  func.func @transform_2(%arg0: i32) -> (i32, i32) {
    %c0_i32 = arith.constant 0 : i32
    %c0_i32_0 = arith.constant 0 : i32
    %c0_i32_1 = arith.constant 0 : i32
    return %c0_i32, %c0_i32_0 : i32, i32
  }
  func.func @transform_3(%arg0: i32) -> (i32, i32) {
    %c0_i32 = arith.constant 0 : i32
    %c0_i32_0 = arith.constant 0 : i32
    %c0_i32_1 = arith.constant 0 : i32
    return %c0_i32, %c0_i32_0 : i32, i32
  }
  func.func @transform_4(%arg0: i32) -> (i32, i32) {
    %c0_i32 = arith.constant 0 : i32
    %c0_i32_0 = arith.constant 0 : i32
    %c0_i32_1 = arith.constant 0 : i32
    return %c0_i32, %c0_i32_0 : i32, i32
  }
  func.func @transform_5(%arg0: i32) -> (i32, i32) {
    %c0_i32 = arith.constant 0 : i32
    %c0_i32_0 = arith.constant 0 : i32
    %c0_i32_1 = arith.constant 0 : i32
    return %c0_i32, %c0_i32_0 : i32, i32
  }
  func.func @transform_6(%arg0: i32) -> (i32, i32) {
    %c0_i32 = arith.constant 0 : i32
    %c0_i32_0 = arith.constant 0 : i32
    %c0_i32_1 = arith.constant 0 : i32
    return %c0_i32, %c0_i32_0 : i32, i32
  }
  func.func @transform_7(%arg0: i32) -> (i32, i32) {
    %c0_i32 = arith.constant 0 : i32
    %c0_i32_0 = arith.constant 0 : i32
    %c0_i32_1 = arith.constant 0 : i32
    return %c0_i32, %c0_i32_0 : i32, i32
  }
  func.func @transform_8(%arg0: i32) -> (i32, i32) {
    %c0_i32 = arith.constant 0 : i32
    %c0_i32_0 = arith.constant 0 : i32
    %c0_i32_1 = arith.constant 0 : i32
    return %c0_i32, %c0_i32_0 : i32, i32
  }
  func.func @transform_9(%arg0: i32) -> (i32, i32) {
    %c0_i32 = arith.constant 0 : i32
    %c0_i32_0 = arith.constant 0 : i32
    return %arg0, %c0_i32 : i32, i32
  }
  func.func @transform_10(%arg0: i32) -> (i32, i32) {
    %c0_i32 = arith.constant 0 : i32
    %c0_i32_0 = arith.constant 0 : i32
    return %arg0, %c0_i32 : i32, i32
  }
  func.func @transform_11(%arg0: i32) -> (i32, i32) {
    %c0_i32 = arith.constant 0 : i32
    %c0_i32_0 = arith.constant 0 : i32
    %c0_i32_1 = arith.constant 0 : i32
    return %c0_i32, %c0_i32_0 : i32, i32
  }
  func.func @transform_12(%arg0: i32) -> (i32, i32) {
    %c0_i32 = arith.constant 0 : i32
    %c0_i32_0 = arith.constant 0 : i32
    %c0_i32_1 = arith.constant 0 : i32
    return %c0_i32, %c0_i32_0 : i32, i32
  }
  func.func @transform_13(%arg0: i32) -> (i32, i32) {
    %c0_i32 = arith.constant 0 : i32
    %c0_i32_0 = arith.constant 0 : i32
    %c0_i32_1 = arith.constant 0 : i32
    return %c0_i32, %c0_i32_0 : i32, i32
  }
  func.func @transform_14(%arg0: i32) -> (i32, i32) {
    %c0_i32 = arith.constant 0 : i32
    %c0_i32_0 = arith.constant 0 : i32
    %c0_i32_1 = arith.constant 0 : i32
    return %c0_i32, %c0_i32_0 : i32, i32
  }
  func.func @transform_15(%arg0: i32) -> (i32, i32) {
    %c0_i32 = arith.constant 0 : i32
    %c0_i32_0 = arith.constant 0 : i32
    %c0_i32_1 = arith.constant 0 : i32
    return %c0_i32, %c0_i32_0 : i32, i32
  }
  func.func @transform_16(%arg0: i32) -> (i32, i32) {
    %c0_i32 = arith.constant 0 : i32
    %c0_i32_0 = arith.constant 0 : i32
    %c0_i32_1 = arith.constant 0 : i32
    return %c0_i32, %c0_i32_0 : i32, i32
  }
  func.func @transform_17(%arg0: i32) -> (i32, i32) {
    %c0_i32 = arith.constant 0 : i32
    %c0_i32_0 = arith.constant 0 : i32
    %c0_i32_1 = arith.constant 0 : i32
    return %c0_i32, %c0_i32_0 : i32, i32
  }
  func.func @transform_18(%arg0: i32) -> (i32, i32) {
    %c0_i32 = arith.constant 0 : i32
    %c0_i32_0 = arith.constant 0 : i32
    %c0_i32_1 = arith.constant 0 : i32
    return %c0_i32, %c0_i32_0 : i32, i32
  }
  func.func @transform_19(%arg0: i32) -> (i32, i32) {
    %c0_i32 = arith.constant 0 : i32
    %c0_i32_0 = arith.constant 0 : i32
    return %arg0, %c0_i32 : i32, i32
  }
  func.func @transform_20(%arg0: i32) -> (i32, i32) {
    %c0_i32 = arith.constant 0 : i32
    %c0_i32_0 = arith.constant 0 : i32
    return %arg0, %c0_i32 : i32, i32
  }
}

module attributes {stable_mosaic.version = 14 : i64} {
  func.func @_enc_nodes_body(%arg0: i32, %arg1: memref<2000x128xf32, #tpu.memory_space<vmem>>, %arg2: memref<128x128xf32, #tpu.memory_space<vmem>>, %arg3: memref<1x128xf32, #tpu.memory_space<vmem>>, %arg4: memref<128x128xf32, #tpu.memory_space<vmem>>, %arg5: memref<1x128xf32, #tpu.memory_space<vmem>>, %arg6: memref<128x128xf32, #tpu.memory_space<vmem>>, %arg7: memref<1x128xf32, #tpu.memory_space<vmem>>, %arg8: memref<1x128xf32, #tpu.memory_space<vmem>>, %arg9: memref<1x128xf32, #tpu.memory_space<vmem>>, %arg10: memref<128x128xf32, #tpu.memory_space<vmem>>, %arg11: memref<128x128xf32, #tpu.memory_space<vmem>>, %arg12: memref<2000x128xf32, #tpu.memory_space<vmem>>, %arg13: memref<2000x128xf32, #tpu.memory_space<vmem>>, %arg14: memref<2000x128xf32, #tpu.memory_space<vmem>>) attributes {dimension_semantics = [#tpu.dimension_semantics<arbitrary>], iteration_bounds = array<i64: 5>, scalar_prefetch = 0 : i64, scratch_operands = 0 : i64, tpu.core_type = #tpu.core_type<tc>, window_params = [{transform_indices = @transform_0, window_bounds = array<i64: 2000, 128>}, {pipeline_mode = #tpu.pipeline_mode<synchronous>, transform_indices = @transform_1, window_bounds = array<i64: 128, 128>}, {pipeline_mode = #tpu.pipeline_mode<synchronous>, transform_indices = @transform_2, window_bounds = array<i64: 1, 128>}, {pipeline_mode = #tpu.pipeline_mode<synchronous>, transform_indices = @transform_3, window_bounds = array<i64: 128, 128>}, {pipeline_mode = #tpu.pipeline_mode<synchronous>, transform_indices = @transform_4, window_bounds = array<i64: 1, 128>}, {pipeline_mode = #tpu.pipeline_mode<synchronous>, transform_indices = @transform_5, window_bounds = array<i64: 128, 128>}, {pipeline_mode = #tpu.pipeline_mode<synchronous>, transform_indices = @transform_6, window_bounds = array<i64: 1, 128>}, {pipeline_mode = #tpu.pipeline_mode<synchronous>, transform_indices = @transform_7, window_bounds = array<i64: 1, 128>}, {pipeline_mode = #tpu.pipeline_mode<synchronous>, transform_indices = @transform_8, window_bounds = array<i64: 1, 128>}, {pipeline_mode = #tpu.pipeline_mode<synchronous>, transform_indices = @transform_9, window_bounds = array<i64: 128, 128>}, {pipeline_mode = #tpu.pipeline_mode<synchronous>, transform_indices = @transform_10, window_bounds = array<i64: 128, 128>}, {transform_indices = @transform_11, window_bounds = array<i64: 2000, 128>}, {transform_indices = @transform_12, window_bounds = array<i64: 2000, 128>}, {transform_indices = @transform_13, window_bounds = array<i64: 2000, 128>}]} {
    %get3A = arith.constant 0 : index
    %get3A_0 = arith.constant 0 : index
    %get3A_1 = vector.load %arg1[%get3A, %get3A_0] : memref<2000x128xf32, #tpu.memory_space<vmem>>, vector<2000x128xf32>
    %get3A_2 = arith.constant 0 : index
    %get3A_3 = arith.constant 0 : index
    %get3A_4 = vector.load %arg2[%get3A_2, %get3A_3] : memref<128x128xf32, #tpu.memory_space<vmem>>, vector<128x128xf32>
    %get3A_5 = arith.constant 0 : index
    %get3A_6 = arith.constant 0 : index
    %get3A_7 = vector.load %arg3[%get3A_5, %get3A_6] : memref<1x128xf32, #tpu.memory_space<vmem>>, vector<1x128xf32>
    %get3A_8 = arith.constant 0 : index
    %get3A_9 = arith.constant 0 : index
    %get3A_10 = vector.load %arg4[%get3A_8, %get3A_9] : memref<128x128xf32, #tpu.memory_space<vmem>>, vector<128x128xf32>
    %get3A_11 = arith.constant 0 : index
    %get3A_12 = arith.constant 0 : index
    %get3A_13 = vector.load %arg5[%get3A_11, %get3A_12] : memref<1x128xf32, #tpu.memory_space<vmem>>, vector<1x128xf32>
    %get3A_14 = arith.constant 0 : index
    %get3A_15 = arith.constant 0 : index
    %get3A_16 = vector.load %arg6[%get3A_14, %get3A_15] : memref<128x128xf32, #tpu.memory_space<vmem>>, vector<128x128xf32>
    %get3A_17 = arith.constant 0 : index
    %get3A_18 = arith.constant 0 : index
    %get3A_19 = vector.load %arg7[%get3A_17, %get3A_18] : memref<1x128xf32, #tpu.memory_space<vmem>>, vector<1x128xf32>
    %get3A_20 = arith.constant 0 : index
    %get3A_21 = arith.constant 0 : index
    %get3A_22 = vector.load %arg8[%get3A_20, %get3A_21] : memref<1x128xf32, #tpu.memory_space<vmem>>, vector<1x128xf32>
    %get3A_23 = arith.constant 0 : index
    %get3A_24 = arith.constant 0 : index
    %get3A_25 = vector.load %arg9[%get3A_23, %get3A_24] : memref<1x128xf32, #tpu.memory_space<vmem>>, vector<1x128xf32>
    %dot_general3A = arith.constant dense<0.000000e+00> : vector<2000x128xf32>
    %dot_general3A_26 = tpu.matmul %get3A_1, %get3A_4, %dot_general3A {dimension_numbers = #tpu.dot_dimension_numbers<[1], [0], [0], [1], [0, 0, 1, 1], [], []>, transpose_lhs_hint = false} : vector<2000x128xf32>, vector<128x128xf32>, vector<2000x128xf32> -> vector<2000x128xf32>
    %add3A = vector.broadcast %get3A_7 : vector<1x128xf32> to vector<2000x128xf32>
    %add3A_27 = arith.addf %dot_general3A_26, %add3A : vector<2000x128xf32>
    %gt3A = arith.constant 0.000000e+00 : f32
    %gt3A_28 = vector.broadcast %gt3A : f32 to vector<2000x128xf32>
    %gt3A_29 = arith.cmpf ogt, %add3A_27, %gt3A_28 : vector<2000x128xf32>
    %min3A = arith.constant 0.000000e+00 : f32
    %min3A_30 = vector.broadcast %min3A : f32 to vector<2000x128xf32>
    %min3A_31 = arith.minimumf %add3A_27, %min3A_30 : vector<2000x128xf32>
    %exp3A = math.exp %min3A_31 : vector<2000x128xf32>
    %sub3A = arith.constant 1.000000e+00 : f32
    %sub3A_32 = vector.broadcast %sub3A : f32 to vector<2000x128xf32>
    %sub3A_33 = arith.subf %exp3A, %sub3A_32 : vector<2000x128xf32>
    %select_n3A = arith.select %gt3A_29, %add3A_27, %sub3A_33 : vector<2000x128xi1>, vector<2000x128xf32>
    %dot_general3A_34 = arith.constant dense<0.000000e+00> : vector<2000x128xf32>
    %dot_general3A_35 = tpu.matmul %select_n3A, %get3A_10, %dot_general3A_34 {dimension_numbers = #tpu.dot_dimension_numbers<[1], [0], [0], [1], [0, 0, 1, 1], [], []>, transpose_lhs_hint = false} : vector<2000x128xf32>, vector<128x128xf32>, vector<2000x128xf32> -> vector<2000x128xf32>
    %add3A_36 = vector.broadcast %get3A_13 : vector<1x128xf32> to vector<2000x128xf32>
    %add3A_37 = arith.addf %dot_general3A_35, %add3A_36 : vector<2000x128xf32>
    %gt3A_38 = arith.constant 0.000000e+00 : f32
    %gt3A_39 = vector.broadcast %gt3A_38 : f32 to vector<2000x128xf32>
    %gt3A_40 = arith.cmpf ogt, %add3A_37, %gt3A_39 : vector<2000x128xf32>
    %min3A_41 = arith.constant 0.000000e+00 : f32
    %min3A_42 = vector.broadcast %min3A_41 : f32 to vector<2000x128xf32>
    %min3A_43 = arith.minimumf %add3A_37, %min3A_42 : vector<2000x128xf32>
    %exp3A_44 = math.exp %min3A_43 : vector<2000x128xf32>
    %sub3A_45 = arith.constant 1.000000e+00 : f32
    %sub3A_46 = vector.broadcast %sub3A_45 : f32 to vector<2000x128xf32>
    %sub3A_47 = arith.subf %exp3A_44, %sub3A_46 : vector<2000x128xf32>
    %select_n3A_48 = arith.select %gt3A_40, %add3A_37, %sub3A_47 : vector<2000x128xi1>, vector<2000x128xf32>
    %dot_general3A_49 = arith.constant dense<0.000000e+00> : vector<2000x128xf32>
    %dot_general3A_50 = tpu.matmul %select_n3A_48, %get3A_16, %dot_general3A_49 {dimension_numbers = #tpu.dot_dimension_numbers<[1], [0], [0], [1], [0, 0, 1, 1], [], []>, transpose_lhs_hint = false} : vector<2000x128xf32>, vector<128x128xf32>, vector<2000x128xf32> -> vector<2000x128xf32>
    %add3A_51 = vector.broadcast %get3A_19 : vector<1x128xf32> to vector<2000x128xf32>
    %add3A_52 = arith.addf %dot_general3A_50, %add3A_51 : vector<2000x128xf32>
    %reduce_sum3A = arith.constant dense<0.000000e+00> : vector<2000xf32>
    %reduce_sum3A_53 = vector.multi_reduction <add>, %add3A_52, %reduce_sum3A [1] : vector<2000x128xf32> to vector<2000xf32>
    %broadcast_in_dim3A = vector.shape_cast %reduce_sum3A_53 : vector<2000xf32> to vector<2000x1xf32>
    %div3A = arith.constant 1.280000e+02 : f32
    %div3A_54 = vector.broadcast %div3A : f32 to vector<2000x1xf32>
    %div3A_55 = arith.divf %broadcast_in_dim3A, %div3A_54 : vector<2000x1xf32>
    %sub3A_56 = vector.broadcast %div3A_55 : vector<2000x1xf32> to vector<2000x128xf32>
    %sub3A_57 = arith.subf %add3A_52, %sub3A_56 : vector<2000x128xf32>
    %mul3A = arith.mulf %sub3A_57, %sub3A_57 : vector<2000x128xf32>
    %reduce_sum3A_58 = arith.constant dense<0.000000e+00> : vector<2000xf32>
    %reduce_sum3A_59 = vector.multi_reduction <add>, %mul3A, %reduce_sum3A_58 [1] : vector<2000x128xf32> to vector<2000xf32>
    %broadcast_in_dim3A_60 = vector.shape_cast %reduce_sum3A_59 : vector<2000xf32> to vector<2000x1xf32>
    %div3A_61 = arith.constant 1.280000e+02 : f32
    %div3A_62 = vector.broadcast %div3A_61 : f32 to vector<2000x1xf32>
    %div3A_63 = arith.divf %broadcast_in_dim3A_60, %div3A_62 : vector<2000x1xf32>
    %add3A_64 = arith.constant 9.99999997E-7 : f32
    %add3A_65 = vector.broadcast %add3A_64 : f32 to vector<2000x1xf32>
    %add3A_66 = arith.addf %div3A_63, %add3A_65 : vector<2000x1xf32>
    %rsqrt3A = math.rsqrt %add3A_66 : vector<2000x1xf32>
    %mul3A_67 = vector.broadcast %rsqrt3A : vector<2000x1xf32> to vector<2000x128xf32>
    %mul3A_68 = arith.mulf %sub3A_57, %mul3A_67 : vector<2000x128xf32>
    %mul3A_69 = vector.broadcast %get3A_22 : vector<1x128xf32> to vector<2000x128xf32>
    %mul3A_70 = arith.mulf %mul3A_68, %mul3A_69 : vector<2000x128xf32>
    %add3A_71 = vector.broadcast %get3A_25 : vector<1x128xf32> to vector<2000x128xf32>
    %add3A_72 = arith.addf %mul3A_70, %add3A_71 : vector<2000x128xf32>
    %swap3A = arith.constant 0 : index
    %swap3A_73 = arith.constant 0 : index
    %swap3A_74 = vector.load %arg12[%swap3A, %swap3A_73] : memref<2000x128xf32, #tpu.memory_space<vmem>>, vector<2000x128xf32>
    tpu.vector_store %arg12[%swap3A, %swap3A_73], %add3A_72 {strides = array<i32>} : memref<2000x128xf32, #tpu.memory_space<vmem>>, vector<2000x128xf32>,
    %get3A_75 = arith.constant 0 : index
    %get3A_76 = arith.constant 0 : index
    %get3A_77 = vector.load %arg10[%get3A_75, %get3A_76] : memref<128x128xf32, #tpu.memory_space<vmem>>, vector<128x128xf32>
    %dot_general3A_78 = arith.constant dense<0.000000e+00> : vector<2000x128xf32>
    %dot_general3A_79 = tpu.matmul %add3A_72, %get3A_77, %dot_general3A_78 {dimension_numbers = #tpu.dot_dimension_numbers<[1], [0], [0], [1], [0, 0, 1, 1], [], []>, transpose_lhs_hint = false} : vector<2000x128xf32>, vector<128x128xf32>, vector<2000x128xf32> -> vector<2000x128xf32>
    %swap3A_80 = arith.constant 0 : index
    %swap3A_81 = arith.constant 0 : index
    %swap3A_82 = vector.load %arg13[%swap3A_80, %swap3A_81] : memref<2000x128xf32, #tpu.memory_space<vmem>>, vector<2000x128xf32>
    tpu.vector_store %arg13[%swap3A_80, %swap3A_81], %dot_general3A_79 {strides = array<i32>} : memref<2000x128xf32, #tpu.memory_space<vmem>>, vector<2000x128xf32>,
    %get3A_83 = arith.constant 0 : index
    %get3A_84 = arith.constant 0 : index
    %get3A_85 = vector.load %arg11[%get3A_83, %get3A_84] : memref<128x128xf32, #tpu.memory_space<vmem>>, vector<128x128xf32>
    %dot_general3A_86 = arith.constant dense<0.000000e+00> : vector<2000x128xf32>
    %dot_general3A_87 = tpu.matmul %add3A_72, %get3A_85, %dot_general3A_86 {dimension_numbers = #tpu.dot_dimension_numbers<[1], [0], [0], [1], [0, 0, 1, 1], [], []>, transpose_lhs_hint = false} : vector<2000x128xf32>, vector<128x128xf32>, vector<2000x128xf32> -> vector<2000x128xf32>
    %swap3A_88 = arith.constant 0 : index
    %swap3A_89 = arith.constant 0 : index
    %swap3A_90 = vector.load %arg14[%swap3A_88, %swap3A_89] : memref<2000x128xf32, #tpu.memory_space<vmem>>, vector<2000x128xf32>
    tpu.vector_store %arg14[%swap3A_88, %swap3A_89], %dot_general3A_87 {strides = array<i32>} : memref<2000x128xf32, #tpu.memory_space<vmem>>, vector<2000x128xf32>,
    return
  }
  func.func @transform_0(%arg0: i32) -> (i32, i32) {
    %c0_i32 = arith.constant 0 : i32
    %c0_i32_0 = arith.constant 0 : i32
    return %arg0, %c0_i32 : i32, i32
  }
  func.func @transform_1(%arg0: i32) -> (i32, i32) {
    %c0_i32 = arith.constant 0 : i32
    %c0_i32_0 = arith.constant 0 : i32
    %c0_i32_1 = arith.constant 0 : i32
    return %c0_i32, %c0_i32_0 : i32, i32
  }
  func.func @transform_2(%arg0: i32) -> (i32, i32) {
    %c0_i32 = arith.constant 0 : i32
    %c0_i32_0 = arith.constant 0 : i32
    %c0_i32_1 = arith.constant 0 : i32
    return %c0_i32, %c0_i32_0 : i32, i32
  }
  func.func @transform_3(%arg0: i32) -> (i32, i32) {
    %c0_i32 = arith.constant 0 : i32
    %c0_i32_0 = arith.constant 0 : i32
    %c0_i32_1 = arith.constant 0 : i32
    return %c0_i32, %c0_i32_0 : i32, i32
  }
  func.func @transform_4(%arg0: i32) -> (i32, i32) {
    %c0_i32 = arith.constant 0 : i32
    %c0_i32_0 = arith.constant 0 : i32
    %c0_i32_1 = arith.constant 0 : i32
    return %c0_i32, %c0_i32_0 : i32, i32
  }
  func.func @transform_5(%arg0: i32) -> (i32, i32) {
    %c0_i32 = arith.constant 0 : i32
    %c0_i32_0 = arith.constant 0 : i32
    %c0_i32_1 = arith.constant 0 : i32
    return %c0_i32, %c0_i32_0 : i32, i32
  }
  func.func @transform_6(%arg0: i32) -> (i32, i32) {
    %c0_i32 = arith.constant 0 : i32
    %c0_i32_0 = arith.constant 0 : i32
    %c0_i32_1 = arith.constant 0 : i32
    return %c0_i32, %c0_i32_0 : i32, i32
  }
  func.func @transform_7(%arg0: i32) -> (i32, i32) {
    %c0_i32 = arith.constant 0 : i32
    %c0_i32_0 = arith.constant 0 : i32
    %c0_i32_1 = arith.constant 0 : i32
    return %c0_i32, %c0_i32_0 : i32, i32
  }
  func.func @transform_8(%arg0: i32) -> (i32, i32) {
    %c0_i32 = arith.constant 0 : i32
    %c0_i32_0 = arith.constant 0 : i32
    %c0_i32_1 = arith.constant 0 : i32
    return %c0_i32, %c0_i32_0 : i32, i32
  }
  func.func @transform_9(%arg0: i32) -> (i32, i32) {
    %c0_i32 = arith.constant 0 : i32
    %c0_i32_0 = arith.constant 0 : i32
    %c0_i32_1 = arith.constant 0 : i32
    return %c0_i32, %c0_i32_0 : i32, i32
  }
  func.func @transform_10(%arg0: i32) -> (i32, i32) {
    %c0_i32 = arith.constant 0 : i32
    %c0_i32_0 = arith.constant 0 : i32
    %c0_i32_1 = arith.constant 0 : i32
    return %c0_i32, %c0_i32_0 : i32, i32
  }
  func.func @transform_11(%arg0: i32) -> (i32, i32) {
    %c0_i32 = arith.constant 0 : i32
    %c0_i32_0 = arith.constant 0 : i32
    return %arg0, %c0_i32 : i32, i32
  }
  func.func @transform_12(%arg0: i32) -> (i32, i32) {
    %c0_i32 = arith.constant 0 : i32
    %c0_i32_0 = arith.constant 0 : i32
    return %arg0, %c0_i32 : i32, i32
  }
  func.func @transform_13(%arg0: i32) -> (i32, i32) {
    %c0_i32 = arith.constant 0 : i32
    %c0_i32_0 = arith.constant 0 : i32
    return %arg0, %c0_i32 : i32, i32
  }
}

module attributes {stable_mosaic.version = 14 : i64} {
  func.func @_edge_tail_last_body(%arg0: i32, %arg1: memref<4000x128xf32, #tpu.memory_space<vmem>>, %arg2: memref<4000x128xf32, #tpu.memory_space<vmem>>, %arg3: memref<4000x128xf32, #tpu.memory_space<vmem>>, %arg4: memref<128x128xf32, #tpu.memory_space<vmem>>, %arg5: memref<1x128xf32, #tpu.memory_space<vmem>>, %arg6: memref<128x128xf32, #tpu.memory_space<vmem>>, %arg7: memref<1x128xf32, #tpu.memory_space<vmem>>, %arg8: memref<128x128xf32, #tpu.memory_space<vmem>>, %arg9: memref<1x128xf32, #tpu.memory_space<vmem>>, %arg10: memref<1x128xf32, #tpu.memory_space<vmem>>, %arg11: memref<1x128xf32, #tpu.memory_space<vmem>>, %arg12: memref<4000x128xf32, #tpu.memory_space<vmem>>) attributes {dimension_semantics = [#tpu.dimension_semantics<arbitrary>], iteration_bounds = array<i64: 40>, scalar_prefetch = 0 : i64, scratch_operands = 0 : i64, tpu.core_type = #tpu.core_type<tc>, window_params = [{transform_indices = @transform_0, window_bounds = array<i64: 4000, 128>}, {transform_indices = @transform_1, window_bounds = array<i64: 4000, 128>}, {transform_indices = @transform_2, window_bounds = array<i64: 4000, 128>}, {pipeline_mode = #tpu.pipeline_mode<synchronous>, transform_indices = @transform_3, window_bounds = array<i64: 128, 128>}, {pipeline_mode = #tpu.pipeline_mode<synchronous>, transform_indices = @transform_4, window_bounds = array<i64: 1, 128>}, {pipeline_mode = #tpu.pipeline_mode<synchronous>, transform_indices = @transform_5, window_bounds = array<i64: 128, 128>}, {pipeline_mode = #tpu.pipeline_mode<synchronous>, transform_indices = @transform_6, window_bounds = array<i64: 1, 128>}, {pipeline_mode = #tpu.pipeline_mode<synchronous>, transform_indices = @transform_7, window_bounds = array<i64: 128, 128>}, {pipeline_mode = #tpu.pipeline_mode<synchronous>, transform_indices = @transform_8, window_bounds = array<i64: 1, 128>}, {pipeline_mode = #tpu.pipeline_mode<synchronous>, transform_indices = @transform_9, window_bounds = array<i64: 1, 128>}, {pipeline_mode = #tpu.pipeline_mode<synchronous>, transform_indices = @transform_10, window_bounds = array<i64: 1, 128>}, {transform_indices = @transform_11, window_bounds = array<i64: 4000, 128>}]} {
    %get3A = arith.constant 0 : index
    %get3A_0 = arith.constant 0 : index
    %get3A_1 = vector.load %arg1[%get3A, %get3A_0] : memref<4000x128xf32, #tpu.memory_space<vmem>>, vector<4000x128xf32>
    %get3A_2 = arith.constant 0 : index
    %get3A_3 = arith.constant 0 : index
    %get3A_4 = vector.load %arg4[%get3A_2, %get3A_3] : memref<128x128xf32, #tpu.memory_space<vmem>>, vector<128x128xf32>
    %dot_general3A = arith.constant dense<0.000000e+00> : vector<4000x128xf32>
    %dot_general3A_5 = tpu.matmul %get3A_1, %get3A_4, %dot_general3A {dimension_numbers = #tpu.dot_dimension_numbers<[1], [0], [0], [1], [0, 0, 1, 1], [], []>, transpose_lhs_hint = false} : vector<4000x128xf32>, vector<128x128xf32>, vector<4000x128xf32> -> vector<4000x128xf32>
    %get3A_6 = arith.constant 0 : index
    %get3A_7 = arith.constant 0 : index
    %get3A_8 = vector.load %arg2[%get3A_6, %get3A_7] : memref<4000x128xf32, #tpu.memory_space<vmem>>, vector<4000x128xf32>
    %add3A = arith.addf %dot_general3A_5, %get3A_8 : vector<4000x128xf32>
    %get3A_9 = arith.constant 0 : index
    %get3A_10 = arith.constant 0 : index
    %get3A_11 = vector.load %arg3[%get3A_9, %get3A_10] : memref<4000x128xf32, #tpu.memory_space<vmem>>, vector<4000x128xf32>
    %add3A_12 = arith.addf %add3A, %get3A_11 : vector<4000x128xf32>
    %get3A_13 = arith.constant 0 : index
    %get3A_14 = arith.constant 0 : index
    %get3A_15 = vector.load %arg5[%get3A_13, %get3A_14] : memref<1x128xf32, #tpu.memory_space<vmem>>, vector<1x128xf32>
    %add3A_16 = vector.broadcast %get3A_15 : vector<1x128xf32> to vector<4000x128xf32>
    %add3A_17 = arith.addf %add3A_12, %add3A_16 : vector<4000x128xf32>
    %gt3A = arith.constant 0.000000e+00 : f32
    %gt3A_18 = vector.broadcast %gt3A : f32 to vector<4000x128xf32>
    %gt3A_19 = arith.cmpf ogt, %add3A_17, %gt3A_18 : vector<4000x128xf32>
    %min3A = arith.constant 0.000000e+00 : f32
    %min3A_20 = vector.broadcast %min3A : f32 to vector<4000x128xf32>
    %min3A_21 = arith.minimumf %add3A_17, %min3A_20 : vector<4000x128xf32>
    %exp3A = math.exp %min3A_21 : vector<4000x128xf32>
    %sub3A = arith.constant 1.000000e+00 : f32
    %sub3A_22 = vector.broadcast %sub3A : f32 to vector<4000x128xf32>
    %sub3A_23 = arith.subf %exp3A, %sub3A_22 : vector<4000x128xf32>
    %select_n3A = arith.select %gt3A_19, %add3A_17, %sub3A_23 : vector<4000x128xi1>, vector<4000x128xf32>
    %get3A_24 = arith.constant 0 : index
    %get3A_25 = arith.constant 0 : index
    %get3A_26 = vector.load %arg6[%get3A_24, %get3A_25] : memref<128x128xf32, #tpu.memory_space<vmem>>, vector<128x128xf32>
    %dot_general3A_27 = arith.constant dense<0.000000e+00> : vector<4000x128xf32>
    %dot_general3A_28 = tpu.matmul %select_n3A, %get3A_26, %dot_general3A_27 {dimension_numbers = #tpu.dot_dimension_numbers<[1], [0], [0], [1], [0, 0, 1, 1], [], []>, transpose_lhs_hint = false} : vector<4000x128xf32>, vector<128x128xf32>, vector<4000x128xf32> -> vector<4000x128xf32>
    %get3A_29 = arith.constant 0 : index
    %get3A_30 = arith.constant 0 : index
    %get3A_31 = vector.load %arg7[%get3A_29, %get3A_30] : memref<1x128xf32, #tpu.memory_space<vmem>>, vector<1x128xf32>
    %add3A_32 = vector.broadcast %get3A_31 : vector<1x128xf32> to vector<4000x128xf32>
    %add3A_33 = arith.addf %dot_general3A_28, %add3A_32 : vector<4000x128xf32>
    %gt3A_34 = arith.constant 0.000000e+00 : f32
    %gt3A_35 = vector.broadcast %gt3A_34 : f32 to vector<4000x128xf32>
    %gt3A_36 = arith.cmpf ogt, %add3A_33, %gt3A_35 : vector<4000x128xf32>
    %min3A_37 = arith.constant 0.000000e+00 : f32
    %min3A_38 = vector.broadcast %min3A_37 : f32 to vector<4000x128xf32>
    %min3A_39 = arith.minimumf %add3A_33, %min3A_38 : vector<4000x128xf32>
    %exp3A_40 = math.exp %min3A_39 : vector<4000x128xf32>
    %sub3A_41 = arith.constant 1.000000e+00 : f32
    %sub3A_42 = vector.broadcast %sub3A_41 : f32 to vector<4000x128xf32>
    %sub3A_43 = arith.subf %exp3A_40, %sub3A_42 : vector<4000x128xf32>
    %select_n3A_44 = arith.select %gt3A_36, %add3A_33, %sub3A_43 : vector<4000x128xi1>, vector<4000x128xf32>
    %get3A_45 = arith.constant 0 : index
    %get3A_46 = arith.constant 0 : index
    %get3A_47 = vector.load %arg8[%get3A_45, %get3A_46] : memref<128x128xf32, #tpu.memory_space<vmem>>, vector<128x128xf32>
    %dot_general3A_48 = arith.constant dense<0.000000e+00> : vector<4000x128xf32>
    %dot_general3A_49 = tpu.matmul %select_n3A_44, %get3A_47, %dot_general3A_48 {dimension_numbers = #tpu.dot_dimension_numbers<[1], [0], [0], [1], [0, 0, 1, 1], [], []>, transpose_lhs_hint = false} : vector<4000x128xf32>, vector<128x128xf32>, vector<4000x128xf32> -> vector<4000x128xf32>
    %get3A_50 = arith.constant 0 : index
    %get3A_51 = arith.constant 0 : index
    %get3A_52 = vector.load %arg9[%get3A_50, %get3A_51] : memref<1x128xf32, #tpu.memory_space<vmem>>, vector<1x128xf32>
    %add3A_53 = vector.broadcast %get3A_52 : vector<1x128xf32> to vector<4000x128xf32>
    %add3A_54 = arith.addf %dot_general3A_49, %add3A_53 : vector<4000x128xf32>
    %get3A_55 = arith.constant 0 : index
    %get3A_56 = arith.constant 0 : index
    %get3A_57 = vector.load %arg10[%get3A_55, %get3A_56] : memref<1x128xf32, #tpu.memory_space<vmem>>, vector<1x128xf32>
    %get3A_58 = arith.constant 0 : index
    %get3A_59 = arith.constant 0 : index
    %get3A_60 = vector.load %arg11[%get3A_58, %get3A_59] : memref<1x128xf32, #tpu.memory_space<vmem>>, vector<1x128xf32>
    %reduce_sum3A = arith.constant dense<0.000000e+00> : vector<4000xf32>
    %reduce_sum3A_61 = vector.multi_reduction <add>, %add3A_54, %reduce_sum3A [1] : vector<4000x128xf32> to vector<4000xf32>
    %broadcast_in_dim3A = vector.shape_cast %reduce_sum3A_61 : vector<4000xf32> to vector<4000x1xf32>
    %div3A = arith.constant 1.280000e+02 : f32
    %div3A_62 = vector.broadcast %div3A : f32 to vector<4000x1xf32>
    %div3A_63 = arith.divf %broadcast_in_dim3A, %div3A_62 : vector<4000x1xf32>
    %sub3A_64 = vector.broadcast %div3A_63 : vector<4000x1xf32> to vector<4000x128xf32>
    %sub3A_65 = arith.subf %add3A_54, %sub3A_64 : vector<4000x128xf32>
    %mul3A = arith.mulf %sub3A_65, %sub3A_65 : vector<4000x128xf32>
    %reduce_sum3A_66 = arith.constant dense<0.000000e+00> : vector<4000xf32>
    %reduce_sum3A_67 = vector.multi_reduction <add>, %mul3A, %reduce_sum3A_66 [1] : vector<4000x128xf32> to vector<4000xf32>
    %broadcast_in_dim3A_68 = vector.shape_cast %reduce_sum3A_67 : vector<4000xf32> to vector<4000x1xf32>
    %div3A_69 = arith.constant 1.280000e+02 : f32
    %div3A_70 = vector.broadcast %div3A_69 : f32 to vector<4000x1xf32>
    %div3A_71 = arith.divf %broadcast_in_dim3A_68, %div3A_70 : vector<4000x1xf32>
    %add3A_72 = arith.constant 9.99999997E-7 : f32
    %add3A_73 = vector.broadcast %add3A_72 : f32 to vector<4000x1xf32>
    %add3A_74 = arith.addf %div3A_71, %add3A_73 : vector<4000x1xf32>
    %rsqrt3A = math.rsqrt %add3A_74 : vector<4000x1xf32>
    %mul3A_75 = vector.broadcast %rsqrt3A : vector<4000x1xf32> to vector<4000x128xf32>
    %mul3A_76 = arith.mulf %sub3A_65, %mul3A_75 : vector<4000x128xf32>
    %mul3A_77 = vector.broadcast %get3A_57 : vector<1x128xf32> to vector<4000x128xf32>
    %mul3A_78 = arith.mulf %mul3A_76, %mul3A_77 : vector<4000x128xf32>
    %add3A_79 = vector.broadcast %get3A_60 : vector<1x128xf32> to vector<4000x128xf32>
    %add3A_80 = arith.addf %mul3A_78, %add3A_79 : vector<4000x128xf32>
    %swap3A = arith.constant 0 : index
    %swap3A_81 = arith.constant 0 : index
    %swap3A_82 = vector.load %arg12[%swap3A, %swap3A_81] : memref<4000x128xf32, #tpu.memory_space<vmem>>, vector<4000x128xf32>
    tpu.vector_store %arg12[%swap3A, %swap3A_81], %add3A_80 {strides = array<i32>} : memref<4000x128xf32, #tpu.memory_space<vmem>>, vector<4000x128xf32>,
    return
  }
  func.func @transform_0(%arg0: i32) -> (i32, i32) {
    %c0_i32 = arith.constant 0 : i32
    %c0_i32_0 = arith.constant 0 : i32
    return %arg0, %c0_i32 : i32, i32
  }
  func.func @transform_1(%arg0: i32) -> (i32, i32) {
    %c0_i32 = arith.constant 0 : i32
    %c0_i32_0 = arith.constant 0 : i32
    return %arg0, %c0_i32 : i32, i32
  }
  func.func @transform_2(%arg0: i32) -> (i32, i32) {
    %c0_i32 = arith.constant 0 : i32
    %c0_i32_0 = arith.constant 0 : i32
    return %arg0, %c0_i32 : i32, i32
  }
  func.func @transform_3(%arg0: i32) -> (i32, i32) {
    %c0_i32 = arith.constant 0 : i32
    %c0_i32_0 = arith.constant 0 : i32
    %c0_i32_1 = arith.constant 0 : i32
    return %c0_i32, %c0_i32_0 : i32, i32
  }
  func.func @transform_4(%arg0: i32) -> (i32, i32) {
    %c0_i32 = arith.constant 0 : i32
    %c0_i32_0 = arith.constant 0 : i32
    %c0_i32_1 = arith.constant 0 : i32
    return %c0_i32, %c0_i32_0 : i32, i32
  }
  func.func @transform_5(%arg0: i32) -> (i32, i32) {
    %c0_i32 = arith.constant 0 : i32
    %c0_i32_0 = arith.constant 0 : i32
    %c0_i32_1 = arith.constant 0 : i32
    return %c0_i32, %c0_i32_0 : i32, i32
  }
  func.func @transform_6(%arg0: i32) -> (i32, i32) {
    %c0_i32 = arith.constant 0 : i32
    %c0_i32_0 = arith.constant 0 : i32
    %c0_i32_1 = arith.constant 0 : i32
    return %c0_i32, %c0_i32_0 : i32, i32
  }
  func.func @transform_7(%arg0: i32) -> (i32, i32) {
    %c0_i32 = arith.constant 0 : i32
    %c0_i32_0 = arith.constant 0 : i32
    %c0_i32_1 = arith.constant 0 : i32
    return %c0_i32, %c0_i32_0 : i32, i32
  }
  func.func @transform_8(%arg0: i32) -> (i32, i32) {
    %c0_i32 = arith.constant 0 : i32
    %c0_i32_0 = arith.constant 0 : i32
    %c0_i32_1 = arith.constant 0 : i32
    return %c0_i32, %c0_i32_0 : i32, i32
  }
  func.func @transform_9(%arg0: i32) -> (i32, i32) {
    %c0_i32 = arith.constant 0 : i32
    %c0_i32_0 = arith.constant 0 : i32
    %c0_i32_1 = arith.constant 0 : i32
    return %c0_i32, %c0_i32_0 : i32, i32
  }
  func.func @transform_10(%arg0: i32) -> (i32, i32) {
    %c0_i32 = arith.constant 0 : i32
    %c0_i32_0 = arith.constant 0 : i32
    %c0_i32_1 = arith.constant 0 : i32
    return %c0_i32, %c0_i32_0 : i32, i32
  }
  func.func @transform_11(%arg0: i32) -> (i32, i32) {
    %c0_i32 = arith.constant 0 : i32
    %c0_i32_0 = arith.constant 0 : i32
    return %arg0, %c0_i32 : i32, i32
  }
}

module attributes {stable_mosaic.version = 14 : i64} {
  func.func @_node_tail_body(%arg0: i32, %arg1: memref<2000x128xf32, #tpu.memory_space<vmem>>, %arg2: memref<2000x128xf32, #tpu.memory_space<vmem>>, %arg3: memref<2000x128xf32, #tpu.memory_space<vmem>>, %arg4: memref<128x128xf32, #tpu.memory_space<vmem>>, %arg5: memref<128x128xf32, #tpu.memory_space<vmem>>, %arg6: memref<1x128xf32, #tpu.memory_space<vmem>>, %arg7: memref<128x128xf32, #tpu.memory_space<vmem>>, %arg8: memref<1x128xf32, #tpu.memory_space<vmem>>, %arg9: memref<128x128xf32, #tpu.memory_space<vmem>>, %arg10: memref<1x128xf32, #tpu.memory_space<vmem>>, %arg11: memref<1x128xf32, #tpu.memory_space<vmem>>, %arg12: memref<1x128xf32, #tpu.memory_space<vmem>>, %arg13: memref<128x128xf32, #tpu.memory_space<vmem>>, %arg14: memref<128x128xf32, #tpu.memory_space<vmem>>, %arg15: memref<2000x128xf32, #tpu.memory_space<vmem>>, %arg16: memref<2000x128xf32, #tpu.memory_space<vmem>>, %arg17: memref<2000x128xf32, #tpu.memory_space<vmem>>) attributes {dimension_semantics = [#tpu.dimension_semantics<arbitrary>], iteration_bounds = array<i64: 5>, scalar_prefetch = 0 : i64, scratch_operands = 0 : i64, tpu.core_type = #tpu.core_type<tc>, window_params = [{transform_indices = @transform_0, window_bounds = array<i64: 2000, 128>}, {transform_indices = @transform_1, window_bounds = array<i64: 2000, 128>}, {transform_indices = @transform_2, window_bounds = array<i64: 2000, 128>}, {pipeline_mode = #tpu.pipeline_mode<synchronous>, transform_indices = @transform_3, window_bounds = array<i64: 128, 128>}, {pipeline_mode = #tpu.pipeline_mode<synchronous>, transform_indices = @transform_4, window_bounds = array<i64: 128, 128>}, {pipeline_mode = #tpu.pipeline_mode<synchronous>, transform_indices = @transform_5, window_bounds = array<i64: 1, 128>}, {pipeline_mode = #tpu.pipeline_mode<synchronous>, transform_indices = @transform_6, window_bounds = array<i64: 128, 128>}, {pipeline_mode = #tpu.pipeline_mode<synchronous>, transform_indices = @transform_7, window_bounds = array<i64: 1, 128>}, {pipeline_mode = #tpu.pipeline_mode<synchronous>, transform_indices = @transform_8, window_bounds = array<i64: 128, 128>}, {pipeline_mode = #tpu.pipeline_mode<synchronous>, transform_indices = @transform_9, window_bounds = array<i64: 1, 128>}, {pipeline_mode = #tpu.pipeline_mode<synchronous>, transform_indices = @transform_10, window_bounds = array<i64: 1, 128>}, {pipeline_mode = #tpu.pipeline_mode<synchronous>, transform_indices = @transform_11, window_bounds = array<i64: 1, 128>}, {pipeline_mode = #tpu.pipeline_mode<synchronous>, transform_indices = @transform_12, window_bounds = array<i64: 128, 128>}, {pipeline_mode = #tpu.pipeline_mode<synchronous>, transform_indices = @transform_13, window_bounds = array<i64: 128, 128>}, {transform_indices = @transform_14, window_bounds = array<i64: 2000, 128>}, {transform_indices = @transform_15, window_bounds = array<i64: 2000, 128>}, {transform_indices = @transform_16, window_bounds = array<i64: 2000, 128>}]} {
    %get3A = arith.constant 0 : index
    %get3A_0 = arith.constant 0 : index
    %get3A_1 = vector.load %arg1[%get3A, %get3A_0] : memref<2000x128xf32, #tpu.memory_space<vmem>>, vector<2000x128xf32>
    %get3A_2 = arith.constant 0 : index
    %get3A_3 = arith.constant 0 : index
    %get3A_4 = vector.load %arg2[%get3A_2, %get3A_3] : memref<2000x128xf32, #tpu.memory_space<vmem>>, vector<2000x128xf32>
    %get3A_5 = arith.constant 0 : index
    %get3A_6 = arith.constant 0 : index
    %get3A_7 = vector.load %arg3[%get3A_5, %get3A_6] : memref<2000x128xf32, #tpu.memory_space<vmem>>, vector<2000x128xf32>
    %sub3A = arith.subf %get3A_4, %get3A_7 : vector<2000x128xf32>
    %get3A_8 = arith.constant 0 : index
    %get3A_9 = arith.constant 0 : index
    %get3A_10 = vector.load %arg4[%get3A_8, %get3A_9] : memref<128x128xf32, #tpu.memory_space<vmem>>, vector<128x128xf32>
    %dot_general3A = arith.constant dense<0.000000e+00> : vector<2000x128xf32>
    %dot_general3A_11 = tpu.matmul %get3A_1, %get3A_10, %dot_general3A {dimension_numbers = #tpu.dot_dimension_numbers<[1], [0], [0], [1], [0, 0, 1, 1], [], []>, transpose_lhs_hint = false} : vector<2000x128xf32>, vector<128x128xf32>, vector<2000x128xf32> -> vector<2000x128xf32>
    %get3A_12 = arith.constant 0 : index
    %get3A_13 = arith.constant 0 : index
    %get3A_14 = vector.load %arg5[%get3A_12, %get3A_13] : memref<128x128xf32, #tpu.memory_space<vmem>>, vector<128x128xf32>
    %dot_general3A_15 = arith.constant dense<0.000000e+00> : vector<2000x128xf32>
    %dot_general3A_16 = tpu.matmul %sub3A, %get3A_14, %dot_general3A_15 {dimension_numbers = #tpu.dot_dimension_numbers<[1], [0], [0], [1], [0, 0, 1, 1], [], []>, transpose_lhs_hint = false} : vector<2000x128xf32>, vector<128x128xf32>, vector<2000x128xf32> -> vector<2000x128xf32>
    %add3A = arith.addf %dot_general3A_11, %dot_general3A_16 : vector<2000x128xf32>
    %get3A_17 = arith.constant 0 : index
    %get3A_18 = arith.constant 0 : index
    %get3A_19 = vector.load %arg6[%get3A_17, %get3A_18] : memref<1x128xf32, #tpu.memory_space<vmem>>, vector<1x128xf32>
    %add3A_20 = vector.broadcast %get3A_19 : vector<1x128xf32> to vector<2000x128xf32>
    %add3A_21 = arith.addf %add3A, %add3A_20 : vector<2000x128xf32>
    %gt3A = arith.constant 0.000000e+00 : f32
    %gt3A_22 = vector.broadcast %gt3A : f32 to vector<2000x128xf32>
    %gt3A_23 = arith.cmpf ogt, %add3A_21, %gt3A_22 : vector<2000x128xf32>
    %min3A = arith.constant 0.000000e+00 : f32
    %min3A_24 = vector.broadcast %min3A : f32 to vector<2000x128xf32>
    %min3A_25 = arith.minimumf %add3A_21, %min3A_24 : vector<2000x128xf32>
    %exp3A = math.exp %min3A_25 : vector<2000x128xf32>
    %sub3A_26 = arith.constant 1.000000e+00 : f32
    %sub3A_27 = vector.broadcast %sub3A_26 : f32 to vector<2000x128xf32>
    %sub3A_28 = arith.subf %exp3A, %sub3A_27 : vector<2000x128xf32>
    %select_n3A = arith.select %gt3A_23, %add3A_21, %sub3A_28 : vector<2000x128xi1>, vector<2000x128xf32>
    %get3A_29 = arith.constant 0 : index
    %get3A_30 = arith.constant 0 : index
    %get3A_31 = vector.load %arg7[%get3A_29, %get3A_30] : memref<128x128xf32, #tpu.memory_space<vmem>>, vector<128x128xf32>
    %dot_general3A_32 = arith.constant dense<0.000000e+00> : vector<2000x128xf32>
    %dot_general3A_33 = tpu.matmul %select_n3A, %get3A_31, %dot_general3A_32 {dimension_numbers = #tpu.dot_dimension_numbers<[1], [0], [0], [1], [0, 0, 1, 1], [], []>, transpose_lhs_hint = false} : vector<2000x128xf32>, vector<128x128xf32>, vector<2000x128xf32> -> vector<2000x128xf32>
    %get3A_34 = arith.constant 0 : index
    %get3A_35 = arith.constant 0 : index
    %get3A_36 = vector.load %arg8[%get3A_34, %get3A_35] : memref<1x128xf32, #tpu.memory_space<vmem>>, vector<1x128xf32>
    %add3A_37 = vector.broadcast %get3A_36 : vector<1x128xf32> to vector<2000x128xf32>
    %add3A_38 = arith.addf %dot_general3A_33, %add3A_37 : vector<2000x128xf32>
    %gt3A_39 = arith.constant 0.000000e+00 : f32
    %gt3A_40 = vector.broadcast %gt3A_39 : f32 to vector<2000x128xf32>
    %gt3A_41 = arith.cmpf ogt, %add3A_38, %gt3A_40 : vector<2000x128xf32>
    %min3A_42 = arith.constant 0.000000e+00 : f32
    %min3A_43 = vector.broadcast %min3A_42 : f32 to vector<2000x128xf32>
    %min3A_44 = arith.minimumf %add3A_38, %min3A_43 : vector<2000x128xf32>
    %exp3A_45 = math.exp %min3A_44 : vector<2000x128xf32>
    %sub3A_46 = arith.constant 1.000000e+00 : f32
    %sub3A_47 = vector.broadcast %sub3A_46 : f32 to vector<2000x128xf32>
    %sub3A_48 = arith.subf %exp3A_45, %sub3A_47 : vector<2000x128xf32>
    %select_n3A_49 = arith.select %gt3A_41, %add3A_38, %sub3A_48 : vector<2000x128xi1>, vector<2000x128xf32>
    %get3A_50 = arith.constant 0 : index
    %get3A_51 = arith.constant 0 : index
    %get3A_52 = vector.load %arg9[%get3A_50, %get3A_51] : memref<128x128xf32, #tpu.memory_space<vmem>>, vector<128x128xf32>
    %dot_general3A_53 = arith.constant dense<0.000000e+00> : vector<2000x128xf32>
    %dot_general3A_54 = tpu.matmul %select_n3A_49, %get3A_52, %dot_general3A_53 {dimension_numbers = #tpu.dot_dimension_numbers<[1], [0], [0], [1], [0, 0, 1, 1], [], []>, transpose_lhs_hint = false} : vector<2000x128xf32>, vector<128x128xf32>, vector<2000x128xf32> -> vector<2000x128xf32>
    %get3A_55 = arith.constant 0 : index
    %get3A_56 = arith.constant 0 : index
    %get3A_57 = vector.load %arg10[%get3A_55, %get3A_56] : memref<1x128xf32, #tpu.memory_space<vmem>>, vector<1x128xf32>
    %add3A_58 = vector.broadcast %get3A_57 : vector<1x128xf32> to vector<2000x128xf32>
    %add3A_59 = arith.addf %dot_general3A_54, %add3A_58 : vector<2000x128xf32>
    %get3A_60 = arith.constant 0 : index
    %get3A_61 = arith.constant 0 : index
    %get3A_62 = vector.load %arg11[%get3A_60, %get3A_61] : memref<1x128xf32, #tpu.memory_space<vmem>>, vector<1x128xf32>
    %get3A_63 = arith.constant 0 : index
    %get3A_64 = arith.constant 0 : index
    %get3A_65 = vector.load %arg12[%get3A_63, %get3A_64] : memref<1x128xf32, #tpu.memory_space<vmem>>, vector<1x128xf32>
    %reduce_sum3A = arith.constant dense<0.000000e+00> : vector<2000xf32>
    %reduce_sum3A_66 = vector.multi_reduction <add>, %add3A_59, %reduce_sum3A [1] : vector<2000x128xf32> to vector<2000xf32>
    %broadcast_in_dim3A = vector.shape_cast %reduce_sum3A_66 : vector<2000xf32> to vector<2000x1xf32>
    %div3A = arith.constant 1.280000e+02 : f32
    %div3A_67 = vector.broadcast %div3A : f32 to vector<2000x1xf32>
    %div3A_68 = arith.divf %broadcast_in_dim3A, %div3A_67 : vector<2000x1xf32>
    %sub3A_69 = vector.broadcast %div3A_68 : vector<2000x1xf32> to vector<2000x128xf32>
    %sub3A_70 = arith.subf %add3A_59, %sub3A_69 : vector<2000x128xf32>
    %mul3A = arith.mulf %sub3A_70, %sub3A_70 : vector<2000x128xf32>
    %reduce_sum3A_71 = arith.constant dense<0.000000e+00> : vector<2000xf32>
    %reduce_sum3A_72 = vector.multi_reduction <add>, %mul3A, %reduce_sum3A_71 [1] : vector<2000x128xf32> to vector<2000xf32>
    %broadcast_in_dim3A_73 = vector.shape_cast %reduce_sum3A_72 : vector<2000xf32> to vector<2000x1xf32>
    %div3A_74 = arith.constant 1.280000e+02 : f32
    %div3A_75 = vector.broadcast %div3A_74 : f32 to vector<2000x1xf32>
    %div3A_76 = arith.divf %broadcast_in_dim3A_73, %div3A_75 : vector<2000x1xf32>
    %add3A_77 = arith.constant 9.99999997E-7 : f32
    %add3A_78 = vector.broadcast %add3A_77 : f32 to vector<2000x1xf32>
    %add3A_79 = arith.addf %div3A_76, %add3A_78 : vector<2000x1xf32>
    %rsqrt3A = math.rsqrt %add3A_79 : vector<2000x1xf32>
    %mul3A_80 = vector.broadcast %rsqrt3A : vector<2000x1xf32> to vector<2000x128xf32>
    %mul3A_81 = arith.mulf %sub3A_70, %mul3A_80 : vector<2000x128xf32>
    %mul3A_82 = vector.broadcast %get3A_62 : vector<1x128xf32> to vector<2000x128xf32>
    %mul3A_83 = arith.mulf %mul3A_81, %mul3A_82 : vector<2000x128xf32>
    %add3A_84 = vector.broadcast %get3A_65 : vector<1x128xf32> to vector<2000x128xf32>
    %add3A_85 = arith.addf %mul3A_83, %add3A_84 : vector<2000x128xf32>
    %add3A_86 = arith.addf %get3A_1, %add3A_85 : vector<2000x128xf32>
    %swap3A = arith.constant 0 : index
    %swap3A_87 = arith.constant 0 : index
    %swap3A_88 = vector.load %arg15[%swap3A, %swap3A_87] : memref<2000x128xf32, #tpu.memory_space<vmem>>, vector<2000x128xf32>
    tpu.vector_store %arg15[%swap3A, %swap3A_87], %add3A_86 {strides = array<i32>} : memref<2000x128xf32, #tpu.memory_space<vmem>>, vector<2000x128xf32>,
    %get3A_89 = arith.constant 0 : index
    %get3A_90 = arith.constant 0 : index
    %get3A_91 = vector.load %arg13[%get3A_89, %get3A_90] : memref<128x128xf32, #tpu.memory_space<vmem>>, vector<128x128xf32>
    %dot_general3A_92 = arith.constant dense<0.000000e+00> : vector<2000x128xf32>
    %dot_general3A_93 = tpu.matmul %add3A_86, %get3A_91, %dot_general3A_92 {dimension_numbers = #tpu.dot_dimension_numbers<[1], [0], [0], [1], [0, 0, 1, 1], [], []>, transpose_lhs_hint = false} : vector<2000x128xf32>, vector<128x128xf32>, vector<2000x128xf32> -> vector<2000x128xf32>
    %swap3A_94 = arith.constant 0 : index
    %swap3A_95 = arith.constant 0 : index
    %swap3A_96 = vector.load %arg16[%swap3A_94, %swap3A_95] : memref<2000x128xf32, #tpu.memory_space<vmem>>, vector<2000x128xf32>
    tpu.vector_store %arg16[%swap3A_94, %swap3A_95], %dot_general3A_93 {strides = array<i32>} : memref<2000x128xf32, #tpu.memory_space<vmem>>, vector<2000x128xf32>,
    %get3A_97 = arith.constant 0 : index
    %get3A_98 = arith.constant 0 : index
    %get3A_99 = vector.load %arg14[%get3A_97, %get3A_98] : memref<128x128xf32, #tpu.memory_space<vmem>>, vector<128x128xf32>
    %dot_general3A_100 = arith.constant dense<0.000000e+00> : vector<2000x128xf32>
    %dot_general3A_101 = tpu.matmul %add3A_86, %get3A_99, %dot_general3A_100 {dimension_numbers = #tpu.dot_dimension_numbers<[1], [0], [0], [1], [0, 0, 1, 1], [], []>, transpose_lhs_hint = false} : vector<2000x128xf32>, vector<128x128xf32>, vector<2000x128xf32> -> vector<2000x128xf32>
    %swap3A_102 = arith.constant 0 : index
    %swap3A_103 = arith.constant 0 : index
    %swap3A_104 = vector.load %arg17[%swap3A_102, %swap3A_103] : memref<2000x128xf32, #tpu.memory_space<vmem>>, vector<2000x128xf32>
    tpu.vector_store %arg17[%swap3A_102, %swap3A_103], %dot_general3A_101 {strides = array<i32>} : memref<2000x128xf32, #tpu.memory_space<vmem>>, vector<2000x128xf32>,
    return
  }
  func.func @transform_0(%arg0: i32) -> (i32, i32) {
    %c0_i32 = arith.constant 0 : i32
    %c0_i32_0 = arith.constant 0 : i32
    return %arg0, %c0_i32 : i32, i32
  }
  func.func @transform_1(%arg0: i32) -> (i32, i32) {
    %c0_i32 = arith.constant 0 : i32
    %c0_i32_0 = arith.constant 0 : i32
    return %arg0, %c0_i32 : i32, i32
  }
  func.func @transform_2(%arg0: i32) -> (i32, i32) {
    %c0_i32 = arith.constant 0 : i32
    %c0_i32_0 = arith.constant 0 : i32
    return %arg0, %c0_i32 : i32, i32
  }
  func.func @transform_3(%arg0: i32) -> (i32, i32) {
    %c0_i32 = arith.constant 0 : i32
    %c0_i32_0 = arith.constant 0 : i32
    %c0_i32_1 = arith.constant 0 : i32
    return %c0_i32, %c0_i32_0 : i32, i32
  }
  func.func @transform_4(%arg0: i32) -> (i32, i32) {
    %c0_i32 = arith.constant 0 : i32
    %c0_i32_0 = arith.constant 0 : i32
    %c0_i32_1 = arith.constant 0 : i32
    return %c0_i32, %c0_i32_0 : i32, i32
  }
  func.func @transform_5(%arg0: i32) -> (i32, i32) {
    %c0_i32 = arith.constant 0 : i32
    %c0_i32_0 = arith.constant 0 : i32
    %c0_i32_1 = arith.constant 0 : i32
    return %c0_i32, %c0_i32_0 : i32, i32
  }
  func.func @transform_6(%arg0: i32) -> (i32, i32) {
    %c0_i32 = arith.constant 0 : i32
    %c0_i32_0 = arith.constant 0 : i32
    %c0_i32_1 = arith.constant 0 : i32
    return %c0_i32, %c0_i32_0 : i32, i32
  }
  func.func @transform_7(%arg0: i32) -> (i32, i32) {
    %c0_i32 = arith.constant 0 : i32
    %c0_i32_0 = arith.constant 0 : i32
    %c0_i32_1 = arith.constant 0 : i32
    return %c0_i32, %c0_i32_0 : i32, i32
  }
  func.func @transform_8(%arg0: i32) -> (i32, i32) {
    %c0_i32 = arith.constant 0 : i32
    %c0_i32_0 = arith.constant 0 : i32
    %c0_i32_1 = arith.constant 0 : i32
    return %c0_i32, %c0_i32_0 : i32, i32
  }
  func.func @transform_9(%arg0: i32) -> (i32, i32) {
    %c0_i32 = arith.constant 0 : i32
    %c0_i32_0 = arith.constant 0 : i32
    %c0_i32_1 = arith.constant 0 : i32
    return %c0_i32, %c0_i32_0 : i32, i32
  }
  func.func @transform_10(%arg0: i32) -> (i32, i32) {
    %c0_i32 = arith.constant 0 : i32
    %c0_i32_0 = arith.constant 0 : i32
    %c0_i32_1 = arith.constant 0 : i32
    return %c0_i32, %c0_i32_0 : i32, i32
  }
  func.func @transform_11(%arg0: i32) -> (i32, i32) {
    %c0_i32 = arith.constant 0 : i32
    %c0_i32_0 = arith.constant 0 : i32
    %c0_i32_1 = arith.constant 0 : i32
    return %c0_i32, %c0_i32_0 : i32, i32
  }
  func.func @transform_12(%arg0: i32) -> (i32, i32) {
    %c0_i32 = arith.constant 0 : i32
    %c0_i32_0 = arith.constant 0 : i32
    %c0_i32_1 = arith.constant 0 : i32
    return %c0_i32, %c0_i32_0 : i32, i32
  }
  func.func @transform_13(%arg0: i32) -> (i32, i32) {
    %c0_i32 = arith.constant 0 : i32
    %c0_i32_0 = arith.constant 0 : i32
    %c0_i32_1 = arith.constant 0 : i32
    return %c0_i32, %c0_i32_0 : i32, i32
  }
  func.func @transform_14(%arg0: i32) -> (i32, i32) {
    %c0_i32 = arith.constant 0 : i32
    %c0_i32_0 = arith.constant 0 : i32
    return %arg0, %c0_i32 : i32, i32
  }
  func.func @transform_15(%arg0: i32) -> (i32, i32) {
    %c0_i32 = arith.constant 0 : i32
    %c0_i32_0 = arith.constant 0 : i32
    return %arg0, %c0_i32 : i32, i32
  }
  func.func @transform_16(%arg0: i32) -> (i32, i32) {
    %c0_i32 = arith.constant 0 : i32
    %c0_i32_0 = arith.constant 0 : i32
    return %arg0, %c0_i32 : i32, i32
  }
}

module attributes {stable_mosaic.version = 14 : i64} {
  func.func @_theta_body(%arg0: i32, %arg1: memref<1x16xf32, #tpu.memory_space<vmem>>, %arg2: memref<16x128xf32, #tpu.memory_space<vmem>>, %arg3: memref<1x128xf32, #tpu.memory_space<vmem>>, %arg4: memref<128x128xf32, #tpu.memory_space<vmem>>, %arg5: memref<1x128xf32, #tpu.memory_space<vmem>>, %arg6: memref<128x128xf32, #tpu.memory_space<vmem>>, %arg7: memref<1x128xf32, #tpu.memory_space<vmem>>, %arg8: memref<1x128xf32, #tpu.memory_space<vmem>>, %arg9: memref<1x128xf32, #tpu.memory_space<vmem>>, %arg10: memref<384x128xf32, #tpu.memory_space<vmem>>, %arg11: memref<3x128xf32, #tpu.memory_space<vmem>>, %arg12: memref<3x128xf32, #tpu.memory_space<vmem>>) attributes {dimension_semantics = [#tpu.dimension_semantics<arbitrary>], iteration_bounds = array<i64: 1>, scalar_prefetch = 0 : i64, scratch_operands = 0 : i64, tpu.core_type = #tpu.core_type<tc>, window_params = [{pipeline_mode = #tpu.pipeline_mode<synchronous>, transform_indices = @transform_0, window_bounds = array<i64: 1, 16>}, {pipeline_mode = #tpu.pipeline_mode<synchronous>, transform_indices = @transform_1, window_bounds = array<i64: 16, 128>}, {pipeline_mode = #tpu.pipeline_mode<synchronous>, transform_indices = @transform_2, window_bounds = array<i64: 1, 128>}, {pipeline_mode = #tpu.pipeline_mode<synchronous>, transform_indices = @transform_3, window_bounds = array<i64: 128, 128>}, {pipeline_mode = #tpu.pipeline_mode<synchronous>, transform_indices = @transform_4, window_bounds = array<i64: 1, 128>}, {pipeline_mode = #tpu.pipeline_mode<synchronous>, transform_indices = @transform_5, window_bounds = array<i64: 128, 128>}, {pipeline_mode = #tpu.pipeline_mode<synchronous>, transform_indices = @transform_6, window_bounds = array<i64: 1, 128>}, {pipeline_mode = #tpu.pipeline_mode<synchronous>, transform_indices = @transform_7, window_bounds = array<i64: 1, 128>}, {pipeline_mode = #tpu.pipeline_mode<synchronous>, transform_indices = @transform_8, window_bounds = array<i64: 1, 128>}, {pipeline_mode = #tpu.pipeline_mode<synchronous>, transform_indices = @transform_9, window_bounds = array<i64: 384, 128>}, {pipeline_mode = #tpu.pipeline_mode<synchronous>, transform_indices = @transform_10, window_bounds = array<i64: 3, 128>}, {pipeline_mode = #tpu.pipeline_mode<synchronous>, transform_indices = @transform_11, window_bounds = array<i64: 3, 128>}]} {
    %get3A = arith.constant 0 : index
    %get3A_0 = arith.constant 0 : index
    %get3A_1 = vector.load %arg1[%get3A, %get3A_0] : memref<1x16xf32, #tpu.memory_space<vmem>>, vector<1x16xf32>
    %get3A_2 = arith.constant 0 : index
    %get3A_3 = arith.constant 0 : index
    %get3A_4 = vector.load %arg2[%get3A_2, %get3A_3] : memref<16x128xf32, #tpu.memory_space<vmem>>, vector<16x128xf32>
    %dot_general3A = arith.constant dense<0.000000e+00> : vector<1x128xf32>
    %dot_general3A_5 = tpu.matmul %get3A_1, %get3A_4, %dot_general3A {dimension_numbers = #tpu.dot_dimension_numbers<[1], [0], [0], [1], [0, 0, 1, 1], [], []>, transpose_lhs_hint = false} : vector<1x16xf32>, vector<16x128xf32>, vector<1x128xf32> -> vector<1x128xf32>
    %get3A_6 = arith.constant 0 : index
    %get3A_7 = arith.constant 0 : index
    %get3A_8 = vector.load %arg3[%get3A_6, %get3A_7] : memref<1x128xf32, #tpu.memory_space<vmem>>, vector<1x128xf32>
    %add3A = arith.addf %dot_general3A_5, %get3A_8 : vector<1x128xf32>
    %gt3A = arith.constant 0.000000e+00 : f32
    %gt3A_9 = vector.broadcast %gt3A : f32 to vector<1x128xf32>
    %gt3A_10 = arith.cmpf ogt, %add3A, %gt3A_9 : vector<1x128xf32>
    %min3A = arith.constant 0.000000e+00 : f32
    %min3A_11 = vector.broadcast %min3A : f32 to vector<1x128xf32>
    %min3A_12 = arith.minimumf %add3A, %min3A_11 : vector<1x128xf32>
    %exp3A = math.exp %min3A_12 : vector<1x128xf32>
    %sub3A = arith.constant 1.000000e+00 : f32
    %sub3A_13 = vector.broadcast %sub3A : f32 to vector<1x128xf32>
    %sub3A_14 = arith.subf %exp3A, %sub3A_13 : vector<1x128xf32>
    %select_n3A = arith.select %gt3A_10, %add3A, %sub3A_14 : vector<1x128xi1>, vector<1x128xf32>
    %get3A_15 = arith.constant 0 : index
    %get3A_16 = arith.constant 0 : index
    %get3A_17 = vector.load %arg4[%get3A_15, %get3A_16] : memref<128x128xf32, #tpu.memory_space<vmem>>, vector<128x128xf32>
    %dot_general3A_18 = arith.constant dense<0.000000e+00> : vector<1x128xf32>
    %dot_general3A_19 = tpu.matmul %select_n3A, %get3A_17, %dot_general3A_18 {dimension_numbers = #tpu.dot_dimension_numbers<[1], [0], [0], [1], [0, 0, 1, 1], [], []>, transpose_lhs_hint = false} : vector<1x128xf32>, vector<128x128xf32>, vector<1x128xf32> -> vector<1x128xf32>
    %get3A_20 = arith.constant 0 : index
    %get3A_21 = arith.constant 0 : index
    %get3A_22 = vector.load %arg5[%get3A_20, %get3A_21] : memref<1x128xf32, #tpu.memory_space<vmem>>, vector<1x128xf32>
    %add3A_23 = arith.addf %dot_general3A_19, %get3A_22 : vector<1x128xf32>
    %gt3A_24 = arith.constant 0.000000e+00 : f32
    %gt3A_25 = vector.broadcast %gt3A_24 : f32 to vector<1x128xf32>
    %gt3A_26 = arith.cmpf ogt, %add3A_23, %gt3A_25 : vector<1x128xf32>
    %min3A_27 = arith.constant 0.000000e+00 : f32
    %min3A_28 = vector.broadcast %min3A_27 : f32 to vector<1x128xf32>
    %min3A_29 = arith.minimumf %add3A_23, %min3A_28 : vector<1x128xf32>
    %exp3A_30 = math.exp %min3A_29 : vector<1x128xf32>
    %sub3A_31 = arith.constant 1.000000e+00 : f32
    %sub3A_32 = vector.broadcast %sub3A_31 : f32 to vector<1x128xf32>
    %sub3A_33 = arith.subf %exp3A_30, %sub3A_32 : vector<1x128xf32>
    %select_n3A_34 = arith.select %gt3A_26, %add3A_23, %sub3A_33 : vector<1x128xi1>, vector<1x128xf32>
    %get3A_35 = arith.constant 0 : index
    %get3A_36 = arith.constant 0 : index
    %get3A_37 = vector.load %arg6[%get3A_35, %get3A_36] : memref<128x128xf32, #tpu.memory_space<vmem>>, vector<128x128xf32>
    %dot_general3A_38 = arith.constant dense<0.000000e+00> : vector<1x128xf32>
    %dot_general3A_39 = tpu.matmul %select_n3A_34, %get3A_37, %dot_general3A_38 {dimension_numbers = #tpu.dot_dimension_numbers<[1], [0], [0], [1], [0, 0, 1, 1], [], []>, transpose_lhs_hint = false} : vector<1x128xf32>, vector<128x128xf32>, vector<1x128xf32> -> vector<1x128xf32>
    %get3A_40 = arith.constant 0 : index
    %get3A_41 = arith.constant 0 : index
    %get3A_42 = vector.load %arg7[%get3A_40, %get3A_41] : memref<1x128xf32, #tpu.memory_space<vmem>>, vector<1x128xf32>
    %add3A_43 = arith.addf %dot_general3A_39, %get3A_42 : vector<1x128xf32>
    %get3A_44 = arith.constant 0 : index
    %get3A_45 = arith.constant 0 : index
    %get3A_46 = vector.load %arg8[%get3A_44, %get3A_45] : memref<1x128xf32, #tpu.memory_space<vmem>>, vector<1x128xf32>
    %get3A_47 = arith.constant 0 : index
    %get3A_48 = arith.constant 0 : index
    %get3A_49 = vector.load %arg9[%get3A_47, %get3A_48] : memref<1x128xf32, #tpu.memory_space<vmem>>, vector<1x128xf32>
    %reduce_sum3A = arith.constant dense<0.000000e+00> : vector<1xf32>
    %reduce_sum3A_50 = vector.multi_reduction <add>, %add3A_43, %reduce_sum3A [1] : vector<1x128xf32> to vector<1xf32>
    %broadcast_in_dim3A = vector.shape_cast %reduce_sum3A_50 : vector<1xf32> to vector<1x1xf32>
    %div3A = arith.constant 1.280000e+02 : f32
    %div3A_51 = vector.broadcast %div3A : f32 to vector<1x1xf32>
    %div3A_52 = arith.divf %broadcast_in_dim3A, %div3A_51 : vector<1x1xf32>
    %sub3A_53 = vector.broadcast %div3A_52 : vector<1x1xf32> to vector<1x128xf32>
    %sub3A_54 = arith.subf %add3A_43, %sub3A_53 : vector<1x128xf32>
    %mul3A = arith.mulf %sub3A_54, %sub3A_54 : vector<1x128xf32>
    %reduce_sum3A_55 = arith.constant dense<0.000000e+00> : vector<1xf32>
    %reduce_sum3A_56 = vector.multi_reduction <add>, %mul3A, %reduce_sum3A_55 [1] : vector<1x128xf32> to vector<1xf32>
    %broadcast_in_dim3A_57 = vector.shape_cast %reduce_sum3A_56 : vector<1xf32> to vector<1x1xf32>
    %div3A_58 = arith.constant 1.280000e+02 : f32
    %div3A_59 = vector.broadcast %div3A_58 : f32 to vector<1x1xf32>
    %div3A_60 = arith.divf %broadcast_in_dim3A_57, %div3A_59 : vector<1x1xf32>
    %add3A_61 = arith.constant 9.99999997E-7 : f32
    %add3A_62 = vector.broadcast %add3A_61 : f32 to vector<1x1xf32>
    %add3A_63 = arith.addf %div3A_60, %add3A_62 : vector<1x1xf32>
    %rsqrt3A = math.rsqrt %add3A_63 : vector<1x1xf32>
    %mul3A_64 = vector.broadcast %rsqrt3A : vector<1x1xf32> to vector<1x128xf32>
    %mul3A_65 = arith.mulf %sub3A_54, %mul3A_64 : vector<1x128xf32>
    %mul3A_66 = arith.mulf %mul3A_65, %get3A_46 : vector<1x128xf32>
    %add3A_67 = arith.addf %mul3A_66, %get3A_49 : vector<1x128xf32>
    %get3A_68 = arith.constant 0 : index
    %get3A_69 = arith.constant 0 : index
    %get3A_70 = vector.load %arg10[%get3A_68, %get3A_69] : memref<384x128xf32, #tpu.memory_space<vmem>>, vector<128x128xf32>
    %dot_general3A_71 = arith.constant dense<0.000000e+00> : vector<1x128xf32>
    %dot_general3A_72 = tpu.matmul %add3A_67, %get3A_70, %dot_general3A_71 {dimension_numbers = #tpu.dot_dimension_numbers<[1], [0], [0], [1], [0, 0, 1, 1], [], []>, transpose_lhs_hint = false} : vector<1x128xf32>, vector<128x128xf32>, vector<1x128xf32> -> vector<1x128xf32>
    %get3A_73 = arith.constant 0 : index
    %get3A_74 = arith.constant 0 : index
    %get3A_75 = vector.load %arg11[%get3A_73, %get3A_74] : memref<3x128xf32, #tpu.memory_space<vmem>>, vector<1x128xf32>
    %add3A_76 = arith.addf %dot_general3A_72, %get3A_75 : vector<1x128xf32>
    %get3A_77 = arith.constant 128 : index
    %get3A_78 = arith.constant 0 : index
    %get3A_79 = vector.load %arg10[%get3A_77, %get3A_78] : memref<384x128xf32, #tpu.memory_space<vmem>>, vector<128x128xf32>
    %dot_general3A_80 = arith.constant dense<0.000000e+00> : vector<1x128xf32>
    %dot_general3A_81 = tpu.matmul %add3A_67, %get3A_79, %dot_general3A_80 {dimension_numbers = #tpu.dot_dimension_numbers<[1], [0], [0], [1], [0, 0, 1, 1], [], []>, transpose_lhs_hint = false} : vector<1x128xf32>, vector<128x128xf32>, vector<1x128xf32> -> vector<1x128xf32>
    %get3A_82 = arith.constant 1 : index
    %get3A_83 = arith.constant 0 : index
    %get3A_84 = vector.load %arg11[%get3A_82, %get3A_83] : memref<3x128xf32, #tpu.memory_space<vmem>>, vector<1x128xf32>
    %add3A_85 = arith.addf %dot_general3A_81, %get3A_84 : vector<1x128xf32>
    %get3A_86 = arith.constant 256 : index
    %get3A_87 = arith.constant 0 : index
    %get3A_88 = vector.load %arg10[%get3A_86, %get3A_87] : memref<384x128xf32, #tpu.memory_space<vmem>>, vector<128x128xf32>
    %dot_general3A_89 = arith.constant dense<0.000000e+00> : vector<1x128xf32>
    %dot_general3A_90 = tpu.matmul %add3A_67, %get3A_88, %dot_general3A_89 {dimension_numbers = #tpu.dot_dimension_numbers<[1], [0], [0], [1], [0, 0, 1, 1], [], []>, transpose_lhs_hint = false} : vector<1x128xf32>, vector<128x128xf32>, vector<1x128xf32> -> vector<1x128xf32>
    %get3A_91 = arith.constant 2 : index
    %get3A_92 = arith.constant 0 : index
    %get3A_93 = vector.load %arg11[%get3A_91, %get3A_92] : memref<3x128xf32, #tpu.memory_space<vmem>>, vector<1x128xf32>
    %add3A_94 = arith.addf %dot_general3A_90, %get3A_93 : vector<1x128xf32>
    %concatenate3A = tpu.concatenate %add3A_76, %add3A_85, %add3A_94 in 0 : vector<1x128xf32>, vector<1x128xf32>, vector<1x128xf32> -> vector<3x128xf32>
    %swap3A = arith.constant 0 : index
    %swap3A_95 = arith.constant 0 : index
    %swap3A_96 = vector.load %arg12[%swap3A, %swap3A_95] : memref<3x128xf32, #tpu.memory_space<vmem>>, vector<3x128xf32>
    tpu.vector_store %arg12[%swap3A, %swap3A_95], %concatenate3A {strides = array<i32>} : memref<3x128xf32, #tpu.memory_space<vmem>>, vector<3x128xf32>,
    return
  }
  func.func @transform_0(%arg0: i32) -> (i32, i32) {
    %c0_i32 = arith.constant 0 : i32
    %c0_i32_0 = arith.constant 0 : i32
    %c0_i32_1 = arith.constant 0 : i32
    return %c0_i32, %c0_i32_0 : i32, i32
  }
  func.func @transform_1(%arg0: i32) -> (i32, i32) {
    %c0_i32 = arith.constant 0 : i32
    %c0_i32_0 = arith.constant 0 : i32
    %c0_i32_1 = arith.constant 0 : i32
    return %c0_i32, %c0_i32_0 : i32, i32
  }
  func.func @transform_2(%arg0: i32) -> (i32, i32) {
    %c0_i32 = arith.constant 0 : i32
    %c0_i32_0 = arith.constant 0 : i32
    %c0_i32_1 = arith.constant 0 : i32
    return %c0_i32, %c0_i32_0 : i32, i32
  }
  func.func @transform_3(%arg0: i32) -> (i32, i32) {
    %c0_i32 = arith.constant 0 : i32
    %c0_i32_0 = arith.constant 0 : i32
    %c0_i32_1 = arith.constant 0 : i32
    return %c0_i32, %c0_i32_0 : i32, i32
  }
  func.func @transform_4(%arg0: i32) -> (i32, i32) {
    %c0_i32 = arith.constant 0 : i32
    %c0_i32_0 = arith.constant 0 : i32
    %c0_i32_1 = arith.constant 0 : i32
    return %c0_i32, %c0_i32_0 : i32, i32
  }
  func.func @transform_5(%arg0: i32) -> (i32, i32) {
    %c0_i32 = arith.constant 0 : i32
    %c0_i32_0 = arith.constant 0 : i32
    %c0_i32_1 = arith.constant 0 : i32
    return %c0_i32, %c0_i32_0 : i32, i32
  }
  func.func @transform_6(%arg0: i32) -> (i32, i32) {
    %c0_i32 = arith.constant 0 : i32
    %c0_i32_0 = arith.constant 0 : i32
    %c0_i32_1 = arith.constant 0 : i32
    return %c0_i32, %c0_i32_0 : i32, i32
  }
  func.func @transform_7(%arg0: i32) -> (i32, i32) {
    %c0_i32 = arith.constant 0 : i32
    %c0_i32_0 = arith.constant 0 : i32
    %c0_i32_1 = arith.constant 0 : i32
    return %c0_i32, %c0_i32_0 : i32, i32
  }
  func.func @transform_8(%arg0: i32) -> (i32, i32) {
    %c0_i32 = arith.constant 0 : i32
    %c0_i32_0 = arith.constant 0 : i32
    %c0_i32_1 = arith.constant 0 : i32
    return %c0_i32, %c0_i32_0 : i32, i32
  }
  func.func @transform_9(%arg0: i32) -> (i32, i32) {
    %c0_i32 = arith.constant 0 : i32
    %c0_i32_0 = arith.constant 0 : i32
    %c0_i32_1 = arith.constant 0 : i32
    return %c0_i32, %c0_i32_0 : i32, i32
  }
  func.func @transform_10(%arg0: i32) -> (i32, i32) {
    %c0_i32 = arith.constant 0 : i32
    %c0_i32_0 = arith.constant 0 : i32
    %c0_i32_1 = arith.constant 0 : i32
    return %c0_i32, %c0_i32_0 : i32, i32
  }
  func.func @transform_11(%arg0: i32) -> (i32, i32) {
    %c0_i32 = arith.constant 0 : i32
    %c0_i32_0 = arith.constant 0 : i32
    %c0_i32_1 = arith.constant 0 : i32
    return %c0_i32, %c0_i32_0 : i32, i32
  }
}

module attributes {stable_mosaic.version = 14 : i64} {
  func.func @_node_final_body(%arg0: i32, %arg1: memref<2000x128xf32, #tpu.memory_space<vmem>>, %arg2: memref<2000x128xf32, #tpu.memory_space<vmem>>, %arg3: memref<2000x128xf32, #tpu.memory_space<vmem>>, %arg4: memref<2000x128xf32, #tpu.memory_space<vmem>>, %arg5: memref<2000x128xf32, #tpu.memory_space<vmem>>, %arg6: memref<2000x1xf32, #tpu.memory_space<vmem>>, %arg7: memref<128x128xf32, #tpu.memory_space<vmem>>, %arg8: memref<128x128xf32, #tpu.memory_space<vmem>>, %arg9: memref<1x128xf32, #tpu.memory_space<vmem>>, %arg10: memref<128x128xf32, #tpu.memory_space<vmem>>, %arg11: memref<1x128xf32, #tpu.memory_space<vmem>>, %arg12: memref<128x128xf32, #tpu.memory_space<vmem>>, %arg13: memref<1x128xf32, #tpu.memory_space<vmem>>, %arg14: memref<1x128xf32, #tpu.memory_space<vmem>>, %arg15: memref<1x128xf32, #tpu.memory_space<vmem>>, %arg16: memref<1x256xf32, #tpu.memory_space<vmem>>, %arg17: memref<1x256xf32, #tpu.memory_space<vmem>>, %arg18: memref<768x128xf32, #tpu.memory_space<vmem>>, %arg19: memref<3x128xf32, #tpu.memory_space<vmem>>, %arg20: memref<384x128xf32, #tpu.memory_space<vmem>>, %arg21: memref<3x128xf32, #tpu.memory_space<vmem>>, %arg22: memref<128x3xf32, #tpu.memory_space<vmem>>, %arg23: memref<1x3xf32, #tpu.memory_space<vmem>>, %arg24: memref<2000x3xf32, #tpu.memory_space<vmem>>) attributes {dimension_semantics = [#tpu.dimension_semantics<arbitrary>], iteration_bounds = array<i64: 5>, scalar_prefetch = 0 : i64, scratch_operands = 0 : i64, tpu.core_type = #tpu.core_type<tc>, window_params = [{transform_indices = @transform_0, window_bounds = array<i64: 2000, 128>}, {transform_indices = @transform_1, window_bounds = array<i64: 2000, 128>}, {transform_indices = @transform_2, window_bounds = array<i64: 2000, 128>}, {transform_indices = @transform_3, window_bounds = array<i64: 2000, 128>}, {transform_indices = @transform_4, window_bounds = array<i64: 2000, 128>}, {transform_indices = @transform_5, window_bounds = array<i64: 2000, 1>}, {pipeline_mode = #tpu.pipeline_mode<synchronous>, transform_indices = @transform_6, window_bounds = array<i64: 128, 128>}, {pipeline_mode = #tpu.pipeline_mode<synchronous>, transform_indices = @transform_7, window_bounds = array<i64: 128, 128>}, {pipeline_mode = #tpu.pipeline_mode<synchronous>, transform_indices = @transform_8, window_bounds = array<i64: 1, 128>}, {pipeline_mode = #tpu.pipeline_mode<synchronous>, transform_indices = @transform_9, window_bounds = array<i64: 128, 128>}, {pipeline_mode = #tpu.pipeline_mode<synchronous>, transform_indices = @transform_10, window_bounds = array<i64: 1, 128>}, {pipeline_mode = #tpu.pipeline_mode<synchronous>, transform_indices = @transform_11, window_bounds = array<i64: 128, 128>}, {pipeline_mode = #tpu.pipeline_mode<synchronous>, transform_indices = @transform_12, window_bounds = array<i64: 1, 128>}, {pipeline_mode = #tpu.pipeline_mode<synchronous>, transform_indices = @transform_13, window_bounds = array<i64: 1, 128>}, {pipeline_mode = #tpu.pipeline_mode<synchronous>, transform_indices = @transform_14, window_bounds = array<i64: 1, 128>}, {pipeline_mode = #tpu.pipeline_mode<synchronous>, transform_indices = @transform_15, window_bounds = array<i64: 1, 256>}, {pipeline_mode = #tpu.pipeline_mode<synchronous>, transform_indices = @transform_16, window_bounds = array<i64: 1, 256>}, {pipeline_mode = #tpu.pipeline_mode<synchronous>, transform_indices = @transform_17, window_bounds = array<i64: 768, 128>}, {pipeline_mode = #tpu.pipeline_mode<synchronous>, transform_indices = @transform_18, window_bounds = array<i64: 3, 128>}, {pipeline_mode = #tpu.pipeline_mode<synchronous>, transform_indices = @transform_19, window_bounds = array<i64: 384, 128>}, {pipeline_mode = #tpu.pipeline_mode<synchronous>, transform_indices = @transform_20, window_bounds = array<i64: 3, 128>}, {pipeline_mode = #tpu.pipeline_mode<synchronous>, transform_indices = @transform_21, window_bounds = array<i64: 128, 3>}, {pipeline_mode = #tpu.pipeline_mode<synchronous>, transform_indices = @transform_22, window_bounds = array<i64: 1, 3>}, {transform_indices = @transform_23, window_bounds = array<i64: 2000, 3>}]} {
    %get3A = arith.constant 0 : index
    %get3A_0 = arith.constant 0 : index
    %get3A_1 = vector.load %arg1[%get3A, %get3A_0] : memref<2000x128xf32, #tpu.memory_space<vmem>>, vector<2000x128xf32>
    %get3A_2 = arith.constant 0 : index
    %get3A_3 = arith.constant 0 : index
    %get3A_4 = vector.load %arg2[%get3A_2, %get3A_3] : memref<2000x128xf32, #tpu.memory_space<vmem>>, vector<2000x128xf32>
    %get3A_5 = arith.constant 0 : index
    %get3A_6 = arith.constant 0 : index
    %get3A_7 = vector.load %arg3[%get3A_5, %get3A_6] : memref<2000x128xf32, #tpu.memory_space<vmem>>, vector<2000x128xf32>
    %sub3A = arith.subf %get3A_4, %get3A_7 : vector<2000x128xf32>
    %get3A_8 = arith.constant 0 : index
    %get3A_9 = arith.constant 0 : index
    %get3A_10 = vector.load %arg7[%get3A_8, %get3A_9] : memref<128x128xf32, #tpu.memory_space<vmem>>, vector<128x128xf32>
    %dot_general3A = arith.constant dense<0.000000e+00> : vector<2000x128xf32>
    %dot_general3A_11 = tpu.matmul %get3A_1, %get3A_10, %dot_general3A {dimension_numbers = #tpu.dot_dimension_numbers<[1], [0], [0], [1], [0, 0, 1, 1], [], []>, transpose_lhs_hint = false} : vector<2000x128xf32>, vector<128x128xf32>, vector<2000x128xf32> -> vector<2000x128xf32>
    %get3A_12 = arith.constant 0 : index
    %get3A_13 = arith.constant 0 : index
    %get3A_14 = vector.load %arg8[%get3A_12, %get3A_13] : memref<128x128xf32, #tpu.memory_space<vmem>>, vector<128x128xf32>
    %dot_general3A_15 = arith.constant dense<0.000000e+00> : vector<2000x128xf32>
    %dot_general3A_16 = tpu.matmul %sub3A, %get3A_14, %dot_general3A_15 {dimension_numbers = #tpu.dot_dimension_numbers<[1], [0], [0], [1], [0, 0, 1, 1], [], []>, transpose_lhs_hint = false} : vector<2000x128xf32>, vector<128x128xf32>, vector<2000x128xf32> -> vector<2000x128xf32>
    %add3A = arith.addf %dot_general3A_11, %dot_general3A_16 : vector<2000x128xf32>
    %get3A_17 = arith.constant 0 : index
    %get3A_18 = arith.constant 0 : index
    %get3A_19 = vector.load %arg9[%get3A_17, %get3A_18] : memref<1x128xf32, #tpu.memory_space<vmem>>, vector<1x128xf32>
    %add3A_20 = vector.broadcast %get3A_19 : vector<1x128xf32> to vector<2000x128xf32>
    %add3A_21 = arith.addf %add3A, %add3A_20 : vector<2000x128xf32>
    %gt3A = arith.constant 0.000000e+00 : f32
    %gt3A_22 = vector.broadcast %gt3A : f32 to vector<2000x128xf32>
    %gt3A_23 = arith.cmpf ogt, %add3A_21, %gt3A_22 : vector<2000x128xf32>
    %min3A = arith.constant 0.000000e+00 : f32
    %min3A_24 = vector.broadcast %min3A : f32 to vector<2000x128xf32>
    %min3A_25 = arith.minimumf %add3A_21, %min3A_24 : vector<2000x128xf32>
    %exp3A = math.exp %min3A_25 : vector<2000x128xf32>
    %sub3A_26 = arith.constant 1.000000e+00 : f32
    %sub3A_27 = vector.broadcast %sub3A_26 : f32 to vector<2000x128xf32>
    %sub3A_28 = arith.subf %exp3A, %sub3A_27 : vector<2000x128xf32>
    %select_n3A = arith.select %gt3A_23, %add3A_21, %sub3A_28 : vector<2000x128xi1>, vector<2000x128xf32>
    %get3A_29 = arith.constant 0 : index
    %get3A_30 = arith.constant 0 : index
    %get3A_31 = vector.load %arg10[%get3A_29, %get3A_30] : memref<128x128xf32, #tpu.memory_space<vmem>>, vector<128x128xf32>
    %dot_general3A_32 = arith.constant dense<0.000000e+00> : vector<2000x128xf32>
    %dot_general3A_33 = tpu.matmul %select_n3A, %get3A_31, %dot_general3A_32 {dimension_numbers = #tpu.dot_dimension_numbers<[1], [0], [0], [1], [0, 0, 1, 1], [], []>, transpose_lhs_hint = false} : vector<2000x128xf32>, vector<128x128xf32>, vector<2000x128xf32> -> vector<2000x128xf32>
    %get3A_34 = arith.constant 0 : index
    %get3A_35 = arith.constant 0 : index
    %get3A_36 = vector.load %arg11[%get3A_34, %get3A_35] : memref<1x128xf32, #tpu.memory_space<vmem>>, vector<1x128xf32>
    %add3A_37 = vector.broadcast %get3A_36 : vector<1x128xf32> to vector<2000x128xf32>
    %add3A_38 = arith.addf %dot_general3A_33, %add3A_37 : vector<2000x128xf32>
    %gt3A_39 = arith.constant 0.000000e+00 : f32
    %gt3A_40 = vector.broadcast %gt3A_39 : f32 to vector<2000x128xf32>
    %gt3A_41 = arith.cmpf ogt, %add3A_38, %gt3A_40 : vector<2000x128xf32>
    %min3A_42 = arith.constant 0.000000e+00 : f32
    %min3A_43 = vector.broadcast %min3A_42 : f32 to vector<2000x128xf32>
    %min3A_44 = arith.minimumf %add3A_38, %min3A_43 : vector<2000x128xf32>
    %exp3A_45 = math.exp %min3A_44 : vector<2000x128xf32>
    %sub3A_46 = arith.constant 1.000000e+00 : f32
    %sub3A_47 = vector.broadcast %sub3A_46 : f32 to vector<2000x128xf32>
    %sub3A_48 = arith.subf %exp3A_45, %sub3A_47 : vector<2000x128xf32>
    %select_n3A_49 = arith.select %gt3A_41, %add3A_38, %sub3A_48 : vector<2000x128xi1>, vector<2000x128xf32>
    %get3A_50 = arith.constant 0 : index
    %get3A_51 = arith.constant 0 : index
    %get3A_52 = vector.load %arg12[%get3A_50, %get3A_51] : memref<128x128xf32, #tpu.memory_space<vmem>>, vector<128x128xf32>
    %dot_general3A_53 = arith.constant dense<0.000000e+00> : vector<2000x128xf32>
    %dot_general3A_54 = tpu.matmul %select_n3A_49, %get3A_52, %dot_general3A_53 {dimension_numbers = #tpu.dot_dimension_numbers<[1], [0], [0], [1], [0, 0, 1, 1], [], []>, transpose_lhs_hint = false} : vector<2000x128xf32>, vector<128x128xf32>, vector<2000x128xf32> -> vector<2000x128xf32>
    %get3A_55 = arith.constant 0 : index
    %get3A_56 = arith.constant 0 : index
    %get3A_57 = vector.load %arg13[%get3A_55, %get3A_56] : memref<1x128xf32, #tpu.memory_space<vmem>>, vector<1x128xf32>
    %add3A_58 = vector.broadcast %get3A_57 : vector<1x128xf32> to vector<2000x128xf32>
    %add3A_59 = arith.addf %dot_general3A_54, %add3A_58 : vector<2000x128xf32>
    %get3A_60 = arith.constant 0 : index
    %get3A_61 = arith.constant 0 : index
    %get3A_62 = vector.load %arg14[%get3A_60, %get3A_61] : memref<1x128xf32, #tpu.memory_space<vmem>>, vector<1x128xf32>
    %get3A_63 = arith.constant 0 : index
    %get3A_64 = arith.constant 0 : index
    %get3A_65 = vector.load %arg15[%get3A_63, %get3A_64] : memref<1x128xf32, #tpu.memory_space<vmem>>, vector<1x128xf32>
    %reduce_sum3A = arith.constant dense<0.000000e+00> : vector<2000xf32>
    %reduce_sum3A_66 = vector.multi_reduction <add>, %add3A_59, %reduce_sum3A [1] : vector<2000x128xf32> to vector<2000xf32>
    %broadcast_in_dim3A = vector.shape_cast %reduce_sum3A_66 : vector<2000xf32> to vector<2000x1xf32>
    %div3A = arith.constant 1.280000e+02 : f32
    %div3A_67 = vector.broadcast %div3A : f32 to vector<2000x1xf32>
    %div3A_68 = arith.divf %broadcast_in_dim3A, %div3A_67 : vector<2000x1xf32>
    %sub3A_69 = vector.broadcast %div3A_68 : vector<2000x1xf32> to vector<2000x128xf32>
    %sub3A_70 = arith.subf %add3A_59, %sub3A_69 : vector<2000x128xf32>
    %mul3A = arith.mulf %sub3A_70, %sub3A_70 : vector<2000x128xf32>
    %reduce_sum3A_71 = arith.constant dense<0.000000e+00> : vector<2000xf32>
    %reduce_sum3A_72 = vector.multi_reduction <add>, %mul3A, %reduce_sum3A_71 [1] : vector<2000x128xf32> to vector<2000xf32>
    %broadcast_in_dim3A_73 = vector.shape_cast %reduce_sum3A_72 : vector<2000xf32> to vector<2000x1xf32>
    %div3A_74 = arith.constant 1.280000e+02 : f32
    %div3A_75 = vector.broadcast %div3A_74 : f32 to vector<2000x1xf32>
    %div3A_76 = arith.divf %broadcast_in_dim3A_73, %div3A_75 : vector<2000x1xf32>
    %add3A_77 = arith.constant 9.99999997E-7 : f32
    %add3A_78 = vector.broadcast %add3A_77 : f32 to vector<2000x1xf32>
    %add3A_79 = arith.addf %div3A_76, %add3A_78 : vector<2000x1xf32>
    %rsqrt3A = math.rsqrt %add3A_79 : vector<2000x1xf32>
    %mul3A_80 = vector.broadcast %rsqrt3A : vector<2000x1xf32> to vector<2000x128xf32>
    %mul3A_81 = arith.mulf %sub3A_70, %mul3A_80 : vector<2000x128xf32>
    %mul3A_82 = vector.broadcast %get3A_62 : vector<1x128xf32> to vector<2000x128xf32>
    %mul3A_83 = arith.mulf %mul3A_81, %mul3A_82 : vector<2000x128xf32>
    %add3A_84 = vector.broadcast %get3A_65 : vector<1x128xf32> to vector<2000x128xf32>
    %add3A_85 = arith.addf %mul3A_83, %add3A_84 : vector<2000x128xf32>
    %add3A_86 = arith.addf %get3A_1, %add3A_85 : vector<2000x128xf32>
    %get3A_87 = arith.constant 0 : index
    %get3A_88 = arith.constant 0 : index
    %get3A_89 = vector.load %arg4[%get3A_87, %get3A_88] : memref<2000x128xf32, #tpu.memory_space<vmem>>, vector<2000x128xf32>
    %get3A_90 = arith.constant 0 : index
    %get3A_91 = arith.constant 0 : index
    %get3A_92 = vector.load %arg5[%get3A_90, %get3A_91] : memref<2000x128xf32, #tpu.memory_space<vmem>>, vector<2000x128xf32>
    %add3A_93 = arith.addf %get3A_89, %get3A_92 : vector<2000x128xf32>
    %get3A_94 = arith.constant 0 : index
    %get3A_95 = arith.constant 0 : index
    %get3A_96 = vector.load %arg2[%get3A_94, %get3A_95] : memref<2000x128xf32, #tpu.memory_space<vmem>>, vector<2000x128xf32>
    %add3A_97 = arith.addf %add3A_93, %get3A_96 : vector<2000x128xf32>
    %get3A_98 = arith.constant 0 : index
    %get3A_99 = arith.constant 0 : index
    %get3A_100 = vector.load %arg6[%get3A_98, %get3A_99] : memref<2000x1xf32, #tpu.memory_space<vmem>>, vector<2000x1xf32>
    %mul3A_101 = vector.broadcast %get3A_100 : vector<2000x1xf32> to vector<2000x128xf32>
    %mul3A_102 = arith.mulf %add3A_86, %mul3A_101 : vector<2000x128xf32>
    %mul3A_103 = vector.broadcast %get3A_100 : vector<2000x1xf32> to vector<2000x128xf32>
    %mul3A_104 = arith.mulf %add3A_97, %mul3A_103 : vector<2000x128xf32>
    %concatenate3A = tpu.concatenate %mul3A_102, %mul3A_104 in 1 : vector<2000x128xf32>, vector<2000x128xf32> -> vector<2000x256xf32>
    %get3A_105 = arith.constant 0 : index
    %get3A_106 = arith.constant 0 : index
    %get3A_107 = vector.load %arg16[%get3A_105, %get3A_106] : memref<1x256xf32, #tpu.memory_space<vmem>>, vector<1x256xf32>
    %get3A_108 = arith.constant 0 : index
    %get3A_109 = arith.constant 0 : index
    %get3A_110 = vector.load %arg17[%get3A_108, %get3A_109] : memref<1x256xf32, #tpu.memory_space<vmem>>, vector<1x256xf32>
    %reduce_sum3A_111 = arith.constant dense<0.000000e+00> : vector<2000xf32>
    %reduce_sum3A_112 = vector.multi_reduction <add>, %concatenate3A, %reduce_sum3A_111 [1] : vector<2000x256xf32> to vector<2000xf32>
    %broadcast_in_dim3A_113 = vector.shape_cast %reduce_sum3A_112 : vector<2000xf32> to vector<2000x1xf32>
    %div3A_114 = arith.constant 2.560000e+02 : f32
    %div3A_115 = vector.broadcast %div3A_114 : f32 to vector<2000x1xf32>
    %div3A_116 = arith.divf %broadcast_in_dim3A_113, %div3A_115 : vector<2000x1xf32>
    %sub3A_117 = vector.broadcast %div3A_116 : vector<2000x1xf32> to vector<2000x256xf32>
    %sub3A_118 = arith.subf %concatenate3A, %sub3A_117 : vector<2000x256xf32>
    %mul3A_119 = arith.mulf %sub3A_118, %sub3A_118 : vector<2000x256xf32>
    %reduce_sum3A_120 = arith.constant dense<0.000000e+00> : vector<2000xf32>
    %reduce_sum3A_121 = vector.multi_reduction <add>, %mul3A_119, %reduce_sum3A_120 [1] : vector<2000x256xf32> to vector<2000xf32>
    %broadcast_in_dim3A_122 = vector.shape_cast %reduce_sum3A_121 : vector<2000xf32> to vector<2000x1xf32>
    %div3A_123 = arith.constant 2.560000e+02 : f32
    %div3A_124 = vector.broadcast %div3A_123 : f32 to vector<2000x1xf32>
    %div3A_125 = arith.divf %broadcast_in_dim3A_122, %div3A_124 : vector<2000x1xf32>
    %add3A_126 = arith.constant 9.99999997E-7 : f32
    %add3A_127 = vector.broadcast %add3A_126 : f32 to vector<2000x1xf32>
    %add3A_128 = arith.addf %div3A_125, %add3A_127 : vector<2000x1xf32>
    %rsqrt3A_129 = math.rsqrt %add3A_128 : vector<2000x1xf32>
    %mul3A_130 = vector.broadcast %rsqrt3A_129 : vector<2000x1xf32> to vector<2000x256xf32>
    %mul3A_131 = arith.mulf %sub3A_118, %mul3A_130 : vector<2000x256xf32>
    %mul3A_132 = vector.broadcast %get3A_107 : vector<1x256xf32> to vector<2000x256xf32>
    %mul3A_133 = arith.mulf %mul3A_131, %mul3A_132 : vector<2000x256xf32>
    %add3A_134 = vector.broadcast %get3A_110 : vector<1x256xf32> to vector<2000x256xf32>
    %add3A_135 = arith.addf %mul3A_133, %add3A_134 : vector<2000x256xf32>
    %get3A_136 = arith.constant 0 : index
    %get3A_137 = arith.constant 0 : index
    %get3A_138 = vector.load %arg18[%get3A_136, %get3A_137] : memref<768x128xf32, #tpu.memory_space<vmem>>, vector<256x128xf32>
    %dot_general3A_139 = arith.constant dense<0.000000e+00> : vector<2000x128xf32>
    %dot_general3A_140 = tpu.matmul %add3A_135, %get3A_138, %dot_general3A_139 {dimension_numbers = #tpu.dot_dimension_numbers<[1], [0], [0], [1], [0, 0, 1, 1], [], []>, transpose_lhs_hint = false} : vector<2000x256xf32>, vector<256x128xf32>, vector<2000x128xf32> -> vector<2000x128xf32>
    %get3A_141 = arith.constant 0 : index
    %get3A_142 = arith.constant 0 : index
    %get3A_143 = vector.load %arg19[%get3A_141, %get3A_142] : memref<3x128xf32, #tpu.memory_space<vmem>>, vector<1x128xf32>
    %add3A_144 = vector.broadcast %get3A_143 : vector<1x128xf32> to vector<2000x128xf32>
    %add3A_145 = arith.addf %dot_general3A_140, %add3A_144 : vector<2000x128xf32>
    %gt3A_146 = arith.constant 0.000000e+00 : f32
    %gt3A_147 = vector.broadcast %gt3A_146 : f32 to vector<2000x128xf32>
    %gt3A_148 = arith.cmpf ogt, %add3A_145, %gt3A_147 : vector<2000x128xf32>
    %min3A_149 = arith.constant 0.000000e+00 : f32
    %min3A_150 = vector.broadcast %min3A_149 : f32 to vector<2000x128xf32>
    %min3A_151 = arith.minimumf %add3A_145, %min3A_150 : vector<2000x128xf32>
    %exp3A_152 = math.exp %min3A_151 : vector<2000x128xf32>
    %sub3A_153 = arith.constant 1.000000e+00 : f32
    %sub3A_154 = vector.broadcast %sub3A_153 : f32 to vector<2000x128xf32>
    %sub3A_155 = arith.subf %exp3A_152, %sub3A_154 : vector<2000x128xf32>
    %select_n3A_156 = arith.select %gt3A_148, %add3A_145, %sub3A_155 : vector<2000x128xi1>, vector<2000x128xf32>
    %get3A_157 = arith.constant 0 : index
    %get3A_158 = arith.constant 0 : index
    %get3A_159 = vector.load %arg20[%get3A_157, %get3A_158] : memref<384x128xf32, #tpu.memory_space<vmem>>, vector<128x128xf32>
    %dot_general3A_160 = arith.constant dense<0.000000e+00> : vector<2000x128xf32>
    %dot_general3A_161 = tpu.matmul %select_n3A_156, %get3A_159, %dot_general3A_160 {dimension_numbers = #tpu.dot_dimension_numbers<[1], [0], [0], [1], [0, 0, 1, 1], [], []>, transpose_lhs_hint = false} : vector<2000x128xf32>, vector<128x128xf32>, vector<2000x128xf32> -> vector<2000x128xf32>
    %get3A_162 = arith.constant 0 : index
    %get3A_163 = arith.constant 0 : index
    %get3A_164 = vector.load %arg21[%get3A_162, %get3A_163] : memref<3x128xf32, #tpu.memory_space<vmem>>, vector<1x128xf32>
    %add3A_165 = vector.broadcast %get3A_164 : vector<1x128xf32> to vector<2000x128xf32>
    %add3A_166 = arith.addf %dot_general3A_161, %add3A_165 : vector<2000x128xf32>
    %gt3A_167 = arith.constant 0.000000e+00 : f32
    %gt3A_168 = vector.broadcast %gt3A_167 : f32 to vector<2000x128xf32>
    %gt3A_169 = arith.cmpf ogt, %add3A_166, %gt3A_168 : vector<2000x128xf32>
    %min3A_170 = arith.constant 0.000000e+00 : f32
    %min3A_171 = vector.broadcast %min3A_170 : f32 to vector<2000x128xf32>
    %min3A_172 = arith.minimumf %add3A_166, %min3A_171 : vector<2000x128xf32>
    %exp3A_173 = math.exp %min3A_172 : vector<2000x128xf32>
    %sub3A_174 = arith.constant 1.000000e+00 : f32
    %sub3A_175 = vector.broadcast %sub3A_174 : f32 to vector<2000x128xf32>
    %sub3A_176 = arith.subf %exp3A_173, %sub3A_175 : vector<2000x128xf32>
    %select_n3A_177 = arith.select %gt3A_169, %add3A_166, %sub3A_176 : vector<2000x128xi1>, vector<2000x128xf32>
    %get3A_178 = arith.constant 0 : index
    %get3A_179 = arith.constant 0 : index
    %get3A_180 = vector.load %arg22[%get3A_178, %get3A_179] : memref<128x3xf32, #tpu.memory_space<vmem>>, vector<128x1xf32>
    %dot_general3A_181 = arith.constant dense<0.000000e+00> : vector<2000x1xf32>
    %dot_general3A_182 = tpu.matmul %select_n3A_177, %get3A_180, %dot_general3A_181 {dimension_numbers = #tpu.dot_dimension_numbers<[1], [0], [0], [1], [0, 0, 1, 1], [], []>, transpose_lhs_hint = false} : vector<2000x128xf32>, vector<128x1xf32>, vector<2000x1xf32> -> vector<2000x1xf32>
    %get3A_183 = arith.constant 256 : index
    %get3A_184 = arith.constant 0 : index
    %get3A_185 = vector.load %arg18[%get3A_183, %get3A_184] : memref<768x128xf32, #tpu.memory_space<vmem>>, vector<256x128xf32>
    %dot_general3A_186 = arith.constant dense<0.000000e+00> : vector<2000x128xf32>
    %dot_general3A_187 = tpu.matmul %add3A_135, %get3A_185, %dot_general3A_186 {dimension_numbers = #tpu.dot_dimension_numbers<[1], [0], [0], [1], [0, 0, 1, 1], [], []>, transpose_lhs_hint = false} : vector<2000x256xf32>, vector<256x128xf32>, vector<2000x128xf32> -> vector<2000x128xf32>
    %get3A_188 = arith.constant 1 : index
    %get3A_189 = arith.constant 0 : index
    %get3A_190 = vector.load %arg19[%get3A_188, %get3A_189] : memref<3x128xf32, #tpu.memory_space<vmem>>, vector<1x128xf32>
    %add3A_191 = vector.broadcast %get3A_190 : vector<1x128xf32> to vector<2000x128xf32>
    %add3A_192 = arith.addf %dot_general3A_187, %add3A_191 : vector<2000x128xf32>
    %gt3A_193 = arith.constant 0.000000e+00 : f32
    %gt3A_194 = vector.broadcast %gt3A_193 : f32 to vector<2000x128xf32>
    %gt3A_195 = arith.cmpf ogt, %add3A_192, %gt3A_194 : vector<2000x128xf32>
    %min3A_196 = arith.constant 0.000000e+00 : f32
    %min3A_197 = vector.broadcast %min3A_196 : f32 to vector<2000x128xf32>
    %min3A_198 = arith.minimumf %add3A_192, %min3A_197 : vector<2000x128xf32>
    %exp3A_199 = math.exp %min3A_198 : vector<2000x128xf32>
    %sub3A_200 = arith.constant 1.000000e+00 : f32
    %sub3A_201 = vector.broadcast %sub3A_200 : f32 to vector<2000x128xf32>
    %sub3A_202 = arith.subf %exp3A_199, %sub3A_201 : vector<2000x128xf32>
    %select_n3A_203 = arith.select %gt3A_195, %add3A_192, %sub3A_202 : vector<2000x128xi1>, vector<2000x128xf32>
    %get3A_204 = arith.constant 128 : index
    %get3A_205 = arith.constant 0 : index
    %get3A_206 = vector.load %arg20[%get3A_204, %get3A_205] : memref<384x128xf32, #tpu.memory_space<vmem>>, vector<128x128xf32>
    %dot_general3A_207 = arith.constant dense<0.000000e+00> : vector<2000x128xf32>
    %dot_general3A_208 = tpu.matmul %select_n3A_203, %get3A_206, %dot_general3A_207 {dimension_numbers = #tpu.dot_dimension_numbers<[1], [0], [0], [1], [0, 0, 1, 1], [], []>, transpose_lhs_hint = false} : vector<2000x128xf32>, vector<128x128xf32>, vector<2000x128xf32> -> vector<2000x128xf32>
    %get3A_209 = arith.constant 1 : index
    %get3A_210 = arith.constant 0 : index
    %get3A_211 = vector.load %arg21[%get3A_209, %get3A_210] : memref<3x128xf32, #tpu.memory_space<vmem>>, vector<1x128xf32>
    %add3A_212 = vector.broadcast %get3A_211 : vector<1x128xf32> to vector<2000x128xf32>
    %add3A_213 = arith.addf %dot_general3A_208, %add3A_212 : vector<2000x128xf32>
    %gt3A_214 = arith.constant 0.000000e+00 : f32
    %gt3A_215 = vector.broadcast %gt3A_214 : f32 to vector<2000x128xf32>
    %gt3A_216 = arith.cmpf ogt, %add3A_213, %gt3A_215 : vector<2000x128xf32>
    %min3A_217 = arith.constant 0.000000e+00 : f32
    %min3A_218 = vector.broadcast %min3A_217 : f32 to vector<2000x128xf32>
    %min3A_219 = arith.minimumf %add3A_213, %min3A_218 : vector<2000x128xf32>
    %exp3A_220 = math.exp %min3A_219 : vector<2000x128xf32>
    %sub3A_221 = arith.constant 1.000000e+00 : f32
    %sub3A_222 = vector.broadcast %sub3A_221 : f32 to vector<2000x128xf32>
    %sub3A_223 = arith.subf %exp3A_220, %sub3A_222 : vector<2000x128xf32>
    %select_n3A_224 = arith.select %gt3A_216, %add3A_213, %sub3A_223 : vector<2000x128xi1>, vector<2000x128xf32>
    %get3A_225 = arith.constant 0 : index
    %get3A_226 = arith.constant 1 : index
    %get3A_227 = vector.load %arg22[%get3A_225, %get3A_226] : memref<128x3xf32, #tpu.memory_space<vmem>>, vector<128x1xf32>
    %dot_general3A_228 = arith.constant dense<0.000000e+00> : vector<2000x1xf32>
    %dot_general3A_229 = tpu.matmul %select_n3A_224, %get3A_227, %dot_general3A_228 {dimension_numbers = #tpu.dot_dimension_numbers<[1], [0], [0], [1], [0, 0, 1, 1], [], []>, transpose_lhs_hint = false} : vector<2000x128xf32>, vector<128x1xf32>, vector<2000x1xf32> -> vector<2000x1xf32>
    %get3A_230 = arith.constant 512 : index
    %get3A_231 = arith.constant 0 : index
    %get3A_232 = vector.load %arg18[%get3A_230, %get3A_231] : memref<768x128xf32, #tpu.memory_space<vmem>>, vector<256x128xf32>
    %dot_general3A_233 = arith.constant dense<0.000000e+00> : vector<2000x128xf32>
    %dot_general3A_234 = tpu.matmul %add3A_135, %get3A_232, %dot_general3A_233 {dimension_numbers = #tpu.dot_dimension_numbers<[1], [0], [0], [1], [0, 0, 1, 1], [], []>, transpose_lhs_hint = false} : vector<2000x256xf32>, vector<256x128xf32>, vector<2000x128xf32> -> vector<2000x128xf32>
    %get3A_235 = arith.constant 2 : index
    %get3A_236 = arith.constant 0 : index
    %get3A_237 = vector.load %arg19[%get3A_235, %get3A_236] : memref<3x128xf32, #tpu.memory_space<vmem>>, vector<1x128xf32>
    %add3A_238 = vector.broadcast %get3A_237 : vector<1x128xf32> to vector<2000x128xf32>
    %add3A_239 = arith.addf %dot_general3A_234, %add3A_238 : vector<2000x128xf32>
    %gt3A_240 = arith.constant 0.000000e+00 : f32
    %gt3A_241 = vector.broadcast %gt3A_240 : f32 to vector<2000x128xf32>
    %gt3A_242 = arith.cmpf ogt, %add3A_239, %gt3A_241 : vector<2000x128xf32>
    %min3A_243 = arith.constant 0.000000e+00 : f32
    %min3A_244 = vector.broadcast %min3A_243 : f32 to vector<2000x128xf32>
    %min3A_245 = arith.minimumf %add3A_239, %min3A_244 : vector<2000x128xf32>
    %exp3A_246 = math.exp %min3A_245 : vector<2000x128xf32>
    %sub3A_247 = arith.constant 1.000000e+00 : f32
    %sub3A_248 = vector.broadcast %sub3A_247 : f32 to vector<2000x128xf32>
    %sub3A_249 = arith.subf %exp3A_246, %sub3A_248 : vector<2000x128xf32>
    %select_n3A_250 = arith.select %gt3A_242, %add3A_239, %sub3A_249 : vector<2000x128xi1>, vector<2000x128xf32>
    %get3A_251 = arith.constant 256 : index
    %get3A_252 = arith.constant 0 : index
    %get3A_253 = vector.load %arg20[%get3A_251, %get3A_252] : memref<384x128xf32, #tpu.memory_space<vmem>>, vector<128x128xf32>
    %dot_general3A_254 = arith.constant dense<0.000000e+00> : vector<2000x128xf32>
    %dot_general3A_255 = tpu.matmul %select_n3A_250, %get3A_253, %dot_general3A_254 {dimension_numbers = #tpu.dot_dimension_numbers<[1], [0], [0], [1], [0, 0, 1, 1], [], []>, transpose_lhs_hint = false} : vector<2000x128xf32>, vector<128x128xf32>, vector<2000x128xf32> -> vector<2000x128xf32>
    %get3A_256 = arith.constant 2 : index
    %get3A_257 = arith.constant 0 : index
    %get3A_258 = vector.load %arg21[%get3A_256, %get3A_257] : memref<3x128xf32, #tpu.memory_space<vmem>>, vector<1x128xf32>
    %add3A_259 = vector.broadcast %get3A_258 : vector<1x128xf32> to vector<2000x128xf32>
    %add3A_260 = arith.addf %dot_general3A_255, %add3A_259 : vector<2000x128xf32>
    %gt3A_261 = arith.constant 0.000000e+00 : f32
    %gt3A_262 = vector.broadcast %gt3A_261 : f32 to vector<2000x128xf32>
    %gt3A_263 = arith.cmpf ogt, %add3A_260, %gt3A_262 : vector<2000x128xf32>
    %min3A_264 = arith.constant 0.000000e+00 : f32
    %min3A_265 = vector.broadcast %min3A_264 : f32 to vector<2000x128xf32>
    %min3A_266 = arith.minimumf %add3A_260, %min3A_265 : vector<2000x128xf32>
    %exp3A_267 = math.exp %min3A_266 : vector<2000x128xf32>
    %sub3A_268 = arith.constant 1.000000e+00 : f32
    %sub3A_269 = vector.broadcast %sub3A_268 : f32 to vector<2000x128xf32>
    %sub3A_270 = arith.subf %exp3A_267, %sub3A_269 : vector<2000x128xf32>
    %select_n3A_271 = arith.select %gt3A_263, %add3A_260, %sub3A_270 : vector<2000x128xi1>, vector<2000x128xf32>
    %get3A_272 = arith.constant 0 : index
    %get3A_273 = arith.constant 2 : index
    %get3A_274 = vector.load %arg22[%get3A_272, %get3A_273] : memref<128x3xf32, #tpu.memory_space<vmem>>, vector<128x1xf32>
    %dot_general3A_275 = arith.constant dense<0.000000e+00> : vector<2000x1xf32>
    %dot_general3A_276 = tpu.matmul %select_n3A_271, %get3A_274, %dot_general3A_275 {dimension_numbers = #tpu.dot_dimension_numbers<[1], [0], [0], [1], [0, 0, 1, 1], [], []>, transpose_lhs_hint = false} : vector<2000x128xf32>, vector<128x1xf32>, vector<2000x1xf32> -> vector<2000x1xf32>
    %concatenate3A_277 = tpu.concatenate %dot_general3A_182, %dot_general3A_229, %dot_general3A_276 in 1 : vector<2000x1xf32>, vector<2000x1xf32>, vector<2000x1xf32> -> vector<2000x3xf32>
    %get3A_278 = arith.constant 0 : index
    %get3A_279 = arith.constant 0 : index
    %get3A_280 = vector.load %arg23[%get3A_278, %get3A_279] : memref<1x3xf32, #tpu.memory_space<vmem>>, vector<1x3xf32>
    %add3A_281 = vector.broadcast %get3A_280 : vector<1x3xf32> to vector<2000x3xf32>
    %add3A_282 = arith.addf %concatenate3A_277, %add3A_281 : vector<2000x3xf32>
    %swap3A = arith.constant 0 : index
    %swap3A_283 = arith.constant 0 : index
    %swap3A_284 = vector.load %arg24[%swap3A, %swap3A_283] : memref<2000x3xf32, #tpu.memory_space<vmem>>, vector<2000x3xf32>
    tpu.vector_store %arg24[%swap3A, %swap3A_283], %add3A_282 {strides = array<i32>} : memref<2000x3xf32, #tpu.memory_space<vmem>>, vector<2000x3xf32>,
    return
  }
  func.func @transform_0(%arg0: i32) -> (i32, i32) {
    %c0_i32 = arith.constant 0 : i32
    %c0_i32_0 = arith.constant 0 : i32
    return %arg0, %c0_i32 : i32, i32
  }
  func.func @transform_1(%arg0: i32) -> (i32, i32) {
    %c0_i32 = arith.constant 0 : i32
    %c0_i32_0 = arith.constant 0 : i32
    return %arg0, %c0_i32 : i32, i32
  }
  func.func @transform_2(%arg0: i32) -> (i32, i32) {
    %c0_i32 = arith.constant 0 : i32
    %c0_i32_0 = arith.constant 0 : i32
    return %arg0, %c0_i32 : i32, i32
  }
  func.func @transform_3(%arg0: i32) -> (i32, i32) {
    %c0_i32 = arith.constant 0 : i32
    %c0_i32_0 = arith.constant 0 : i32
    return %arg0, %c0_i32 : i32, i32
  }
  func.func @transform_4(%arg0: i32) -> (i32, i32) {
    %c0_i32 = arith.constant 0 : i32
    %c0_i32_0 = arith.constant 0 : i32
    return %arg0, %c0_i32 : i32, i32
  }
  func.func @transform_5(%arg0: i32) -> (i32, i32) {
    %c0_i32 = arith.constant 0 : i32
    %c0_i32_0 = arith.constant 0 : i32
    return %arg0, %c0_i32 : i32, i32
  }
  func.func @transform_6(%arg0: i32) -> (i32, i32) {
    %c0_i32 = arith.constant 0 : i32
    %c0_i32_0 = arith.constant 0 : i32
    %c0_i32_1 = arith.constant 0 : i32
    return %c0_i32, %c0_i32_0 : i32, i32
  }
  func.func @transform_7(%arg0: i32) -> (i32, i32) {
    %c0_i32 = arith.constant 0 : i32
    %c0_i32_0 = arith.constant 0 : i32
    %c0_i32_1 = arith.constant 0 : i32
    return %c0_i32, %c0_i32_0 : i32, i32
  }
  func.func @transform_8(%arg0: i32) -> (i32, i32) {
    %c0_i32 = arith.constant 0 : i32
    %c0_i32_0 = arith.constant 0 : i32
    %c0_i32_1 = arith.constant 0 : i32
    return %c0_i32, %c0_i32_0 : i32, i32
  }
  func.func @transform_9(%arg0: i32) -> (i32, i32) {
    %c0_i32 = arith.constant 0 : i32
    %c0_i32_0 = arith.constant 0 : i32
    %c0_i32_1 = arith.constant 0 : i32
    return %c0_i32, %c0_i32_0 : i32, i32
  }
  func.func @transform_10(%arg0: i32) -> (i32, i32) {
    %c0_i32 = arith.constant 0 : i32
    %c0_i32_0 = arith.constant 0 : i32
    %c0_i32_1 = arith.constant 0 : i32
    return %c0_i32, %c0_i32_0 : i32, i32
  }
  func.func @transform_11(%arg0: i32) -> (i32, i32) {
    %c0_i32 = arith.constant 0 : i32
    %c0_i32_0 = arith.constant 0 : i32
    %c0_i32_1 = arith.constant 0 : i32
    return %c0_i32, %c0_i32_0 : i32, i32
  }
  func.func @transform_12(%arg0: i32) -> (i32, i32) {
    %c0_i32 = arith.constant 0 : i32
    %c0_i32_0 = arith.constant 0 : i32
    %c0_i32_1 = arith.constant 0 : i32
    return %c0_i32, %c0_i32_0 : i32, i32
  }
  func.func @transform_13(%arg0: i32) -> (i32, i32) {
    %c0_i32 = arith.constant 0 : i32
    %c0_i32_0 = arith.constant 0 : i32
    %c0_i32_1 = arith.constant 0 : i32
    return %c0_i32, %c0_i32_0 : i32, i32
  }
  func.func @transform_14(%arg0: i32) -> (i32, i32) {
    %c0_i32 = arith.constant 0 : i32
    %c0_i32_0 = arith.constant 0 : i32
    %c0_i32_1 = arith.constant 0 : i32
    return %c0_i32, %c0_i32_0 : i32, i32
  }
  func.func @transform_15(%arg0: i32) -> (i32, i32) {
    %c0_i32 = arith.constant 0 : i32
    %c0_i32_0 = arith.constant 0 : i32
    %c0_i32_1 = arith.constant 0 : i32
    return %c0_i32, %c0_i32_0 : i32, i32
  }
  func.func @transform_16(%arg0: i32) -> (i32, i32) {
    %c0_i32 = arith.constant 0 : i32
    %c0_i32_0 = arith.constant 0 : i32
    %c0_i32_1 = arith.constant 0 : i32
    return %c0_i32, %c0_i32_0 : i32, i32
  }
  func.func @transform_17(%arg0: i32) -> (i32, i32) {
    %c0_i32 = arith.constant 0 : i32
    %c0_i32_0 = arith.constant 0 : i32
    %c0_i32_1 = arith.constant 0 : i32
    return %c0_i32, %c0_i32_0 : i32, i32
  }
  func.func @transform_18(%arg0: i32) -> (i32, i32) {
    %c0_i32 = arith.constant 0 : i32
    %c0_i32_0 = arith.constant 0 : i32
    %c0_i32_1 = arith.constant 0 : i32
    return %c0_i32, %c0_i32_0 : i32, i32
  }
  func.func @transform_19(%arg0: i32) -> (i32, i32) {
    %c0_i32 = arith.constant 0 : i32
    %c0_i32_0 = arith.constant 0 : i32
    %c0_i32_1 = arith.constant 0 : i32
    return %c0_i32, %c0_i32_0 : i32, i32
  }
  func.func @transform_20(%arg0: i32) -> (i32, i32) {
    %c0_i32 = arith.constant 0 : i32
    %c0_i32_0 = arith.constant 0 : i32
    %c0_i32_1 = arith.constant 0 : i32
    return %c0_i32, %c0_i32_0 : i32, i32
  }
  func.func @transform_21(%arg0: i32) -> (i32, i32) {
    %c0_i32 = arith.constant 0 : i32
    %c0_i32_0 = arith.constant 0 : i32
    %c0_i32_1 = arith.constant 0 : i32
    return %c0_i32, %c0_i32_0 : i32, i32
  }
  func.func @transform_22(%arg0: i32) -> (i32, i32) {
    %c0_i32 = arith.constant 0 : i32
    %c0_i32_0 = arith.constant 0 : i32
    %c0_i32_1 = arith.constant 0 : i32
    return %c0_i32, %c0_i32_0 : i32, i32
  }
  func.func @transform_23(%arg0: i32) -> (i32, i32) {
    %c0_i32 = arith.constant 0 : i32
    %c0_i32_0 = arith.constant 0 : i32
    return %arg0, %c0_i32 : i32, i32
  }
}

</mosaic_0001>

<sc_bundles>
// kernel: kernel.13.cloned.1.call-start
scs
__scs_entry_jumppad:
0x0: {  	(pc) =	sbr.rel $0x88, $3  }
0x1: {  	(tag) =	ssettag $0x0;
	lr =	simm.s32 $0x1  }
0x2: {  	[smem:$0x3F4F] =	sst lr;
	_ =	strace $0xD0000000  }
0x3: {  	_ = 	snop  }
0x4: {  	_ = 	snop  }
0x5: {  	_ = 	snop  }
0x6: {  	_ = 	snop  }
0x7: {  	_ = 	snop  }
__scs_overlays_trampoline_lowered:
0x8: {  	[smem:$0x3F5E] =	sst s0  }
0x9: {  	[smem:$0x3F5F] =	sst s1  }
0xa: {  	[smem:$0x3F60] =	sst s2  }
0xb: {  	[smem:$0x3F61] =	sst s3  }
0xc: {  	[smem:$0x3F62] =	sst s4  }
0xd: {  	[smem:$0x3F63] =	sst s5  }
0xe: {  	[smem:$0x3F64] =	sst s6  }
0xf: {  	[smem:$0x3F65] =	sst s7  }
0x10: {  	[smem:$0x3F66] =	sst s8  }
0x11: {  	[smem:$0x3F67] =	sst s9;
	s0 =	simm.s32 @!p0 $0x0  }
0x12: {  	s1 =	sld [smem:$0x3F4D];
	s0 =	simm.s32 @p0 $0x1  }
0x13: {  	[smem:$0x3F68] =	sst s0;
	s0 =	simm.s32 @!p1 $0x0  }
0x14: {  	s2 =	sld [smem:$0x3F4C];
	s0 =	simm.s32 @p1 $0x1  }
0x15: {  	[smem:$0x3F69] =	sst s0;
	s0 =	simm.s32 @!p2 $0x0  }
0x16: {  	s3 =	sld [smem:$0x3FDB];
	s0 =	simm.s32 @p2 $0x1  }
0x17: {  	s4 =	simm.s32 $0x1BF5;
	[smem:$0x3F6B] =	sst s0  }
0x18: {  	s0 =	sld [smem:$0x3F4E];
	_ =	swait.ge [sflag:s4], $0x0  }
0x19: {  	s7 =	sld [smem:$0x3F4F]  }
0x1a: {  	s8 =	sadd.s32 $0xFFFFE003, lr  }
0x1b: {  	s9 =	sadd.s32 $0xFFFFFEF7, lr;
	s5 =	simm.s32 $0xFFFFFFFF;
	p2 =	slt.u32 s8, $0xFFFFF086  }
0x1c: {  	p1 =	slt.u32 s9, $0xF7A;
	s5 =	simm.s32 @!p2 $0x0  }
0x1d: {  	s5 =	simm.s32 @p1 $0x1;
	p0 =	seq.s32 s7, s2  }
0x1e: {  	s7 =	smul.u32 @!p0 $0xF7A, s2;
	p2 =	seq.s32 @!p0 s5, $0x0  }
0x1f: {  	s9 =	smul.u32 $0xF7A, s1;
	s8 =	simm.s32 @!p0 $0x1BF5;
	p2 =	por !p2, p0  }
0x20: {  	[sflag:s8] =	ssyncset.s32 @!p0 $0xFFFFF086;
	s6 =	sadd.s32 @!p0 s3, s7;
	s7 =	simm.s32 @!p0 $0x108  }
0x21: {  	s3 =	sadd.s32 s3, s9;
	s6 =	sadd.s32 @!p0 $0x88, s6;
	s7 =	simm.s32 @p2 $0x1082  }
0x22: {  	[simem:s7], [sflag:s8] =	dma.local @!p0 [hbm:s6], $0xF7A  }
0x23: {  	s9 =	sor.u32 $0xD0000000, s2;
	s6 =	simm.s32 $0x108;
	_ =	swait.ge @!p0 [sflag:s8], $0x0  }
0x24: {  	s3 =	sadd.s32 $0x88, s3;
	s6 =	simm.s32 @!p1 $0x1082;
	[sflag:s4] =	ssyncset.s32 $0xFFFFF086  }
0x25: {  	[simem:s6], [sflag:s4] =	dma.local [hbm:s3], $0xF7A  }
0x26: {  	[smem:$0x3F4F] =	sst s1;
	(tag) =	ssettag s2;
	_ =	strace s9  }
0x27: {  	s1 =	sld [smem:$0x3F5F]  }
0x28: {  	s2 =	sld [smem:$0x3F60]  }
0x29: {  	s4 =	sld [smem:$0x3F62]  }
0x2a: {  	p0 =	seq.s32 s5, $0x0;
	s5 =	sld [smem:$0x3F63]  }
0x2b: {  	s6 =	sld [smem:$0x3F64]  }
0x2c: {  	s7 =	sld [smem:$0x3F65]  }
0x2d: {  	s3 =	simm.s32 $0x108;
	s8 =	sld [smem:$0x3F66]  }
0x2e: {  	s3 =	simm.s32 @!p0 $0x1082;
	s9 =	sld [smem:$0x3F67]  }
0x2f: {  	lr =	sadd.s32 s0, s3;
	s0 =	sld [smem:$0x3F5E]  }
0x30: {  	s3 =	sld [smem:$0x3F61]  }
0x31: {  	[smem:$0x3F6A] =	sst s10  }
0x32: {  	s10 =	sld [smem:$0x3F68];
	_ =	sdelay $0x3  }
0x33: {  	p0 =	seq.s32 s10, $0x1;
	s10 =	sld [smem:$0x3F6A];
	_ =	sdelay $0x3  }
0x34: {  	[smem:$0x3F6A] =	sst s10  }
0x35: {  	s10 =	sld [smem:$0x3F69];
	_ =	sdelay $0x3  }
0x36: {  	p1 =	seq.s32 s10, $0x1;
	s10 =	sld [smem:$0x3F6A];
	_ =	sdelay $0x3  }
0x37: {  	[smem:$0x3F6A] =	sst s10  }
0x38: {  	s10 =	sld [smem:$0x3F6B]  }
0x39: {  	_ = 	snop;
	(pc) =	sbr.ind lr, $3  }
0x3a: {  	_ = 	snop  }
0x3b: {  	_ = 	snop  }
0x3c: {  	p2 =	seq.s32 s10, $0x1;
	s10 =	sld [smem:$0x3F6A]  }
0x3d: {  	_ =	shalt  }
0x3e: {  	_ =	shalt  }
0x3f: {  	_ =	shalt  }
0x40: {  	_ =	shalt  }
0x41: {  	_ =	shalt  }
0x42: {  	_ =	shalt  }
0x43: {  	_ =	shalt  }
0x44: {  	_ =	shalt  }
0x45: {  	_ =	shalt  }
0x46: {  	_ =	shalt  }
0x47: {  	_ =	shalt  }
0x48: {  	_ =	shalt  }
0x49: {  	_ =	shalt  }
0x4a: {  	_ =	shalt  }
0x4b: {  	_ =	shalt  }
0x4c: {  	_ =	shalt  }
0x4d: {  	_ =	shalt  }
0x4e: {  	_ =	shalt  }
0x4f: {  	_ =	shalt  }
0x50: {  	_ =	shalt  }
0x51: {  	_ =	shalt  }
0x52: {  	_ =	shalt  }
0x53: {  	_ =	shalt  }
0x54: {  	_ =	shalt  }
0x55: {  	_ =	shalt  }
0x56: {  	_ =	shalt  }
0x57: {  	_ =	shalt  }
0x58: {  	_ =	shalt  }
0x59: {  	_ =	shalt  }
0x5a: {  	_ =	shalt  }
0x5b: {  	_ =	shalt  }
0x5c: {  	_ =	shalt  }
0x5d: {  	_ =	shalt  }
0x5e: {  	_ =	shalt  }
0x5f: {  	_ =	shalt  }
0x60: {  	_ =	shalt  }
0x61: {  	_ =	shalt  }
0x62: {  	_ =	shalt  }
0x63: {  	_ =	shalt  }
0x64: {  	_ =	shalt  }
0x65: {  	_ =	shalt  }
0x66: {  	_ =	shalt  }
0x67: {  	_ =	shalt  }
0x68: {  	_ =	shalt  }
0x69: {  	_ =	shalt  }
0x6a: {  	_ =	shalt  }
0x6b: {  	_ =	shalt  }
0x6c: {  	_ =	shalt  }
0x6d: {  	_ =	shalt  }
0x6e: {  	_ =	shalt  }
0x6f: {  	_ =	shalt  }
0x70: {  	_ =	shalt  }
0x71: {  	_ =	shalt  }
0x72: {  	_ =	shalt  }
0x73: {  	_ =	shalt  }
0x74: {  	_ =	shalt  }
0x75: {  	_ =	shalt  }
0x76: {  	_ =	shalt  }
0x77: {  	_ =	shalt  }
0x78: {  	_ =	shalt  }
0x79: {  	_ =	shalt  }
0x7a: {  	_ =	shalt  }
0x7b: {  	_ =	shalt  }
0x7c: {  	_ =	shalt  }
0x7d: {  	_ =	shalt  }
0x7e: {  	_ =	shalt  }
0x7f: {  	_ =	shalt  }
0x80: {  	_ =	shalt  }
0x81: {  	_ =	shalt  }
0x82: {  	_ =	shalt  }
0x83: {  	_ =	shalt  }
0x84: {  	_ =	shalt  }
0x85: {  	_ =	shalt  }
0x86: {  	_ =	shalt  }
0x87: {  	_ =	shalt  }
.Lfunc_end0:
.L_simem_size_0:
called_computation_lowered:
.L_overlay_start_0:
0x88: {  	s2 =	sld [smem:$0x3FD9]  }
0x89: {  	s3 =	sld [smem:$0x3FFE];
	_ =	sdelay $0x1  }
0x8a: {  	s1 =	srdreg.scid  }
0x8b: {  	s0 =	sand.u32 $0x1, s1  }
0x8c: {  	s17 =	sshll.u32 s0, $0xA;
	s2 =	sadd.s32 s3, s2  }
0x8d: {  	s2 =	sadd.s32 s2, s17  }
0x8e: {  	[smem:$0x3F76] =	sst s2  }
0x8f: {  	_ = 	snop  }
0x90: {  	s2 =	sld [smem:$0x3F7A]  }
0x91: {  	s18 =	sld [smem:$0x3F79];
	(tm) =	ssettm $0x1  }
0x92: {  	s4 =	sld [smem:$0x3FFB];
	_ =	sdelay $0x3  }
0x93: {  	_ =	strace s4  }
0x94: {  	s4 =	sld [smem:$0x3FFC];
	_ =	sdelay $0x3  }
0x95: {  	_ =	strace s4  }
0x96: {  	s4 =	sld [smem:$0x3FFD];
	_ =	sdelay $0x3  }
0x97: {  	_ =	strace s4  }
0x98: {  	_ =	strace $0x8FFFFFFF  }
0x99: {  	s19 =	sld [smem:$0x3FDB];
	_ =	sdelay $0x1  }
0x9a: {  	s5 =	simm.s32 $_scs_section_size  }
0x9b: {  	s6 =	simm.s32 $_size__tile_overlayer_lowered;
	s7 =	simm.s32 $_tile_overlayer_lowered  }
0x9c: {  	s22 =	simm.s32 $0x1BFF;
	s21 =	sshll.u32 s7, $0x1;
	s4 =	sadd.s32 s5, s19  }
0x9d: {  	s8 =	simm.s32 $0x0;
	s20 =	sshll.u32 s6, $0x1;
	s6 =	sadd.s32 s21, s4  }
0x9e: {  	[timem:s8], [sflag:s22] =	dma.local [hbm:s6], s20  }
0x9f: {  	_ =	swait.ge [sflag:s22], s20  }
0xa0: {  	s5 =	ssub.s32 $0x0, s20;
	[sflag:s22] =	ssyncset.done $0x0  }
0xa1: {  	[sflag:s22] =	ssyncadd.s32 s5;
	_ =	sdelay $0x1  }
0xa2: {  	s23 =	simm.s32 $0x1B8B  }
0xa3: {  	_ =	swait.ge [sflag:s23], $0x1  }
0xa4: {  	[sflag:s23] =	ssyncset.done $0x0  }
0xa5: {  	s25 =	simm.s32 $0x1B8E;
	s24 =	sld [smem:$0x3FFE];
	[sflag:s23] =	ssyncadd.s32 $0xFFFFFFFF  }
0xa6: {  	s26 =	simm.s32 $execute0_lowered;
	[smem:$0x3FD2] =	sst s25  }
0xa7: {  	s6 =	sshll.u32 s26, $0x1;
	_ =	strace $0x80000046;
	[dreg:$0x1] =	wrdreg $0xFFFFFFFF  }
0xa8: {  	s28 =	simm.s32 $_size_execute0_lowered;
	s4 =	sadd.s32 s4, s6;
	[dreg:$0x0] =	wrdreg $0x0  }
0xa9: {  	s6 =	sshll.u32 s28, $0x1;
	[dreg:$0x2] =	wrdreg s4  }
0xaa: {  	[dreg:$0x3] =	wrdreg s6  }
0xab: {  	[dreg:$0x4] =	wrdreg $0xC0  }
0xac: {  	_ =	task [dreg:s8], $0x5FFFF  }
0xad: {  	[dreg:$0x1] =	wrdreg $0xFFFFFFFF  }
0xae: {  	[dreg:$0x0] =	wrdreg $0x60  }
0xaf: {  	[dreg:$0x2] =	wrdreg s24  }
0xb0: {  	[dreg:$0x3] =	wrdreg s18  }
0xb1: {  	[dreg:$0x4] =	wrdreg s2  }
0xb2: {  	[dreg:$0x5] =	wrdreg $0x9  }
0xb3: {  	_ =	task.clear_ibuf [dreg:s8], $0x6FFFF;
	_ =	strace $0x90000046  }
0xb4: {  	s29 =	simm.s32 $0x9;
	_ =	strace $0x80000048  }
0xb5: {  	_ =	swait.ge [sflag:s29], $0x1  }
0xb6: {  	[sflag:s29] =	ssyncadd.s32 $0xFFFFFFFF  }
0xb7: {  	_ =	strace $0x90000048  }
0xb8: {  	_ =	sfence  }
0xb9: {  	s30 =	sld [smem:$0x0];
	_ =	sdelay $0x2  }
0xba: {  	s31 =	sshll.u32 s1, $0xD;
	s1 =	sshrl.u32 s1, $0x2  }
0xbb: {  	s3 =	sand.u32 $0x4000, s31;
	s1 =	sadd.s32 s1, s30  }
0xbc: {  	s0 =	sor.u32 s3, s0;
	s1 =	sshll.u32 s1, $0x11  }
0xbd: {  	s0 =	sor.u32 s1, s0  }
0xbe: {  	s0 =	sadd.s32 $0x8F2B, s0  }
0xbf: {  	[sflag:s0] =	ssyncadd.remote.s32 $0x1  }
0xc0: {  	_ =	sfence.sel $0xFFFF  }
0xc1: {  	[dreg:$0x0] =	wrdreg $0xFFFFFFFF;
	(pc) =	sbr.abs _section_cstart, $3  }
0xc2: {  	[dreg:$0x1] =	wrdreg $0xFFFFFFFF  }
0xc3: {  	_ =	task.clear_ibuf [dreg:s8], $0x2FFFF;
	_ =	strace $0x9FFFFFFF  }
0xc4: {  	(tm) =	ssettm $0x7FFFFFFF  }
0xc5: {  	_ =	shalt  }
tec
execute0_lowered:
.L_overlay_start_1:
0x0: {  	(tag) =	ssettag $0x1  }
0x1: {  	s7 =	rddreg [dreg:$0x0]  }
0x2: {  	s1 =	rddreg [dreg:$0x1]  }
0x3: {  	s2 =	rddreg [dreg:$0x2]  }
0x4: {  	s0 =	rddreg [dreg:$0x3]  }
0x5: {  	s4 =	simm.s32 $0x0;
	s5 =	srdreg.scid;
	s3 =	stileid.u32  }
0x6: {  	s30 =	simm.s32 $0x200;
	s31 =	simm.s32 $0x4200;
	[smem:$0x7FF] =	sst s4  }
0x7: {  	s8 =	sand.u32 $0x1, s5;
	s9 =	smul.u32 $0x4E, s3;
	s10 =	sshll.u32 s3, $0x1  }
0x8: {  	s5 =	sadd.s32 $0x10800, s7;
	s6 =	sadd.s32 $0x37A00, s7;
	s12 =	sadd.s32 $0x85E00, s7  }
0x9: {  	s23 =	sadd.s32 $0x2F6E00, s7;
	p0 =	seq.s32 s3, $0x0;
	s11 =	smul.u32 $0x27, s8  }
0xa: {  	_ =	strace $0x80000047;
	s10 =	sor.u32 s8, s10;
	s24 =	ssub.s32 $0x2, s8  }
0xb: {  	[dreg:$0x4] =	wrdreg s30;
	s10 =	smin.u32 s10, $0x2;
	s9 =	sadd.s32 s11, s9  }
0xc: {  	[dreg:$0x5] =	wrdreg s31;
	s26 =	sshrl.u32 s24, $0x1;
	s25 =	sadd.s32 s10, s9  }
0xd: {  	s9 =	simm.s32 $0x28;
	s10 =	ssub.s32 s24, s26;
	s13 =	sshll.u32 s25, $0xB  }
0xe: {  	s9 =	simm.s32 @!p0 $0x27;
	s7 =	sshll.u32 s25, $0x4;
	s8 =	smax.u32 s10, $0x1  }
0xf: {  	s14 =	sadd.s32 $0x800, s13;
	[dreg:$0x6] =	wrdreg s9;
	s9 =	sadd.s32 $0x10, s7  }
0x10: {  	s10 =	sadd.s32 s13, s12;
	s11 =	sadd.s32 s13, s23;
	s28 =	sadd.s32 s14, s12  }
0x11: {  	s13 =	simm.s32 $0x80;
	s29 =	sadd.s32 s14, s23;
	[dreg:$0x7] =	wrdreg s28  }
0x12: {  	s12 =	simm.s32 $0x5;
	s14 =	simm.s32 $0x0;
	[dreg:$0x8] =	wrdreg s29  }
.LBB2_1:
0x13: {  	s15 =	sadd.s32 s7, s1  }
0x14: {  	[tilespmem:s4], [sflag:$0x5] =	stream.linear.gather [hbm4b:s15+s4], $0x80, $0x38;
	[tilespmem:$0x10200] =	vst v63  }
0x15: {  	_ =	swait.ge [sflag:s12], $0x80  }
0x16: {  	[sflag:s12] =	ssyncset.done $0x0  }
0x17: {  	s30 =	sadd.s32 s7, s2;
	[sflag:s12] =	ssyncadd.s32 $0xFFFFFF80  }
0x18: {  	[tilespmem:s13], [sflag:$0x5] =	stream.linear.gather [hbm4b:s30+s4], $0x80, $0x38;
	[tilespmem:$0x10200] =	vst v63  }
0x19: {  	_ =	swait.ge [sflag:s12], $0x80  }
0x1a: {  	[sflag:s12] =	ssyncset.done $0x0;
	s16 =	rddreg [dreg:$0x6]  }
0x1b: {  	s31 =	rddreg [dreg:$0x4];
	[sflag:s12] =	ssyncadd.s32 $0xFFFFFF80;
	p0 =	sle.u32 s16, $0x1  }
0x1c: {  	[tilespmem:s31], [sflag:$0x1] =	stream.indirect.gather [hbm4b:s5+s13], $0x80, s4, s13, $0xb8;
	[tilespmem:$0x10200] =	vst v63  }
0x1d: {  	s17 =	rddreg [dreg:$0x5];
	s15 =	simm.s32 @p0 $0x1  }
0x1e: {  	[tilespmem:s17], [sflag:$0x1] =	stream.indirect.gather [hbm4b:s6+s13], $0x80, s13, s13, $0xb8;
	[tilespmem:$0x10200] =	vst v63  }
0x1f: {  	_ =	swait.ge @p0 [sflag:s15], $0x4000  }
0x20: {  	[sflag:s15] =	ssyncset.done @p0 $0x0  }
0x21: {  	[sflag:s15] =	ssyncadd.s32 @p0 $0xFFFFC000  }
0x22: {  	_ =	swait.ge @p0 [sflag:s15], $0x4000  }
0x23: {  	s16 =	simm.s32 @p0 $0x200;
	[sflag:s15] =	ssyncset.done @p0 $0x0  }
0x24: {  	s18 =	simm.s32 @p0 $0x0;
	s17 =	sadd.s32 @p0 $0x0, s10;
	[sflag:s15] =	ssyncadd.s32 @p0 $0xFFFFC000  }
0x25: {  	[hbm4b:s17+s18] =	stream.linear.scatter @p0 [tilespmem:s16], [sflag:$0x3], $0x4000, $0x38;
	[tilespmem:$0x10200] =	vst v63  }
0x26: {  	s15 =	sadd.s32 @p0 $0x0, s11;
	s16 =	simm.s32 @p0 $0x4200;
	s17 =	sadd.s32 @!p0 s9, s1  }
0x27: {  	[hbm4b:s15+s18] =	stream.linear.scatter @p0 [tilespmem:s16], [sflag:$0x3], $0x4000, $0x38;
	[tilespmem:$0x10200] =	vst v63  }
0x28: {  	s15 =	simm.s32 @!p0 $0x100;
	s16 =	simm.s32 @!p0 $0x0;
	s18 =	simm.s32 @!p0 $0x5  }
0x29: {  	[tilespmem:s15], [sflag:$0x5] =	stream.linear.gather @!p0 [hbm4b:s17+s16], $0x80, $0x38;
	[tilespmem:$0x10200] =	vst v63  }
0x2a: {  	_ =	swait.ge @!p0 [sflag:s18], $0x80  }
0x2b: {  	[sflag:s18] =	ssyncset.done @!p0 $0x0  }
0x2c: {  	s19 =	simm.s32 @!p0 $0x180;
	s17 =	sadd.s32 @!p0 s9, s2;
	[sflag:s18] =	ssyncadd.s32 @!p0 $0xFFFFFF80  }
0x2d: {  	[tilespmem:s19], [sflag:$0x5] =	stream.linear.gather @!p0 [hbm4b:s17+s16], $0x80, $0x38;
	[tilespmem:$0x10200] =	vst v63  }
0x2e: {  	_ =	swait.ge @!p0 [sflag:s18], $0x80  }
0x2f: {  	[sflag:s18] =	ssyncset.done @!p0 $0x0  }
0x30: {  	s17 =	simm.s32 @!p0 $0x80;
	[sflag:s18] =	ssyncadd.s32 @!p0 $0xFFFFFF80;
	s18 =	simm.s32 @!p0 $0x8200  }
0x31: {  	[tilespmem:s18], [sflag:$0x2] =	stream.indirect.gather @!p0 [hbm4b:s5+s17], $0x80, s15, s17, $0xb8;
	[tilespmem:$0x10200] =	vst v63  }
0x32: {  	s20 =	simm.s32 @!p0 $0x1;
	s15 =	simm.s32 @!p0 $0xC200  }
0x33: {  	[tilespmem:s15], [sflag:$0x2] =	stream.indirect.gather @!p0 [hbm4b:s6+s17], $0x80, s19, s17, $0xb8;
	[tilespmem:$0x10200] =	vst v63  }
0x34: {  	_ =	swait.ge @!p0 [sflag:s20], $0x4000  }
0x35: {  	[sflag:s20] =	ssyncset.done @!p0 $0x0  }
0x36: {  	[sflag:s20] =	ssyncadd.s32 @!p0 $0xFFFFC000  }
0x37: {  	_ =	swait.ge @!p0 [sflag:s20], $0x4000  }
0x38: {  	[sflag:s20] =	ssyncset.done @!p0 $0x0  }
0x39: {  	s17 =	sadd.s32 @!p0 $0x0, s10;
	s19 =	simm.s32 @!p0 $0x200;
	[sflag:s20] =	ssyncadd.s32 @!p0 $0xFFFFC000  }
0x3a: {  	[hbm4b:s17+s16] =	stream.linear.scatter @!p0 [tilespmem:s19], [sflag:$0x3], $0x4000, $0x38;
	[tilespmem:$0x10200] =	vst v63  }
0x3b: {  	s20 =	simm.s32 @!p0 $0x2;
	s17 =	sadd.s32 @!p0 $0x0, s11;
	s19 =	simm.s32 @!p0 $0x4200  }
0x3c: {  	[hbm4b:s17+s16] =	stream.linear.scatter @!p0 [tilespmem:s19], [sflag:$0x3], $0x4000, $0x38;
	[tilespmem:$0x10200] =	vst v63  }
0x3d: {  	_ =	swait.ge @!p0 [sflag:s20], $0x4000  }
0x3e: {  	[sflag:s20] =	ssyncset.done @!p0 $0x0  }
0x3f: {  	[sflag:s20] =	ssyncadd.s32 @!p0 $0xFFFFC000  }
0x40: {  	_ =	swait.ge @!p0 [sflag:s20], $0x4000  }
0x41: {  	s17 =	rddreg [dreg:$0x7];
	[sflag:s20] =	ssyncset.done @!p0 $0x0  }
0x42: {  	s19 =	rddreg [dreg:$0x8];
	[sflag:s20] =	ssyncadd.s32 @!p0 $0xFFFFC000;
	s17 =	sadd.s32 @!p0 $0x0, s17  }
0x43: {  	[hbm4b:s17+s16] =	stream.linear.scatter @!p0 [tilespmem:s18], [sflag:$0x4], $0x4000, $0x38;
	[tilespmem:$0x10200] =	vst v63  }
0x44: {  	s17 =	sadd.s32 @!p0 $0x0, s19;
	s18 =	simm.s32 @!p0 $0x3  }
0x45: {  	[hbm4b:s17+s16] =	stream.linear.scatter @!p0 [tilespmem:s15], [sflag:$0x4], $0x4000, $0x38;
	[tilespmem:$0x10200] =	vst v63  }
0x46: {  	_ =	swait.ge @!p0 [sflag:s18], $0x4000  }
0x47: {  	[sflag:s18] =	ssyncset.done @!p0 $0x0  }
0x48: {  	[sflag:s18] =	ssyncadd.s32 @!p0 $0xFFFFC000  }
0x49: {  	_ =	swait.ge @!p0 [sflag:s18], $0x4000  }
0x4a: {  	s19 =	simm.s32 @!p0 $0x4;
	[sflag:s18] =	ssyncset.done @!p0 $0x0  }
0x4b: {  	s19 =	simm.s32 @p0 $0x3;
	[sflag:s18] =	ssyncadd.s32 @!p0 $0xFFFFC000  }
0x4c: {  	_ =	swait.ge [sflag:s19], $0x4000  }
0x4d: {  	[sflag:s19] =	ssyncset.done $0x0  }
0x4e: {  	s15 =	simm.s32 $0x1000;
	s16 =	simm.s32 $0x3;
	[sflag:s19] =	ssyncadd.s32 $0xFFFFC000  }
0x4f: {  	s17 =	sadd.s32 $0x20, s7;
	s18 =	smov.u32 s9;
	_ =	swait.ge [sflag:s19], $0x4000  }
.LBB2_2:
0x50: {  	[sflag:s19] =	ssyncset.done $0x0  }
0x51: {  	s21 =	sadd.s32 s17, s1;
	[sflag:s19] =	ssyncadd.s32 $0xFFFFC000  }
0x52: {  	[tilespmem:s4], [sflag:$0x5] =	stream.linear.gather [hbm4b:s21+s4], $0x80, $0x38;
	[tilespmem:$0x10200] =	vst v63  }
0x53: {  	_ =	swait.ge [sflag:s12], $0x80  }
0x54: {  	[sflag:s12] =	ssyncset.done $0x0  }
0x55: {  	s29 =	sadd.s32 s17, s2;
	[sflag:s12] =	ssyncadd.s32 $0xFFFFFF80  }
0x56: {  	[tilespmem:s13], [sflag:$0x5] =	stream.linear.gather [hbm4b:s29+s4], $0x80, $0x38;
	[tilespmem:$0x10200] =	vst v63  }
0x57: {  	_ =	swait.ge [sflag:s12], $0x80  }
0x58: {  	[sflag:s12] =	ssyncset.done $0x0;
	s31 =	rddreg [dreg:$0x6]  }
0x59: {  	s30 =	rddreg [dreg:$0x4];
	[sflag:s12] =	ssyncadd.s32 $0xFFFFFF80;
	p1 =	sge.u32 s16, s31  }
0x5a: {  	[tilespmem:s30], [sflag:$0x1] =	stream.indirect.gather [hbm4b:s5+s13], $0x80, s4, s13, $0xb8;
	[tilespmem:$0x10200] =	vst v63  }
0x5b: {  	s22 =	rddreg [dreg:$0x5];
	s21 =	simm.s32 @p1 $0x1  }
0x5c: {  	[tilespmem:s22], [sflag:$0x1] =	stream.indirect.gather [hbm4b:s6+s13], $0x80, s13, s13, $0xb8;
	[tilespmem:$0x10200] =	vst v63  }
0x5d: {  	_ =	swait.ge @p1 [sflag:s21], $0x4000  }
0x5e: {  	[sflag:s21] =	ssyncset.done @p1 $0x0  }
0x5f: {  	[sflag:s21] =	ssyncadd.s32 @p1 $0xFFFFC000  }
0x60: {  	s20 =	smov.u32 s15;
	_ =	swait.ge @p1 [sflag:s21], $0x4000  }
0x61: {  	s18 =	sadd.s32 $0x20, s18;
	s23 =	sadd.s32 @p1 s20, s10;
	[sflag:s21] =	ssyncset.done @p1 $0x0  }
0x62: {  	s24 =	simm.s32 @p1 $0x0;
	s22 =	simm.s32 @p1 $0x200;
	[sflag:s21] =	ssyncadd.s32 @p1 $0xFFFFC000  }
0x63: {  	[hbm4b:s23+s24] =	stream.linear.scatter @p1 [tilespmem:s22], [sflag:$0x3], $0x4000, $0x38;
	[tilespmem:$0x10200] =	vst v63  }
0x64: {  	s25 =	simm.s32 @p1 $0x4200;
	s21 =	sadd.s32 @p1 s20, s11;
	s22 =	sadd.s32 @!p1 s18, s1  }
0x65: {  	[hbm4b:s21+s24] =	stream.linear.scatter @p1 [tilespmem:s25], [sflag:$0x3], $0x4000, $0x38;
	[tilespmem:$0x10200] =	vst v63  }
0x66: {  	s23 =	simm.s32 @!p1 $0x100;
	s21 =	simm.s32 @!p1 $0x0;
	s24 =	simm.s32 @!p1 $0x5  }
0x67: {  	[tilespmem:s23], [sflag:$0x5] =	stream.linear.gather @!p1 [hbm4b:s22+s21], $0x80, $0x38;
	[tilespmem:$0x10200] =	vst v63  }
0x68: {  	_ =	swait.ge @!p1 [sflag:s24], $0x80  }
0x69: {  	[sflag:s24] =	ssyncset.done @!p1 $0x0  }
0x6a: {  	s25 =	simm.s32 @!p1 $0x180;
	s22 =	sadd.s32 @!p1 s18, s2;
	[sflag:s24] =	ssyncadd.s32 @!p1 $0xFFFFFF80  }
0x6b: {  	[tilespmem:s25], [sflag:$0x5] =	stream.linear.gather @!p1 [hbm4b:s22+s21], $0x80, $0x38;
	[tilespmem:$0x10200] =	vst v63  }
0x6c: {  	_ =	swait.ge @!p1 [sflag:s24], $0x80  }
0x6d: {  	[sflag:s24] =	ssyncset.done @!p1 $0x0  }
0x6e: {  	s22 =	simm.s32 @!p1 $0x80;
	[sflag:s24] =	ssyncadd.s32 @!p1 $0xFFFFFF80;
	s24 =	simm.s32 @!p1 $0x8200  }
0x6f: {  	[tilespmem:s24], [sflag:$0x2] =	stream.indirect.gather @!p1 [hbm4b:s5+s22], $0x80, s23, s22, $0xb8;
	[tilespmem:$0x10200] =	vst v63  }
0x70: {  	s26 =	simm.s32 @!p1 $0xC200;
	s23 =	simm.s32 @!p1 $0x1  }
0x71: {  	[tilespmem:s26], [sflag:$0x2] =	stream.indirect.gather @!p1 [hbm4b:s6+s22], $0x80, s25, s22, $0xb8;
	[tilespmem:$0x10200] =	vst v63  }
0x72: {  	_ =	swait.ge @!p1 [sflag:s23], $0x4000  }
0x73: {  	[sflag:s23] =	ssyncset.done @!p1 $0x0  }
0x74: {  	[sflag:s23] =	ssyncadd.s32 @!p1 $0xFFFFC000  }
0x75: {  	_ =	swait.ge @!p1 [sflag:s23], $0x4000  }
0x76: {  	[sflag:s23] =	ssyncset.done @!p1 $0x0  }
0x77: {  	s22 =	sadd.s32 @!p1 s20, s10;
	s25 =	simm.s32 @!p1 $0x200;
	[sflag:s23] =	ssyncadd.s32 @!p1 $0xFFFFC000  }
0x78: {  	[hbm4b:s22+s21] =	stream.linear.scatter @!p1 [tilespmem:s25], [sflag:$0x3], $0x4000, $0x38;
	[tilespmem:$0x10200] =	vst v63  }
0x79: {  	s28 =	simm.s32 @!p1 $0x4200;
	s23 =	sadd.s32 @!p1 s20, s11;
	s22 =	simm.s32 @!p1 $0x2  }
0x7a: {  	[hbm4b:s23+s21] =	stream.linear.scatter @!p1 [tilespmem:s28], [sflag:$0x3], $0x4000, $0x38;
	[tilespmem:$0x10200] =	vst v63  }
0x7b: {  	_ =	swait.ge @!p1 [sflag:s22], $0x4000  }
0x7c: {  	[sflag:s22] =	ssyncset.done @!p1 $0x0  }
0x7d: {  	[sflag:s22] =	ssyncadd.s32 @!p1 $0xFFFFC000  }
0x7e: {  	_ =	swait.ge @!p1 [sflag:s22], $0x4000  }
0x7f: {  	s23 =	rddreg [dreg:$0x7];
	[sflag:s22] =	ssyncset.done @!p1 $0x0  }
0x80: {  	s25 =	rddreg [dreg:$0x8];
	[sflag:s22] =	ssyncadd.s32 @!p1 $0xFFFFC000;
	s22 =	sadd.s32 @!p1 s20, s23  }
0x81: {  	[hbm4b:s22+s21] =	stream.linear.scatter @!p1 [tilespmem:s24], [sflag:$0x4], $0x4000, $0x38;
	[tilespmem:$0x10200] =	vst v63  }
0x82: {  	s20 =	sadd.s32 @!p1 s20, s25;
	s22 =	simm.s32 @!p1 $0x3  }
0x83: {  	[hbm4b:s20+s21] =	stream.linear.scatter @!p1 [tilespmem:s26], [sflag:$0x4], $0x4000, $0x38;
	[tilespmem:$0x10200] =	vst v63  }
0x84: {  	_ =	swait.ge @!p1 [sflag:s22], $0x4000  }
0x85: {  	[sflag:s22] =	ssyncset.done @!p1 $0x0  }
0x86: {  	[sflag:s22] =	ssyncadd.s32 @!p1 $0xFFFFC000  }
0x87: {  	s15 =	sadd.s32 $0x1000, s15;
	_ =	swait.ge @!p1 [sflag:s22], $0x4000  }
0x88: {  	p0 =	sne.s32 s15, $0x14000;
	s19 =	simm.s32 @!p1 $0x4;
	[sflag:s22] =	ssyncset.done @!p1 $0x0  }
.Ltmp0:
0x89: {  	s19 =	simm.s32 @p1 $0x3;
	[sflag:s22] =	ssyncadd.s32 @!p1 $0xFFFFC000;
	(pc) =	sbr.rel @p0 .LBB2_2-.Ltmp0, $4  }
0x8a: {  	_ =	swait.ge [sflag:s19], $0x4000  }
0x8b: {  	[sflag:s19] =	ssyncset.done $0x0  }
0x8c: {  	[sflag:s19] =	ssyncadd.s32 $0xFFFFC000  }
0x8d: {  	s17 =	sadd.s32 $0x20, s17;
	s16 =	sadd.s32 $0x2, s16;
	_ =	swait.ge [sflag:s19], $0x4000  }
0x8e: {  	s14 =	sadd.s32 $0x1, s14  }
0x8f: {  	p0 =	sne.s32 s14, s8  }
.Ltmp1:
0x90: {  	_ = 	snop;
	(pc) =	sbr.rel @p0 .LBB2_1-.Ltmp1, $3  }
0x91: {  	_ =	sdelay $0x1  }
0x92: {  	[sflag:s19] =	ssyncset.done $0x0  }
0x93: {  	[sflag:s19] =	ssyncadd.s32 $0xFFFFC000  }
0x94: {  	_ =	sfence.sel $0x180000  }
0x95: {  	[bflag:$0x0] =	sbarrier.arrive $0xFFFF  }
0x96: {  	p0 =	sne.s32 s3, $0x0;
	_ =	strace $0x90000047  }
0x97: {  	s0 =	sadd.s32 @!p0 $0x100000, s0;
	[bflag:$0x2] =	sbarrier.arrive $0xFFFF  }
0x98: {  	[sflag:s0] =	ssyncadd.tile.s32 @!p0 $0x1;
	_ =	shalt  }
.Lfunc_end2:
_tile_overlayer_lowered:
.L_overlay_start_2:
0x99: {  	(tag) =	ssettag $0x2  }
0x9a: {  	s0 =	rddreg [dreg:$0x0];
	s2 =	stileid.u32  }
0x9b: {  	s1 =	rddreg [dreg:$0x1];
	p0 =	sne.s32 s2, $0x0  }
0x9c: {  	s3 =	rddreg [dreg:$0x2];
	[bflag:$0x3] =	sbarrier.arrive $0xFFFF;
	s2 =	simm.s32 @!p0 $0x1C05  }
0x9d: {  	[timem:s3], [sflag:s2] =	dma.local @!p0 [hbm:s0], s1  }
0x9e: {  	s0 =	simm.s32 @!p0 $0x5  }
0x9f: {  	_ =	swait.ge @!p0 [sflag:s0], s1  }
0xa0: {  	s1 =	ssub.s32 @!p0 $0x0, s1;
	[sflag:s0] =	ssyncset.done @!p0 $0x0  }
0xa1: {  	[sflag:s0] =	ssyncadd.s32 @!p0 s1  }
0xa2: {  	[bflag:$0x3] =	sbarrier.arrive $0xFFFF  }
0xa3: {  	_ =	shalt  }

// kernel: kernel.16.cloned.1.call-start
scs
__scs_entry_jumppad:
0x0: {  	(pc) =	sbr.rel $0x88, $3  }
0x1: {  	(tag) =	ssettag $0x0;
	lr =	simm.s32 $0x1  }
0x2: {  	[smem:$0x3F4F] =	sst lr;
	_ =	strace $0xD0000000  }
0x3: {  	_ = 	snop  }
0x4: {  	_ = 	snop  }
0x5: {  	_ = 	snop  }
0x6: {  	_ = 	snop  }
0x7: {  	_ = 	snop  }
__scs_overlays_trampoline_lowered:
0x8: {  	[smem:$0x3F5E] =	sst s0  }
0x9: {  	[smem:$0x3F5F] =	sst s1  }
0xa: {  	[smem:$0x3F60] =	sst s2  }
0xb: {  	[smem:$0x3F61] =	sst s3  }
0xc: {  	[smem:$0x3F62] =	sst s4  }
0xd: {  	[smem:$0x3F63] =	sst s5  }
0xe: {  	[smem:$0x3F64] =	sst s6  }
0xf: {  	[smem:$0x3F65] =	sst s7  }
0x10: {  	[smem:$0x3F66] =	sst s8  }
0x11: {  	[smem:$0x3F67] =	sst s9;
	s0 =	simm.s32 @!p0 $0x0  }
0x12: {  	s1 =	sld [smem:$0x3F4D];
	s0 =	simm.s32 @p0 $0x1  }
0x13: {  	[smem:$0x3F68] =	sst s0;
	s0 =	simm.s32 @!p1 $0x0  }
0x14: {  	s2 =	sld [smem:$0x3F4C];
	s0 =	simm.s32 @p1 $0x1  }
0x15: {  	[smem:$0x3F69] =	sst s0;
	s0 =	simm.s32 @!p2 $0x0  }
0x16: {  	s3 =	sld [smem:$0x3FDB];
	s0 =	simm.s32 @p2 $0x1  }
0x17: {  	s4 =	simm.s32 $0x1BF5;
	[smem:$0x3F6B] =	sst s0  }
0x18: {  	s0 =	sld [smem:$0x3F4E];
	_ =	swait.ge [sflag:s4], $0x0  }
0x19: {  	s7 =	sld [smem:$0x3F4F]  }
0x1a: {  	s8 =	sadd.s32 $0xFFFFE003, lr  }
0x1b: {  	s9 =	sadd.s32 $0xFFFFFEF7, lr;
	s5 =	simm.s32 $0xFFFFFFFF;
	p2 =	slt.u32 s8, $0xFFFFF086  }
0x1c: {  	p1 =	slt.u32 s9, $0xF7A;
	s5 =	simm.s32 @!p2 $0x0  }
0x1d: {  	s5 =	simm.s32 @p1 $0x1;
	p0 =	seq.s32 s7, s2  }
0x1e: {  	s7 =	smul.u32 @!p0 $0xF7A, s2;
	p2 =	seq.s32 @!p0 s5, $0x0  }
0x1f: {  	s9 =	smul.u32 $0xF7A, s1;
	s8 =	simm.s32 @!p0 $0x1BF5;
	p2 =	por !p2, p0  }
0x20: {  	[sflag:s8] =	ssyncset.s32 @!p0 $0xFFFFF086;
	s6 =	sadd.s32 @!p0 s3, s7;
	s7 =	simm.s32 @!p0 $0x108  }
0x21: {  	s3 =	sadd.s32 s3, s9;
	s6 =	sadd.s32 @!p0 $0x88, s6;
	s7 =	simm.s32 @p2 $0x1082  }
0x22: {  	[simem:s7], [sflag:s8] =	dma.local @!p0 [hbm:s6], $0xF7A  }
0x23: {  	s9 =	sor.u32 $0xD0000000, s2;
	s6 =	simm.s32 $0x108;
	_ =	swait.ge @!p0 [sflag:s8], $0x0  }
0x24: {  	s3 =	sadd.s32 $0x88, s3;
	s6 =	simm.s32 @!p1 $0x1082;
	[sflag:s4] =	ssyncset.s32 $0xFFFFF086  }
0x25: {  	[simem:s6], [sflag:s4] =	dma.local [hbm:s3], $0xF7A  }
0x26: {  	[smem:$0x3F4F] =	sst s1;
	(tag) =	ssettag s2;
	_ =	strace s9  }
0x27: {  	s1 =	sld [smem:$0x3F5F]  }
0x28: {  	s2 =	sld [smem:$0x3F60]  }
0x29: {  	s4 =	sld [smem:$0x3F62]  }
0x2a: {  	p0 =	seq.s32 s5, $0x0;
	s5 =	sld [smem:$0x3F63]  }
0x2b: {  	s6 =	sld [smem:$0x3F64]  }
0x2c: {  	s7 =	sld [smem:$0x3F65]  }
0x2d: {  	s3 =	simm.s32 $0x108;
	s8 =	sld [smem:$0x3F66]  }
0x2e: {  	s3 =	simm.s32 @!p0 $0x1082;
	s9 =	sld [smem:$0x3F67]  }
0x2f: {  	lr =	sadd.s32 s0, s3;
	s0 =	sld [smem:$0x3F5E]  }
0x30: {  	s3 =	sld [smem:$0x3F61]  }
0x31: {  	[smem:$0x3F6A] =	sst s10  }
0x32: {  	s10 =	sld [smem:$0x3F68];
	_ =	sdelay $0x3  }
0x33: {  	p0 =	seq.s32 s10, $0x1;
	s10 =	sld [smem:$0x3F6A];
	_ =	sdelay $0x3  }
0x34: {  	[smem:$0x3F6A] =	sst s10  }
0x35: {  	s10 =	sld [smem:$0x3F69];
	_ =	sdelay $0x3  }
0x36: {  	p1 =	seq.s32 s10, $0x1;
	s10 =	sld [smem:$0x3F6A];
	_ =	sdelay $0x3  }
0x37: {  	[smem:$0x3F6A] =	sst s10  }
0x38: {  	s10 =	sld [smem:$0x3F6B]  }
0x39: {  	_ = 	snop;
	(pc) =	sbr.ind lr, $3  }
0x3a: {  	_ = 	snop  }
0x3b: {  	_ = 	snop  }
0x3c: {  	p2 =	seq.s32 s10, $0x1;
	s10 =	sld [smem:$0x3F6A]  }
0x3d: {  	_ =	shalt  }
0x3e: {  	_ =	shalt  }
0x3f: {  	_ =	shalt  }
0x40: {  	_ =	shalt  }
0x41: {  	_ =	shalt  }
0x42: {  	_ =	shalt  }
0x43: {  	_ =	shalt  }
0x44: {  	_ =	shalt  }
0x45: {  	_ =	shalt  }
0x46: {  	_ =	shalt  }
0x47: {  	_ =	shalt  }
0x48: {  	_ =	shalt  }
0x49: {  	_ =	shalt  }
0x4a: {  	_ =	shalt  }
0x4b: {  	_ =	shalt  }
0x4c: {  	_ =	shalt  }
0x4d: {  	_ =	shalt  }
0x4e: {  	_ =	shalt  }
0x4f: {  	_ =	shalt  }
0x50: {  	_ =	shalt  }
0x51: {  	_ =	shalt  }
0x52: {  	_ =	shalt  }
0x53: {  	_ =	shalt  }
0x54: {  	_ =	shalt  }
0x55: {  	_ =	shalt  }
0x56: {  	_ =	shalt  }
0x57: {  	_ =	shalt  }
0x58: {  	_ =	shalt  }
0x59: {  	_ =	shalt  }
0x5a: {  	_ =	shalt  }
0x5b: {  	_ =	shalt  }
0x5c: {  	_ =	shalt  }
0x5d: {  	_ =	shalt  }
0x5e: {  	_ =	shalt  }
0x5f: {  	_ =	shalt  }
0x60: {  	_ =	shalt  }
0x61: {  	_ =	shalt  }
0x62: {  	_ =	shalt  }
0x63: {  	_ =	shalt  }
0x64: {  	_ =	shalt  }
0x65: {  	_ =	shalt  }
0x66: {  	_ =	shalt  }
0x67: {  	_ =	shalt  }
0x68: {  	_ =	shalt  }
0x69: {  	_ =	shalt  }
0x6a: {  	_ =	shalt  }
0x6b: {  	_ =	shalt  }
0x6c: {  	_ =	shalt  }
0x6d: {  	_ =	shalt  }
0x6e: {  	_ =	shalt  }
0x6f: {  	_ =	shalt  }
0x70: {  	_ =	shalt  }
0x71: {  	_ =	shalt  }
0x72: {  	_ =	shalt  }
0x73: {  	_ =	shalt  }
0x74: {  	_ =	shalt  }
0x75: {  	_ =	shalt  }
0x76: {  	_ =	shalt  }
0x77: {  	_ =	shalt  }
0x78: {  	_ =	shalt  }
0x79: {  	_ =	shalt  }
0x7a: {  	_ =	shalt  }
0x7b: {  	_ =	shalt  }
0x7c: {  	_ =	shalt  }
0x7d: {  	_ =	shalt  }
0x7e: {  	_ =	shalt  }
0x7f: {  	_ =	shalt  }
0x80: {  	_ =	shalt  }
0x81: {  	_ =	shalt  }
0x82: {  	_ =	shalt  }
0x83: {  	_ =	shalt  }
0x84: {  	_ =	shalt  }
0x85: {  	_ =	shalt  }
0x86: {  	_ =	shalt  }
0x87: {  	_ =	shalt  }
.Lfunc_end0:
.L_simem_size_0:
called_computation.1_lowered:
.L_overlay_start_0:
0x88: {  	s2 =	sld [smem:$0x3FD9]  }
0x89: {  	s3 =	sld [smem:$0x3FFE];
	_ =	sdelay $0x1  }
0x8a: {  	s1 =	srdreg.scid  }
0x8b: {  	s0 =	sand.u32 $0x1, s1  }
0x8c: {  	s17 =	sshll.u32 s0, $0xA;
	s2 =	sadd.s32 s3, s2  }
0x8d: {  	s2 =	sadd.s32 s2, s17  }
0x8e: {  	[smem:$0x3F76] =	sst s2  }
0x8f: {  	_ = 	snop  }
0x90: {  	s2 =	sld [smem:$0x3F7A]  }
0x91: {  	s18 =	sld [smem:$0x3F79];
	(tm) =	ssettm $0x1  }
0x92: {  	s4 =	sld [smem:$0x3FFB];
	_ =	sdelay $0x3  }
0x93: {  	_ =	strace s4  }
0x94: {  	s4 =	sld [smem:$0x3FFC];
	_ =	sdelay $0x3  }
0x95: {  	_ =	strace s4  }
0x96: {  	s4 =	sld [smem:$0x3FFD];
	_ =	sdelay $0x3  }
0x97: {  	_ =	strace s4  }
0x98: {  	_ =	strace $0x8FFFFFFF  }
0x99: {  	s19 =	sld [smem:$0x3FDB];
	_ =	sdelay $0x1  }
0x9a: {  	s5 =	simm.s32 $_scs_section_size  }
0x9b: {  	s6 =	simm.s32 $_size__tile_overlayer_lowered;
	s7 =	simm.s32 $_tile_overlayer_lowered  }
0x9c: {  	s22 =	simm.s32 $0x1BFF;
	s21 =	sshll.u32 s7, $0x1;
	s4 =	sadd.s32 s5, s19  }
0x9d: {  	s8 =	simm.s32 $0x0;
	s20 =	sshll.u32 s6, $0x1;
	s6 =	sadd.s32 s21, s4  }
0x9e: {  	[timem:s8], [sflag:s22] =	dma.local [hbm:s6], s20  }
0x9f: {  	_ =	swait.ge [sflag:s22], s20  }
0xa0: {  	s5 =	ssub.s32 $0x0, s20;
	[sflag:s22] =	ssyncset.done $0x0  }
0xa1: {  	[sflag:s22] =	ssyncadd.s32 s5;
	_ =	sdelay $0x1  }
0xa2: {  	s23 =	simm.s32 $0x1B8B  }
0xa3: {  	_ =	swait.ge [sflag:s23], $0x1  }
0xa4: {  	[sflag:s23] =	ssyncset.done $0x0  }
0xa5: {  	s25 =	simm.s32 $0x1B8E;
	s24 =	sld [smem:$0x3FFE];
	[sflag:s23] =	ssyncadd.s32 $0xFFFFFFFF  }
0xa6: {  	s26 =	simm.s32 $execute0_lowered;
	[smem:$0x3FD2] =	sst s25  }
0xa7: {  	s6 =	sshll.u32 s26, $0x1;
	_ =	strace $0x80000049;
	[dreg:$0x1] =	wrdreg $0xFFFFFFFF  }
0xa8: {  	s28 =	simm.s32 $_size_execute0_lowered;
	s4 =	sadd.s32 s4, s6;
	[dreg:$0x0] =	wrdreg $0x0  }
0xa9: {  	s6 =	sshll.u32 s28, $0x1;
	[dreg:$0x2] =	wrdreg s4  }
0xaa: {  	[dreg:$0x3] =	wrdreg s6  }
0xab: {  	[dreg:$0x4] =	wrdreg $0xC0  }
0xac: {  	_ =	task [dreg:s8], $0x5FFFF  }
0xad: {  	[dreg:$0x1] =	wrdreg $0xFFFFFFFF  }
0xae: {  	[dreg:$0x0] =	wrdreg $0x60  }
0xaf: {  	[dreg:$0x2] =	wrdreg s24  }
0xb0: {  	[dreg:$0x3] =	wrdreg s18  }
0xb1: {  	[dreg:$0x4] =	wrdreg s2  }
0xb2: {  	[dreg:$0x5] =	wrdreg $0x81000  }
0xb3: {  	[dreg:$0x6] =	wrdreg $0x9  }
0xb4: {  	_ =	task.clear_ibuf [dreg:s8], $0x7FFFF;
	_ =	strace $0x90000049  }
0xb5: {  	s29 =	simm.s32 $0x9;
	_ =	strace $0x8000004B  }
0xb6: {  	_ =	swait.ge [sflag:s29], $0x1  }
0xb7: {  	[sflag:s29] =	ssyncadd.s32 $0xFFFFFFFF  }
0xb8: {  	_ =	strace $0x9000004B  }
0xb9: {  	_ =	sfence  }
0xba: {  	s30 =	sld [smem:$0x0];
	_ =	sdelay $0x2  }
0xbb: {  	s31 =	sshll.u32 s1, $0xD;
	s1 =	sshrl.u32 s1, $0x2  }
0xbc: {  	s3 =	sand.u32 $0x4000, s31;
	s1 =	sadd.s32 s1, s30  }
0xbd: {  	s0 =	sor.u32 s3, s0;
	s1 =	sshll.u32 s1, $0x11  }
0xbe: {  	s0 =	sor.u32 s1, s0  }
0xbf: {  	s0 =	sadd.s32 $0x8F2B, s0  }
0xc0: {  	[sflag:s0] =	ssyncadd.remote.s32 $0x1  }
0xc1: {  	_ =	sfence.sel $0xFFFF  }
0xc2: {  	[dreg:$0x0] =	wrdreg $0xFFFFFFFF;
	(pc) =	sbr.abs _section_cstart, $3  }
0xc3: {  	[dreg:$0x1] =	wrdreg $0xFFFFFFFF  }
0xc4: {  	_ =	task.clear_ibuf [dreg:s8], $0x2FFFF;
	_ =	strace $0x9FFFFFFF  }
0xc5: {  	(tm) =	ssettm $0x7FFFFFFF  }
tec
execute0_lowered:
.L_overlay_start_1:
0x0: {  	(tag) =	ssettag $0x1  }
0x1: {  	s0 =	rddreg [dreg:$0x0]  }
0x2: {  	s1 =	rddreg [dreg:$0x1]  }
0x3: {  	s3 =	rddreg [dreg:$0x2]  }
0x4: {  	s2 =	rddreg [dreg:$0x3]  }
0x5: {  	s13 =	stileid.u32;
	s5 =	simm.s32 $0x0;
	s19 =	srdreg.scid  }
0x6: {  	s11 =	simm.s32 $0x4F;
	s28 =	simm.s32 $0x1;
	s29 =	simm.s32 $0x3  }
0x7: {  	s30 =	simm.s32 $0x0;
	s4 =	smul.u32 $0x4E, s13;
	[smem:$0x7FF] =	sst s5  }
0x8: {  	s18 =	smin.u32 s13, $0x2;
	s14 =	smul.u32 $0x2700, s13;
	s23 =	sand.u32 $0x1, s19  }
0x9: {  	s7 =	smul.u32 $0x4E000, s13;
	s20 =	sadd.s32 $0x37A00, s0;
	s21 =	sadd.s32 $0x85E00, s0  }
0xa: {  	s24 =	sshll.u32 s13, $0x6;
	s10 =	sadd.s32 $0x37800, s0;
	p0 =	slt.u32 s13, $0x2  }
0xb: {  	p2 =	seq.s32 s13, $0xF;
	_ =	strace $0x8000004A;
	[dreg:$0x6] =	wrdreg s21  }
0xc: {  	s6 =	ssub.s32 $0x2, s23;
	s11 =	simm.s32 @!p0 $0x4E;
	[dreg:$0x5] =	wrdreg s20  }
0xd: {  	p0 =	sne.s32 s13, $0xF;
	p1 =	sne.s32 s23, $0x0;
	s12 =	sadd.s32 s18, s4  }
0xe: {  	s8 =	sadd.s32 s14, s0;
	s9 =	sshrl.u32 s6, $0x1;
	s22 =	sshrl.u32 s7, $0x2  }
0xf: {  	s18 =	sadd.s32 $0x1, s11;
	s4 =	sadd.s32 s20, s14;
	s5 =	sshll.u32 s12, $0xB  }
0x10: {  	s17 =	ssub.s32 s6, s9;
	s6 =	sadd.s32 s22, s2;
	s7 =	sadd.s32 $0x10800, s8  }
0x11: {  	s8 =	sor.u32 $0x1C04, s24;
	s9 =	sadd.s32 $0x138000, s2;
	s25 =	sshll.u32 s12, $0x4  }
0x12: {  	[dreg:$0xb] =	wrdreg s4;
	s18 =	sand.u32 $0x5E, s18;
	s16 =	sadd.s32 s5, s0  }
0x13: {  	[dreg:$0x7] =	wrdreg s6;
	s26 =	sadd.s32 s3, s25;
	s5 =	sadd.s32 s21, s14  }
.Ltmp0:
0x14: {  	s31 =	sadd.s32 s1, s25;
	s17 =	smax.u32 s17, $0x1;
	(pc) =	sbr.rel .LBB2_1-.Ltmp0, $4  }
0x15: {  	s0 =	sadd.s32 $0x10, s25;
	s25 =	simm.s32 $0x4;
	s12 =	sadd.s32 $0x7D8E00, s16  }
0x16: {  	[dreg:$0x9] =	wrdreg s5;
	s19 =	sadd.s32 s0, s3;
	s20 =	sadd.s32 $0x7D9600, s16  }
0x17: {  	[dreg:$0x8] =	wrdreg s26;
	s21 =	sadd.s32 $0x20, s26;
	s22 =	sadd.s32 $0x7D9E00, s16  }
0x18: {  	s16 =	sadd.s32 s0, s1;
	[dreg:$0xa] =	wrdreg s31;
	s24 =	sadd.s32 $0x20, s31  }
.LBB2_8:
0x19: {  	s0 =	sadd.s32 $0x27000, s0;
	s1 =	sshrl.u32 s9, $0x3  }
0x1a: {  	[hbm:s0], [sflag:s8] =	dma.local [spmem:s1], $0x100  }
0x1b: {  	_ =	swait.ge [sflag:s25], $0x100  }
0x1c: {  	[sflag:s25] =	ssyncset.done $0x0  }
0x1d: {  	[sflag:s25] =	ssyncadd.s32 $0xFFFFFF00  }
.LBB2_9:
0x1e: {  	s30 =	sadd.s32 $0x1, s30  }
0x1f: {  	p3 =	sne.s32 s30, s17  }
.Ltmp1:
0x20: {  	_ = 	snop;
	(pc) =	sbr.rel @!p3 .LBB2_10-.Ltmp1, $1  }
0x21: {  	_ =	sdelay $0x3  }
.LBB2_1:
0x22: {  	s0 =	rddreg [dreg:$0x7]  }
0x23: {  	s31 =	sshrl.u32 s0, $0x3  }
0x24: {  	[spmem:s31], [sflag:s8] =	dma.local [hbm:s7], $0x2700  }
0x25: {  	_ =	swait.ge [sflag:s25], $0x2700  }
0x26: {  	[sflag:s25] =	ssyncset.done $0x0  }
0x27: {  	s0 =	sshrl.u32 @!p0 s9, $0x3;
	[sflag:s25] =	ssyncadd.s32 $0xFFFFD900  }
0x28: {  	[spmem:s0], [sflag:s8] =	dma.local @!p0 [hbm:s10], $0x100  }
0x29: {  	s0 =	simm.s32 @!p0 $0x4  }
.Ltmp2:
0x2a: {  	_ =	swait.ge @!p0 [sflag:s0], $0x100;
	(pc) =	sbr.rel @p1 .LBB2_5-.Ltmp2, $4  }
0x2b: {  	[sflag:s0] =	ssyncset.done @!p0 $0x0  }
0x2c: {  	s26 =	simm.s32 $0x0;
	[sflag:s0] =	ssyncadd.s32 @!p0 $0xFFFFFF00  }
0x2d: {  	s1 =	simm.s32 $0x100;
	s0 =	simm.s32 $0x0;
	[bflag:$0x0] =	sbarrier.arrive $0xFFFF  }
0x2e: {  	[tilespmem:s1], [sflag:$0x1] =	stream.linear.gather [hbm4b:s12+s26], $0x4000, $0x38;
	[tilespmem:$0x1B980] =	vst v63  }
0x2f: {  	s1 =	rddreg [dreg:$0xa]  }
0x30: {  	[tilespmem:s0], [sflag:$0x1] =	stream.linear.gather [hbm4b:s1+s0], $0x80, $0x38;
	[tilespmem:$0x1B980] =	vst v63  }
0x31: {  	_ =	swait.ge [sflag:s28], $0x4000  }
0x32: {  	[sflag:s28] =	ssyncset.done $0x0  }
0x33: {  	[sflag:s28] =	ssyncadd.s32 $0xFFFFC000  }
0x34: {  	p3 =	sle.u32 s11, $0x1;
	_ =	swait.ge [sflag:s28], $0x80  }
0x35: {  	s0 =	simm.s32 @p3 $0x80;
	[sflag:s28] =	ssyncset.done $0x0  }
0x36: {  	s1 =	simm.s32 @p3 $0x0;
	s3 =	simm.s32 @p3 $0x100;
	[sflag:s28] =	ssyncadd.s32 $0xFFFFFF80  }
0x37: {  	[spmem:s2] =	stream.indirect.scatter.add.f32 @p3 [tilespmem:s3], [sflag:$0x3], $0x80, s1, s0, $0xb8;
	[tilespmem:$0x1B980] =	vst v63  }
0x38: {  	s0 =	simm.s32 @!p3 $0x0;
	s1 =	simm.s32 @!p3 $0x4100  }
0x39: {  	[tilespmem:s1], [sflag:$0x2] =	stream.linear.gather @!p3 [hbm4b:s20+s0], $0x4000, $0x38;
	[tilespmem:$0x1B980] =	vst v63  }
0x3a: {  	s3 =	simm.s32 @!p3 $0x80  }
0x3b: {  	[tilespmem:s3], [sflag:$0x2] =	stream.linear.gather @!p3 [hbm4b:s16+s0], $0x80, $0x38;
	[tilespmem:$0x1B980] =	vst v63  }
0x3c: {  	s14 =	simm.s32 @!p3 $0x100;
	s23 =	simm.s32 @!p3 $0x3  }
0x3d: {  	[spmem:s2] =	stream.indirect.scatter.add.f32 @!p3 [tilespmem:s14], [sflag:$0x3], $0x80, s0, s3, $0xb8;
	[tilespmem:$0x1B980] =	vst v63  }
0x3e: {  	_ =	swait.ge @!p3 [sflag:s23], $0x4000  }
0x3f: {  	[sflag:s23] =	ssyncset.done @!p3 $0x0  }
0x40: {  	s0 =	simm.s32 @!p3 $0x2;
	[sflag:s23] =	ssyncadd.s32 @!p3 $0xFFFFC000  }
0x41: {  	_ =	swait.ge @!p3 [sflag:s0], $0x4000  }
0x42: {  	[sflag:s0] =	ssyncset.done @!p3 $0x0  }
0x43: {  	[sflag:s0] =	ssyncadd.s32 @!p3 $0xFFFFC000  }
0x44: {  	p4 =	sle.u32 @!p3 s11, $0x2;
	_ =	swait.ge @!p3 [sflag:s0], $0x80  }
0x45: {  	p4 =	por p4, p3;
	[sflag:s0] =	ssyncset.done @!p3 $0x0  }
0x46: {  	s14 =	simm.s32 @!p4 $0x0;
	s23 =	simm.s32 @!p4 $0x100;
	[sflag:s0] =	ssyncadd.s32 @!p3 $0xFFFFFF80  }
0x47: {  	[tilespmem:s23], [sflag:$0x1] =	stream.linear.gather @!p4 [hbm4b:s22+s14], $0x4000, $0x38;
	[tilespmem:$0x1B980] =	vst v63  }
0x48: {  	_ = 	snop  }
0x49: {  	[tilespmem:s14], [sflag:$0x1] =	stream.linear.gather @!p4 [hbm4b:s24+s14], $0x80, $0x38;
	[tilespmem:$0x1B980] =	vst v63  }
0x4a: {  	_ = 	snop  }
0x4b: {  	[spmem:s2] =	stream.indirect.scatter.add.f32 @!p3 [tilespmem:s1], [sflag:$0x3], $0x80, s3, s3, $0xb8;
	[tilespmem:$0x1B980] =	vst v63  }
0x4c: {  	p3 =	sne.s32 s18, $0x2  }
.Ltmp3:
0x4d: {  	_ = 	snop;
	(pc) =	sbr.rel @!p3 .LBB2_4-.Ltmp3, $3  }
0x4e: {  	_ =	sdelay $0x1  }
0x4f: {  	s0 =	simm.s32 $0x2;
	s23 =	smov.u32 s16;
	s14 =	sadd.s32 $0x20, s24  }
0x50: {  	s1 =	sadd.s32 $0x1000, s22;
	s3 =	sadd.s32 $0x1000, s20;
	_ =	swait.ge [sflag:s29], $0x4000  }
.LBB2_3:
0x51: {  	[sflag:s29] =	ssyncset.done $0x0  }
0x52: {  	s23 =	sadd.s32 $0x20, s23;
	s26 =	smov.u32 s0;
	s0 =	sadd.s32 $0x2, s0  }
0x53: {  	p3 =	sne.s32 s18, s0;
	[sflag:s29] =	ssyncadd.s32 $0xFFFFC000  }
0x54: {  	_ =	swait.ge [sflag:s28], $0x4000  }
0x55: {  	[sflag:s28] =	ssyncset.done $0x0  }
0x56: {  	[sflag:s28] =	ssyncadd.s32 $0xFFFFC000  }
0x57: {  	s4 =	sadd.s32 $0x1, s26;
	_ =	swait.ge [sflag:s28], $0x80  }
0x58: {  	p4 =	sge.u32 s4, s11;
	[sflag:s28] =	ssyncset.done $0x0  }
0x59: {  	s4 =	simm.s32 @p4 $0x80;
	s5 =	simm.s32 @p4 $0x0;
	[sflag:s28] =	ssyncadd.s32 $0xFFFFFF80  }
0x5a: {  	s13 =	simm.s32 @p4 $0x100;
	s15 =	simm.s32 @!p4 $0x0;
	s6 =	simm.s32 @!p4 $0x4100  }
0x5b: {  	[spmem:s2] =	stream.indirect.scatter.add.f32 @p4 [tilespmem:s13], [sflag:$0x3], $0x80, s5, s4, $0xb8;
	[tilespmem:$0x1B980] =	vst v63  }
0x5c: {  	s4 =	simm.s32 @!p4 $0x80;
	s5 =	sadd.s32 @!p4 $0x2, s26  }
0x5d: {  	[tilespmem:s6], [sflag:$0x2] =	stream.linear.gather @!p4 [hbm4b:s3+s15], $0x4000, $0x38;
	[tilespmem:$0x1B980] =	vst v63  }
0x5e: {  	s13 =	simm.s32 @!p4 $0x100;
	p5 =	sge.u32 @!p4 s5, s11  }
0x5f: {  	[tilespmem:s4], [sflag:$0x2] =	stream.linear.gather @!p4 [hbm4b:s23+s15], $0x80, $0x38;
	[tilespmem:$0x1B980] =	vst v63  }
0x60: {  	s5 =	simm.s32 @!p4 $0x3  }
0x61: {  	[spmem:s2] =	stream.indirect.scatter.add.f32 @!p4 [tilespmem:s13], [sflag:$0x3], $0x80, s15, s4, $0xb8;
	[tilespmem:$0x1B980] =	vst v63  }
0x62: {  	_ =	swait.ge @!p4 [sflag:s5], $0x4000  }
0x63: {  	s13 =	simm.s32 @!p4 $0x2;
	[sflag:s5] =	ssyncset.done @!p4 $0x0  }
0x64: {  	[sflag:s5] =	ssyncadd.s32 @!p4 $0xFFFFC000  }
0x65: {  	_ =	swait.ge @!p4 [sflag:s13], $0x4000  }
0x66: {  	[sflag:s13] =	ssyncset.done @!p4 $0x0  }
0x67: {  	[sflag:s13] =	ssyncadd.s32 @!p4 $0xFFFFC000  }
0x68: {  	p5 =	por p5, p4;
	_ =	swait.ge @!p4 [sflag:s13], $0x80  }
0x69: {  	s15 =	simm.s32 @!p5 $0x100;
	s5 =	simm.s32 @!p5 $0x0;
	[sflag:s13] =	ssyncset.done @!p4 $0x0  }
0x6a: {  	[sflag:s13] =	ssyncadd.s32 @!p4 $0xFFFFFF80  }
0x6b: {  	[tilespmem:s15], [sflag:$0x1] =	stream.linear.gather @!p5 [hbm4b:s1+s5], $0x4000, $0x38;
	[tilespmem:$0x1B980] =	vst v63  }
.Ltmp4:
0x6c: {  	(pc) =	sbr.rel @p3 .LBB2_3-.Ltmp4, $4  }
0x6d: {  	[tilespmem:s5], [sflag:$0x1] =	stream.linear.gather @!p5 [hbm4b:s14+s5], $0x80, $0x38;
	[tilespmem:$0x1B980] =	vst v63  }
0x6e: {  	s1 =	sadd.s32 $0x1000, s1  }
0x6f: {  	[spmem:s2] =	stream.indirect.scatter.add.f32 @!p4 [tilespmem:s6], [sflag:$0x3], $0x80, s4, s4, $0xb8;
	[tilespmem:$0x1B980] =	vst v63  }
0x70: {  	s3 =	sadd.s32 $0x1000, s3;
	s14 =	sadd.s32 $0x20, s14;
	_ =	swait.ge [sflag:s29], $0x4000  }
.LBB2_4:
0x71: {  	[sflag:s29] =	ssyncset.done $0x0  }
0x72: {  	[sflag:s29] =	ssyncadd.s32 $0xFFFFC000  }
0x73: {  	[bflag:$0x0] =	sbarrier.arrive $0xFFFF  }
0x74: {  	s0 =	rddreg [dreg:$0xb]  }
0x75: {  	[hbm:s0], [sflag:s8] =	dma.local [spmem:s31], $0x2700  }
.Ltmp5:
0x76: {  	_ = 	snop;
	(pc) =	sbr.rel @p2 .LBB2_8-.Ltmp5, $4  }
.Ltmp6:
0x77: {  	_ = 	snop;
	(pc) =	sbr.rel @!p2 .LBB2_9-.Ltmp6, $4  }
0x78: {  	_ =	swait.ge [sflag:s25], $0x2700  }
0x79: {  	[sflag:s25] =	ssyncset.done $0x0  }
0x7a: {  	s0 =	rddreg [dreg:$0x5];
	[sflag:s25] =	ssyncadd.s32 $0xFFFFD900  }
0x7b: {  	_ = 	snop  }
.LBB2_5:
0x7c: {  	s1 =	rddreg [dreg:$0x8]  }
0x7d: {  	[tilespmem:s0], [sflag:$0x1] =	stream.linear.gather [hbm4b:s1+s0], $0x80, $0x38;
	[tilespmem:$0x1B980] =	vst v63  }
0x7e: {  	_ =	swait.ge [sflag:s28], $0x4000  }
0x7f: {  	[sflag:s28] =	ssyncset.done $0x0  }
0x80: {  	[sflag:s28] =	ssyncadd.s32 $0xFFFFC000  }
0x81: {  	p3 =	sle.u32 s11, $0x1;
	_ =	swait.ge [sflag:s28], $0x80  }
0x82: {  	s0 =	simm.s32 @p3 $0x80;
	[sflag:s28] =	ssyncset.done $0x0  }
0x83: {  	s1 =	simm.s32 @p3 $0x0;
	s3 =	simm.s32 @p3 $0x100;
	[sflag:s28] =	ssyncadd.s32 $0xFFFFFF80  }
0x84: {  	[spmem:s2] =	stream.indirect.scatter.add.f32 @p3 [tilespmem:s3], [sflag:$0x3], $0x80, s1, s0, $0xb8;
	[tilespmem:$0x1B980] =	vst v63  }
0x85: {  	s0 =	simm.s32 @!p3 $0x0;
	s1 =	simm.s32 @!p3 $0x4100  }
0x86: {  	[tilespmem:s1], [sflag:$0x2] =	stream.linear.gather @!p3 [hbm4b:s20+s0], $0x4000, $0x38;
	[tilespmem:$0x1B980] =	vst v63  }
0x87: {  	s3 =	simm.s32 @!p3 $0x80  }
0x88: {  	[tilespmem:s3], [sflag:$0x2] =	stream.linear.gather @!p3 [hbm4b:s19+s0], $0x80, $0x38;
	[tilespmem:$0x1B980] =	vst v63  }
0x89: {  	s4 =	simm.s32 @!p3 $0x100;
	s5 =	simm.s32 @!p3 $0x3  }
0x8a: {  	[spmem:s2] =	stream.indirect.scatter.add.f32 @!p3 [tilespmem:s4], [sflag:$0x3], $0x80, s0, s3, $0xb8;
	[tilespmem:$0x1B980] =	vst v63  }
0x8b: {  	_ =	swait.ge @!p3 [sflag:s5], $0x4000  }
0x8c: {  	[sflag:s5] =	ssyncset.done @!p3 $0x0  }
0x8d: {  	s0 =	simm.s32 @!p3 $0x2;
	[sflag:s5] =	ssyncadd.s32 @!p3 $0xFFFFC000  }
0x8e: {  	_ =	swait.ge @!p3 [sflag:s0], $0x4000  }
0x8f: {  	[sflag:s0] =	ssyncset.done @!p3 $0x0  }
0x90: {  	[sflag:s0] =	ssyncadd.s32 @!p3 $0xFFFFC000  }
0x91: {  	p4 =	sle.u32 @!p3 s11, $0x2;
	_ =	swait.ge @!p3 [sflag:s0], $0x80  }
0x92: {  	p4 =	por p4, p3;
	[sflag:s0] =	ssyncset.done @!p3 $0x0  }
0x93: {  	s4 =	simm.s32 @!p4 $0x0;
	s5 =	simm.s32 @!p4 $0x100;
	[sflag:s0] =	ssyncadd.s32 @!p3 $0xFFFFFF80  }
0x94: {  	[tilespmem:s5], [sflag:$0x1] =	stream.linear.gather @!p4 [hbm4b:s22+s4], $0x4000, $0x38;
	[tilespmem:$0x1B980] =	vst v63  }
0x95: {  	_ = 	snop  }
0x96: {  	[tilespmem:s4], [sflag:$0x1] =	stream.linear.gather @!p4 [hbm4b:s21+s4], $0x80, $0x38;
	[tilespmem:$0x1B980] =	vst v63  }
0x97: {  	_ = 	snop  }
0x98: {  	[spmem:s2] =	stream.indirect.scatter.add.f32 @!p3 [tilespmem:s1], [sflag:$0x3], $0x80, s3, s3, $0xb8;
	[tilespmem:$0x1B980] =	vst v63  }
0x99: {  	p3 =	sne.s32 s18, $0x2  }
.Ltmp7:
0x9a: {  	_ = 	snop;
	(pc) =	sbr.rel @!p3 .LBB2_7-.Ltmp7, $3  }
0x9b: {  	_ =	sdelay $0x1  }
0x9c: {  	s14 =	sadd.s32 $0x20, s21;
	s23 =	smov.u32 s19;
	s0 =	simm.s32 $0x2  }
0x9d: {  	s1 =	sadd.s32 $0x1000, s22;
	s3 =	sadd.s32 $0x1000, s20;
	_ =	swait.ge [sflag:s29], $0x4000  }
.LBB2_6:
0x9e: {  	[sflag:s29] =	ssyncset.done $0x0  }
0x9f: {  	s23 =	sadd.s32 $0x20, s23;
	s4 =	smov.u32 s0;
	s0 =	sadd.s32 $0x2, s0  }
0xa0: {  	p3 =	sne.s32 s18, s0;
	[sflag:s29] =	ssyncadd.s32 $0xFFFFC000  }
0xa1: {  	_ =	swait.ge [sflag:s28], $0x4000  }
0xa2: {  	[sflag:s28] =	ssyncset.done $0x0  }
0xa3: {  	[sflag:s28] =	ssyncadd.s32 $0xFFFFC000  }
0xa4: {  	s5 =	sadd.s32 $0x1, s4;
	_ =	swait.ge [sflag:s28], $0x80  }
0xa5: {  	p4 =	sge.u32 s5, s11;
	[sflag:s28] =	ssyncset.done $0x0  }
0xa6: {  	s5 =	simm.s32 @p4 $0x80;
	s6 =	simm.s32 @p4 $0x0;
	[sflag:s28] =	ssyncadd.s32 $0xFFFFFF80  }
0xa7: {  	s13 =	simm.s32 @p4 $0x100;
	s15 =	simm.s32 @!p4 $0x0;
	s26 =	simm.s32 @!p4 $0x4100  }
0xa8: {  	[spmem:s2] =	stream.indirect.scatter.add.f32 @p4 [tilespmem:s13], [sflag:$0x3], $0x80, s6, s5, $0xb8;
	[tilespmem:$0x1B980] =	vst v63  }
0xa9: {  	s4 =	sadd.s32 @!p4 $0x2, s4;
	s5 =	simm.s32 @!p4 $0x80  }
0xaa: {  	[tilespmem:s26], [sflag:$0x2] =	stream.linear.gather @!p4 [hbm4b:s3+s15], $0x4000, $0x38;
	[tilespmem:$0x1B980] =	vst v63  }
0xab: {  	p5 =	sge.u32 @!p4 s4, s11;
	s6 =	simm.s32 @!p4 $0x100  }
0xac: {  	[tilespmem:s5], [sflag:$0x2] =	stream.linear.gather @!p4 [hbm4b:s23+s15], $0x80, $0x38;
	[tilespmem:$0x1B980] =	vst v63  }
0xad: {  	s4 =	simm.s32 @!p4 $0x3  }
0xae: {  	[spmem:s2] =	stream.indirect.scatter.add.f32 @!p4 [tilespmem:s6], [sflag:$0x3], $0x80, s15, s5, $0xb8;
	[tilespmem:$0x1B980] =	vst v63  }
0xaf: {  	_ =	swait.ge @!p4 [sflag:s4], $0x4000  }
0xb0: {  	s6 =	simm.s32 @!p4 $0x2;
	[sflag:s4] =	ssyncset.done @!p4 $0x0  }
0xb1: {  	[sflag:s4] =	ssyncadd.s32 @!p4 $0xFFFFC000  }
0xb2: {  	_ =	swait.ge @!p4 [sflag:s6], $0x4000  }
0xb3: {  	[sflag:s6] =	ssyncset.done @!p4 $0x0  }
0xb4: {  	[sflag:s6] =	ssyncadd.s32 @!p4 $0xFFFFC000  }
0xb5: {  	p5 =	por p5, p4;
	_ =	swait.ge @!p4 [sflag:s6], $0x80  }
0xb6: {  	s13 =	simm.s32 @!p5 $0x100;
	s4 =	simm.s32 @!p5 $0x0;
	[sflag:s6] =	ssyncset.done @!p4 $0x0  }
0xb7: {  	[sflag:s6] =	ssyncadd.s32 @!p4 $0xFFFFFF80  }
0xb8: {  	[tilespmem:s13], [sflag:$0x1] =	stream.linear.gather @!p5 [hbm4b:s1+s4], $0x4000, $0x38;
	[tilespmem:$0x1B980] =	vst v63  }
.Ltmp8:
0xb9: {  	(pc) =	sbr.rel @p3 .LBB2_6-.Ltmp8, $4  }
0xba: {  	[tilespmem:s4], [sflag:$0x1] =	stream.linear.gather @!p5 [hbm4b:s14+s4], $0x80, $0x38;
	[tilespmem:$0x1B980] =	vst v63  }
0xbb: {  	s1 =	sadd.s32 $0x1000, s1  }
0xbc: {  	[spmem:s2] =	stream.indirect.scatter.add.f32 @!p4 [tilespmem:s26], [sflag:$0x3], $0x80, s5, s5, $0xb8;
	[tilespmem:$0x1B980] =	vst v63  }
0xbd: {  	s3 =	sadd.s32 $0x1000, s3;
	s14 =	sadd.s32 $0x20, s14;
	_ =	swait.ge [sflag:s29], $0x4000  }
.LBB2_7:
0xbe: {  	[sflag:s29] =	ssyncset.done $0x0  }
0xbf: {  	[sflag:s29] =	ssyncadd.s32 $0xFFFFC000  }
0xc0: {  	[bflag:$0x0] =	sbarrier.arrive $0xFFFF  }
0xc1: {  	s0 =	rddreg [dreg:$0x9]  }
0xc2: {  	[hbm:s0], [sflag:s8] =	dma.local [spmem:s31], $0x2700  }
.Ltmp9:
0xc3: {  	_ = 	snop;
	(pc) =	sbr.rel @p0 .LBB2_9-.Ltmp9, $4  }
.Ltmp10:
0xc4: {  	_ = 	snop;
	(pc) =	sbr.rel @!p0 .LBB2_8-.Ltmp10, $4  }
0xc5: {  	_ =	swait.ge [sflag:s25], $0x2700  }
0xc6: {  	[sflag:s25] =	ssyncset.done $0x0  }
0xc7: {  	s0 =	rddreg [dreg:$0x6];
	[sflag:s25] =	ssyncadd.s32 $0xFFFFD900  }
0xc8: {  	_ = 	snop  }
.LBB2_10:
0xc9: {  	_ =	sfence.sel $0x180000  }
0xca: {  	[bflag:$0x0] =	sbarrier.arrive $0xFFFF  }
0xcb: {  	_ =	strace $0x9000004A  }
0xcc: {  	s0 =	stileid.u32;
	[bflag:$0x2] =	sbarrier.arrive $0xFFFF  }
0xcd: {  	p0 =	sne.s32 s0, $0x0;
	s0 =	rddreg [dreg:$0x4]  }
0xce: {  	s0 =	sadd.s32 @!p0 $0x100000, s0  }
0xcf: {  	[sflag:s0] =	ssyncadd.tile.s32 @!p0 $0x1;
	_ =	shalt  }
.Lfunc_end2:
_tile_overlayer_lowered:
.L_overlay_start_2:
0xd0: {  	(tag) =	ssettag $0x2  }
0xd1: {  	s0 =	rddreg [dreg:$0x0];
	s2 =	stileid.u32  }
0xd2: {  	s1 =	rddreg [dreg:$0x1];
	p0 =	sne.s32 s2, $0x0  }
0xd3: {  	s3 =	rddreg [dreg:$0x2];
	[bflag:$0x3] =	sbarrier.arrive $0xFFFF;
	s2 =	simm.s32 @!p0 $0x1C04  }
0xd4: {  	[timem:s3], [sflag:s2] =	dma.local @!p0 [hbm:s0], s1  }
0xd5: {  	s0 =	simm.s32 @!p0 $0x4  }
0xd6: {  	_ =	swait.ge @!p0 [sflag:s0], s1  }
0xd7: {  	s1 =	ssub.s32 @!p0 $0x0, s1;
	[sflag:s0] =	ssyncset.done @!p0 $0x0  }
0xd8: {  	[sflag:s0] =	ssyncadd.s32 @!p0 s1  }
0xd9: {  	[bflag:$0x3] =	sbarrier.arrive $0xFFFF  }
0xda: {  	_ =	shalt  }

// kernel: kernel.19.cloned.1.call-start
scs
__scs_entry_jumppad:
0x0: {  	(pc) =	sbr.rel $0x88, $3  }
0x1: {  	(tag) =	ssettag $0x0;
	lr =	simm.s32 $0x1  }
0x2: {  	[smem:$0x3F4F] =	sst lr;
	_ =	strace $0xD0000000  }
0x3: {  	_ = 	snop  }
0x4: {  	_ = 	snop  }
0x5: {  	_ = 	snop  }
0x6: {  	_ = 	snop  }
0x7: {  	_ = 	snop  }
__scs_overlays_trampoline_lowered:
0x8: {  	[smem:$0x3F5E] =	sst s0  }
0x9: {  	[smem:$0x3F5F] =	sst s1  }
0xa: {  	[smem:$0x3F60] =	sst s2  }
0xb: {  	[smem:$0x3F61] =	sst s3  }
0xc: {  	[smem:$0x3F62] =	sst s4  }
0xd: {  	[smem:$0x3F63] =	sst s5  }
0xe: {  	[smem:$0x3F64] =	sst s6  }
0xf: {  	[smem:$0x3F65] =	sst s7  }
0x10: {  	[smem:$0x3F66] =	sst s8  }
0x11: {  	[smem:$0x3F67] =	sst s9;
	s0 =	simm.s32 @!p0 $0x0  }
0x12: {  	s1 =	sld [smem:$0x3F4D];
	s0 =	simm.s32 @p0 $0x1  }
0x13: {  	[smem:$0x3F68] =	sst s0;
	s0 =	simm.s32 @!p1 $0x0  }
0x14: {  	s2 =	sld [smem:$0x3F4C];
	s0 =	simm.s32 @p1 $0x1  }
0x15: {  	[smem:$0x3F69] =	sst s0;
	s0 =	simm.s32 @!p2 $0x0  }
0x16: {  	s3 =	sld [smem:$0x3FDB];
	s0 =	simm.s32 @p2 $0x1  }
0x17: {  	s4 =	simm.s32 $0x1BF5;
	[smem:$0x3F6B] =	sst s0  }
0x18: {  	s0 =	sld [smem:$0x3F4E];
	_ =	swait.ge [sflag:s4], $0x0  }
0x19: {  	s7 =	sld [smem:$0x3F4F]  }
0x1a: {  	s8 =	sadd.s32 $0xFFFFE003, lr  }
0x1b: {  	s9 =	sadd.s32 $0xFFFFFEF7, lr;
	s5 =	simm.s32 $0xFFFFFFFF;
	p2 =	slt.u32 s8, $0xFFFFF086  }
0x1c: {  	p1 =	slt.u32 s9, $0xF7A;
	s5 =	simm.s32 @!p2 $0x0  }
0x1d: {  	s5 =	simm.s32 @p1 $0x1;
	p0 =	seq.s32 s7, s2  }
0x1e: {  	s7 =	smul.u32 @!p0 $0xF7A, s2;
	p2 =	seq.s32 @!p0 s5, $0x0  }
0x1f: {  	s9 =	smul.u32 $0xF7A, s1;
	s8 =	simm.s32 @!p0 $0x1BF5;
	p2 =	por !p2, p0  }
0x20: {  	[sflag:s8] =	ssyncset.s32 @!p0 $0xFFFFF086;
	s6 =	sadd.s32 @!p0 s3, s7;
	s7 =	simm.s32 @!p0 $0x108  }
0x21: {  	s3 =	sadd.s32 s3, s9;
	s6 =	sadd.s32 @!p0 $0x88, s6;
	s7 =	simm.s32 @p2 $0x1082  }
0x22: {  	[simem:s7], [sflag:s8] =	dma.local @!p0 [hbm:s6], $0xF7A  }
0x23: {  	s9 =	sor.u32 $0xD0000000, s2;
	s6 =	simm.s32 $0x108;
	_ =	swait.ge @!p0 [sflag:s8], $0x0  }
0x24: {  	s3 =	sadd.s32 $0x88, s3;
	s6 =	simm.s32 @!p1 $0x1082;
	[sflag:s4] =	ssyncset.s32 $0xFFFFF086  }
0x25: {  	[simem:s6], [sflag:s4] =	dma.local [hbm:s3], $0xF7A  }
0x26: {  	[smem:$0x3F4F] =	sst s1;
	(tag) =	ssettag s2;
	_ =	strace s9  }
0x27: {  	s1 =	sld [smem:$0x3F5F]  }
0x28: {  	s2 =	sld [smem:$0x3F60]  }
0x29: {  	s4 =	sld [smem:$0x3F62]  }
0x2a: {  	p0 =	seq.s32 s5, $0x0;
	s5 =	sld [smem:$0x3F63]  }
0x2b: {  	s6 =	sld [smem:$0x3F64]  }
0x2c: {  	s7 =	sld [smem:$0x3F65]  }
0x2d: {  	s3 =	simm.s32 $0x108;
	s8 =	sld [smem:$0x3F66]  }
0x2e: {  	s3 =	simm.s32 @!p0 $0x1082;
	s9 =	sld [smem:$0x3F67]  }
0x2f: {  	lr =	sadd.s32 s0, s3;
	s0 =	sld [smem:$0x3F5E]  }
0x30: {  	s3 =	sld [smem:$0x3F61]  }
0x31: {  	[smem:$0x3F6A] =	sst s10  }
0x32: {  	s10 =	sld [smem:$0x3F68];
	_ =	sdelay $0x3  }
0x33: {  	p0 =	seq.s32 s10, $0x1;
	s10 =	sld [smem:$0x3F6A];
	_ =	sdelay $0x3  }
0x34: {  	[smem:$0x3F6A] =	sst s10  }
0x35: {  	s10 =	sld [smem:$0x3F69];
	_ =	sdelay $0x3  }
0x36: {  	p1 =	seq.s32 s10, $0x1;
	s10 =	sld [smem:$0x3F6A];
	_ =	sdelay $0x3  }
0x37: {  	[smem:$0x3F6A] =	sst s10  }
0x38: {  	s10 =	sld [smem:$0x3F6B]  }
0x39: {  	_ = 	snop;
	(pc) =	sbr.ind lr, $3  }
0x3a: {  	_ = 	snop  }
0x3b: {  	_ = 	snop  }
0x3c: {  	p2 =	seq.s32 s10, $0x1;
	s10 =	sld [smem:$0x3F6A]  }
0x3d: {  	_ =	shalt  }
0x3e: {  	_ =	shalt  }
0x3f: {  	_ =	shalt  }
0x40: {  	_ =	shalt  }
0x41: {  	_ =	shalt  }
0x42: {  	_ =	shalt  }
0x43: {  	_ =	shalt  }
0x44: {  	_ =	shalt  }
0x45: {  	_ =	shalt  }
0x46: {  	_ =	shalt  }
0x47: {  	_ =	shalt  }
0x48: {  	_ =	shalt  }
0x49: {  	_ =	shalt  }
0x4a: {  	_ =	shalt  }
0x4b: {  	_ =	shalt  }
0x4c: {  	_ =	shalt  }
0x4d: {  	_ =	shalt  }
0x4e: {  	_ =	shalt  }
0x4f: {  	_ =	shalt  }
0x50: {  	_ =	shalt  }
0x51: {  	_ =	shalt  }
0x52: {  	_ =	shalt  }
0x53: {  	_ =	shalt  }
0x54: {  	_ =	shalt  }
0x55: {  	_ =	shalt  }
0x56: {  	_ =	shalt  }
0x57: {  	_ =	shalt  }
0x58: {  	_ =	shalt  }
0x59: {  	_ =	shalt  }
0x5a: {  	_ =	shalt  }
0x5b: {  	_ =	shalt  }
0x5c: {  	_ =	shalt  }
0x5d: {  	_ =	shalt  }
0x5e: {  	_ =	shalt  }
0x5f: {  	_ =	shalt  }
0x60: {  	_ =	shalt  }
0x61: {  	_ =	shalt  }
0x62: {  	_ =	shalt  }
0x63: {  	_ =	shalt  }
0x64: {  	_ =	shalt  }
0x65: {  	_ =	shalt  }
0x66: {  	_ =	shalt  }
0x67: {  	_ =	shalt  }
0x68: {  	_ =	shalt  }
0x69: {  	_ =	shalt  }
0x6a: {  	_ =	shalt  }
0x6b: {  	_ =	shalt  }
0x6c: {  	_ =	shalt  }
0x6d: {  	_ =	shalt  }
0x6e: {  	_ =	shalt  }
0x6f: {  	_ =	shalt  }
0x70: {  	_ =	shalt  }
0x71: {  	_ =	shalt  }
0x72: {  	_ =	shalt  }
0x73: {  	_ =	shalt  }
0x74: {  	_ =	shalt  }
0x75: {  	_ =	shalt  }
0x76: {  	_ =	shalt  }
0x77: {  	_ =	shalt  }
0x78: {  	_ =	shalt  }
0x79: {  	_ =	shalt  }
0x7a: {  	_ =	shalt  }
0x7b: {  	_ =	shalt  }
0x7c: {  	_ =	shalt  }
0x7d: {  	_ =	shalt  }
0x7e: {  	_ =	shalt  }
0x7f: {  	_ =	shalt  }
0x80: {  	_ =	shalt  }
0x81: {  	_ =	shalt  }
0x82: {  	_ =	shalt  }
0x83: {  	_ =	shalt  }
0x84: {  	_ =	shalt  }
0x85: {  	_ =	shalt  }
0x86: {  	_ =	shalt  }
0x87: {  	_ =	shalt  }
.Lfunc_end0:
.L_simem_size_0:
called_computation.2_lowered:
.L_overlay_start_0:
0x88: {  	s2 =	sld [smem:$0x3FD9]  }
0x89: {  	s3 =	sld [smem:$0x3FFE];
	_ =	sdelay $0x1  }
0x8a: {  	s1 =	srdreg.scid  }
0x8b: {  	s0 =	sand.u32 $0x1, s1  }
0x8c: {  	s17 =	sshll.u32 s0, $0xA;
	s2 =	sadd.s32 s3, s2  }
0x8d: {  	s2 =	sadd.s32 s2, s17  }
0x8e: {  	[smem:$0x3F76] =	sst s2  }
0x8f: {  	_ = 	snop  }
0x90: {  	s18 =	sld [smem:$0x3F79];
	(tm) =	ssettm $0x1  }
0x91: {  	s19 =	sld [smem:$0x3FFB];
	_ =	sdelay $0x3  }
0x92: {  	_ =	strace s19  }
0x93: {  	s2 =	sld [smem:$0x3FFC];
	_ =	sdelay $0x3  }
0x94: {  	_ =	strace s2  }
0x95: {  	s2 =	sld [smem:$0x3FFD];
	_ =	sdelay $0x3  }
0x96: {  	_ =	strace s2  }
0x97: {  	_ =	strace $0x8FFFFFFF  }
0x98: {  	s20 =	sld [smem:$0x3FDB];
	_ =	sdelay $0x1  }
0x99: {  	s4 =	simm.s32 $_scs_section_size  }
0x9a: {  	s5 =	simm.s32 $_size__tile_overlayer_lowered;
	s6 =	simm.s32 $_tile_overlayer_lowered  }
0x9b: {  	s7 =	simm.s32 $0x1BFF;
	s21 =	sshll.u32 s6, $0x1;
	s4 =	sadd.s32 s4, s20  }
0x9c: {  	s22 =	simm.s32 $0x0;
	s5 =	sshll.u32 s5, $0x1;
	s6 =	sadd.s32 s21, s4  }
0x9d: {  	[timem:s22], [sflag:s7] =	dma.local [hbm:s6], s5  }
0x9e: {  	_ =	swait.ge [sflag:s7], s5  }
0x9f: {  	s5 =	ssub.s32 $0x0, s5;
	[sflag:s7] =	ssyncset.done $0x0  }
0xa0: {  	[sflag:s7] =	ssyncadd.s32 s5;
	_ =	sdelay $0x1  }
0xa1: {  	s23 =	simm.s32 $0x1B8B  }
0xa2: {  	_ =	swait.ge [sflag:s23], $0x1  }
0xa3: {  	[sflag:s23] =	ssyncset.done $0x0  }
0xa4: {  	[sflag:s23] =	ssyncadd.s32 $0xFFFFFFFF  }
0xa5: {  	s5 =	sld [smem:$0x0]  }
0xa6: {  	s6 =	sand.u32 $0xFFFFFFFE, s1  }
0xa7: {  	p0 =	sne.s32 s1, s6  }
0xa8: {  	s6 =	sshll.u32 @p0 s6, $0xE  }
0xa9: {  	s6 =	sadd.s32 @p0 $0x11B8D, s6;
	s7 =	sshll.u32 @p0 s5, $0x11  }
0xaa: {  	s6 =	sor.u32 @p0 s7, s6  }
0xab: {  	[sflag:s6] =	ssyncadd.remote.s32 @p0 $0x1;
	_ =	sdelay $0x1  }
0xac: {  	s6 =	simm.s32 @p0 $0x1B8D  }
0xad: {  	_ =	swait.eq @p0 [sflag:s6], $0x1  }
0xae: {  	[sflag:s6] =	ssyncadd.s32 @p0 $0xFFFFFFFF  }
0xaf: {  	s7 =	sshll.u32 @!p0 s1, $0xE  }
0xb0: {  	s7 =	sor.u32 @!p0 $0x4000, s7;
	s6 =	simm.s32 @!p0 $0x1B8D  }
0xb1: {  	s5 =	sshll.u32 @!p0 s5, $0x11;
	s7 =	sadd.s32 @!p0 $0x11B8D, s7;
	_ =	swait.eq @!p0 [sflag:s6], $0x1  }
0xb2: {  	s5 =	sor.u32 @!p0 s5, s7;
	[sflag:s6] =	ssyncadd.s32 @!p0 $0xFFFFFFFF  }
0xb3: {  	s25 =	simm.s32 $0x1B8E;
	s24 =	sld [smem:$0x3FFE];
	[sflag:s5] =	ssyncadd.remote.s32 @!p0 $0x1  }
0xb4: {  	s26 =	simm.s32 $execute0_lowered;
	[smem:$0x3FD2] =	sst s25  }
0xb5: {  	s6 =	sshll.u32 s26, $0x1;
	_ =	strace $0x8000004F;
	[dreg:$0x1] =	wrdreg $0xFFFFFFFF  }
0xb6: {  	s28 =	simm.s32 $_size_execute0_lowered;
	s4 =	sadd.s32 s4, s6;
	[dreg:$0x0] =	wrdreg $0x0  }
0xb7: {  	s6 =	sshll.u32 s28, $0x1;
	[dreg:$0x2] =	wrdreg s4  }
0xb8: {  	[dreg:$0x3] =	wrdreg s6  }
0xb9: {  	[dreg:$0x4] =	wrdreg $0xC0  }
0xba: {  	_ =	task [dreg:s22], $0x5FFFF  }
0xbb: {  	[dreg:$0x1] =	wrdreg $0xFFFFFFFF  }
0xbc: {  	[dreg:$0x0] =	wrdreg $0x60  }
0xbd: {  	[dreg:$0x2] =	wrdreg s24  }
0xbe: {  	[dreg:$0x3] =	wrdreg s18  }
0xbf: {  	[dreg:$0x4] =	wrdreg $0x81000  }
0xc0: {  	[dreg:$0x5] =	wrdreg $0x9  }
0xc1: {  	_ =	task.clear_ibuf [dreg:s22], $0x6FFFF;
	_ =	strace $0x9000004F  }
0xc2: {  	s29 =	simm.s32 $0x9;
	_ =	strace $0x80000051  }
0xc3: {  	_ =	swait.ge [sflag:s29], $0x1  }
0xc4: {  	[sflag:s29] =	ssyncadd.s32 $0xFFFFFFFF  }
0xc5: {  	_ =	strace $0x90000051  }
0xc6: {  	_ =	sfence  }
0xc7: {  	s30 =	sld [smem:$0x0];
	_ =	sdelay $0x2  }
0xc8: {  	s31 =	sshll.u32 s1, $0xD;
	s1 =	sshrl.u32 s1, $0x2  }
0xc9: {  	s4 =	sand.u32 $0x4000, s31;
	s1 =	sadd.s32 s1, s30  }
0xca: {  	s0 =	sor.u32 s4, s0;
	s1 =	sshll.u32 s1, $0x11  }
0xcb: {  	s0 =	sor.u32 s1, s0  }
0xcc: {  	s0 =	sadd.s32 $0x8F2B, s0  }
0xcd: {  	[sflag:s0] =	ssyncadd.remote.s32 $0x1  }
0xce: {  	_ =	sfence.sel $0xFFFF  }
0xcf: {  	[dreg:$0x0] =	wrdreg $0xFFFFFFFF;
	(pc) =	sbr.abs _section_cstart, $3  }
0xd0: {  	[dreg:$0x1] =	wrdreg $0xFFFFFFFF  }
0xd1: {  	_ =	task.clear_ibuf [dreg:s22], $0x2FFFF;
	_ =	strace $0x9FFFFFFF  }
0xd2: {  	(tm) =	ssettm $0x7FFFFFFF  }
0xd3: {  	_ =	shalt  }
tec
execute0_lowered:
.L_overlay_start_1:
0x0: {  	(tag) =	ssettag $0x1  }
0x1: {  	s0 =	srdreg.scid;
	s10 =	rddreg [dreg:$0x0]  }
0x2: {  	s25 =	stileid.u32;
	s12 =	rddreg [dreg:$0x1]  }
0x3: {  	s3 =	simm.s32 $0x1;
	s1 =	rddreg [dreg:$0x2];
	s2 =	smul.u32 $0x27, s25  }
0x4: {  	s21 =	simm.s32 $0x4;
	s24 =	simm.s32 $0x3;
	s14 =	smul.u32 $0x2700, s25  }
0x5: {  	s13 =	sand.u32 $0x1, s0;
	p0 =	sne.s32 s25, $0x0;
	s8 =	smul.u32 $0x4E000, s25  }
0x6: {  	s26 =	sadd.s32 $0x58F000, s10;
	s28 =	sadd.s32 $0x5B6200, s10;
	s30 =	sshll.u32 s25, $0x6  }
0x7: {  	s5 =	sadd.s32 $0x138000, s1;
	p1 =	seq.s32 s25, $0x0;
	p2 =	sne.s32 s25, $0xF  }
0x8: {  	p3 =	seq.s32 s25, $0xF;
	s25 =	simm.s32 $0x0;
	s0 =	smul.u32 $0x271, s13  }
0x9: {  	s3 =	simm.s32 @!p0 $0x0;
	s7 =	ssub.s32 $0x2, s13;
	s23 =	smov.u32 s5  }
0xa: {  	s22 =	sshrl.u32 @!p2 s5, $0x3;
	s6 =	sadd.s32 s14, s10;
	s9 =	sshrl.u32 s7, $0x1  }
0xb: {  	s29 =	sshrl.u32 s8, $0x2;
	s31 =	sadd.s32 s28, s14;
	s4 =	sadd.s32 s2, s0  }
0xc: {  	s2 =	simm.s32 $0x0;
	s15 =	ssub.s32 s7, s9;
	s20 =	sadd.s32 s29, s1  }
0xd: {  	s6 =	sadd.s32 $0x10800, s6;
	s7 =	sor.u32 $0x1C04, s30;
	s9 =	simm.s32 $0x28  }
0xe: {  	s0 =	sadd.s32 s26, s14;
	s11 =	sadd.s32 s3, s4;
	[smem:$0x7FF] =	sst s2  }
0xf: {  	s3 =	simm.s32 $0x1;
	s9 =	simm.s32 @!p1 $0x27;
	p1 =	seq.s32 s13, $0x1  }
0x10: {  	s15 =	smax.u32 s15, $0x1;
	_ =	strace $0x80000050;
	[dreg:$0x4] =	wrdreg s26  }
.Ltmp0:
0x11: {  	s20 =	sshrl.u32 s20, $0x3;
	[dreg:$0x6] =	wrdreg s0;
	(pc) =	sbr.rel .LBB2_1-.Ltmp0, $4  }
0x12: {  	s4 =	sshll.u32 s11, $0xB;
	s16 =	sshll.u32 s11, $0x4;
	[dreg:$0x5] =	wrdreg s28  }
0x13: {  	[dreg:$0x7] =	wrdreg s31;
	s19 =	sadd.s32 s4, s10;
	s12 =	sadd.s32 s12, s16  }
0x14: {  	s10 =	sadd.s32 $0x37800, s10;
	s11 =	sadd.s32 $0xA49E00, s19;
	s16 =	sadd.s32 $0x10, s12  }
0x15: {  	s17 =	sadd.s32 $0xA4A600, s19;
	s18 =	sadd.s32 $0x20, s12;
	s19 =	sadd.s32 $0xA4AE00, s19  }
.LBB2_6:
0x16: {  	s0 =	sadd.s32 $0x27000, s26;
	s4 =	sshrl.u32 s23, $0x3  }
0x17: {  	[hbm:s0], [sflag:s7] =	dma.local [spmem:s4], $0x100  }
0x18: {  	_ =	swait.ge [sflag:s21], $0x100  }
0x19: {  	[sflag:s21] =	ssyncset.done $0x0  }
0x1a: {  	[sflag:s21] =	ssyncadd.s32 $0xFFFFFF00  }
.LBB2_7:
0x1b: {  	s25 =	sadd.s32 $0x1, s25  }
0x1c: {  	p4 =	sne.s32 s25, s15  }
.Ltmp1:
0x1d: {  	_ = 	snop;
	(pc) =	sbr.rel @!p4 .LBB2_8-.Ltmp1, $1  }
0x1e: {  	_ =	sdelay $0x3  }
.LBB2_1:
0x1f: {  	[spmem:s20], [sflag:s7] =	dma.local [hbm:s6], $0x2700  }
0x20: {  	_ =	swait.ge [sflag:s21], $0x2700  }
0x21: {  	[sflag:s21] =	ssyncset.done $0x0  }
0x22: {  	s26 =	simm.s32 @!p2 $0x4;
	[sflag:s21] =	ssyncadd.s32 $0xFFFFD900  }
0x23: {  	[spmem:s22], [sflag:s7] =	dma.local @!p2 [hbm:s10], $0x100  }
0x24: {  	_ =	swait.ge @!p2 [sflag:s26], $0x100  }
0x25: {  	[sflag:s26] =	ssyncset.done @!p2 $0x0  }
0x26: {  	[sflag:s26] =	ssyncadd.s32 @!p2 $0xFFFFFF00  }
0x27: {  	s0 =	simm.s32 $0x100;
	[bflag:$0x0] =	sbarrier.arrive $0xFFFF  }
0x28: {  	[tilespmem:s0], [sflag:$0x1] =	stream.linear.gather [hbm4b:s11+s2], $0x4000, $0x38;
	[tilespmem:$0x1B980] =	vst v63  }
0x29: {  	_ = 	snop  }
0x2a: {  	[tilespmem:s2], [sflag:$0x1] =	stream.linear.gather [hbm4b:s12+s2], $0x80, $0x38;
	[tilespmem:$0x1B980] =	vst v63  }
0x2b: {  	_ =	swait.ge [sflag:s3], $0x4000  }
0x2c: {  	[sflag:s3] =	ssyncset.done $0x0  }
0x2d: {  	[sflag:s3] =	ssyncadd.s32 $0xFFFFC000  }
0x2e: {  	p4 =	sle.u32 s9, $0x1;
	_ =	swait.ge [sflag:s3], $0x80  }
0x2f: {  	s28 =	simm.s32 @p4 $0x0;
	[sflag:s3] =	ssyncset.done $0x0  }
0x30: {  	s29 =	simm.s32 @p4 $0x100;
	s26 =	simm.s32 @p4 $0x80;
	[sflag:s3] =	ssyncadd.s32 $0xFFFFFF80  }
0x31: {  	[spmem:s1] =	stream.indirect.scatter.add.f32 @p4 [tilespmem:s29], [sflag:$0x3], $0x80, s28, s26, $0xb8;
	[tilespmem:$0x1B980] =	vst v63  }
0x32: {  	s26 =	simm.s32 @!p4 $0x0;
	s28 =	simm.s32 @!p4 $0x4100  }
0x33: {  	[tilespmem:s28], [sflag:$0x2] =	stream.linear.gather @!p4 [hbm4b:s17+s26], $0x4000, $0x38;
	[tilespmem:$0x1B980] =	vst v63  }
0x34: {  	s29 =	simm.s32 @!p4 $0x80  }
0x35: {  	[tilespmem:s29], [sflag:$0x2] =	stream.linear.gather @!p4 [hbm4b:s16+s26], $0x80, $0x38;
	[tilespmem:$0x1B980] =	vst v63  }
0x36: {  	s30 =	simm.s32 @!p4 $0x100;
	s31 =	simm.s32 @!p4 $0x3  }
0x37: {  	[spmem:s1] =	stream.indirect.scatter.add.f32 @!p4 [tilespmem:s30], [sflag:$0x3], $0x80, s26, s29, $0xb8;
	[tilespmem:$0x1B980] =	vst v63  }
0x38: {  	_ =	swait.ge @!p4 [sflag:s31], $0x4000  }
0x39: {  	[sflag:s31] =	ssyncset.done @!p4 $0x0  }
0x3a: {  	s26 =	simm.s32 @!p4 $0x2;
	[sflag:s31] =	ssyncadd.s32 @!p4 $0xFFFFC000  }
0x3b: {  	_ =	swait.ge @!p4 [sflag:s26], $0x4000  }
0x3c: {  	[sflag:s26] =	ssyncset.done @!p4 $0x0  }
0x3d: {  	[sflag:s26] =	ssyncadd.s32 @!p4 $0xFFFFC000  }
0x3e: {  	p5 =	sle.u32 @!p4 s9, $0x2;
	_ =	swait.ge @!p4 [sflag:s26], $0x80  }
0x3f: {  	p5 =	por p5, p4;
	[sflag:s26] =	ssyncset.done @!p4 $0x0  }
0x40: {  	s30 =	simm.s32 @!p5 $0x0;
	s31 =	simm.s32 @!p5 $0x100;
	[sflag:s26] =	ssyncadd.s32 @!p4 $0xFFFFFF80  }
0x41: {  	[tilespmem:s31], [sflag:$0x1] =	stream.linear.gather @!p5 [hbm4b:s19+s30], $0x4000, $0x38;
	[tilespmem:$0x1B980] =	vst v63  }
0x42: {  	_ = 	snop  }
0x43: {  	[tilespmem:s30], [sflag:$0x1] =	stream.linear.gather @!p5 [hbm4b:s18+s30], $0x80, $0x38;
	[tilespmem:$0x1B980] =	vst v63  }
0x44: {  	s26 =	simm.s32 $0x4;
	s31 =	smov.u32 s16;
	s30 =	sadd.s32 $0x20, s18  }
0x45: {  	[spmem:s1] =	stream.indirect.scatter.add.f32 @!p4 [tilespmem:s28], [sflag:$0x3], $0x80, s29, s29, $0xb8;
	[tilespmem:$0x1B980] =	vst v63  }
0x46: {  	s28 =	sadd.s32 $0x1000, s19;
	s29 =	sadd.s32 $0x1000, s17;
	_ =	swait.ge [sflag:s24], $0x4000  }
.LBB2_2:
0x47: {  	[sflag:s24] =	ssyncset.done $0x0  }
0x48: {  	s31 =	sadd.s32 $0x20, s31;
	s0 =	smov.u32 s26;
	s26 =	sadd.s32 $0x2, s26  }
0x49: {  	p4 =	sne.s32 s26, $0x2A;
	[sflag:s24] =	ssyncadd.s32 $0xFFFFC000  }
0x4a: {  	_ =	swait.ge [sflag:s3], $0x4000  }
0x4b: {  	[sflag:s3] =	ssyncset.done $0x0  }
0x4c: {  	[sflag:s3] =	ssyncadd.s32 $0xFFFFC000  }
0x4d: {  	s4 =	sadd.s32 $0xFFFFFFFF, s0;
	_ =	swait.ge [sflag:s3], $0x80  }
0x4e: {  	p5 =	sge.u32 s4, s9;
	[sflag:s3] =	ssyncset.done $0x0  }
0x4f: {  	s4 =	simm.s32 @p5 $0x80;
	s5 =	simm.s32 @p5 $0x0;
	[sflag:s3] =	ssyncadd.s32 $0xFFFFFF80  }
0x50: {  	s13 =	simm.s32 @p5 $0x100;
	s14 =	simm.s32 @!p5 $0x0;
	s8 =	simm.s32 @!p5 $0x4100  }
0x51: {  	[spmem:s1] =	stream.indirect.scatter.add.f32 @p5 [tilespmem:s13], [sflag:$0x3], $0x80, s5, s4, $0xb8;
	[tilespmem:$0x1B980] =	vst v63  }
0x52: {  	p6 =	sge.u32 @!p5 s0, s9;
	s4 =	simm.s32 @!p5 $0x80  }
0x53: {  	[tilespmem:s8], [sflag:$0x2] =	stream.linear.gather @!p5 [hbm4b:s29+s14], $0x4000, $0x38;
	[tilespmem:$0x1B980] =	vst v63  }
0x54: {  	s0 =	simm.s32 @!p5 $0x100  }
0x55: {  	[tilespmem:s4], [sflag:$0x2] =	stream.linear.gather @!p5 [hbm4b:s31+s14], $0x80, $0x38;
	[tilespmem:$0x1B980] =	vst v63  }
0x56: {  	s5 =	simm.s32 @!p5 $0x3  }
0x57: {  	[spmem:s1] =	stream.indirect.scatter.add.f32 @!p5 [tilespmem:s0], [sflag:$0x3], $0x80, s14, s4, $0xb8;
	[tilespmem:$0x1B980] =	vst v63  }
0x58: {  	_ =	swait.ge @!p5 [sflag:s5], $0x4000  }
0x59: {  	s0 =	simm.s32 @!p5 $0x2;
	[sflag:s5] =	ssyncset.done @!p5 $0x0  }
0x5a: {  	[sflag:s5] =	ssyncadd.s32 @!p5 $0xFFFFC000  }
0x5b: {  	_ =	swait.ge @!p5 [sflag:s0], $0x4000  }
0x5c: {  	[sflag:s0] =	ssyncset.done @!p5 $0x0  }
0x5d: {  	[sflag:s0] =	ssyncadd.s32 @!p5 $0xFFFFC000  }
0x5e: {  	p6 =	por p6, p5;
	_ =	swait.ge @!p5 [sflag:s0], $0x80  }
0x5f: {  	s13 =	simm.s32 @!p6 $0x100;
	s5 =	simm.s32 @!p6 $0x0;
	[sflag:s0] =	ssyncset.done @!p5 $0x0  }
0x60: {  	[sflag:s0] =	ssyncadd.s32 @!p5 $0xFFFFFF80  }
0x61: {  	[tilespmem:s13], [sflag:$0x1] =	stream.linear.gather @!p6 [hbm4b:s28+s5], $0x4000, $0x38;
	[tilespmem:$0x1B980] =	vst v63  }
.Ltmp2:
0x62: {  	(pc) =	sbr.rel @p4 .LBB2_2-.Ltmp2, $4  }
0x63: {  	[tilespmem:s5], [sflag:$0x1] =	stream.linear.gather @!p6 [hbm4b:s30+s5], $0x80, $0x38;
	[tilespmem:$0x1B980] =	vst v63  }
0x64: {  	s28 =	sadd.s32 $0x1000, s28  }
0x65: {  	[spmem:s1] =	stream.indirect.scatter.add.f32 @!p5 [tilespmem:s8], [sflag:$0x3], $0x80, s4, s4, $0xb8;
	[tilespmem:$0x1B980] =	vst v63  }
0x66: {  	s29 =	sadd.s32 $0x1000, s29;
	s30 =	sadd.s32 $0x20, s30;
	_ =	swait.ge [sflag:s24], $0x4000  }
.Ltmp3:
0x67: {  	(pc) =	sbr.rel @!p1 .LBB2_4-.Ltmp3, $3  }
0x68: {  	[sflag:s24] =	ssyncset.done $0x0  }
0x69: {  	[sflag:s24] =	ssyncadd.s32 $0xFFFFC000  }
0x6a: {  	[bflag:$0x0] =	sbarrier.arrive $0xFFFF;
	_ =	sdelay $0x1  }
0x6b: {  	s0 =	rddreg [dreg:$0x7]  }
0x6c: {  	[hbm:s0], [sflag:s7] =	dma.local [spmem:s20], $0x2700  }
.Ltmp4:
0x6d: {  	_ = 	snop;
	(pc) =	sbr.rel @p2 .LBB2_7-.Ltmp4, $4  }
.Ltmp5:
0x6e: {  	_ = 	snop;
	(pc) =	sbr.rel @!p2 .LBB2_6-.Ltmp5, $4  }
0x6f: {  	_ =	swait.ge [sflag:s21], $0x2700  }
0x70: {  	[sflag:s21] =	ssyncset.done $0x0  }
0x71: {  	s26 =	rddreg [dreg:$0x5];
	[sflag:s21] =	ssyncadd.s32 $0xFFFFD900  }
0x72: {  	_ = 	snop  }
.LBB2_4:
0x73: {  	s0 =	rddreg [dreg:$0x6]  }
0x74: {  	[hbm:s0], [sflag:s7] =	dma.local [spmem:s20], $0x2700  }
.Ltmp6:
0x75: {  	_ = 	snop;
	(pc) =	sbr.rel @p3 .LBB2_6-.Ltmp6, $4  }
.Ltmp7:
0x76: {  	_ = 	snop;
	(pc) =	sbr.rel @!p3 .LBB2_7-.Ltmp7, $4  }
0x77: {  	_ =	swait.ge [sflag:s21], $0x2700  }
0x78: {  	[sflag:s21] =	ssyncset.done $0x0  }
0x79: {  	s26 =	rddreg [dreg:$0x4];
	[sflag:s21] =	ssyncadd.s32 $0xFFFFD900  }
0x7a: {  	_ = 	snop  }
.LBB2_8:
0x7b: {  	_ =	sfence.sel $0x180000  }
0x7c: {  	[bflag:$0x0] =	sbarrier.arrive $0xFFFF  }
0x7d: {  	_ =	strace $0x90000050  }
0x7e: {  	[bflag:$0x2] =	sbarrier.arrive $0xFFFF  }
0x7f: {  	s0 =	rddreg [dreg:$0x3]  }
0x80: {  	s0 =	sadd.s32 @!p0 $0x100000, s0  }
0x81: {  	[sflag:s0] =	ssyncadd.tile.s32 @!p0 $0x1;
	_ =	shalt  }
.Lfunc_end2:
_tile_overlayer_lowered:
.L_overlay_start_2:
0x82: {  	(tag) =	ssettag $0x2  }
0x83: {  	s0 =	rddreg [dreg:$0x0];
	s2 =	stileid.u32  }
0x84: {  	s1 =	rddreg [dreg:$0x1];
	p0 =	sne.s32 s2, $0x0  }
0x85: {  	s3 =	rddreg [dreg:$0x2];
	[bflag:$0x3] =	sbarrier.arrive $0xFFFF;
	s2 =	simm.s32 @!p0 $0x1C04  }
0x86: {  	[timem:s3], [sflag:s2] =	dma.local @!p0 [hbm:s0], s1  }
0x87: {  	s0 =	simm.s32 @!p0 $0x4  }
0x88: {  	_ =	swait.ge @!p0 [sflag:s0], s1  }
0x89: {  	s1 =	ssub.s32 @!p0 $0x0, s1;
	[sflag:s0] =	ssyncset.done @!p0 $0x0  }
0x8a: {  	[sflag:s0] =	ssyncadd.s32 @!p0 s1  }
0x8b: {  	[bflag:$0x3] =	sbarrier.arrive $0xFFFF  }
0x8c: {  	_ =	shalt  }

// kernel: kernel.22.cloned.1.call-start
scs
__scs_entry_jumppad:
0x0: {  	(pc) =	sbr.rel $0x88, $3  }
0x1: {  	(tag) =	ssettag $0x0;
	lr =	simm.s32 $0x1  }
0x2: {  	[smem:$0x3F4F] =	sst lr;
	_ =	strace $0xD0000000  }
0x3: {  	_ = 	snop  }
0x4: {  	_ = 	snop  }
0x5: {  	_ = 	snop  }
0x6: {  	_ = 	snop  }
0x7: {  	_ = 	snop  }
__scs_overlays_trampoline_lowered:
0x8: {  	[smem:$0x3F5E] =	sst s0  }
0x9: {  	[smem:$0x3F5F] =	sst s1  }
0xa: {  	[smem:$0x3F60] =	sst s2  }
0xb: {  	[smem:$0x3F61] =	sst s3  }
0xc: {  	[smem:$0x3F62] =	sst s4  }
0xd: {  	[smem:$0x3F63] =	sst s5  }
0xe: {  	[smem:$0x3F64] =	sst s6  }
0xf: {  	[smem:$0x3F65] =	sst s7  }
0x10: {  	[smem:$0x3F66] =	sst s8  }
0x11: {  	[smem:$0x3F67] =	sst s9;
	s0 =	simm.s32 @!p0 $0x0  }
0x12: {  	s1 =	sld [smem:$0x3F4D];
	s0 =	simm.s32 @p0 $0x1  }
0x13: {  	[smem:$0x3F68] =	sst s0;
	s0 =	simm.s32 @!p1 $0x0  }
0x14: {  	s2 =	sld [smem:$0x3F4C];
	s0 =	simm.s32 @p1 $0x1  }
0x15: {  	[smem:$0x3F69] =	sst s0;
	s0 =	simm.s32 @!p2 $0x0  }
0x16: {  	s3 =	sld [smem:$0x3FDB];
	s0 =	simm.s32 @p2 $0x1  }
0x17: {  	s4 =	simm.s32 $0x1BF5;
	[smem:$0x3F6B] =	sst s0  }
0x18: {  	s0 =	sld [smem:$0x3F4E];
	_ =	swait.ge [sflag:s4], $0x0  }
0x19: {  	s7 =	sld [smem:$0x3F4F]  }
0x1a: {  	s8 =	sadd.s32 $0xFFFFE003, lr  }
0x1b: {  	s9 =	sadd.s32 $0xFFFFFEF7, lr;
	s5 =	simm.s32 $0xFFFFFFFF;
	p2 =	slt.u32 s8, $0xFFFFF086  }
0x1c: {  	p1 =	slt.u32 s9, $0xF7A;
	s5 =	simm.s32 @!p2 $0x0  }
0x1d: {  	s5 =	simm.s32 @p1 $0x1;
	p0 =	seq.s32 s7, s2  }
0x1e: {  	s7 =	smul.u32 @!p0 $0xF7A, s2;
	p2 =	seq.s32 @!p0 s5, $0x0  }
0x1f: {  	s9 =	smul.u32 $0xF7A, s1;
	s8 =	simm.s32 @!p0 $0x1BF5;
	p2 =	por !p2, p0  }
0x20: {  	[sflag:s8] =	ssyncset.s32 @!p0 $0xFFFFF086;
	s6 =	sadd.s32 @!p0 s3, s7;
	s7 =	simm.s32 @!p0 $0x108  }
0x21: {  	s3 =	sadd.s32 s3, s9;
	s6 =	sadd.s32 @!p0 $0x88, s6;
	s7 =	simm.s32 @p2 $0x1082  }
0x22: {  	[simem:s7], [sflag:s8] =	dma.local @!p0 [hbm:s6], $0xF7A  }
0x23: {  	s9 =	sor.u32 $0xD0000000, s2;
	s6 =	simm.s32 $0x108;
	_ =	swait.ge @!p0 [sflag:s8], $0x0  }
0x24: {  	s3 =	sadd.s32 $0x88, s3;
	s6 =	simm.s32 @!p1 $0x1082;
	[sflag:s4] =	ssyncset.s32 $0xFFFFF086  }
0x25: {  	[simem:s6], [sflag:s4] =	dma.local [hbm:s3], $0xF7A  }
0x26: {  	[smem:$0x3F4F] =	sst s1;
	(tag) =	ssettag s2;
	_ =	strace s9  }
0x27: {  	s1 =	sld [smem:$0x3F5F]  }
0x28: {  	s2 =	sld [smem:$0x3F60]  }
0x29: {  	s4 =	sld [smem:$0x3F62]  }
0x2a: {  	p0 =	seq.s32 s5, $0x0;
	s5 =	sld [smem:$0x3F63]  }
0x2b: {  	s6 =	sld [smem:$0x3F64]  }
0x2c: {  	s7 =	sld [smem:$0x3F65]  }
0x2d: {  	s3 =	simm.s32 $0x108;
	s8 =	sld [smem:$0x3F66]  }
0x2e: {  	s3 =	simm.s32 @!p0 $0x1082;
	s9 =	sld [smem:$0x3F67]  }
0x2f: {  	lr =	sadd.s32 s0, s3;
	s0 =	sld [smem:$0x3F5E]  }
0x30: {  	s3 =	sld [smem:$0x3F61]  }
0x31: {  	[smem:$0x3F6A] =	sst s10  }
0x32: {  	s10 =	sld [smem:$0x3F68];
	_ =	sdelay $0x3  }
0x33: {  	p0 =	seq.s32 s10, $0x1;
	s10 =	sld [smem:$0x3F6A];
	_ =	sdelay $0x3  }
0x34: {  	[smem:$0x3F6A] =	sst s10  }
0x35: {  	s10 =	sld [smem:$0x3F69];
	_ =	sdelay $0x3  }
0x36: {  	p1 =	seq.s32 s10, $0x1;
	s10 =	sld [smem:$0x3F6A];
	_ =	sdelay $0x3  }
0x37: {  	[smem:$0x3F6A] =	sst s10  }
0x38: {  	s10 =	sld [smem:$0x3F6B]  }
0x39: {  	_ = 	snop;
	(pc) =	sbr.ind lr, $3  }
0x3a: {  	_ = 	snop  }
0x3b: {  	_ = 	snop  }
0x3c: {  	p2 =	seq.s32 s10, $0x1;
	s10 =	sld [smem:$0x3F6A]  }
0x3d: {  	_ =	shalt  }
0x3e: {  	_ =	shalt  }
0x3f: {  	_ =	shalt  }
0x40: {  	_ =	shalt  }
0x41: {  	_ =	shalt  }
0x42: {  	_ =	shalt  }
0x43: {  	_ =	shalt  }
0x44: {  	_ =	shalt  }
0x45: {  	_ =	shalt  }
0x46: {  	_ =	shalt  }
0x47: {  	_ =	shalt  }
0x48: {  	_ =	shalt  }
0x49: {  	_ =	shalt  }
0x4a: {  	_ =	shalt  }
0x4b: {  	_ =	shalt  }
0x4c: {  	_ =	shalt  }
0x4d: {  	_ =	shalt  }
0x4e: {  	_ =	shalt  }
0x4f: {  	_ =	shalt  }
0x50: {  	_ =	shalt  }
0x51: {  	_ =	shalt  }
0x52: {  	_ =	shalt  }
0x53: {  	_ =	shalt  }
0x54: {  	_ =	shalt  }
0x55: {  	_ =	shalt  }
0x56: {  	_ =	shalt  }
0x57: {  	_ =	shalt  }
0x58: {  	_ =	shalt  }
0x59: {  	_ =	shalt  }
0x5a: {  	_ =	shalt  }
0x5b: {  	_ =	shalt  }
0x5c: {  	_ =	shalt  }
0x5d: {  	_ =	shalt  }
0x5e: {  	_ =	shalt  }
0x5f: {  	_ =	shalt  }
0x60: {  	_ =	shalt  }
0x61: {  	_ =	shalt  }
0x62: {  	_ =	shalt  }
0x63: {  	_ =	shalt  }
0x64: {  	_ =	shalt  }
0x65: {  	_ =	shalt  }
0x66: {  	_ =	shalt  }
0x67: {  	_ =	shalt  }
0x68: {  	_ =	shalt  }
0x69: {  	_ =	shalt  }
0x6a: {  	_ =	shalt  }
0x6b: {  	_ =	shalt  }
0x6c: {  	_ =	shalt  }
0x6d: {  	_ =	shalt  }
0x6e: {  	_ =	shalt  }
0x6f: {  	_ =	shalt  }
0x70: {  	_ =	shalt  }
0x71: {  	_ =	shalt  }
0x72: {  	_ =	shalt  }
0x73: {  	_ =	shalt  }
0x74: {  	_ =	shalt  }
0x75: {  	_ =	shalt  }
0x76: {  	_ =	shalt  }
0x77: {  	_ =	shalt  }
0x78: {  	_ =	shalt  }
0x79: {  	_ =	shalt  }
0x7a: {  	_ =	shalt  }
0x7b: {  	_ =	shalt  }
0x7c: {  	_ =	shalt  }
0x7d: {  	_ =	shalt  }
0x7e: {  	_ =	shalt  }
0x7f: {  	_ =	shalt  }
0x80: {  	_ =	shalt  }
0x81: {  	_ =	shalt  }
0x82: {  	_ =	shalt  }
0x83: {  	_ =	shalt  }
0x84: {  	_ =	shalt  }
0x85: {  	_ =	shalt  }
0x86: {  	_ =	shalt  }
0x87: {  	_ =	shalt  }
.Lfunc_end0:
.L_simem_size_0:
called_computation.3_lowered:
.L_overlay_start_0:
0x88: {  	s2 =	sld [smem:$0x3FD9]  }
0x89: {  	s3 =	sld [smem:$0x3FFE];
	_ =	sdelay $0x1  }
0x8a: {  	s1 =	srdreg.scid  }
0x8b: {  	s0 =	sand.u32 $0x1, s1  }
0x8c: {  	s17 =	sshll.u32 s0, $0xA;
	s2 =	sadd.s32 s3, s2  }
0x8d: {  	s2 =	sadd.s32 s2, s17  }
0x8e: {  	[smem:$0x3F76] =	sst s2  }
0x8f: {  	_ = 	snop  }
0x90: {  	s2 =	sld [smem:$0x3F7A]  }
0x91: {  	s18 =	sld [smem:$0x3F79];
	(tm) =	ssettm $0x1  }
0x92: {  	s4 =	sld [smem:$0x3FFB];
	_ =	sdelay $0x3  }
0x93: {  	_ =	strace s4  }
0x94: {  	s4 =	sld [smem:$0x3FFC];
	_ =	sdelay $0x3  }
0x95: {  	_ =	strace s4  }
0x96: {  	s4 =	sld [smem:$0x3FFD];
	_ =	sdelay $0x3  }
0x97: {  	_ =	strace s4  }
0x98: {  	_ =	strace $0x8FFFFFFF  }
0x99: {  	s19 =	sld [smem:$0x3FDB];
	_ =	sdelay $0x1  }
0x9a: {  	s5 =	simm.s32 $_scs_section_size  }
0x9b: {  	s6 =	simm.s32 $_size__tile_overlayer_lowered;
	s7 =	simm.s32 $_tile_overlayer_lowered  }
0x9c: {  	s22 =	simm.s32 $0x1BFF;
	s21 =	sshll.u32 s7, $0x1;
	s4 =	sadd.s32 s5, s19  }
0x9d: {  	s8 =	simm.s32 $0x0;
	s20 =	sshll.u32 s6, $0x1;
	s6 =	sadd.s32 s21, s4  }
0x9e: {  	[timem:s8], [sflag:s22] =	dma.local [hbm:s6], s20  }
0x9f: {  	_ =	swait.ge [sflag:s22], s20  }
0xa0: {  	s5 =	ssub.s32 $0x0, s20;
	[sflag:s22] =	ssyncset.done $0x0  }
0xa1: {  	[sflag:s22] =	ssyncadd.s32 s5;
	_ =	sdelay $0x1  }
0xa2: {  	s23 =	simm.s32 $0x1B8B  }
0xa3: {  	_ =	swait.ge [sflag:s23], $0x1  }
0xa4: {  	[sflag:s23] =	ssyncset.done $0x0  }
0xa5: {  	s25 =	simm.s32 $0x1B8E;
	s24 =	sld [smem:$0x3FFE];
	[sflag:s23] =	ssyncadd.s32 $0xFFFFFFFF  }
0xa6: {  	s26 =	simm.s32 $execute0_lowered;
	[smem:$0x3FD2] =	sst s25  }
0xa7: {  	s6 =	sshll.u32 s26, $0x1;
	_ =	strace $0x8000004C;
	[dreg:$0x1] =	wrdreg $0xFFFFFFFF  }
0xa8: {  	s28 =	simm.s32 $_size_execute0_lowered;
	s4 =	sadd.s32 s4, s6;
	[dreg:$0x0] =	wrdreg $0x0  }
0xa9: {  	s6 =	sshll.u32 s28, $0x1;
	[dreg:$0x2] =	wrdreg s4  }
0xaa: {  	[dreg:$0x3] =	wrdreg s6  }
0xab: {  	[dreg:$0x4] =	wrdreg $0xC0  }
0xac: {  	_ =	task [dreg:s8], $0x5FFFF  }
0xad: {  	[dreg:$0x1] =	wrdreg $0xFFFFFFFF  }
0xae: {  	[dreg:$0x0] =	wrdreg $0x60  }
0xaf: {  	[dreg:$0x2] =	wrdreg s24  }
0xb0: {  	[dreg:$0x3] =	wrdreg s18  }
0xb1: {  	[dreg:$0x4] =	wrdreg s2  }
0xb2: {  	[dreg:$0x5] =	wrdreg $0xA  }
0xb3: {  	_ =	task.clear_ibuf [dreg:s8], $0x6FFFF;
	_ =	strace $0x9000004C  }
0xb4: {  	s29 =	simm.s32 $0xA;
	_ =	strace $0x8000004E  }
0xb5: {  	_ =	swait.ge [sflag:s29], $0x1  }
0xb6: {  	[sflag:s29] =	ssyncadd.s32 $0xFFFFFFFF  }
0xb7: {  	_ =	strace $0x9000004E  }
0xb8: {  	_ =	sfence  }
0xb9: {  	s30 =	sld [smem:$0x0];
	_ =	sdelay $0x2  }
0xba: {  	s31 =	sshll.u32 s1, $0xD;
	s1 =	sshrl.u32 s1, $0x2  }
0xbb: {  	s3 =	sand.u32 $0x4000, s31;
	s1 =	sadd.s32 s1, s30  }
0xbc: {  	s0 =	sor.u32 s3, s0;
	s1 =	sshll.u32 s1, $0x11  }
0xbd: {  	s0 =	sor.u32 s1, s0  }
0xbe: {  	s0 =	sadd.s32 $0x8F2B, s0  }
0xbf: {  	[sflag:s0] =	ssyncadd.remote.s32 $0x1  }
0xc0: {  	_ =	sfence.sel $0xFFFF  }
0xc1: {  	[dreg:$0x0] =	wrdreg $0xFFFFFFFF;
	(pc) =	sbr.abs _section_cstart, $3  }
0xc2: {  	[dreg:$0x1] =	wrdreg $0xFFFFFFFF  }
0xc3: {  	_ =	task.clear_ibuf [dreg:s8], $0x2FFFF;
	_ =	strace $0x9FFFFFFF  }
0xc4: {  	(tm) =	ssettm $0x7FFFFFFF  }
0xc5: {  	_ =	shalt  }
tec
execute0_lowered:
.L_overlay_start_1:
0x0: {  	(tag) =	ssettag $0x1  }
0x1: {  	s7 =	rddreg [dreg:$0x0]  }
0x2: {  	s1 =	rddreg [dreg:$0x1]  }
0x3: {  	s2 =	rddreg [dreg:$0x2]  }
0x4: {  	s0 =	rddreg [dreg:$0x3]  }
0x5: {  	s4 =	simm.s32 $0x0;
	s5 =	srdreg.scid;
	s3 =	stileid.u32  }
0x6: {  	s30 =	simm.s32 $0x200;
	s31 =	simm.s32 $0x4200;
	[smem:$0x7FF] =	sst s4  }
0x7: {  	s8 =	sand.u32 $0x1, s5;
	s9 =	smul.u32 $0x4E, s3;
	s10 =	sshll.u32 s3, $0x1  }
0x8: {  	s5 =	sadd.s32 $0x37A00, s7;
	s6 =	sadd.s32 $0x5EC00, s7;
	s12 =	sadd.s32 $0xAD000, s7  }
0x9: {  	s23 =	sadd.s32 $0x31E000, s7;
	p0 =	seq.s32 s3, $0x0;
	s11 =	smul.u32 $0x27, s8  }
0xa: {  	_ =	strace $0x8000004D;
	s10 =	sor.u32 s8, s10;
	s24 =	ssub.s32 $0x2, s8  }
0xb: {  	[dreg:$0x4] =	wrdreg s30;
	s10 =	smin.u32 s10, $0x2;
	s9 =	sadd.s32 s11, s9  }
0xc: {  	[dreg:$0x5] =	wrdreg s31;
	s26 =	sshrl.u32 s24, $0x1;
	s25 =	sadd.s32 s10, s9  }
0xd: {  	s9 =	simm.s32 $0x28;
	s10 =	ssub.s32 s24, s26;
	s13 =	sshll.u32 s25, $0xB  }
0xe: {  	s9 =	simm.s32 @!p0 $0x27;
	s7 =	sshll.u32 s25, $0x4;
	s8 =	smax.u32 s10, $0x1  }
0xf: {  	s14 =	sadd.s32 $0x800, s13;
	[dreg:$0x6] =	wrdreg s9;
	s9 =	sadd.s32 $0x10, s7  }
0x10: {  	s10 =	sadd.s32 s13, s12;
	s11 =	sadd.s32 s13, s23;
	s28 =	sadd.s32 s14, s12  }
0x11: {  	s13 =	simm.s32 $0x80;
	s29 =	sadd.s32 s14, s23;
	[dreg:$0x7] =	wrdreg s28  }
0x12: {  	s12 =	simm.s32 $0x5;
	s14 =	simm.s32 $0x0;
	[dreg:$0x8] =	wrdreg s29  }
.LBB2_1:
0x13: {  	s15 =	sadd.s32 s7, s1  }
0x14: {  	[tilespmem:s4], [sflag:$0x5] =	stream.linear.gather [hbm4b:s15+s4], $0x80, $0x38;
	[tilespmem:$0x10200] =	vst v63  }
0x15: {  	_ =	swait.ge [sflag:s12], $0x80  }
0x16: {  	[sflag:s12] =	ssyncset.done $0x0  }
0x17: {  	s30 =	sadd.s32 s7, s2;
	[sflag:s12] =	ssyncadd.s32 $0xFFFFFF80  }
0x18: {  	[tilespmem:s13], [sflag:$0x5] =	stream.linear.gather [hbm4b:s30+s4], $0x80, $0x38;
	[tilespmem:$0x10200] =	vst v63  }
0x19: {  	_ =	swait.ge [sflag:s12], $0x80  }
0x1a: {  	[sflag:s12] =	ssyncset.done $0x0;
	s16 =	rddreg [dreg:$0x6]  }
0x1b: {  	s31 =	rddreg [dreg:$0x4];
	[sflag:s12] =	ssyncadd.s32 $0xFFFFFF80;
	p0 =	sle.u32 s16, $0x1  }
0x1c: {  	[tilespmem:s31], [sflag:$0x1] =	stream.indirect.gather [hbm4b:s5+s13], $0x80, s4, s13, $0xb8;
	[tilespmem:$0x10200] =	vst v63  }
0x1d: {  	s17 =	rddreg [dreg:$0x5];
	s15 =	simm.s32 @p0 $0x1  }
0x1e: {  	[tilespmem:s17], [sflag:$0x1] =	stream.indirect.gather [hbm4b:s6+s13], $0x80, s13, s13, $0xb8;
	[tilespmem:$0x10200] =	vst v63  }
0x1f: {  	_ =	swait.ge @p0 [sflag:s15], $0x4000  }
0x20: {  	[sflag:s15] =	ssyncset.done @p0 $0x0  }
0x21: {  	[sflag:s15] =	ssyncadd.s32 @p0 $0xFFFFC000  }
0x22: {  	_ =	swait.ge @p0 [sflag:s15], $0x4000  }
0x23: {  	s16 =	simm.s32 @p0 $0x200;
	[sflag:s15] =	ssyncset.done @p0 $0x0  }
0x24: {  	s18 =	simm.s32 @p0 $0x0;
	s17 =	sadd.s32 @p0 $0x0, s10;
	[sflag:s15] =	ssyncadd.s32 @p0 $0xFFFFC000  }
0x25: {  	[hbm4b:s17+s18] =	stream.linear.scatter @p0 [tilespmem:s16], [sflag:$0x3], $0x4000, $0x38;
	[tilespmem:$0x10200] =	vst v63  }
0x26: {  	s15 =	sadd.s32 @p0 $0x0, s11;
	s16 =	simm.s32 @p0 $0x4200;
	s17 =	sadd.s32 @!p0 s9, s1  }
0x27: {  	[hbm4b:s15+s18] =	stream.linear.scatter @p0 [tilespmem:s16], [sflag:$0x3], $0x4000, $0x38;
	[tilespmem:$0x10200] =	vst v63  }
0x28: {  	s15 =	simm.s32 @!p0 $0x100;
	s16 =	simm.s32 @!p0 $0x0;
	s18 =	simm.s32 @!p0 $0x5  }
0x29: {  	[tilespmem:s15], [sflag:$0x5] =	stream.linear.gather @!p0 [hbm4b:s17+s16], $0x80, $0x38;
	[tilespmem:$0x10200] =	vst v63  }
0x2a: {  	_ =	swait.ge @!p0 [sflag:s18], $0x80  }
0x2b: {  	[sflag:s18] =	ssyncset.done @!p0 $0x0  }
0x2c: {  	s19 =	simm.s32 @!p0 $0x180;
	s17 =	sadd.s32 @!p0 s9, s2;
	[sflag:s18] =	ssyncadd.s32 @!p0 $0xFFFFFF80  }
0x2d: {  	[tilespmem:s19], [sflag:$0x5] =	stream.linear.gather @!p0 [hbm4b:s17+s16], $0x80, $0x38;
	[tilespmem:$0x10200] =	vst v63  }
0x2e: {  	_ =	swait.ge @!p0 [sflag:s18], $0x80  }
0x2f: {  	[sflag:s18] =	ssyncset.done @!p0 $0x0  }
0x30: {  	s17 =	simm.s32 @!p0 $0x80;
	[sflag:s18] =	ssyncadd.s32 @!p0 $0xFFFFFF80;
	s18 =	simm.s32 @!p0 $0x8200  }
0x31: {  	[tilespmem:s18], [sflag:$0x2] =	stream.indirect.gather @!p0 [hbm4b:s5+s17], $0x80, s15, s17, $0xb8;
	[tilespmem:$0x10200] =	vst v63  }
0x32: {  	s20 =	simm.s32 @!p0 $0x1;
	s15 =	simm.s32 @!p0 $0xC200  }
0x33: {  	[tilespmem:s15], [sflag:$0x2] =	stream.indirect.gather @!p0 [hbm4b:s6+s17], $0x80, s19, s17, $0xb8;
	[tilespmem:$0x10200] =	vst v63  }
0x34: {  	_ =	swait.ge @!p0 [sflag:s20], $0x4000  }
0x35: {  	[sflag:s20] =	ssyncset.done @!p0 $0x0  }
0x36: {  	[sflag:s20] =	ssyncadd.s32 @!p0 $0xFFFFC000  }
0x37: {  	_ =	swait.ge @!p0 [sflag:s20], $0x4000  }
0x38: {  	[sflag:s20] =	ssyncset.done @!p0 $0x0  }
0x39: {  	s17 =	sadd.s32 @!p0 $0x0, s10;
	s19 =	simm.s32 @!p0 $0x200;
	[sflag:s20] =	ssyncadd.s32 @!p0 $0xFFFFC000  }
0x3a: {  	[hbm4b:s17+s16] =	stream.linear.scatter @!p0 [tilespmem:s19], [sflag:$0x3], $0x4000, $0x38;
	[tilespmem:$0x10200] =	vst v63  }
0x3b: {  	s20 =	simm.s32 @!p0 $0x2;
	s17 =	sadd.s32 @!p0 $0x0, s11;
	s19 =	simm.s32 @!p0 $0x4200  }
0x3c: {  	[hbm4b:s17+s16] =	stream.linear.scatter @!p0 [tilespmem:s19], [sflag:$0x3], $0x4000, $0x38;
	[tilespmem:$0x10200] =	vst v63  }
0x3d: {  	_ =	swait.ge @!p0 [sflag:s20], $0x4000  }
0x3e: {  	[sflag:s20] =	ssyncset.done @!p0 $0x0  }
0x3f: {  	[sflag:s20] =	ssyncadd.s32 @!p0 $0xFFFFC000  }
0x40: {  	_ =	swait.ge @!p0 [sflag:s20], $0x4000  }
0x41: {  	s17 =	rddreg [dreg:$0x7];
	[sflag:s20] =	ssyncset.done @!p0 $0x0  }
0x42: {  	s19 =	rddreg [dreg:$0x8];
	[sflag:s20] =	ssyncadd.s32 @!p0 $0xFFFFC000;
	s17 =	sadd.s32 @!p0 $0x0, s17  }
0x43: {  	[hbm4b:s17+s16] =	stream.linear.scatter @!p0 [tilespmem:s18], [sflag:$0x4], $0x4000, $0x38;
	[tilespmem:$0x10200] =	vst v63  }
0x44: {  	s17 =	sadd.s32 @!p0 $0x0, s19;
	s18 =	simm.s32 @!p0 $0x3  }
0x45: {  	[hbm4b:s17+s16] =	stream.linear.scatter @!p0 [tilespmem:s15], [sflag:$0x4], $0x4000, $0x38;
	[tilespmem:$0x10200] =	vst v63  }
0x46: {  	_ =	swait.ge @!p0 [sflag:s18], $0x4000  }
0x47: {  	[sflag:s18] =	ssyncset.done @!p0 $0x0  }
0x48: {  	[sflag:s18] =	ssyncadd.s32 @!p0 $0xFFFFC000  }
0x49: {  	_ =	swait.ge @!p0 [sflag:s18], $0x4000  }
0x4a: {  	s19 =	simm.s32 @!p0 $0x4;
	[sflag:s18] =	ssyncset.done @!p0 $0x0  }
0x4b: {  	s19 =	simm.s32 @p0 $0x3;
	[sflag:s18] =	ssyncadd.s32 @!p0 $0xFFFFC000  }
0x4c: {  	_ =	swait.ge [sflag:s19], $0x4000  }
0x4d: {  	[sflag:s19] =	ssyncset.done $0x0  }
0x4e: {  	s15 =	simm.s32 $0x1000;
	s16 =	simm.s32 $0x3;
	[sflag:s19] =	ssyncadd.s32 $0xFFFFC000  }
0x4f: {  	s17 =	sadd.s32 $0x20, s7;
	s18 =	smov.u32 s9;
	_ =	swait.ge [sflag:s19], $0x4000  }
.LBB2_2:
0x50: {  	[sflag:s19] =	ssyncset.done $0x0  }
0x51: {  	s21 =	sadd.s32 s17, s1;
	[sflag:s19] =	ssyncadd.s32 $0xFFFFC000  }
0x52: {  	[tilespmem:s4], [sflag:$0x5] =	stream.linear.gather [hbm4b:s21+s4], $0x80, $0x38;
	[tilespmem:$0x10200] =	vst v63  }
0x53: {  	_ =	swait.ge [sflag:s12], $0x80  }
0x54: {  	[sflag:s12] =	ssyncset.done $0x0  }
0x55: {  	s29 =	sadd.s32 s17, s2;
	[sflag:s12] =	ssyncadd.s32 $0xFFFFFF80  }
0x56: {  	[tilespmem:s13], [sflag:$0x5] =	stream.linear.gather [hbm4b:s29+s4], $0x80, $0x38;
	[tilespmem:$0x10200] =	vst v63  }
0x57: {  	_ =	swait.ge [sflag:s12], $0x80  }
0x58: {  	[sflag:s12] =	ssyncset.done $0x0;
	s31 =	rddreg [dreg:$0x6]  }
0x59: {  	s30 =	rddreg [dreg:$0x4];
	[sflag:s12] =	ssyncadd.s32 $0xFFFFFF80;
	p1 =	sge.u32 s16, s31  }
0x5a: {  	[tilespmem:s30], [sflag:$0x1] =	stream.indirect.gather [hbm4b:s5+s13], $0x80, s4, s13, $0xb8;
	[tilespmem:$0x10200] =	vst v63  }
0x5b: {  	s22 =	rddreg [dreg:$0x5];
	s21 =	simm.s32 @p1 $0x1  }
0x5c: {  	[tilespmem:s22], [sflag:$0x1] =	stream.indirect.gather [hbm4b:s6+s13], $0x80, s13, s13, $0xb8;
	[tilespmem:$0x10200] =	vst v63  }
0x5d: {  	_ =	swait.ge @p1 [sflag:s21], $0x4000  }
0x5e: {  	[sflag:s21] =	ssyncset.done @p1 $0x0  }
0x5f: {  	[sflag:s21] =	ssyncadd.s32 @p1 $0xFFFFC000  }
0x60: {  	s20 =	smov.u32 s15;
	_ =	swait.ge @p1 [sflag:s21], $0x4000  }
0x61: {  	s18 =	sadd.s32 $0x20, s18;
	s23 =	sadd.s32 @p1 s20, s10;
	[sflag:s21] =	ssyncset.done @p1 $0x0  }
0x62: {  	s24 =	simm.s32 @p1 $0x0;
	s22 =	simm.s32 @p1 $0x200;
	[sflag:s21] =	ssyncadd.s32 @p1 $0xFFFFC000  }
0x63: {  	[hbm4b:s23+s24] =	stream.linear.scatter @p1 [tilespmem:s22], [sflag:$0x3], $0x4000, $0x38;
	[tilespmem:$0x10200] =	vst v63  }
0x64: {  	s25 =	simm.s32 @p1 $0x4200;
	s21 =	sadd.s32 @p1 s20, s11;
	s22 =	sadd.s32 @!p1 s18, s1  }
0x65: {  	[hbm4b:s21+s24] =	stream.linear.scatter @p1 [tilespmem:s25], [sflag:$0x3], $0x4000, $0x38;
	[tilespmem:$0x10200] =	vst v63  }
0x66: {  	s23 =	simm.s32 @!p1 $0x100;
	s21 =	simm.s32 @!p1 $0x0;
	s24 =	simm.s32 @!p1 $0x5  }
0x67: {  	[tilespmem:s23], [sflag:$0x5] =	stream.linear.gather @!p1 [hbm4b:s22+s21], $0x80, $0x38;
	[tilespmem:$0x10200] =	vst v63  }
0x68: {  	_ =	swait.ge @!p1 [sflag:s24], $0x80  }
0x69: {  	[sflag:s24] =	ssyncset.done @!p1 $0x0  }
0x6a: {  	s25 =	simm.s32 @!p1 $0x180;
	s22 =	sadd.s32 @!p1 s18, s2;
	[sflag:s24] =	ssyncadd.s32 @!p1 $0xFFFFFF80  }
0x6b: {  	[tilespmem:s25], [sflag:$0x5] =	stream.linear.gather @!p1 [hbm4b:s22+s21], $0x80, $0x38;
	[tilespmem:$0x10200] =	vst v63  }
0x6c: {  	_ =	swait.ge @!p1 [sflag:s24], $0x80  }
0x6d: {  	[sflag:s24] =	ssyncset.done @!p1 $0x0  }
0x6e: {  	s22 =	simm.s32 @!p1 $0x80;
	[sflag:s24] =	ssyncadd.s32 @!p1 $0xFFFFFF80;
	s24 =	simm.s32 @!p1 $0x8200  }
0x6f: {  	[tilespmem:s24], [sflag:$0x2] =	stream.indirect.gather @!p1 [hbm4b:s5+s22], $0x80, s23, s22, $0xb8;
	[tilespmem:$0x10200] =	vst v63  }
0x70: {  	s26 =	simm.s32 @!p1 $0xC200;
	s23 =	simm.s32 @!p1 $0x1  }
0x71: {  	[tilespmem:s26], [sflag:$0x2] =	stream.indirect.gather @!p1 [hbm4b:s6+s22], $0x80, s25, s22, $0xb8;
	[tilespmem:$0x10200] =	vst v63  }
0x72: {  	_ =	swait.ge @!p1 [sflag:s23], $0x4000  }
0x73: {  	[sflag:s23] =	ssyncset.done @!p1 $0x0  }
0x74: {  	[sflag:s23] =	ssyncadd.s32 @!p1 $0xFFFFC000  }
0x75: {  	_ =	swait.ge @!p1 [sflag:s23], $0x4000  }
0x76: {  	[sflag:s23] =	ssyncset.done @!p1 $0x0  }
0x77: {  	s22 =	sadd.s32 @!p1 s20, s10;
	s25 =	simm.s32 @!p1 $0x200;
	[sflag:s23] =	ssyncadd.s32 @!p1 $0xFFFFC000  }
0x78: {  	[hbm4b:s22+s21] =	stream.linear.scatter @!p1 [tilespmem:s25], [sflag:$0x3], $0x4000, $0x38;
	[tilespmem:$0x10200] =	vst v63  }
0x79: {  	s28 =	simm.s32 @!p1 $0x4200;
	s23 =	sadd.s32 @!p1 s20, s11;
	s22 =	simm.s32 @!p1 $0x2  }
0x7a: {  	[hbm4b:s23+s21] =	stream.linear.scatter @!p1 [tilespmem:s28], [sflag:$0x3], $0x4000, $0x38;
	[tilespmem:$0x10200] =	vst v63  }
0x7b: {  	_ =	swait.ge @!p1 [sflag:s22], $0x4000  }
0x7c: {  	[sflag:s22] =	ssyncset.done @!p1 $0x0  }
0x7d: {  	[sflag:s22] =	ssyncadd.s32 @!p1 $0xFFFFC000  }
0x7e: {  	_ =	swait.ge @!p1 [sflag:s22], $0x4000  }
0x7f: {  	s23 =	rddreg [dreg:$0x7];
	[sflag:s22] =	ssyncset.done @!p1 $0x0  }
0x80: {  	s25 =	rddreg [dreg:$0x8];
	[sflag:s22] =	ssyncadd.s32 @!p1 $0xFFFFC000;
	s22 =	sadd.s32 @!p1 s20, s23  }
0x81: {  	[hbm4b:s22+s21] =	stream.linear.scatter @!p1 [tilespmem:s24], [sflag:$0x4], $0x4000, $0x38;
	[tilespmem:$0x10200] =	vst v63  }
0x82: {  	s20 =	sadd.s32 @!p1 s20, s25;
	s22 =	simm.s32 @!p1 $0x3  }
0x83: {  	[hbm4b:s20+s21] =	stream.linear.scatter @!p1 [tilespmem:s26], [sflag:$0x4], $0x4000, $0x38;
	[tilespmem:$0x10200] =	vst v63  }
0x84: {  	_ =	swait.ge @!p1 [sflag:s22], $0x4000  }
0x85: {  	[sflag:s22] =	ssyncset.done @!p1 $0x0  }
0x86: {  	[sflag:s22] =	ssyncadd.s32 @!p1 $0xFFFFC000  }
0x87: {  	s15 =	sadd.s32 $0x1000, s15;
	_ =	swait.ge @!p1 [sflag:s22], $0x4000  }
0x88: {  	p0 =	sne.s32 s15, $0x14000;
	s19 =	simm.s32 @!p1 $0x4;
	[sflag:s22] =	ssyncset.done @!p1 $0x0  }
.Ltmp0:
0x89: {  	s19 =	simm.s32 @p1 $0x3;
	[sflag:s22] =	ssyncadd.s32 @!p1 $0xFFFFC000;
	(pc) =	sbr.rel @p0 .LBB2_2-.Ltmp0, $4  }
0x8a: {  	_ =	swait.ge [sflag:s19], $0x4000  }
0x8b: {  	[sflag:s19] =	ssyncset.done $0x0  }
0x8c: {  	[sflag:s19] =	ssyncadd.s32 $0xFFFFC000  }
0x8d: {  	s17 =	sadd.s32 $0x20, s17;
	s16 =	sadd.s32 $0x2, s16;
	_ =	swait.ge [sflag:s19], $0x4000  }
0x8e: {  	s14 =	sadd.s32 $0x1, s14  }
0x8f: {  	p0 =	sne.s32 s14, s8  }
.Ltmp1:
0x90: {  	_ = 	snop;
	(pc) =	sbr.rel @p0 .LBB2_1-.Ltmp1, $3  }
0x91: {  	_ =	sdelay $0x1  }
0x92: {  	[sflag:s19] =	ssyncset.done $0x0  }
0x93: {  	[sflag:s19] =	ssyncadd.s32 $0xFFFFC000  }
0x94: {  	_ =	sfence.sel $0x180000  }
0x95: {  	[bflag:$0x0] =	sbarrier.arrive $0xFFFF  }
0x96: {  	p0 =	sne.s32 s3, $0x0;
	_ =	strace $0x9000004D  }
0x97: {  	s0 =	sadd.s32 @!p0 $0x100000, s0;
	[bflag:$0x2] =	sbarrier.arrive $0xFFFF  }
0x98: {  	[sflag:s0] =	ssyncadd.tile.s32 @!p0 $0x1;
	_ =	shalt  }
.Lfunc_end2:
_tile_overlayer_lowered:
.L_overlay_start_2:
0x99: {  	(tag) =	ssettag $0x2  }
0x9a: {  	s0 =	rddreg [dreg:$0x0];
	s2 =	stileid.u32  }
0x9b: {  	s1 =	rddreg [dreg:$0x1];
	p0 =	sne.s32 s2, $0x0  }
0x9c: {  	s3 =	rddreg [dreg:$0x2];
	[bflag:$0x3] =	sbarrier.arrive $0xFFFF;
	s2 =	simm.s32 @!p0 $0x1C05  }
0x9d: {  	[timem:s3], [sflag:s2] =	dma.local @!p0 [hbm:s0], s1  }
0x9e: {  	s0 =	simm.s32 @!p0 $0x5  }
0x9f: {  	_ =	swait.ge @!p0 [sflag:s0], s1  }
0xa0: {  	s1 =	ssub.s32 @!p0 $0x0, s1;
	[sflag:s0] =	ssyncset.done @!p0 $0x0  }
0xa1: {  	[sflag:s0] =	ssyncadd.s32 @!p0 s1  }
0xa2: {  	[bflag:$0x3] =	sbarrier.arrive $0xFFFF  }
0xa3: {  	_ =	shalt  }

// kernel: kernel.25.cloned.1.call-start
scs
__scs_entry_jumppad:
0x0: {  	(pc) =	sbr.rel $0x88, $3  }
0x1: {  	(tag) =	ssettag $0x0;
	lr =	simm.s32 $0x1  }
0x2: {  	[smem:$0x3F4F] =	sst lr;
	_ =	strace $0xD0000000  }
0x3: {  	_ = 	snop  }
0x4: {  	_ = 	snop  }
0x5: {  	_ = 	snop  }
0x6: {  	_ = 	snop  }
0x7: {  	_ = 	snop  }
__scs_overlays_trampoline_lowered:
0x8: {  	[smem:$0x3F5E] =	sst s0  }
0x9: {  	[smem:$0x3F5F] =	sst s1  }
0xa: {  	[smem:$0x3F60] =	sst s2  }
0xb: {  	[smem:$0x3F61] =	sst s3  }
0xc: {  	[smem:$0x3F62] =	sst s4  }
0xd: {  	[smem:$0x3F63] =	sst s5  }
0xe: {  	[smem:$0x3F64] =	sst s6  }
0xf: {  	[smem:$0x3F65] =	sst s7  }
0x10: {  	[smem:$0x3F66] =	sst s8  }
0x11: {  	[smem:$0x3F67] =	sst s9;
	s0 =	simm.s32 @!p0 $0x0  }
0x12: {  	s1 =	sld [smem:$0x3F4D];
	s0 =	simm.s32 @p0 $0x1  }
0x13: {  	[smem:$0x3F68] =	sst s0;
	s0 =	simm.s32 @!p1 $0x0  }
0x14: {  	s2 =	sld [smem:$0x3F4C];
	s0 =	simm.s32 @p1 $0x1  }
0x15: {  	[smem:$0x3F69] =	sst s0;
	s0 =	simm.s32 @!p2 $0x0  }
0x16: {  	s3 =	sld [smem:$0x3FDB];
	s0 =	simm.s32 @p2 $0x1  }
0x17: {  	s4 =	simm.s32 $0x1BF5;
	[smem:$0x3F6B] =	sst s0  }
0x18: {  	s0 =	sld [smem:$0x3F4E];
	_ =	swait.ge [sflag:s4], $0x0  }
0x19: {  	s7 =	sld [smem:$0x3F4F]  }
0x1a: {  	s8 =	sadd.s32 $0xFFFFE003, lr  }
0x1b: {  	s9 =	sadd.s32 $0xFFFFFEF7, lr;
	s5 =	simm.s32 $0xFFFFFFFF;
	p2 =	slt.u32 s8, $0xFFFFF086  }
0x1c: {  	p1 =	slt.u32 s9, $0xF7A;
	s5 =	simm.s32 @!p2 $0x0  }
0x1d: {  	s5 =	simm.s32 @p1 $0x1;
	p0 =	seq.s32 s7, s2  }
0x1e: {  	s7 =	smul.u32 @!p0 $0xF7A, s2;
	p2 =	seq.s32 @!p0 s5, $0x0  }
0x1f: {  	s9 =	smul.u32 $0xF7A, s1;
	s8 =	simm.s32 @!p0 $0x1BF5;
	p2 =	por !p2, p0  }
0x20: {  	[sflag:s8] =	ssyncset.s32 @!p0 $0xFFFFF086;
	s6 =	sadd.s32 @!p0 s3, s7;
	s7 =	simm.s32 @!p0 $0x108  }
0x21: {  	s3 =	sadd.s32 s3, s9;
	s6 =	sadd.s32 @!p0 $0x88, s6;
	s7 =	simm.s32 @p2 $0x1082  }
0x22: {  	[simem:s7], [sflag:s8] =	dma.local @!p0 [hbm:s6], $0xF7A  }
0x23: {  	s9 =	sor.u32 $0xD0000000, s2;
	s6 =	simm.s32 $0x108;
	_ =	swait.ge @!p0 [sflag:s8], $0x0  }
0x24: {  	s3 =	sadd.s32 $0x88, s3;
	s6 =	simm.s32 @!p1 $0x1082;
	[sflag:s4] =	ssyncset.s32 $0xFFFFF086  }
0x25: {  	[simem:s6], [sflag:s4] =	dma.local [hbm:s3], $0xF7A  }
0x26: {  	[smem:$0x3F4F] =	sst s1;
	(tag) =	ssettag s2;
	_ =	strace s9  }
0x27: {  	s1 =	sld [smem:$0x3F5F]  }
0x28: {  	s2 =	sld [smem:$0x3F60]  }
0x29: {  	s4 =	sld [smem:$0x3F62]  }
0x2a: {  	p0 =	seq.s32 s5, $0x0;
	s5 =	sld [smem:$0x3F63]  }
0x2b: {  	s6 =	sld [smem:$0x3F64]  }
0x2c: {  	s7 =	sld [smem:$0x3F65]  }
0x2d: {  	s3 =	simm.s32 $0x108;
	s8 =	sld [smem:$0x3F66]  }
0x2e: {  	s3 =	simm.s32 @!p0 $0x1082;
	s9 =	sld [smem:$0x3F67]  }
0x2f: {  	lr =	sadd.s32 s0, s3;
	s0 =	sld [smem:$0x3F5E]  }
0x30: {  	s3 =	sld [smem:$0x3F61]  }
0x31: {  	[smem:$0x3F6A] =	sst s10  }
0x32: {  	s10 =	sld [smem:$0x3F68];
	_ =	sdelay $0x3  }
0x33: {  	p0 =	seq.s32 s10, $0x1;
	s10 =	sld [smem:$0x3F6A];
	_ =	sdelay $0x3  }
0x34: {  	[smem:$0x3F6A] =	sst s10  }
0x35: {  	s10 =	sld [smem:$0x3F69];
	_ =	sdelay $0x3  }
0x36: {  	p1 =	seq.s32 s10, $0x1;
	s10 =	sld [smem:$0x3F6A];
	_ =	sdelay $0x3  }
0x37: {  	[smem:$0x3F6A] =	sst s10  }
0x38: {  	s10 =	sld [smem:$0x3F6B]  }
0x39: {  	_ = 	snop;
	(pc) =	sbr.ind lr, $3  }
0x3a: {  	_ = 	snop  }
0x3b: {  	_ = 	snop  }
0x3c: {  	p2 =	seq.s32 s10, $0x1;
	s10 =	sld [smem:$0x3F6A]  }
0x3d: {  	_ =	shalt  }
0x3e: {  	_ =	shalt  }
0x3f: {  	_ =	shalt  }
0x40: {  	_ =	shalt  }
0x41: {  	_ =	shalt  }
0x42: {  	_ =	shalt  }
0x43: {  	_ =	shalt  }
0x44: {  	_ =	shalt  }
0x45: {  	_ =	shalt  }
0x46: {  	_ =	shalt  }
0x47: {  	_ =	shalt  }
0x48: {  	_ =	shalt  }
0x49: {  	_ =	shalt  }
0x4a: {  	_ =	shalt  }
0x4b: {  	_ =	shalt  }
0x4c: {  	_ =	shalt  }
0x4d: {  	_ =	shalt  }
0x4e: {  	_ =	shalt  }
0x4f: {  	_ =	shalt  }
0x50: {  	_ =	shalt  }
0x51: {  	_ =	shalt  }
0x52: {  	_ =	shalt  }
0x53: {  	_ =	shalt  }
0x54: {  	_ =	shalt  }
0x55: {  	_ =	shalt  }
0x56: {  	_ =	shalt  }
0x57: {  	_ =	shalt  }
0x58: {  	_ =	shalt  }
0x59: {  	_ =	shalt  }
0x5a: {  	_ =	shalt  }
0x5b: {  	_ =	shalt  }
0x5c: {  	_ =	shalt  }
0x5d: {  	_ =	shalt  }
0x5e: {  	_ =	shalt  }
0x5f: {  	_ =	shalt  }
0x60: {  	_ =	shalt  }
0x61: {  	_ =	shalt  }
0x62: {  	_ =	shalt  }
0x63: {  	_ =	shalt  }
0x64: {  	_ =	shalt  }
0x65: {  	_ =	shalt  }
0x66: {  	_ =	shalt  }
0x67: {  	_ =	shalt  }
0x68: {  	_ =	shalt  }
0x69: {  	_ =	shalt  }
0x6a: {  	_ =	shalt  }
0x6b: {  	_ =	shalt  }
0x6c: {  	_ =	shalt  }
0x6d: {  	_ =	shalt  }
0x6e: {  	_ =	shalt  }
0x6f: {  	_ =	shalt  }
0x70: {  	_ =	shalt  }
0x71: {  	_ =	shalt  }
0x72: {  	_ =	shalt  }
0x73: {  	_ =	shalt  }
0x74: {  	_ =	shalt  }
0x75: {  	_ =	shalt  }
0x76: {  	_ =	shalt  }
0x77: {  	_ =	shalt  }
0x78: {  	_ =	shalt  }
0x79: {  	_ =	shalt  }
0x7a: {  	_ =	shalt  }
0x7b: {  	_ =	shalt  }
0x7c: {  	_ =	shalt  }
0x7d: {  	_ =	shalt  }
0x7e: {  	_ =	shalt  }
0x7f: {  	_ =	shalt  }
0x80: {  	_ =	shalt  }
0x81: {  	_ =	shalt  }
0x82: {  	_ =	shalt  }
0x83: {  	_ =	shalt  }
0x84: {  	_ =	shalt  }
0x85: {  	_ =	shalt  }
0x86: {  	_ =	shalt  }
0x87: {  	_ =	shalt  }
.Lfunc_end0:
.L_simem_size_0:
called_computation.4_lowered:
.L_overlay_start_0:
0x88: {  	s2 =	sld [smem:$0x3FD9]  }
0x89: {  	s3 =	sld [smem:$0x3FFE];
	_ =	sdelay $0x1  }
0x8a: {  	s1 =	srdreg.scid  }
0x8b: {  	s0 =	sand.u32 $0x1, s1  }
0x8c: {  	s17 =	sshll.u32 s0, $0xA;
	s2 =	sadd.s32 s3, s2  }
0x8d: {  	s2 =	sadd.s32 s2, s17  }
0x8e: {  	[smem:$0x3F76] =	sst s2  }
0x8f: {  	_ = 	snop  }
0x90: {  	s18 =	sld [smem:$0x3F7A]  }
0x91: {  	s4 =	sld [smem:$0x3F79];
	(tm) =	ssettm $0x1  }
0x92: {  	s19 =	sld [smem:$0x3FFB];
	_ =	sdelay $0x3  }
0x93: {  	_ =	strace s19  }
0x94: {  	s2 =	sld [smem:$0x3FFC];
	_ =	sdelay $0x3  }
0x95: {  	_ =	strace s2  }
0x96: {  	s2 =	sld [smem:$0x3FFD];
	_ =	sdelay $0x3  }
0x97: {  	_ =	strace s2  }
0x98: {  	_ =	strace $0x8FFFFFFF  }
0x99: {  	s20 =	sld [smem:$0x3FDB];
	_ =	sdelay $0x1  }
0x9a: {  	s5 =	simm.s32 $_scs_section_size  }
0x9b: {  	s6 =	simm.s32 $_size__tile_overlayer_lowered;
	s7 =	simm.s32 $_tile_overlayer_lowered  }
0x9c: {  	s8 =	simm.s32 $0x1BFF;
	s21 =	sshll.u32 s7, $0x1;
	s5 =	sadd.s32 s5, s20  }
0x9d: {  	s22 =	simm.s32 $0x0;
	s6 =	sshll.u32 s6, $0x1;
	s7 =	sadd.s32 s21, s5  }
0x9e: {  	[timem:s22], [sflag:s8] =	dma.local [hbm:s7], s6  }
0x9f: {  	_ =	swait.ge [sflag:s8], s6  }
0xa0: {  	s6 =	ssub.s32 $0x0, s6;
	[sflag:s8] =	ssyncset.done $0x0  }
0xa1: {  	[sflag:s8] =	ssyncadd.s32 s6;
	_ =	sdelay $0x1  }
0xa2: {  	s23 =	simm.s32 $0x1B8B  }
0xa3: {  	_ =	swait.ge [sflag:s23], $0x1  }
0xa4: {  	[sflag:s23] =	ssyncset.done $0x0  }
0xa5: {  	[sflag:s23] =	ssyncadd.s32 $0xFFFFFFFF  }
0xa6: {  	s6 =	sld [smem:$0x0]  }
0xa7: {  	s7 =	sand.u32 $0xFFFFFFFE, s1  }
0xa8: {  	p0 =	sne.s32 s1, s7  }
0xa9: {  	s7 =	sshll.u32 @p0 s7, $0xE  }
0xaa: {  	s7 =	sadd.s32 @p0 $0x11B8D, s7;
	s8 =	sshll.u32 @p0 s6, $0x11  }
0xab: {  	s7 =	sor.u32 @p0 s8, s7  }
0xac: {  	[sflag:s7] =	ssyncadd.remote.s32 @p0 $0x1;
	_ =	sdelay $0x1  }
0xad: {  	s7 =	simm.s32 @p0 $0x1B8D  }
0xae: {  	_ =	swait.eq @p0 [sflag:s7], $0x1  }
0xaf: {  	[sflag:s7] =	ssyncadd.s32 @p0 $0xFFFFFFFF  }
0xb0: {  	s8 =	sshll.u32 @!p0 s1, $0xE  }
0xb1: {  	s8 =	sor.u32 @!p0 $0x4000, s8;
	s7 =	simm.s32 @!p0 $0x1B8D  }
0xb2: {  	s6 =	sshll.u32 @!p0 s6, $0x11;
	s8 =	sadd.s32 @!p0 $0x11B8D, s8;
	_ =	swait.eq @!p0 [sflag:s7], $0x1  }
0xb3: {  	s6 =	sor.u32 @!p0 s6, s8;
	[sflag:s7] =	ssyncadd.s32 @!p0 $0xFFFFFFFF  }
0xb4: {  	s25 =	simm.s32 $0x1B8E;
	s24 =	sld [smem:$0x3FFE];
	[sflag:s6] =	ssyncadd.remote.s32 @!p0 $0x1  }
0xb5: {  	s26 =	simm.s32 $execute0_lowered;
	[smem:$0x3FD2] =	sst s25  }
0xb6: {  	s7 =	sshll.u32 s26, $0x1;
	_ =	strace $0x80000052;
	[dreg:$0x1] =	wrdreg $0xFFFFFFFF  }
0xb7: {  	s28 =	simm.s32 $_size_execute0_lowered;
	s5 =	sadd.s32 s5, s7;
	[dreg:$0x0] =	wrdreg $0x0  }
0xb8: {  	s7 =	sshll.u32 s28, $0x1;
	[dreg:$0x2] =	wrdreg s5  }
0xb9: {  	[dreg:$0x3] =	wrdreg s7  }
0xba: {  	[dreg:$0x4] =	wrdreg $0xC0  }
0xbb: {  	_ =	task [dreg:s22], $0x5FFFF  }
0xbc: {  	[dreg:$0x1] =	wrdreg $0xFFFFFFFF  }
0xbd: {  	[dreg:$0x0] =	wrdreg $0x60  }
0xbe: {  	[dreg:$0x2] =	wrdreg s24  }
0xbf: {  	[dreg:$0x3] =	wrdreg s4  }
0xc0: {  	[dreg:$0x4] =	wrdreg s18  }
0xc1: {  	[dreg:$0x5] =	wrdreg $0x81000  }
0xc2: {  	[dreg:$0x6] =	wrdreg $0xA  }
0xc3: {  	_ =	task.clear_ibuf [dreg:s22], $0x7FFFF;
	_ =	strace $0x90000052  }
0xc4: {  	s29 =	simm.s32 $0xA;
	_ =	strace $0x80000054  }
0xc5: {  	_ =	swait.ge [sflag:s29], $0x1  }
0xc6: {  	[sflag:s29] =	ssyncadd.s32 $0xFFFFFFFF  }
0xc7: {  	_ =	strace $0x90000054  }
0xc8: {  	_ =	sfence  }
0xc9: {  	s30 =	sld [smem:$0x0];
	_ =	sdelay $0x2  }
0xca: {  	s31 =	sshll.u32 s1, $0xD;
	s1 =	sshrl.u32 s1, $0x2  }
0xcb: {  	s4 =	sand.u32 $0x4000, s31;
	s1 =	sadd.s32 s1, s30  }
0xcc: {  	s0 =	sor.u32 s4, s0;
	s1 =	sshll.u32 s1, $0x11  }
0xcd: {  	s0 =	sor.u32 s1, s0  }
0xce: {  	s0 =	sadd.s32 $0x8F2B, s0  }
0xcf: {  	[sflag:s0] =	ssyncadd.remote.s32 $0x1  }
0xd0: {  	_ =	sfence.sel $0xFFFF  }
0xd1: {  	[dreg:$0x0] =	wrdreg $0xFFFFFFFF;
	(pc) =	sbr.abs _section_cstart, $3  }
0xd2: {  	[dreg:$0x1] =	wrdreg $0xFFFFFFFF  }
0xd3: {  	_ =	task.clear_ibuf [dreg:s22], $0x2FFFF;
	_ =	strace $0x9FFFFFFF  }
0xd4: {  	(tm) =	ssettm $0x7FFFFFFF  }
0xd5: {  	_ =	shalt  }
tec
execute0_lowered:
.L_overlay_start_1:
0x0: {  	(tag) =	ssettag $0x1  }
0x1: {  	s0 =	rddreg [dreg:$0x0]  }
0x2: {  	s1 =	rddreg [dreg:$0x1]  }
0x3: {  	s3 =	rddreg [dreg:$0x2]  }
0x4: {  	s2 =	rddreg [dreg:$0x3]  }
0x5: {  	s13 =	stileid.u32;
	s5 =	simm.s32 $0x0;
	s19 =	srdreg.scid  }
0x6: {  	s11 =	simm.s32 $0x4F;
	s28 =	simm.s32 $0x1;
	s29 =	simm.s32 $0x3  }
0x7: {  	s30 =	simm.s32 $0x0;
	s4 =	smul.u32 $0x4E, s13;
	[smem:$0x7FF] =	sst s5  }
0x8: {  	s18 =	smin.u32 s13, $0x2;
	s14 =	smul.u32 $0x2700, s13;
	s23 =	sand.u32 $0x1, s19  }
0x9: {  	s7 =	smul.u32 $0x4E000, s13;
	s20 =	sadd.s32 $0x37A00, s0;
	s21 =	sadd.s32 $0x5EC00, s0  }
0xa: {  	s24 =	sshll.u32 s13, $0x6;
	s10 =	sadd.s32 $0x37800, s0;
	p0 =	slt.u32 s13, $0x2  }
0xb: {  	p2 =	seq.s32 s13, $0xF;
	_ =	strace $0x80000053;
	[dreg:$0x6] =	wrdreg s21  }
0xc: {  	s6 =	ssub.s32 $0x2, s23;
	s11 =	simm.s32 @!p0 $0x4E;
	[dreg:$0x5] =	wrdreg s20  }
0xd: {  	p0 =	sne.s32 s13, $0xF;
	p1 =	sne.s32 s23, $0x0;
	s12 =	sadd.s32 s18, s4  }
0xe: {  	s8 =	sadd.s32 s14, s0;
	s9 =	sshrl.u32 s6, $0x1;
	s22 =	sshrl.u32 s7, $0x2  }
0xf: {  	s18 =	sadd.s32 $0x1, s11;
	s4 =	sadd.s32 s20, s14;
	s5 =	sshll.u32 s12, $0xB  }
0x10: {  	s17 =	ssub.s32 s6, s9;
	s6 =	sadd.s32 s22, s2;
	s7 =	sadd.s32 $0x10800, s8  }
0x11: {  	s8 =	sor.u32 $0x1C04, s24;
	s9 =	sadd.s32 $0x138000, s2;
	s25 =	sshll.u32 s12, $0x4  }
0x12: {  	[dreg:$0xb] =	wrdreg s4;
	s18 =	sand.u32 $0x5E, s18;
	s16 =	sadd.s32 s5, s0  }
0x13: {  	[dreg:$0x7] =	wrdreg s6;
	s26 =	sadd.s32 s3, s25;
	s5 =	sadd.s32 s21, s14  }
.Ltmp0:
0x14: {  	s31 =	sadd.s32 s1, s25;
	s17 =	smax.u32 s17, $0x1;
	(pc) =	sbr.rel .LBB2_1-.Ltmp0, $4  }
0x15: {  	s0 =	sadd.s32 $0x10, s25;
	s25 =	simm.s32 $0x4;
	s12 =	sadd.s32 $0x5DD400, s16  }
0x16: {  	[dreg:$0x9] =	wrdreg s5;
	s19 =	sadd.s32 s0, s3;
	s20 =	sadd.s32 $0x5DDC00, s16  }
0x17: {  	[dreg:$0x8] =	wrdreg s26;
	s21 =	sadd.s32 $0x20, s26;
	s22 =	sadd.s32 $0x5DE400, s16  }
0x18: {  	s16 =	sadd.s32 s0, s1;
	[dreg:$0xa] =	wrdreg s31;
	s24 =	sadd.s32 $0x20, s31  }
.LBB2_8:
0x19: {  	s0 =	sadd.s32 $0x27000, s0;
	s1 =	sshrl.u32 s9, $0x3  }
0x1a: {  	[hbm:s0], [sflag:s8] =	dma.local [spmem:s1], $0x100  }
0x1b: {  	_ =	swait.ge [sflag:s25], $0x100  }
0x1c: {  	[sflag:s25] =	ssyncset.done $0x0  }
0x1d: {  	[sflag:s25] =	ssyncadd.s32 $0xFFFFFF00  }
.LBB2_9:
0x1e: {  	s30 =	sadd.s32 $0x1, s30  }
0x1f: {  	p3 =	sne.s32 s30, s17  }
.Ltmp1:
0x20: {  	_ = 	snop;
	(pc) =	sbr.rel @!p3 .LBB2_10-.Ltmp1, $1  }
0x21: {  	_ =	sdelay $0x3  }
.LBB2_1:
0x22: {  	s0 =	rddreg [dreg:$0x7]  }
0x23: {  	s31 =	sshrl.u32 s0, $0x3  }
0x24: {  	[spmem:s31], [sflag:s8] =	dma.local [hbm:s7], $0x2700  }
0x25: {  	_ =	swait.ge [sflag:s25], $0x2700  }
0x26: {  	[sflag:s25] =	ssyncset.done $0x0  }
0x27: {  	s0 =	sshrl.u32 @!p0 s9, $0x3;
	[sflag:s25] =	ssyncadd.s32 $0xFFFFD900  }
0x28: {  	[spmem:s0], [sflag:s8] =	dma.local @!p0 [hbm:s10], $0x100  }
0x29: {  	s0 =	simm.s32 @!p0 $0x4  }
.Ltmp2:
0x2a: {  	_ =	swait.ge @!p0 [sflag:s0], $0x100;
	(pc) =	sbr.rel @p1 .LBB2_5-.Ltmp2, $4  }
0x2b: {  	[sflag:s0] =	ssyncset.done @!p0 $0x0  }
0x2c: {  	s26 =	simm.s32 $0x0;
	[sflag:s0] =	ssyncadd.s32 @!p0 $0xFFFFFF00  }
0x2d: {  	s1 =	simm.s32 $0x100;
	s0 =	simm.s32 $0x0;
	[bflag:$0x0] =	sbarrier.arrive $0xFFFF  }
0x2e: {  	[tilespmem:s1], [sflag:$0x1] =	stream.linear.gather [hbm4b:s12+s26], $0x4000, $0x38;
	[tilespmem:$0x1B980] =	vst v63  }
0x2f: {  	s1 =	rddreg [dreg:$0xa]  }
0x30: {  	[tilespmem:s0], [sflag:$0x1] =	stream.linear.gather [hbm4b:s1+s0], $0x80, $0x38;
	[tilespmem:$0x1B980] =	vst v63  }
0x31: {  	_ =	swait.ge [sflag:s28], $0x4000  }
0x32: {  	[sflag:s28] =	ssyncset.done $0x0  }
0x33: {  	[sflag:s28] =	ssyncadd.s32 $0xFFFFC000  }
0x34: {  	p3 =	sle.u32 s11, $0x1;
	_ =	swait.ge [sflag:s28], $0x80  }
0x35: {  	s0 =	simm.s32 @p3 $0x80;
	[sflag:s28] =	ssyncset.done $0x0  }
0x36: {  	s1 =	simm.s32 @p3 $0x0;
	s3 =	simm.s32 @p3 $0x100;
	[sflag:s28] =	ssyncadd.s32 $0xFFFFFF80  }
0x37: {  	[spmem:s2] =	stream.indirect.scatter.add.f32 @p3 [tilespmem:s3], [sflag:$0x3], $0x80, s1, s0, $0xb8;
	[tilespmem:$0x1B980] =	vst v63  }
0x38: {  	s0 =	simm.s32 @!p3 $0x0;
	s1 =	simm.s32 @!p3 $0x4100  }
0x39: {  	[tilespmem:s1], [sflag:$0x2] =	stream.linear.gather @!p3 [hbm4b:s20+s0], $0x4000, $0x38;
	[tilespmem:$0x1B980] =	vst v63  }
0x3a: {  	s3 =	simm.s32 @!p3 $0x80  }
0x3b: {  	[tilespmem:s3], [sflag:$0x2] =	stream.linear.gather @!p3 [hbm4b:s16+s0], $0x80, $0x38;
	[tilespmem:$0x1B980] =	vst v63  }
0x3c: {  	s14 =	simm.s32 @!p3 $0x100;
	s23 =	simm.s32 @!p3 $0x3  }
0x3d: {  	[spmem:s2] =	stream.indirect.scatter.add.f32 @!p3 [tilespmem:s14], [sflag:$0x3], $0x80, s0, s3, $0xb8;
	[tilespmem:$0x1B980] =	vst v63  }
0x3e: {  	_ =	swait.ge @!p3 [sflag:s23], $0x4000  }
0x3f: {  	[sflag:s23] =	ssyncset.done @!p3 $0x0  }
0x40: {  	s0 =	simm.s32 @!p3 $0x2;
	[sflag:s23] =	ssyncadd.s32 @!p3 $0xFFFFC000  }
0x41: {  	_ =	swait.ge @!p3 [sflag:s0], $0x4000  }
0x42: {  	[sflag:s0] =	ssyncset.done @!p3 $0x0  }
0x43: {  	[sflag:s0] =	ssyncadd.s32 @!p3 $0xFFFFC000  }
0x44: {  	p4 =	sle.u32 @!p3 s11, $0x2;
	_ =	swait.ge @!p3 [sflag:s0], $0x80  }
0x45: {  	p4 =	por p4, p3;
	[sflag:s0] =	ssyncset.done @!p3 $0x0  }
0x46: {  	s14 =	simm.s32 @!p4 $0x0;
	s23 =	simm.s32 @!p4 $0x100;
	[sflag:s0] =	ssyncadd.s32 @!p3 $0xFFFFFF80  }
0x47: {  	[tilespmem:s23], [sflag:$0x1] =	stream.linear.gather @!p4 [hbm4b:s22+s14], $0x4000, $0x38;
	[tilespmem:$0x1B980] =	vst v63  }
0x48: {  	_ = 	snop  }
0x49: {  	[tilespmem:s14], [sflag:$0x1] =	stream.linear.gather @!p4 [hbm4b:s24+s14], $0x80, $0x38;
	[tilespmem:$0x1B980] =	vst v63  }
0x4a: {  	_ = 	snop  }
0x4b: {  	[spmem:s2] =	stream.indirect.scatter.add.f32 @!p3 [tilespmem:s1], [sflag:$0x3], $0x80, s3, s3, $0xb8;
	[tilespmem:$0x1B980] =	vst v63  }
0x4c: {  	p3 =	sne.s32 s18, $0x2  }
.Ltmp3:
0x4d: {  	_ = 	snop;
	(pc) =	sbr.rel @!p3 .LBB2_4-.Ltmp3, $3  }
0x4e: {  	_ =	sdelay $0x1  }
0x4f: {  	s0 =	simm.s32 $0x2;
	s23 =	smov.u32 s16;
	s14 =	sadd.s32 $0x20, s24  }
0x50: {  	s1 =	sadd.s32 $0x1000, s22;
	s3 =	sadd.s32 $0x1000, s20;
	_ =	swait.ge [sflag:s29], $0x4000  }
.LBB2_3:
0x51: {  	[sflag:s29] =	ssyncset.done $0x0  }
0x52: {  	s23 =	sadd.s32 $0x20, s23;
	s26 =	smov.u32 s0;
	s0 =	sadd.s32 $0x2, s0  }
0x53: {  	p3 =	sne.s32 s18, s0;
	[sflag:s29] =	ssyncadd.s32 $0xFFFFC000  }
0x54: {  	_ =	swait.ge [sflag:s28], $0x4000  }
0x55: {  	[sflag:s28] =	ssyncset.done $0x0  }
0x56: {  	[sflag:s28] =	ssyncadd.s32 $0xFFFFC000  }
0x57: {  	s4 =	sadd.s32 $0x1, s26;
	_ =	swait.ge [sflag:s28], $0x80  }
0x58: {  	p4 =	sge.u32 s4, s11;
	[sflag:s28] =	ssyncset.done $0x0  }
0x59: {  	s4 =	simm.s32 @p4 $0x80;
	s5 =	simm.s32 @p4 $0x0;
	[sflag:s28] =	ssyncadd.s32 $0xFFFFFF80  }
0x5a: {  	s13 =	simm.s32 @p4 $0x100;
	s15 =	simm.s32 @!p4 $0x0;
	s6 =	simm.s32 @!p4 $0x4100  }
0x5b: {  	[spmem:s2] =	stream.indirect.scatter.add.f32 @p4 [tilespmem:s13], [sflag:$0x3], $0x80, s5, s4, $0xb8;
	[tilespmem:$0x1B980] =	vst v63  }
0x5c: {  	s4 =	simm.s32 @!p4 $0x80;
	s5 =	sadd.s32 @!p4 $0x2, s26  }
0x5d: {  	[tilespmem:s6], [sflag:$0x2] =	stream.linear.gather @!p4 [hbm4b:s3+s15], $0x4000, $0x38;
	[tilespmem:$0x1B980] =	vst v63  }
0x5e: {  	s13 =	simm.s32 @!p4 $0x100;
	p5 =	sge.u32 @!p4 s5, s11  }
0x5f: {  	[tilespmem:s4], [sflag:$0x2] =	stream.linear.gather @!p4 [hbm4b:s23+s15], $0x80, $0x38;
	[tilespmem:$0x1B980] =	vst v63  }
0x60: {  	s5 =	simm.s32 @!p4 $0x3  }
0x61: {  	[spmem:s2] =	stream.indirect.scatter.add.f32 @!p4 [tilespmem:s13], [sflag:$0x3], $0x80, s15, s4, $0xb8;
	[tilespmem:$0x1B980] =	vst v63  }
0x62: {  	_ =	swait.ge @!p4 [sflag:s5], $0x4000  }
0x63: {  	s13 =	simm.s32 @!p4 $0x2;
	[sflag:s5] =	ssyncset.done @!p4 $0x0  }
0x64: {  	[sflag:s5] =	ssyncadd.s32 @!p4 $0xFFFFC000  }
0x65: {  	_ =	swait.ge @!p4 [sflag:s13], $0x4000  }
0x66: {  	[sflag:s13] =	ssyncset.done @!p4 $0x0  }
0x67: {  	[sflag:s13] =	ssyncadd.s32 @!p4 $0xFFFFC000  }
0x68: {  	p5 =	por p5, p4;
	_ =	swait.ge @!p4 [sflag:s13], $0x80  }
0x69: {  	s15 =	simm.s32 @!p5 $0x100;
	s5 =	simm.s32 @!p5 $0x0;
	[sflag:s13] =	ssyncset.done @!p4 $0x0  }
0x6a: {  	[sflag:s13] =	ssyncadd.s32 @!p4 $0xFFFFFF80  }
0x6b: {  	[tilespmem:s15], [sflag:$0x1] =	stream.linear.gather @!p5 [hbm4b:s1+s5], $0x4000, $0x38;
	[tilespmem:$0x1B980] =	vst v63  }
.Ltmp4:
0x6c: {  	(pc) =	sbr.rel @p3 .LBB2_3-.Ltmp4, $4  }
0x6d: {  	[tilespmem:s5], [sflag:$0x1] =	stream.linear.gather @!p5 [hbm4b:s14+s5], $0x80, $0x38;
	[tilespmem:$0x1B980] =	vst v63  }
0x6e: {  	s1 =	sadd.s32 $0x1000, s1  }
0x6f: {  	[spmem:s2] =	stream.indirect.scatter.add.f32 @!p4 [tilespmem:s6], [sflag:$0x3], $0x80, s4, s4, $0xb8;
	[tilespmem:$0x1B980] =	vst v63  }
0x70: {  	s3 =	sadd.s32 $0x1000, s3;
	s14 =	sadd.s32 $0x20, s14;
	_ =	swait.ge [sflag:s29], $0x4000  }
.LBB2_4:
0x71: {  	[sflag:s29] =	ssyncset.done $0x0  }
0x72: {  	[sflag:s29] =	ssyncadd.s32 $0xFFFFC000  }
0x73: {  	[bflag:$0x0] =	sbarrier.arrive $0xFFFF  }
0x74: {  	s0 =	rddreg [dreg:$0xb]  }
0x75: {  	[hbm:s0], [sflag:s8] =	dma.local [spmem:s31], $0x2700  }
.Ltmp5:
0x76: {  	_ = 	snop;
	(pc) =	sbr.rel @p2 .LBB2_8-.Ltmp5, $4  }
.Ltmp6:
0x77: {  	_ = 	snop;
	(pc) =	sbr.rel @!p2 .LBB2_9-.Ltmp6, $4  }
0x78: {  	_ =	swait.ge [sflag:s25], $0x2700  }
0x79: {  	[sflag:s25] =	ssyncset.done $0x0  }
0x7a: {  	s0 =	rddreg [dreg:$0x5];
	[sflag:s25] =	ssyncadd.s32 $0xFFFFD900  }
0x7b: {  	_ = 	snop  }
.LBB2_5:
0x7c: {  	s1 =	rddreg [dreg:$0x8]  }
0x7d: {  	[tilespmem:s0], [sflag:$0x1] =	stream.linear.gather [hbm4b:s1+s0], $0x80, $0x38;
	[tilespmem:$0x1B980] =	vst v63  }
0x7e: {  	_ =	swait.ge [sflag:s28], $0x4000  }
0x7f: {  	[sflag:s28] =	ssyncset.done $0x0  }
0x80: {  	[sflag:s28] =	ssyncadd.s32 $0xFFFFC000  }
0x81: {  	p3 =	sle.u32 s11, $0x1;
	_ =	swait.ge [sflag:s28], $0x80  }
0x82: {  	s0 =	simm.s32 @p3 $0x80;
	[sflag:s28] =	ssyncset.done $0x0  }
0x83: {  	s1 =	simm.s32 @p3 $0x0;
	s3 =	simm.s32 @p3 $0x100;
	[sflag:s28] =	ssyncadd.s32 $0xFFFFFF80  }
0x84: {  	[spmem:s2] =	stream.indirect.scatter.add.f32 @p3 [tilespmem:s3], [sflag:$0x3], $0x80, s1, s0, $0xb8;
	[tilespmem:$0x1B980] =	vst v63  }
0x85: {  	s0 =	simm.s32 @!p3 $0x0;
	s1 =	simm.s32 @!p3 $0x4100  }
0x86: {  	[tilespmem:s1], [sflag:$0x2] =	stream.linear.gather @!p3 [hbm4b:s20+s0], $0x4000, $0x38;
	[tilespmem:$0x1B980] =	vst v63  }
0x87: {  	s3 =	simm.s32 @!p3 $0x80  }
0x88: {  	[tilespmem:s3], [sflag:$0x2] =	stream.linear.gather @!p3 [hbm4b:s19+s0], $0x80, $0x38;
	[tilespmem:$0x1B980] =	vst v63  }
0x89: {  	s4 =	simm.s32 @!p3 $0x100;
	s5 =	simm.s32 @!p3 $0x3  }
0x8a: {  	[spmem:s2] =	stream.indirect.scatter.add.f32 @!p3 [tilespmem:s4], [sflag:$0x3], $0x80, s0, s3, $0xb8;
	[tilespmem:$0x1B980] =	vst v63  }
0x8b: {  	_ =	swait.ge @!p3 [sflag:s5], $0x4000  }
0x8c: {  	[sflag:s5] =	ssyncset.done @!p3 $0x0  }
0x8d: {  	s0 =	simm.s32 @!p3 $0x2;
	[sflag:s5] =	ssyncadd.s32 @!p3 $0xFFFFC000  }
0x8e: {  	_ =	swait.ge @!p3 [sflag:s0], $0x4000  }
0x8f: {  	[sflag:s0] =	ssyncset.done @!p3 $0x0  }
0x90: {  	[sflag:s0] =	ssyncadd.s32 @!p3 $0xFFFFC000  }
0x91: {  	p4 =	sle.u32 @!p3 s11, $0x2;
	_ =	swait.ge @!p3 [sflag:s0], $0x80  }
0x92: {  	p4 =	por p4, p3;
	[sflag:s0] =	ssyncset.done @!p3 $0x0  }
0x93: {  	s4 =	simm.s32 @!p4 $0x0;
	s5 =	simm.s32 @!p4 $0x100;
	[sflag:s0] =	ssyncadd.s32 @!p3 $0xFFFFFF80  }
0x94: {  	[tilespmem:s5], [sflag:$0x1] =	stream.linear.gather @!p4 [hbm4b:s22+s4], $0x4000, $0x38;
	[tilespmem:$0x1B980] =	vst v63  }
0x95: {  	_ = 	snop  }
0x96: {  	[tilespmem:s4], [sflag:$0x1] =	stream.linear.gather @!p4 [hbm4b:s21+s4], $0x80, $0x38;
	[tilespmem:$0x1B980] =	vst v63  }
0x97: {  	_ = 	snop  }
0x98: {  	[spmem:s2] =	stream.indirect.scatter.add.f32 @!p3 [tilespmem:s1], [sflag:$0x3], $0x80, s3, s3, $0xb8;
	[tilespmem:$0x1B980] =	vst v63  }
0x99: {  	p3 =	sne.s32 s18, $0x2  }
.Ltmp7:
0x9a: {  	_ = 	snop;
	(pc) =	sbr.rel @!p3 .LBB2_7-.Ltmp7, $3  }
0x9b: {  	_ =	sdelay $0x1  }
0x9c: {  	s14 =	sadd.s32 $0x20, s21;
	s23 =	smov.u32 s19;
	s0 =	simm.s32 $0x2  }
0x9d: {  	s1 =	sadd.s32 $0x1000, s22;
	s3 =	sadd.s32 $0x1000, s20;
	_ =	swait.ge [sflag:s29], $0x4000  }
.LBB2_6:
0x9e: {  	[sflag:s29] =	ssyncset.done $0x0  }
0x9f: {  	s23 =	sadd.s32 $0x20, s23;
	s4 =	smov.u32 s0;
	s0 =	sadd.s32 $0x2, s0  }
0xa0: {  	p3 =	sne.s32 s18, s0;
	[sflag:s29] =	ssyncadd.s32 $0xFFFFC000  }
0xa1: {  	_ =	swait.ge [sflag:s28], $0x4000  }
0xa2: {  	[sflag:s28] =	ssyncset.done $0x0  }
0xa3: {  	[sflag:s28] =	ssyncadd.s32 $0xFFFFC000  }
0xa4: {  	s5 =	sadd.s32 $0x1, s4;
	_ =	swait.ge [sflag:s28], $0x80  }
0xa5: {  	p4 =	sge.u32 s5, s11;
	[sflag:s28] =	ssyncset.done $0x0  }
0xa6: {  	s5 =	simm.s32 @p4 $0x80;
	s6 =	simm.s32 @p4 $0x0;
	[sflag:s28] =	ssyncadd.s32 $0xFFFFFF80  }
0xa7: {  	s13 =	simm.s32 @p4 $0x100;
	s15 =	simm.s32 @!p4 $0x0;
	s26 =	simm.s32 @!p4 $0x4100  }
0xa8: {  	[spmem:s2] =	stream.indirect.scatter.add.f32 @p4 [tilespmem:s13], [sflag:$0x3], $0x80, s6, s5, $0xb8;
	[tilespmem:$0x1B980] =	vst v63  }
0xa9: {  	s4 =	sadd.s32 @!p4 $0x2, s4;
	s5 =	simm.s32 @!p4 $0x80  }
0xaa: {  	[tilespmem:s26], [sflag:$0x2] =	stream.linear.gather @!p4 [hbm4b:s3+s15], $0x4000, $0x38;
	[tilespmem:$0x1B980] =	vst v63  }
0xab: {  	p5 =	sge.u32 @!p4 s4, s11;
	s6 =	simm.s32 @!p4 $0x100  }
0xac: {  	[tilespmem:s5], [sflag:$0x2] =	stream.linear.gather @!p4 [hbm4b:s23+s15], $0x80, $0x38;
	[tilespmem:$0x1B980] =	vst v63  }
0xad: {  	s4 =	simm.s32 @!p4 $0x3  }
0xae: {  	[spmem:s2] =	stream.indirect.scatter.add.f32 @!p4 [tilespmem:s6], [sflag:$0x3], $0x80, s15, s5, $0xb8;
	[tilespmem:$0x1B980] =	vst v63  }
0xaf: {  	_ =	swait.ge @!p4 [sflag:s4], $0x4000  }
0xb0: {  	s6 =	simm.s32 @!p4 $0x2;
	[sflag:s4] =	ssyncset.done @!p4 $0x0  }
0xb1: {  	[sflag:s4] =	ssyncadd.s32 @!p4 $0xFFFFC000  }
0xb2: {  	_ =	swait.ge @!p4 [sflag:s6], $0x4000  }
0xb3: {  	[sflag:s6] =	ssyncset.done @!p4 $0x0  }
0xb4: {  	[sflag:s6] =	ssyncadd.s32 @!p4 $0xFFFFC000  }
0xb5: {  	p5 =	por p5, p4;
	_ =	swait.ge @!p4 [sflag:s6], $0x80  }
0xb6: {  	s13 =	simm.s32 @!p5 $0x100;
	s4 =	simm.s32 @!p5 $0x0;
	[sflag:s6] =	ssyncset.done @!p4 $0x0  }
0xb7: {  	[sflag:s6] =	ssyncadd.s32 @!p4 $0xFFFFFF80  }
0xb8: {  	[tilespmem:s13], [sflag:$0x1] =	stream.linear.gather @!p5 [hbm4b:s1+s4], $0x4000, $0x38;
	[tilespmem:$0x1B980] =	vst v63  }
.Ltmp8:
0xb9: {  	(pc) =	sbr.rel @p3 .LBB2_6-.Ltmp8, $4  }
0xba: {  	[tilespmem:s4], [sflag:$0x1] =	stream.linear.gather @!p5 [hbm4b:s14+s4], $0x80, $0x38;
	[tilespmem:$0x1B980] =	vst v63  }
0xbb: {  	s1 =	sadd.s32 $0x1000, s1  }
0xbc: {  	[spmem:s2] =	stream.indirect.scatter.add.f32 @!p4 [tilespmem:s26], [sflag:$0x3], $0x80, s5, s5, $0xb8;
	[tilespmem:$0x1B980] =	vst v63  }
0xbd: {  	s3 =	sadd.s32 $0x1000, s3;
	s14 =	sadd.s32 $0x20, s14;
	_ =	swait.ge [sflag:s29], $0x4000  }
.LBB2_7:
0xbe: {  	[sflag:s29] =	ssyncset.done $0x0  }
0xbf: {  	[sflag:s29] =	ssyncadd.s32 $0xFFFFC000  }
0xc0: {  	[bflag:$0x0] =	sbarrier.arrive $0xFFFF  }
0xc1: {  	s0 =	rddreg [dreg:$0x9]  }
0xc2: {  	[hbm:s0], [sflag:s8] =	dma.local [spmem:s31], $0x2700  }
.Ltmp9:
0xc3: {  	_ = 	snop;
	(pc) =	sbr.rel @p0 .LBB2_9-.Ltmp9, $4  }
.Ltmp10:
0xc4: {  	_ = 	snop;
	(pc) =	sbr.rel @!p0 .LBB2_8-.Ltmp10, $4  }
0xc5: {  	_ =	swait.ge [sflag:s25], $0x2700  }
0xc6: {  	[sflag:s25] =	ssyncset.done $0x0  }
0xc7: {  	s0 =	rddreg [dreg:$0x6];
	[sflag:s25] =	ssyncadd.s32 $0xFFFFD900  }
0xc8: {  	_ = 	snop  }
.LBB2_10:
0xc9: {  	_ =	sfence.sel $0x180000  }
0xca: {  	[bflag:$0x0] =	sbarrier.arrive $0xFFFF  }
0xcb: {  	_ =	strace $0x90000053  }
0xcc: {  	s0 =	stileid.u32;
	[bflag:$0x2] =	sbarrier.arrive $0xFFFF  }
0xcd: {  	p0 =	sne.s32 s0, $0x0;
	s0 =	rddreg [dreg:$0x4]  }
0xce: {  	s0 =	sadd.s32 @!p0 $0x100000, s0  }
0xcf: {  	[sflag:s0] =	ssyncadd.tile.s32 @!p0 $0x1;
	_ =	shalt  }
.Lfunc_end2:
_tile_overlayer_lowered:
.L_overlay_start_2:
0xd0: {  	(tag) =	ssettag $0x2  }
0xd1: {  	s0 =	rddreg [dreg:$0x0];
	s2 =	stileid.u32  }
0xd2: {  	s1 =	rddreg [dreg:$0x1];
	p0 =	sne.s32 s2, $0x0  }
0xd3: {  	s3 =	rddreg [dreg:$0x2];
	[bflag:$0x3] =	sbarrier.arrive $0xFFFF;
	s2 =	simm.s32 @!p0 $0x1C04  }
0xd4: {  	[timem:s3], [sflag:s2] =	dma.local @!p0 [hbm:s0], s1  }
0xd5: {  	s0 =	simm.s32 @!p0 $0x4  }
0xd6: {  	_ =	swait.ge @!p0 [sflag:s0], s1  }
0xd7: {  	s1 =	ssub.s32 @!p0 $0x0, s1;
	[sflag:s0] =	ssyncset.done @!p0 $0x0  }
0xd8: {  	[sflag:s0] =	ssyncadd.s32 @!p0 s1  }
0xd9: {  	[bflag:$0x3] =	sbarrier.arrive $0xFFFF  }
0xda: {  	_ =	shalt  }

</sc_bundles>
